<compile_context>
chip_gen: v7x
topology: tpu7x:2x2x1
jax: 0.10.2.dev20260603
libtpu: 0.0.44.dev20260713+nightly
codegen_flags: <defaults>
</compile_context>

<pallas_src>
import functools

import jax
import jax.numpy as jnp
from jax import lax
from jax.experimental import pallas as pl
from jax.experimental.pallas import tpu as pltpu
from jax.experimental.pallas import tpu_sc as plsc

N = 10000
NP = 10240
E = 640000
B = 128
CH = 128
NBLK = 5120
SUPB = 32
RPT = NP // 16

_MESH = dict(core_axis_name="c", subcore_axis_name="s")


def _make_agg(nslots, passes):

    @functools.partial(
        pl.kernel,
        mesh=plsc.VectorSubcoreMesh(**_MESH),
        out_type=jax.ShapeDtypeStruct((nslots, NP, CH), jnp.float32),
        scratch_types=[
            pltpu.VMEM_SHARED((NP, CH), jnp.float32),
            pltpu.VMEM((SUPB, B), jnp.int32),
            pltpu.VMEM((SUPB, B), jnp.int32),
            pltpu.VMEM((2, B, CH), jnp.float32),
            pltpu.SemaphoreType.DMA,
            pltpu.SemaphoreType.DMA,
        ],
    )
    def agg(g_hbm, srcb_hbm, dstb_hbm, zeros_hbm, out_hbm,
            s_sh, srcb, dstb, rows, sem_g, sem_s):
        cid = lax.axis_index("c")
        sid = lax.axis_index("s")
        for bpt, chunk_fn, slot_fn, ebase_fn in passes:
            c = chunk_fn(cid)
            slot = slot_fn(cid)
            ebase = ebase_fn(cid)
            g_tab = g_hbm.at[c]

            def issue_g(i, bb):
                pltpu.async_copy(g_tab.at[srcb.at[i]], rows.at[bb], sem_g)

            def issue_s(i, bb):
                pltpu.async_copy(rows.at[bb], s_sh.at[dstb.at[i]],
                                 sem_s, add=True)

            def drain(sem):
                pltpu.make_async_copy(zeros_hbm.at[pl.ds(0, B)],
                                      rows.at[0], sem).wait()

            pltpu.sync_copy(zeros_hbm.at[pl.ds(sid * RPT, RPT)],
                            s_sh.at[pl.ds(sid * RPT, RPT)])
            plsc.subcore_barrier()

            def super_body(sb, carry):
                blk0 = ebase + sid * bpt + sb * SUPB
                pltpu.sync_copy(srcb_hbm.at[pl.ds(blk0, SUPB)], srcb)
                pltpu.sync_copy(dstb_hbm.at[pl.ds(blk0, SUPB)], dstb)
                issue_g(0, 0)
                drain(sem_g)
                issue_g(1, 1)
                issue_s(0, 0)

                def gbody(h, carry2):
                    drain(sem_g)
                    drain(sem_s)
                    issue_g(2 * h + 2, 0)
                    issue_s(2 * h + 1, 1)
                    drain(sem_g)
                    drain(sem_s)
                    issue_g(2 * h + 3, 1)
                    issue_s(2 * h + 2, 0)
                    return carry2

                lax.fori_loop(0, (SUPB - 2) // 2, gbody, 0)
                drain(sem_g)
                drain(sem_s)
                issue_s(SUPB - 1, 1)
                drain(sem_s)
                return carry

            lax.fori_loop(0, bpt // SUPB, super_body, 0)
            plsc.subcore_barrier()
            pltpu.sync_copy(s_sh.at[pl.ds(sid * RPT, RPT)],
                            out_hbm.at[slot].at[pl.ds(sid * RPT, RPT)])
            plsc.subcore_barrier()

    return agg


_agg_l1 = _make_agg(4, [
    (NBLK // 16, lambda cid: 2 * cid, lambda cid: 2 * cid,
     lambda cid: 0),
    (NBLK // 16, lambda cid: 2 * cid + 1, lambda cid: 2 * cid + 1,
     lambda cid: 0),
])
_agg_l23 = _make_agg(4, [
    (NBLK // 16, lambda cid: cid, lambda cid: cid, lambda cid: 0),
    (NBLK // 32, lambda cid: 2, lambda cid: 2 + cid,
     lambda cid: cid * (NBLK // 2)),
])


@functools.partial(
    pl.kernel,
    mesh=plsc.VectorSubcoreMesh(**_MESH),
    out_type=jax.ShapeDtypeStruct((2, NP, CH), jnp.float32),
    scratch_types=[
        pltpu.VMEM_SHARED((NP, CH), jnp.float32),
        pltpu.VMEM((8, B), jnp.int32),
        pltpu.VMEM((B, CH), jnp.float32),
    ],
)
def _deg_kernel(dstb_hbm, ones_hbm, zeros_hbm, out_hbm, s_sh, dstb, ones_v):
    cid = lax.axis_index("c")
    sid = lax.axis_index("s")
    pltpu.sync_copy(zeros_hbm.at[pl.ds(sid * RPT, RPT)],
                    s_sh.at[pl.ds(sid * RPT, RPT)])
    pltpu.sync_copy(ones_hbm, ones_v)
    plsc.subcore_barrier()
    bpt = NBLK // 32

    def body(sb, carry):
        blk0 = cid * (NBLK // 2) + sid * bpt + sb * 8
        pltpu.sync_copy(dstb_hbm.at[pl.ds(blk0, 8)], dstb)
        for b in range(8):
            pltpu.sync_copy(ones_v, s_sh.at[dstb.at[b]], add=True)
        return carry

    lax.fori_loop(0, bpt // 8, body, 0)
    plsc.subcore_barrier()
    pltpu.sync_copy(s_sh.at[pl.ds(sid * RPT, RPT)],
                    out_hbm.at[cid].at[pl.ds(sid * RPT, RPT)])


def _matmul1_tc(x, w1):
    BN = 400

    def body(x_ref, w_ref, out_ref):
        out_ref[...] = jnp.dot(x_ref[...], w_ref[...],
                               preferred_element_type=jnp.float32)

    return pl.pallas_call(
        body,
        grid=(N // BN,),
        in_specs=[
            pl.BlockSpec((BN, 1280), lambda i: (i, 0)),
            pl.BlockSpec((1280, 512), lambda i: (0, 0)),
        ],
        out_specs=pl.BlockSpec((BN, 512), lambda i: (i, 0)),
        out_shape=jax.ShapeDtypeStruct((NP, 512), jnp.float32),
    )(x, w1)


def _scale1_tc(hw1, deg_parts):
    BN = 512

    def body(hw_ref, dp_ref, g_ref, dinv_ref):
        d = dp_ref[0, :, 0:1] + dp_ref[1, :, 0:1] + 1.0
        dinv = lax.rsqrt(d)
        dinv_ref[...] = dinv
        g = hw_ref[...] * dinv
        for c in range(4):
            g_ref[c] = g[:, c * CH:(c + 1) * CH]

    return pl.pallas_call(
        body,
        grid=(NP // BN,),
        in_specs=[
            pl.BlockSpec((BN, 512), lambda i: (i, 0)),
            pl.BlockSpec((2, BN, CH), lambda i: (0, i, 0)),
        ],
        out_specs=[
            pl.BlockSpec((4, BN, CH), lambda i: (0, i, 0)),
            pl.BlockSpec((BN, 1), lambda i: (i, 0)),
        ],
        out_shape=[
            jax.ShapeDtypeStruct((4, NP, CH), jnp.float32),
            jax.ShapeDtypeStruct((NP, 1), jnp.float32),
        ],
    )(hw1, deg_parts)


def _combine(s_ref, g_ref, nch_in):
    parts = [s_ref[c] + g_ref[c] for c in range(nch_in - 1)]
    parts.append(s_ref[nch_in - 1] + s_ref[nch_in] + g_ref[nch_in - 1])
    return jnp.concatenate(parts, axis=1)


def _mid_tc(s_r, g_r, dinv, b_row, w_next, nch_in, nch_out, split_in):
    BN = 512
    din = nch_in * CH
    dout = nch_out * CH
    nslots = nch_in + 1 if split_in else nch_in

    def body(s_ref, g_ref, dinv_ref, b_ref, w_ref, out_ref):
        if split_in:
            agg = _combine(s_ref, g_ref, nch_in)
        else:
            agg = jnp.concatenate(
                [s_ref[c] + g_ref[c] for c in range(nch_in)], axis=1)
        h = jnp.maximum(agg * dinv_ref[...] + b_ref[...], 0.0)
        gn = jnp.dot(h, w_ref[...],
                     preferred_element_type=jnp.float32) * dinv_ref[...]
        for c in range(nch_out):
            out_ref[c] = gn[:, c * CH:(c + 1) * CH]

    return pl.pallas_call(
        body,
        grid=(NP // BN,),
        in_specs=[
            pl.BlockSpec((nslots, BN, CH), lambda i: (0, i, 0)),
            pl.BlockSpec((nch_in, BN, CH), lambda i: (0, i, 0)),
            pl.BlockSpec((BN, 1), lambda i: (i, 0)),
            pl.BlockSpec((1, din), lambda i: (0, 0)),
            pl.BlockSpec((din, dout), lambda i: (0, 0)),
        ],
        out_specs=pl.BlockSpec((nch_out, BN, CH), lambda i: (0, i, 0)),
        out_shape=jax.ShapeDtypeStruct((nch_out, NP, CH), jnp.float32),
    )(s_r, g_r, dinv, b_row, w_next)


def _post_tc(s_r, g_r, dinv, b_row, nch_in):
    BN = 512
    din = nch_in * CH

    def body(s_ref, g_ref, dinv_ref, b_ref, out_ref):
        agg = _combine(s_ref, g_ref, nch_in)
        out_ref[...] = jnp.maximum(agg * dinv_ref[...] + b_ref[...], 0.0)

    return pl.pallas_call(
        body,
        grid=(NP // BN,),
        in_specs=[
            pl.BlockSpec((nch_in + 1, BN, CH), lambda i: (0, i, 0)),
            pl.BlockSpec((nch_in, BN, CH), lambda i: (0, i, 0)),
            pl.BlockSpec((BN, 1), lambda i: (i, 0)),
            pl.BlockSpec((1, din), lambda i: (0, 0)),
        ],
        out_specs=pl.BlockSpec((BN, din), lambda i: (i, 0)),
        out_shape=jax.ShapeDtypeStruct((NP, din), jnp.float32),
    )(s_r, g_r, dinv, b_row)


def kernel(x, edge_index, batch, num_graphs, W1, b1, W2, b2, W3, b3):
    f32 = jnp.float32
    pad = jnp.full((NBLK * B - E,), N, jnp.int32)
    srcb = jnp.concatenate([edge_index[0], pad]).reshape(NBLK, B)
    dstb = jnp.concatenate([edge_index[1], pad]).reshape(NBLK, B)

    zeros128 = jnp.zeros((NP, CH), f32)
    ones128 = jnp.ones((B, CH), f32)
    w2p = jnp.zeros((512, 384), f32).at[:, :300].set(W2)
    w3p = jnp.zeros((384, 384), f32).at[:300, :300].set(W3)
    b1r = b1.reshape(1, 512)
    b2r = jnp.zeros((1, 384), f32).at[0, :300].set(b2)
    b3r = jnp.zeros((1, 384), f32).at[0, :300].set(b3)

    deg_parts = _deg_kernel(dstb, ones128, zeros128)
    hw1 = _matmul1_tc(x, W1)

    g1, dinv = _scale1_tc(hw1, deg_parts)
    s1 = _agg_l1(g1, srcb, dstb, zeros128)
    g2 = _mid_tc(s1, g1, dinv, b1r, w2p, 4, 3, False)
    s2 = _agg_l23(g2, srcb, dstb, zeros128)
    g3 = _mid_tc(s2, g2, dinv, b2r, w3p, 3, 3, True)
    s3 = _agg_l23(g3, srcb, dstb, zeros128)
    h3 = _post_tc(s3, g3, dinv, b3r, 3)
    return h3[:N, :300]

# --- scband reference (transcript-rebuilt; emitter-appended) ---
"""Pipeline reference for scband-protein-encoder-71545565217124 (READ-ONLY COPY).

The authoritative reference and input builder live on the scoring server;
editing this copy changes nothing except your own understanding.
"""

import jax, jax.numpy as jnp
import numpy as np

N_NODES = 10000
N_EDGES = 640000
NUM_GRAPHS = 8


def setup_inputs(seed: int = 0) -> dict:
    key = jax.random.key(seed)
    ks = jax.random.split(key, 8)
    x = jax.random.normal(ks[0], (N_NODES, 1280), dtype=jnp.float32)
    edge_index = jax.random.randint(ks[1], (2, N_EDGES), 0, N_NODES, dtype=jnp.int32)
    batch = jnp.sort(jax.random.randint(ks[2], (N_NODES,), 0, NUM_GRAPHS, dtype=jnp.int32))
    dims = [1280, 512, 300, 300]
    params = {}
    for i in range(1, 4):
        fan_in = dims[i - 1]
        params[f"W{i}"] = jax.random.normal(ks[2 + i], (dims[i - 1], dims[i]), dtype=jnp.float32) * (1.0 / np.sqrt(fan_in))
        params[f"b{i}"] = jnp.zeros((dims[i],), dtype=jnp.float32)
    out = {"x": x, "edge_index": edge_index, "batch": batch, "num_graphs": NUM_GRAPHS}
    out.update(params)
    return out


def _gcn_conv(h, src, dst, norm, W, b, num_nodes):
    # PyG GCNConv: linear transform, then deg-normalized scatter-add aggregation, then bias
    hw = h @ W
    msgs = hw[src] * norm[:, None]
    agg = jnp.zeros((num_nodes, W.shape[1]), dtype=h.dtype).at[dst].add(msgs)
    return agg + b


def reference(x, edge_index, batch, num_graphs, W1, b1, W2, b2, W3, b3):
    num_nodes = x.shape[0]
    loop = jnp.arange(num_nodes, dtype=edge_index.dtype)
    src = jnp.concatenate([edge_index[0], loop])
    dst = jnp.concatenate([edge_index[1], loop])
    # symmetric normalization with self-loops (gcn_norm)
    deg = jnp.zeros((num_nodes,), dtype=jnp.float32).at[dst].add(1.0)
    dinv = jnp.where(deg > 0, 1.0 / jnp.sqrt(deg), 0.0)
    norm = dinv[src] * dinv[dst]
    # dropout(p=0.2) is identity in eval mode; pertubed=False default
    h = x
    for (W, b) in ((W1, b1), (W2, b2), (W3, b3)):
        h = jax.nn.relu(_gcn_conv(h, src, dst, norm, W, b, num_nodes))
    # The torch module returns a python list [h[batch == i] for i in range(num_graphs)].
    # Since batch is sorted, the concatenation of that list equals h, so we return
    # the node embedding matrix (the canonical dense equivalent of the ragged list).
    return h

if __name__ == "__main__":
    import jax
    _d = setup_inputs()
    print(jax.jit(kernel)(*tuple(_d.values())))

</pallas_src>

<mosaic_0001>
#map = affine_map<(d0, d1) -> (0, 0, 0)>
#map1 = affine_map<(d0, d1) -> (0, 0)>
module attributes {stable_mosaic.version = 14 : i64} {
  func.func @agg(%arg0: i32, %arg1: i32, %arg2: memref<3x10240x128xf32, #tpu.memory_space<hbm>>, %arg3: memref<5120x128xi32, #tpu.memory_space<hbm>>, %arg4: memref<5120x128xi32, #tpu.memory_space<hbm>>, %arg5: memref<10240x128xf32, #tpu.memory_space<hbm>>, %arg6: memref<4x10240x128xf32, #tpu.memory_space<hbm>>, %arg7: memref<10240x128xf32, #tpu.memory_space<vmem_shared>>, %arg8: memref<32x128xi32, #tpu.memory_space<vmem>>, %arg9: memref<32x128xi32, #tpu.memory_space<vmem>>, %arg10: memref<2x128x128xf32, #tpu.memory_space<vmem>>, %arg11: memref<!tpu.dma_semaphore, #tpu.memory_space<semaphore_mem>>, %arg12: memref<!tpu.dma_semaphore, #tpu.memory_space<semaphore_mem>>) attributes {dimension_semantics = [#tpu.dimension_semantics<core_parallel>, #tpu.dimension_semantics<subcore_parallel>], iteration_bounds = array<i64: 2, 16>, scalar_prefetch = 0 : i64, scratch_operands = 6 : i64, tpu.core_type = #tpu.core_type<sc_vector_subcore>, window_params = [{transform_indices = #map}, {transform_indices = #map1}, {transform_indices = #map1}, {transform_indices = #map1}, {transform_indices = #map}]} {
    %mul3A = arith.constant 640 : i32
    %mul3A_0 = arith.muli %arg1, %mul3A : i32
    %mul3A_1 = arith.constant 640 : i32
    %mul3A_2 = arith.muli %arg1, %mul3A_1 : i32
    "tpu.region"() ({
      %run_scoped3A = tpu.sem_alloc : memref<!tpu.dma_semaphore, #tpu.memory_space<semaphore_mem>>
      %dma_start3A = arith.constant 0 : i32
      %dma_start3A_35 = tpu.memref_slice %arg7[%mul3A_2, %dma_start3A] : memref<10240x128xf32, #tpu.memory_space<vmem_shared>> -> memref<640x128xf32, #tpu.memory_space<vmem_shared>>
      %dma_start3A_36 = arith.constant 0 : i32
      %dma_start3A_37 = tpu.memref_slice %arg5[%mul3A_0, %dma_start3A_36] : memref<10240x128xf32, #tpu.memory_space<hbm>> -> memref<640x128xf32, #tpu.memory_space<hbm>>
      tpu.enqueue_dma source(%dma_start3A_37 : memref<640x128xf32, #tpu.memory_space<hbm>>) target(%dma_start3A_35 : memref<640x128xf32, #tpu.memory_space<vmem_shared>>) target_semaphore(%run_scoped3A : memref<!tpu.dma_semaphore, #tpu.memory_space<semaphore_mem>>)
      %dma_wait3A = arith.constant 0 : i32
      %dma_wait3A_38 = tpu.memref_slice %arg7[%mul3A_2, %dma_wait3A] : memref<10240x128xf32, #tpu.memory_space<vmem_shared>> -> memref<640x128xf32, #tpu.memory_space<vmem_shared>>
      %dma_wait3A_39 = arith.constant 0 : i32
      %dma_wait3A_40 = tpu.memref_slice %arg5[%mul3A_0, %dma_wait3A_39] : memref<10240x128xf32, #tpu.memory_space<hbm>> -> memref<640x128xf32, #tpu.memory_space<hbm>>
      tpu.wait_dma2 semaphore(%run_scoped3A : memref<!tpu.dma_semaphore, #tpu.memory_space<semaphore_mem>>) src(%dma_wait3A_40 : memref<640x128xf32, #tpu.memory_space<hbm>>) dst(%dma_wait3A_38 : memref<640x128xf32, #tpu.memory_space<vmem_shared>>)
      tpu.yield
    }) : () -> ()
    %barrier3A = arith.constant 0 : index
    tpu.barrier barrier_id(%barrier3A)
    %scan3A = arith.constant 0 : i32
    %scan3A_3 = arith.constant 0 : i32
    %scan3A_4 = arith.constant 10 : i32
    %scan3A_5 = arith.addi %scan3A_3, %scan3A_4 : i32
    %scan3A_6 = arith.constant 1 : i32
    scf.for %scan3A_35 = %scan3A_3 to %scan3A_5 step %scan3A_6  : i32 {
      %mul3A_36 = arith.constant 320 : i32
      %mul3A_37 = arith.muli %arg1, %mul3A_36 : i32
      %add3A_38 = arith.constant 0 : i32
      %add3A_39 = arith.addi %add3A_38, %mul3A_37 : i32
      %mul3A_40 = arith.constant 32 : i32
      %mul3A_41 = arith.muli %scan3A_35, %mul3A_40 : i32
      %add3A_42 = arith.addi %add3A_39, %mul3A_41 : i32
      "tpu.region"() ({
        %run_scoped3A = tpu.sem_alloc : memref<!tpu.dma_semaphore, #tpu.memory_space<semaphore_mem>>
        %dma_start3A_163 = arith.constant 0 : i32
        %dma_start3A_164 = tpu.memref_slice %arg3[%add3A_42, %dma_start3A_163] : memref<5120x128xi32, #tpu.memory_space<hbm>> -> memref<32x128xi32, #tpu.memory_space<hbm>>
        %dma_start3A_165 = arith.constant 0 : i32
        %dma_start3A_166 = tpu.memref_slice %arg3[%add3A_42, %dma_start3A_165] : memref<5120x128xi32, #tpu.memory_space<hbm>> -> memref<32x128xi32, #tpu.memory_space<hbm>>
        tpu.enqueue_dma source(%dma_start3A_166 : memref<32x128xi32, #tpu.memory_space<hbm>>) target(%arg8 : memref<32x128xi32, #tpu.memory_space<vmem>>) target_semaphore(%run_scoped3A : memref<!tpu.dma_semaphore, #tpu.memory_space<semaphore_mem>>)
        %dma_wait3A_167 = arith.constant 0 : i32
        %dma_wait3A_168 = tpu.memref_slice %arg3[%add3A_42, %dma_wait3A_167] : memref<5120x128xi32, #tpu.memory_space<hbm>> -> memref<32x128xi32, #tpu.memory_space<hbm>>
        %dma_wait3A_169 = arith.constant 0 : i32
        %dma_wait3A_170 = tpu.memref_slice %arg3[%add3A_42, %dma_wait3A_169] : memref<5120x128xi32, #tpu.memory_space<hbm>> -> memref<32x128xi32, #tpu.memory_space<hbm>>
        tpu.wait_dma2 semaphore(%run_scoped3A : memref<!tpu.dma_semaphore, #tpu.memory_space<semaphore_mem>>) src(%dma_wait3A_170 : memref<32x128xi32, #tpu.memory_space<hbm>>) dst(%arg8 : memref<32x128xi32, #tpu.memory_space<vmem>>)
        tpu.yield
      }) : () -> ()
      "tpu.region"() ({
        %run_scoped3A = tpu.sem_alloc : memref<!tpu.dma_semaphore, #tpu.memory_space<semaphore_mem>>
        %dma_start3A_163 = arith.constant 0 : i32
        %dma_start3A_164 = tpu.memref_slice %arg4[%add3A_42, %dma_start3A_163] : memref<5120x128xi32, #tpu.memory_space<hbm>> -> memref<32x128xi32, #tpu.memory_space<hbm>>
        %dma_start3A_165 = arith.constant 0 : i32
        %dma_start3A_166 = tpu.memref_slice %arg4[%add3A_42, %dma_start3A_165] : memref<5120x128xi32, #tpu.memory_space<hbm>> -> memref<32x128xi32, #tpu.memory_space<hbm>>
        tpu.enqueue_dma source(%dma_start3A_166 : memref<32x128xi32, #tpu.memory_space<hbm>>) target(%arg9 : memref<32x128xi32, #tpu.memory_space<vmem>>) target_semaphore(%run_scoped3A : memref<!tpu.dma_semaphore, #tpu.memory_space<semaphore_mem>>)
        %dma_wait3A_167 = arith.constant 0 : i32
        %dma_wait3A_168 = tpu.memref_slice %arg4[%add3A_42, %dma_wait3A_167] : memref<5120x128xi32, #tpu.memory_space<hbm>> -> memref<32x128xi32, #tpu.memory_space<hbm>>
        %dma_wait3A_169 = arith.constant 0 : i32
        %dma_wait3A_170 = tpu.memref_slice %arg4[%add3A_42, %dma_wait3A_169] : memref<5120x128xi32, #tpu.memory_space<hbm>> -> memref<32x128xi32, #tpu.memory_space<hbm>>
        tpu.wait_dma2 semaphore(%run_scoped3A : memref<!tpu.dma_semaphore, #tpu.memory_space<semaphore_mem>>) src(%dma_wait3A_170 : memref<32x128xi32, #tpu.memory_space<hbm>>) dst(%arg9 : memref<32x128xi32, #tpu.memory_space<vmem>>)
        tpu.yield
      }) : () -> ()
      %dma_start3A = arith.constant 0 : i32
      %dma_start3A_43 = arith.constant 0 : i32
      %dma_start3A_44 = arith.constant 0 : i32
      %dma_start3A_45 = arith.constant 0 : i32
      %dma_start3A_46 = tpu.memref_slice %arg10[%dma_start3A_43, %dma_start3A_44, %dma_start3A_45] : memref<2x128x128xf32, #tpu.memory_space<vmem>> -> memref<1x128x128xf32, #tpu.memory_space<vmem>>
      %dma_start3A_47 = tpu.memref_squeeze %dma_start3A_46 : memref<1x128x128xf32, #tpu.memory_space<vmem>> -> memref<128x128xf32, #tpu.memory_space<vmem>>
      %dma_start3A_48 = arith.constant 0 : i32
      %dma_start3A_49 = tpu.memref_slice %arg8[%dma_start3A, %dma_start3A_48] : memref<32x128xi32, #tpu.memory_space<vmem>> -> memref<1x128xi32, #tpu.memory_space<vmem>>
      %dma_start3A_50 = tpu.memref_squeeze %dma_start3A_49 : memref<1x128xi32, #tpu.memory_space<vmem>> -> memref<128xi32, #tpu.memory_space<vmem>>
      %dma_start3A_51 = arith.constant 0 : i32
      %dma_start3A_52 = arith.constant 0 : i32
      %dma_start3A_53 = tpu.memref_slice %arg2[%arg0, %dma_start3A_51, %dma_start3A_52] : memref<3x10240x128xf32, #tpu.memory_space<hbm>> -> memref<1x10240x128xf32, #tpu.memory_space<hbm>>
      %dma_start3A_54 = tpu.memref_squeeze %dma_start3A_53 : memref<1x10240x128xf32, #tpu.memory_space<hbm>> -> memref<10240x128xf32, #tpu.memory_space<hbm>>
      %dma_start3A_55 = arith.constant 0 : i32
      %dma_start3A_56 = arith.constant 0 : i32
      %dma_start3A_57 = tpu.memref_slice %dma_start3A_54[%dma_start3A_55, %dma_start3A_56] : memref<10240x128xf32, #tpu.memory_space<hbm>> -> memref<10240x128xf32, #tpu.memory_space<hbm>>
      tpu.enqueue_indirect_dma source(%dma_start3A_57 : memref<10240x128xf32, #tpu.memory_space<hbm>>) target(%dma_start3A_47 : memref<128x128xf32, #tpu.memory_space<vmem>>) offsets(%dma_start3A_50 : memref<128xi32, #tpu.memory_space<vmem>>) semaphore(%arg11 : memref<!tpu.dma_semaphore, #tpu.memory_space<semaphore_mem>>)
      %dma_wait3A = arith.constant 0 : i32
      %dma_wait3A_58 = arith.constant 0 : i32
      %dma_wait3A_59 = arith.constant 0 : i32
      %dma_wait3A_60 = tpu.memref_slice %arg10[%dma_wait3A, %dma_wait3A_58, %dma_wait3A_59] : memref<2x128x128xf32, #tpu.memory_space<vmem>> -> memref<1x128x128xf32, #tpu.memory_space<vmem>>
      %dma_wait3A_61 = tpu.memref_squeeze %dma_wait3A_60 : memref<1x128x128xf32, #tpu.memory_space<vmem>> -> memref<128x128xf32, #tpu.memory_space<vmem>>
      %dma_wait3A_62 = arith.constant 0 : i32
      %dma_wait3A_63 = arith.constant 0 : i32
      %dma_wait3A_64 = tpu.memref_slice %arg5[%dma_wait3A_62, %dma_wait3A_63] : memref<10240x128xf32, #tpu.memory_space<hbm>> -> memref<128x128xf32, #tpu.memory_space<hbm>>
      %dma_wait3A_65 = arith.constant 0 : i32
      %dma_wait3A_66 = arith.constant 0 : i32
      %dma_wait3A_67 = tpu.memref_slice %arg10[%dma_wait3A, %dma_wait3A_65, %dma_wait3A_66] : memref<2x128x128xf32, #tpu.memory_space<vmem>> -> memref<1x128x128xf32, #tpu.memory_space<vmem>>
      %dma_wait3A_68 = tpu.memref_squeeze %dma_wait3A_67 : memref<1x128x128xf32, #tpu.memory_space<vmem>> -> memref<128x128xf32, #tpu.memory_space<vmem>>
      %dma_wait3A_69 = arith.constant 0 : i32
      %dma_wait3A_70 = arith.constant 0 : i32
      %dma_wait3A_71 = tpu.memref_slice %arg5[%dma_wait3A_69, %dma_wait3A_70] : memref<10240x128xf32, #tpu.memory_space<hbm>> -> memref<128x128xf32, #tpu.memory_space<hbm>>
      tpu.wait_dma2 semaphore(%arg11 : memref<!tpu.dma_semaphore, #tpu.memory_space<semaphore_mem>>) src(%dma_wait3A_71 : memref<128x128xf32, #tpu.memory_space<hbm>>) dst(%dma_wait3A_68 : memref<128x128xf32, #tpu.memory_space<vmem>>)
      %dma_start3A_72 = arith.constant 1 : i32
      %dma_start3A_73 = arith.constant 1 : i32
      %dma_start3A_74 = arith.constant 0 : i32
      %dma_start3A_75 = arith.constant 0 : i32
      %dma_start3A_76 = tpu.memref_slice %arg10[%dma_start3A_73, %dma_start3A_74, %dma_start3A_75] : memref<2x128x128xf32, #tpu.memory_space<vmem>> -> memref<1x128x128xf32, #tpu.memory_space<vmem>>
      %dma_start3A_77 = tpu.memref_squeeze %dma_start3A_76 : memref<1x128x128xf32, #tpu.memory_space<vmem>> -> memref<128x128xf32, #tpu.memory_space<vmem>>
      %dma_start3A_78 = arith.constant 0 : i32
      %dma_start3A_79 = tpu.memref_slice %arg8[%dma_start3A_72, %dma_start3A_78] : memref<32x128xi32, #tpu.memory_space<vmem>> -> memref<1x128xi32, #tpu.memory_space<vmem>>
      %dma_start3A_80 = tpu.memref_squeeze %dma_start3A_79 : memref<1x128xi32, #tpu.memory_space<vmem>> -> memref<128xi32, #tpu.memory_space<vmem>>
      %dma_start3A_81 = arith.constant 0 : i32
      %dma_start3A_82 = arith.constant 0 : i32
      %dma_start3A_83 = tpu.memref_slice %arg2[%arg0, %dma_start3A_81, %dma_start3A_82] : memref<3x10240x128xf32, #tpu.memory_space<hbm>> -> memref<1x10240x128xf32, #tpu.memory_space<hbm>>
      %dma_start3A_84 = tpu.memref_squeeze %dma_start3A_83 : memref<1x10240x128xf32, #tpu.memory_space<hbm>> -> memref<10240x128xf32, #tpu.memory_space<hbm>>
      %dma_start3A_85 = arith.constant 0 : i32
      %dma_start3A_86 = arith.constant 0 : i32
      %dma_start3A_87 = tpu.memref_slice %dma_start3A_84[%dma_start3A_85, %dma_start3A_86] : memref<10240x128xf32, #tpu.memory_space<hbm>> -> memref<10240x128xf32, #tpu.memory_space<hbm>>
      tpu.enqueue_indirect_dma source(%dma_start3A_87 : memref<10240x128xf32, #tpu.memory_space<hbm>>) target(%dma_start3A_77 : memref<128x128xf32, #tpu.memory_space<vmem>>) offsets(%dma_start3A_80 : memref<128xi32, #tpu.memory_space<vmem>>) semaphore(%arg11 : memref<!tpu.dma_semaphore, #tpu.memory_space<semaphore_mem>>)
      %dma_start3A_88 = arith.constant 0 : i32
      %dma_start3A_89 = arith.constant 0 : i32
      %dma_start3A_90 = arith.constant 0 : i32
      %dma_start3A_91 = arith.constant 0 : i32
      %dma_start3A_92 = tpu.memref_slice %arg10[%dma_start3A_88, %dma_start3A_90, %dma_start3A_91] : memref<2x128x128xf32, #tpu.memory_space<vmem>> -> memref<1x128x128xf32, #tpu.memory_space<vmem>>
      %dma_start3A_93 = tpu.memref_squeeze %dma_start3A_92 : memref<1x128x128xf32, #tpu.memory_space<vmem>> -> memref<128x128xf32, #tpu.memory_space<vmem>>
      %dma_start3A_94 = arith.constant 0 : i32
      %dma_start3A_95 = tpu.memref_slice %arg9[%dma_start3A_89, %dma_start3A_94] : memref<32x128xi32, #tpu.memory_space<vmem>> -> memref<1x128xi32, #tpu.memory_space<vmem>>
      %dma_start3A_96 = tpu.memref_squeeze %dma_start3A_95 : memref<1x128xi32, #tpu.memory_space<vmem>> -> memref<128xi32, #tpu.memory_space<vmem>>
      %dma_start3A_97 = arith.constant 0 : i32
      %dma_start3A_98 = arith.constant 0 : i32
      %dma_start3A_99 = tpu.memref_slice %arg7[%dma_start3A_97, %dma_start3A_98] : memref<10240x128xf32, #tpu.memory_space<vmem_shared>> -> memref<10240x128xf32, #tpu.memory_space<vmem_shared>>
      tpu.enqueue_indirect_dma source(%dma_start3A_93 : memref<128x128xf32, #tpu.memory_space<vmem>>) target(%dma_start3A_99 : memref<10240x128xf32, #tpu.memory_space<vmem_shared>>) offsets(%dma_start3A_96 : memref<128xi32, #tpu.memory_space<vmem>>) semaphore(%arg12 : memref<!tpu.dma_semaphore, #tpu.memory_space<semaphore_mem>>) {add = true}
      %scan3A_100 = arith.constant 0 : i32
      %scan3A_101 = arith.constant 0 : i32
      %scan3A_102 = arith.constant 15 : i32
      %scan3A_103 = arith.addi %scan3A_101, %scan3A_102 : i32
      %scan3A_104 = arith.constant 1 : i32
      scf.for %scan3A_163 = %scan3A_101 to %scan3A_103 step %scan3A_104  : i32 {
        %dma_wait3A_164 = arith.constant 0 : i32
        %dma_wait3A_165 = arith.constant 0 : i32
        %dma_wait3A_166 = arith.constant 0 : i32
        %dma_wait3A_167 = tpu.memref_slice %arg10[%dma_wait3A_164, %dma_wait3A_165, %dma_wait3A_166] : memref<2x128x128xf32, #tpu.memory_space<vmem>> -> memref<1x128x128xf32, #tpu.memory_space<vmem>>
        %dma_wait3A_168 = tpu.memref_squeeze %dma_wait3A_167 : memref<1x128x128xf32, #tpu.memory_space<vmem>> -> memref<128x128xf32, #tpu.memory_space<vmem>>
        %dma_wait3A_169 = arith.constant 0 : i32
        %dma_wait3A_170 = arith.constant 0 : i32
        %dma_wait3A_171 = tpu.memref_slice %arg5[%dma_wait3A_169, %dma_wait3A_170] : memref<10240x128xf32, #tpu.memory_space<hbm>> -> memref<128x128xf32, #tpu.memory_space<hbm>>
        %dma_wait3A_172 = arith.constant 0 : i32
        %dma_wait3A_173 = arith.constant 0 : i32
        %dma_wait3A_174 = tpu.memref_slice %arg10[%dma_wait3A_164, %dma_wait3A_172, %dma_wait3A_173] : memref<2x128x128xf32, #tpu.memory_space<vmem>> -> memref<1x128x128xf32, #tpu.memory_space<vmem>>
        %dma_wait3A_175 = tpu.memref_squeeze %dma_wait3A_174 : memref<1x128x128xf32, #tpu.memory_space<vmem>> -> memref<128x128xf32, #tpu.memory_space<vmem>>
        %dma_wait3A_176 = arith.constant 0 : i32
        %dma_wait3A_177 = arith.constant 0 : i32
        %dma_wait3A_178 = tpu.memref_slice %arg5[%dma_wait3A_176, %dma_wait3A_177] : memref<10240x128xf32, #tpu.memory_space<hbm>> -> memref<128x128xf32, #tpu.memory_space<hbm>>
        tpu.wait_dma2 semaphore(%arg11 : memref<!tpu.dma_semaphore, #tpu.memory_space<semaphore_mem>>) src(%dma_wait3A_178 : memref<128x128xf32, #tpu.memory_space<hbm>>) dst(%dma_wait3A_175 : memref<128x128xf32, #tpu.memory_space<vmem>>)
        %dma_wait3A_179 = arith.constant 0 : i32
        %dma_wait3A_180 = arith.constant 0 : i32
        %dma_wait3A_181 = arith.constant 0 : i32
        %dma_wait3A_182 = tpu.memref_slice %arg10[%dma_wait3A_179, %dma_wait3A_180, %dma_wait3A_181] : memref<2x128x128xf32, #tpu.memory_space<vmem>> -> memref<1x128x128xf32, #tpu.memory_space<vmem>>
        %dma_wait3A_183 = tpu.memref_squeeze %dma_wait3A_182 : memref<1x128x128xf32, #tpu.memory_space<vmem>> -> memref<128x128xf32, #tpu.memory_space<vmem>>
        %dma_wait3A_184 = arith.constant 0 : i32
        %dma_wait3A_185 = arith.constant 0 : i32
        %dma_wait3A_186 = tpu.memref_slice %arg5[%dma_wait3A_184, %dma_wait3A_185] : memref<10240x128xf32, #tpu.memory_space<hbm>> -> memref<128x128xf32, #tpu.memory_space<hbm>>
        %dma_wait3A_187 = arith.constant 0 : i32
        %dma_wait3A_188 = arith.constant 0 : i32
        %dma_wait3A_189 = tpu.memref_slice %arg10[%dma_wait3A_179, %dma_wait3A_187, %dma_wait3A_188] : memref<2x128x128xf32, #tpu.memory_space<vmem>> -> memref<1x128x128xf32, #tpu.memory_space<vmem>>
        %dma_wait3A_190 = tpu.memref_squeeze %dma_wait3A_189 : memref<1x128x128xf32, #tpu.memory_space<vmem>> -> memref<128x128xf32, #tpu.memory_space<vmem>>
        %dma_wait3A_191 = arith.constant 0 : i32
        %dma_wait3A_192 = arith.constant 0 : i32
        %dma_wait3A_193 = tpu.memref_slice %arg5[%dma_wait3A_191, %dma_wait3A_192] : memref<10240x128xf32, #tpu.memory_space<hbm>> -> memref<128x128xf32, #tpu.memory_space<hbm>>
        tpu.wait_dma2 semaphore(%arg12 : memref<!tpu.dma_semaphore, #tpu.memory_space<semaphore_mem>>) src(%dma_wait3A_193 : memref<128x128xf32, #tpu.memory_space<hbm>>) dst(%dma_wait3A_190 : memref<128x128xf32, #tpu.memory_space<vmem>>)
        %mul3A_194 = arith.constant 2 : i32
        %mul3A_195 = arith.muli %mul3A_194, %scan3A_163 : i32
        %add3A_196 = arith.constant 2 : i32
        %add3A_197 = arith.addi %mul3A_195, %add3A_196 : i32
        %dma_start3A_198 = arith.constant 0 : i32
        %dma_start3A_199 = arith.constant 0 : i32
        %dma_start3A_200 = arith.constant 0 : i32
        %dma_start3A_201 = tpu.memref_slice %arg10[%dma_start3A_198, %dma_start3A_199, %dma_start3A_200] : memref<2x128x128xf32, #tpu.memory_space<vmem>> -> memref<1x128x128xf32, #tpu.memory_space<vmem>>
        %dma_start3A_202 = tpu.memref_squeeze %dma_start3A_201 : memref<1x128x128xf32, #tpu.memory_space<vmem>> -> memref<128x128xf32, #tpu.memory_space<vmem>>
        %dma_start3A_203 = arith.constant 0 : i32
        %dma_start3A_204 = tpu.memref_slice %arg8[%add3A_197, %dma_start3A_203] : memref<32x128xi32, #tpu.memory_space<vmem>> -> memref<1x128xi32, #tpu.memory_space<vmem>>
        %dma_start3A_205 = tpu.memref_squeeze %dma_start3A_204 : memref<1x128xi32, #tpu.memory_space<vmem>> -> memref<128xi32, #tpu.memory_space<vmem>>
        %dma_start3A_206 = arith.constant 0 : i32
        %dma_start3A_207 = arith.constant 0 : i32
        %dma_start3A_208 = tpu.memref_slice %arg2[%arg0, %dma_start3A_206, %dma_start3A_207] : memref<3x10240x128xf32, #tpu.memory_space<hbm>> -> memref<1x10240x128xf32, #tpu.memory_space<hbm>>
        %dma_start3A_209 = tpu.memref_squeeze %dma_start3A_208 : memref<1x10240x128xf32, #tpu.memory_space<hbm>> -> memref<10240x128xf32, #tpu.memory_space<hbm>>
        %dma_start3A_210 = arith.constant 0 : i32
        %dma_start3A_211 = arith.constant 0 : i32
        %dma_start3A_212 = tpu.memref_slice %dma_start3A_209[%dma_start3A_210, %dma_start3A_211] : memref<10240x128xf32, #tpu.memory_space<hbm>> -> memref<10240x128xf32, #tpu.memory_space<hbm>>
        tpu.enqueue_indirect_dma source(%dma_start3A_212 : memref<10240x128xf32, #tpu.memory_space<hbm>>) target(%dma_start3A_202 : memref<128x128xf32, #tpu.memory_space<vmem>>) offsets(%dma_start3A_205 : memref<128xi32, #tpu.memory_space<vmem>>) semaphore(%arg11 : memref<!tpu.dma_semaphore, #tpu.memory_space<semaphore_mem>>)
        %mul3A_213 = arith.constant 2 : i32
        %mul3A_214 = arith.muli %mul3A_213, %scan3A_163 : i32
        %add3A_215 = arith.constant 1 : i32
        %add3A_216 = arith.addi %mul3A_214, %add3A_215 : i32
        %dma_start3A_217 = arith.constant 1 : i32
        %dma_start3A_218 = arith.constant 0 : i32
        %dma_start3A_219 = arith.constant 0 : i32
        %dma_start3A_220 = tpu.memref_slice %arg10[%dma_start3A_217, %dma_start3A_218, %dma_start3A_219] : memref<2x128x128xf32, #tpu.memory_space<vmem>> -> memref<1x128x128xf32, #tpu.memory_space<vmem>>
        %dma_start3A_221 = tpu.memref_squeeze %dma_start3A_220 : memref<1x128x128xf32, #tpu.memory_space<vmem>> -> memref<128x128xf32, #tpu.memory_space<vmem>>
        %dma_start3A_222 = arith.constant 0 : i32
        %dma_start3A_223 = tpu.memref_slice %arg9[%add3A_216, %dma_start3A_222] : memref<32x128xi32, #tpu.memory_space<vmem>> -> memref<1x128xi32, #tpu.memory_space<vmem>>
        %dma_start3A_224 = tpu.memref_squeeze %dma_start3A_223 : memref<1x128xi32, #tpu.memory_space<vmem>> -> memref<128xi32, #tpu.memory_space<vmem>>
        %dma_start3A_225 = arith.constant 0 : i32
        %dma_start3A_226 = arith.constant 0 : i32
        %dma_start3A_227 = tpu.memref_slice %arg7[%dma_start3A_225, %dma_start3A_226] : memref<10240x128xf32, #tpu.memory_space<vmem_shared>> -> memref<10240x128xf32, #tpu.memory_space<vmem_shared>>
        tpu.enqueue_indirect_dma source(%dma_start3A_221 : memref<128x128xf32, #tpu.memory_space<vmem>>) target(%dma_start3A_227 : memref<10240x128xf32, #tpu.memory_space<vmem_shared>>) offsets(%dma_start3A_224 : memref<128xi32, #tpu.memory_space<vmem>>) semaphore(%arg12 : memref<!tpu.dma_semaphore, #tpu.memory_space<semaphore_mem>>) {add = true}
        %dma_wait3A_228 = arith.constant 0 : i32
        %dma_wait3A_229 = arith.constant 0 : i32
        %dma_wait3A_230 = arith.constant 0 : i32
        %dma_wait3A_231 = tpu.memref_slice %arg10[%dma_wait3A_228, %dma_wait3A_229, %dma_wait3A_230] : memref<2x128x128xf32, #tpu.memory_space<vmem>> -> memref<1x128x128xf32, #tpu.memory_space<vmem>>
        %dma_wait3A_232 = tpu.memref_squeeze %dma_wait3A_231 : memref<1x128x128xf32, #tpu.memory_space<vmem>> -> memref<128x128xf32, #tpu.memory_space<vmem>>
        %dma_wait3A_233 = arith.constant 0 : i32
        %dma_wait3A_234 = arith.constant 0 : i32
        %dma_wait3A_235 = tpu.memref_slice %arg5[%dma_wait3A_233, %dma_wait3A_234] : memref<10240x128xf32, #tpu.memory_space<hbm>> -> memref<128x128xf32, #tpu.memory_space<hbm>>
        %dma_wait3A_236 = arith.constant 0 : i32
        %dma_wait3A_237 = arith.constant 0 : i32
        %dma_wait3A_238 = tpu.memref_slice %arg10[%dma_wait3A_228, %dma_wait3A_236, %dma_wait3A_237] : memref<2x128x128xf32, #tpu.memory_space<vmem>> -> memref<1x128x128xf32, #tpu.memory_space<vmem>>
        %dma_wait3A_239 = tpu.memref_squeeze %dma_wait3A_238 : memref<1x128x128xf32, #tpu.memory_space<vmem>> -> memref<128x128xf32, #tpu.memory_space<vmem>>
        %dma_wait3A_240 = arith.constant 0 : i32
        %dma_wait3A_241 = arith.constant 0 : i32
        %dma_wait3A_242 = tpu.memref_slice %arg5[%dma_wait3A_240, %dma_wait3A_241] : memref<10240x128xf32, #tpu.memory_space<hbm>> -> memref<128x128xf32, #tpu.memory_space<hbm>>
        tpu.wait_dma2 semaphore(%arg11 : memref<!tpu.dma_semaphore, #tpu.memory_space<semaphore_mem>>) src(%dma_wait3A_242 : memref<128x128xf32, #tpu.memory_space<hbm>>) dst(%dma_wait3A_239 : memref<128x128xf32, #tpu.memory_space<vmem>>)
        %dma_wait3A_243 = arith.constant 0 : i32
        %dma_wait3A_244 = arith.constant 0 : i32
        %dma_wait3A_245 = arith.constant 0 : i32
        %dma_wait3A_246 = tpu.memref_slice %arg10[%dma_wait3A_243, %dma_wait3A_244, %dma_wait3A_245] : memref<2x128x128xf32, #tpu.memory_space<vmem>> -> memref<1x128x128xf32, #tpu.memory_space<vmem>>
        %dma_wait3A_247 = tpu.memref_squeeze %dma_wait3A_246 : memref<1x128x128xf32, #tpu.memory_space<vmem>> -> memref<128x128xf32, #tpu.memory_space<vmem>>
        %dma_wait3A_248 = arith.constant 0 : i32
        %dma_wait3A_249 = arith.constant 0 : i32
        %dma_wait3A_250 = tpu.memref_slice %arg5[%dma_wait3A_248, %dma_wait3A_249] : memref<10240x128xf32, #tpu.memory_space<hbm>> -> memref<128x128xf32, #tpu.memory_space<hbm>>
        %dma_wait3A_251 = arith.constant 0 : i32
        %dma_wait3A_252 = arith.constant 0 : i32
        %dma_wait3A_253 = tpu.memref_slice %arg10[%dma_wait3A_243, %dma_wait3A_251, %dma_wait3A_252] : memref<2x128x128xf32, #tpu.memory_space<vmem>> -> memref<1x128x128xf32, #tpu.memory_space<vmem>>
        %dma_wait3A_254 = tpu.memref_squeeze %dma_wait3A_253 : memref<1x128x128xf32, #tpu.memory_space<vmem>> -> memref<128x128xf32, #tpu.memory_space<vmem>>
        %dma_wait3A_255 = arith.constant 0 : i32
        %dma_wait3A_256 = arith.constant 0 : i32
        %dma_wait3A_257 = tpu.memref_slice %arg5[%dma_wait3A_255, %dma_wait3A_256] : memref<10240x128xf32, #tpu.memory_space<hbm>> -> memref<128x128xf32, #tpu.memory_space<hbm>>
        tpu.wait_dma2 semaphore(%arg12 : memref<!tpu.dma_semaphore, #tpu.memory_space<semaphore_mem>>) src(%dma_wait3A_257 : memref<128x128xf32, #tpu.memory_space<hbm>>) dst(%dma_wait3A_254 : memref<128x128xf32, #tpu.memory_space<vmem>>)
        %mul3A_258 = arith.constant 2 : i32
        %mul3A_259 = arith.muli %mul3A_258, %scan3A_163 : i32
        %add3A_260 = arith.constant 3 : i32
        %add3A_261 = arith.addi %mul3A_259, %add3A_260 : i32
        %dma_start3A_262 = arith.constant 1 : i32
        %dma_start3A_263 = arith.constant 0 : i32
        %dma_start3A_264 = arith.constant 0 : i32
        %dma_start3A_265 = tpu.memref_slice %arg10[%dma_start3A_262, %dma_start3A_263, %dma_start3A_264] : memref<2x128x128xf32, #tpu.memory_space<vmem>> -> memref<1x128x128xf32, #tpu.memory_space<vmem>>
        %dma_start3A_266 = tpu.memref_squeeze %dma_start3A_265 : memref<1x128x128xf32, #tpu.memory_space<vmem>> -> memref<128x128xf32, #tpu.memory_space<vmem>>
        %dma_start3A_267 = arith.constant 0 : i32
        %dma_start3A_268 = tpu.memref_slice %arg8[%add3A_261, %dma_start3A_267] : memref<32x128xi32, #tpu.memory_space<vmem>> -> memref<1x128xi32, #tpu.memory_space<vmem>>
        %dma_start3A_269 = tpu.memref_squeeze %dma_start3A_268 : memref<1x128xi32, #tpu.memory_space<vmem>> -> memref<128xi32, #tpu.memory_space<vmem>>
        %dma_start3A_270 = arith.constant 0 : i32
        %dma_start3A_271 = arith.constant 0 : i32
        %dma_start3A_272 = tpu.memref_slice %arg2[%arg0, %dma_start3A_270, %dma_start3A_271] : memref<3x10240x128xf32, #tpu.memory_space<hbm>> -> memref<1x10240x128xf32, #tpu.memory_space<hbm>>
        %dma_start3A_273 = tpu.memref_squeeze %dma_start3A_272 : memref<1x10240x128xf32, #tpu.memory_space<hbm>> -> memref<10240x128xf32, #tpu.memory_space<hbm>>
        %dma_start3A_274 = arith.constant 0 : i32
        %dma_start3A_275 = arith.constant 0 : i32
        %dma_start3A_276 = tpu.memref_slice %dma_start3A_273[%dma_start3A_274, %dma_start3A_275] : memref<10240x128xf32, #tpu.memory_space<hbm>> -> memref<10240x128xf32, #tpu.memory_space<hbm>>
        tpu.enqueue_indirect_dma source(%dma_start3A_276 : memref<10240x128xf32, #tpu.memory_space<hbm>>) target(%dma_start3A_266 : memref<128x128xf32, #tpu.memory_space<vmem>>) offsets(%dma_start3A_269 : memref<128xi32, #tpu.memory_space<vmem>>) semaphore(%arg11 : memref<!tpu.dma_semaphore, #tpu.memory_space<semaphore_mem>>)
        %mul3A_277 = arith.constant 2 : i32
        %mul3A_278 = arith.muli %mul3A_277, %scan3A_163 : i32
        %add3A_279 = arith.constant 2 : i32
        %add3A_280 = arith.addi %mul3A_278, %add3A_279 : i32
        %dma_start3A_281 = arith.constant 0 : i32
        %dma_start3A_282 = arith.constant 0 : i32
        %dma_start3A_283 = arith.constant 0 : i32
        %dma_start3A_284 = tpu.memref_slice %arg10[%dma_start3A_281, %dma_start3A_282, %dma_start3A_283] : memref<2x128x128xf32, #tpu.memory_space<vmem>> -> memref<1x128x128xf32, #tpu.memory_space<vmem>>
        %dma_start3A_285 = tpu.memref_squeeze %dma_start3A_284 : memref<1x128x128xf32, #tpu.memory_space<vmem>> -> memref<128x128xf32, #tpu.memory_space<vmem>>
        %dma_start3A_286 = arith.constant 0 : i32
        %dma_start3A_287 = tpu.memref_slice %arg9[%add3A_280, %dma_start3A_286] : memref<32x128xi32, #tpu.memory_space<vmem>> -> memref<1x128xi32, #tpu.memory_space<vmem>>
        %dma_start3A_288 = tpu.memref_squeeze %dma_start3A_287 : memref<1x128xi32, #tpu.memory_space<vmem>> -> memref<128xi32, #tpu.memory_space<vmem>>
        %dma_start3A_289 = arith.constant 0 : i32
        %dma_start3A_290 = arith.constant 0 : i32
        %dma_start3A_291 = tpu.memref_slice %arg7[%dma_start3A_289, %dma_start3A_290] : memref<10240x128xf32, #tpu.memory_space<vmem_shared>> -> memref<10240x128xf32, #tpu.memory_space<vmem_shared>>
        tpu.enqueue_indirect_dma source(%dma_start3A_285 : memref<128x128xf32, #tpu.memory_space<vmem>>) target(%dma_start3A_291 : memref<10240x128xf32, #tpu.memory_space<vmem_shared>>) offsets(%dma_start3A_288 : memref<128xi32, #tpu.memory_space<vmem>>) semaphore(%arg12 : memref<!tpu.dma_semaphore, #tpu.memory_space<semaphore_mem>>) {add = true}
      }
      %scan3A_105 = arith.constant 15 : i32
      %dma_wait3A_106 = arith.constant 0 : i32
      %dma_wait3A_107 = arith.constant 0 : i32
      %dma_wait3A_108 = arith.constant 0 : i32
      %dma_wait3A_109 = tpu.memref_slice %arg10[%dma_wait3A_106, %dma_wait3A_107, %dma_wait3A_108] : memref<2x128x128xf32, #tpu.memory_space<vmem>> -> memref<1x128x128xf32, #tpu.memory_space<vmem>>
      %dma_wait3A_110 = tpu.memref_squeeze %dma_wait3A_109 : memref<1x128x128xf32, #tpu.memory_space<vmem>> -> memref<128x128xf32, #tpu.memory_space<vmem>>
      %dma_wait3A_111 = arith.constant 0 : i32
      %dma_wait3A_112 = arith.constant 0 : i32
      %dma_wait3A_113 = tpu.memref_slice %arg5[%dma_wait3A_111, %dma_wait3A_112] : memref<10240x128xf32, #tpu.memory_space<hbm>> -> memref<128x128xf32, #tpu.memory_space<hbm>>
      %dma_wait3A_114 = arith.constant 0 : i32
      %dma_wait3A_115 = arith.constant 0 : i32
      %dma_wait3A_116 = tpu.memref_slice %arg10[%dma_wait3A_106, %dma_wait3A_114, %dma_wait3A_115] : memref<2x128x128xf32, #tpu.memory_space<vmem>> -> memref<1x128x128xf32, #tpu.memory_space<vmem>>
      %dma_wait3A_117 = tpu.memref_squeeze %dma_wait3A_116 : memref<1x128x128xf32, #tpu.memory_space<vmem>> -> memref<128x128xf32, #tpu.memory_space<vmem>>
      %dma_wait3A_118 = arith.constant 0 : i32
      %dma_wait3A_119 = arith.constant 0 : i32
      %dma_wait3A_120 = tpu.memref_slice %arg5[%dma_wait3A_118, %dma_wait3A_119] : memref<10240x128xf32, #tpu.memory_space<hbm>> -> memref<128x128xf32, #tpu.memory_space<hbm>>
      tpu.wait_dma2 semaphore(%arg11 : memref<!tpu.dma_semaphore, #tpu.memory_space<semaphore_mem>>) src(%dma_wait3A_120 : memref<128x128xf32, #tpu.memory_space<hbm>>) dst(%dma_wait3A_117 : memref<128x128xf32, #tpu.memory_space<vmem>>)
      %dma_wait3A_121 = arith.constant 0 : i32
      %dma_wait3A_122 = arith.constant 0 : i32
      %dma_wait3A_123 = arith.constant 0 : i32
      %dma_wait3A_124 = tpu.memref_slice %arg10[%dma_wait3A_121, %dma_wait3A_122, %dma_wait3A_123] : memref<2x128x128xf32, #tpu.memory_space<vmem>> -> memref<1x128x128xf32, #tpu.memory_space<vmem>>
      %dma_wait3A_125 = tpu.memref_squeeze %dma_wait3A_124 : memref<1x128x128xf32, #tpu.memory_space<vmem>> -> memref<128x128xf32, #tpu.memory_space<vmem>>
      %dma_wait3A_126 = arith.constant 0 : i32
      %dma_wait3A_127 = arith.constant 0 : i32
      %dma_wait3A_128 = tpu.memref_slice %arg5[%dma_wait3A_126, %dma_wait3A_127] : memref<10240x128xf32, #tpu.memory_space<hbm>> -> memref<128x128xf32, #tpu.memory_space<hbm>>
      %dma_wait3A_129 = arith.constant 0 : i32
      %dma_wait3A_130 = arith.constant 0 : i32
      %dma_wait3A_131 = tpu.memref_slice %arg10[%dma_wait3A_121, %dma_wait3A_129, %dma_wait3A_130] : memref<2x128x128xf32, #tpu.memory_space<vmem>> -> memref<1x128x128xf32, #tpu.memory_space<vmem>>
      %dma_wait3A_132 = tpu.memref_squeeze %dma_wait3A_131 : memref<1x128x128xf32, #tpu.memory_space<vmem>> -> memref<128x128xf32, #tpu.memory_space<vmem>>
      %dma_wait3A_133 = arith.constant 0 : i32
      %dma_wait3A_134 = arith.constant 0 : i32
      %dma_wait3A_135 = tpu.memref_slice %arg5[%dma_wait3A_133, %dma_wait3A_134] : memref<10240x128xf32, #tpu.memory_space<hbm>> -> memref<128x128xf32, #tpu.memory_space<hbm>>
      tpu.wait_dma2 semaphore(%arg12 : memref<!tpu.dma_semaphore, #tpu.memory_space<semaphore_mem>>) src(%dma_wait3A_135 : memref<128x128xf32, #tpu.memory_space<hbm>>) dst(%dma_wait3A_132 : memref<128x128xf32, #tpu.memory_space<vmem>>)
      %dma_start3A_136 = arith.constant 1 : i32
      %dma_start3A_137 = arith.constant 31 : i32
      %dma_start3A_138 = arith.constant 0 : i32
      %dma_start3A_139 = arith.constant 0 : i32
      %dma_start3A_140 = tpu.memref_slice %arg10[%dma_start3A_136, %dma_start3A_138, %dma_start3A_139] : memref<2x128x128xf32, #tpu.memory_space<vmem>> -> memref<1x128x128xf32, #tpu.memory_space<vmem>>
      %dma_start3A_141 = tpu.memref_squeeze %dma_start3A_140 : memref<1x128x128xf32, #tpu.memory_space<vmem>> -> memref<128x128xf32, #tpu.memory_space<vmem>>
      %dma_start3A_142 = arith.constant 0 : i32
      %dma_start3A_143 = tpu.memref_slice %arg9[%dma_start3A_137, %dma_start3A_142] : memref<32x128xi32, #tpu.memory_space<vmem>> -> memref<1x128xi32, #tpu.memory_space<vmem>>
      %dma_start3A_144 = tpu.memref_squeeze %dma_start3A_143 : memref<1x128xi32, #tpu.memory_space<vmem>> -> memref<128xi32, #tpu.memory_space<vmem>>
      %dma_start3A_145 = arith.constant 0 : i32
      %dma_start3A_146 = arith.constant 0 : i32
      %dma_start3A_147 = tpu.memref_slice %arg7[%dma_start3A_145, %dma_start3A_146] : memref<10240x128xf32, #tpu.memory_space<vmem_shared>> -> memref<10240x128xf32, #tpu.memory_space<vmem_shared>>
      tpu.enqueue_indirect_dma source(%dma_start3A_141 : memref<128x128xf32, #tpu.memory_space<vmem>>) target(%dma_start3A_147 : memref<10240x128xf32, #tpu.memory_space<vmem_shared>>) offsets(%dma_start3A_144 : memref<128xi32, #tpu.memory_space<vmem>>) semaphore(%arg12 : memref<!tpu.dma_semaphore, #tpu.memory_space<semaphore_mem>>) {add = true}
      %dma_wait3A_148 = arith.constant 0 : i32
      %dma_wait3A_149 = arith.constant 0 : i32
      %dma_wait3A_150 = arith.constant 0 : i32
      %dma_wait3A_151 = tpu.memref_slice %arg10[%dma_wait3A_148, %dma_wait3A_149, %dma_wait3A_150] : memref<2x128x128xf32, #tpu.memory_space<vmem>> -> memref<1x128x128xf32, #tpu.memory_space<vmem>>
      %dma_wait3A_152 = tpu.memref_squeeze %dma_wait3A_151 : memref<1x128x128xf32, #tpu.memory_space<vmem>> -> memref<128x128xf32, #tpu.memory_space<vmem>>
      %dma_wait3A_153 = arith.constant 0 : i32
      %dma_wait3A_154 = arith.constant 0 : i32
      %dma_wait3A_155 = tpu.memref_slice %arg5[%dma_wait3A_153, %dma_wait3A_154] : memref<10240x128xf32, #tpu.memory_space<hbm>> -> memref<128x128xf32, #tpu.memory_space<hbm>>
      %dma_wait3A_156 = arith.constant 0 : i32
      %dma_wait3A_157 = arith.constant 0 : i32
      %dma_wait3A_158 = tpu.memref_slice %arg10[%dma_wait3A_148, %dma_wait3A_156, %dma_wait3A_157] : memref<2x128x128xf32, #tpu.memory_space<vmem>> -> memref<1x128x128xf32, #tpu.memory_space<vmem>>
      %dma_wait3A_159 = tpu.memref_squeeze %dma_wait3A_158 : memref<1x128x128xf32, #tpu.memory_space<vmem>> -> memref<128x128xf32, #tpu.memory_space<vmem>>
      %dma_wait3A_160 = arith.constant 0 : i32
      %dma_wait3A_161 = arith.constant 0 : i32
      %dma_wait3A_162 = tpu.memref_slice %arg5[%dma_wait3A_160, %dma_wait3A_161] : memref<10240x128xf32, #tpu.memory_space<hbm>> -> memref<128x128xf32, #tpu.memory_space<hbm>>
      tpu.wait_dma2 semaphore(%arg12 : memref<!tpu.dma_semaphore, #tpu.memory_space<semaphore_mem>>) src(%dma_wait3A_162 : memref<128x128xf32, #tpu.memory_space<hbm>>) dst(%dma_wait3A_159 : memref<128x128xf32, #tpu.memory_space<vmem>>)
    }
    %scan3A_7 = arith.constant 10 : i32
    %barrier3A_8 = arith.constant 0 : index
    tpu.barrier barrier_id(%barrier3A_8)
    %mul3A_9 = arith.constant 640 : i32
    %mul3A_10 = arith.muli %arg1, %mul3A_9 : i32
    %mul3A_11 = arith.constant 640 : i32
    %mul3A_12 = arith.muli %arg1, %mul3A_11 : i32
    "tpu.region"() ({
      %run_scoped3A = tpu.sem_alloc : memref<!tpu.dma_semaphore, #tpu.memory_space<semaphore_mem>>
      %dma_start3A = arith.constant 0 : i32
      %dma_start3A_35 = arith.constant 0 : i32
      %dma_start3A_36 = tpu.memref_slice %arg6[%arg0, %dma_start3A, %dma_start3A_35] : memref<4x10240x128xf32, #tpu.memory_space<hbm>> -> memref<1x10240x128xf32, #tpu.memory_space<hbm>>
      %dma_start3A_37 = tpu.memref_squeeze %dma_start3A_36 : memref<1x10240x128xf32, #tpu.memory_space<hbm>> -> memref<10240x128xf32, #tpu.memory_space<hbm>>
      %dma_start3A_38 = arith.constant 0 : i32
      %dma_start3A_39 = tpu.memref_slice %dma_start3A_37[%mul3A_12, %dma_start3A_38] : memref<10240x128xf32, #tpu.memory_space<hbm>> -> memref<640x128xf32, #tpu.memory_space<hbm>>
      %dma_start3A_40 = arith.constant 0 : i32
      %dma_start3A_41 = tpu.memref_slice %arg7[%mul3A_10, %dma_start3A_40] : memref<10240x128xf32, #tpu.memory_space<vmem_shared>> -> memref<640x128xf32, #tpu.memory_space<vmem_shared>>
      tpu.enqueue_dma source(%dma_start3A_41 : memref<640x128xf32, #tpu.memory_space<vmem_shared>>) target(%dma_start3A_39 : memref<640x128xf32, #tpu.memory_space<hbm>>) target_semaphore(%run_scoped3A : memref<!tpu.dma_semaphore, #tpu.memory_space<semaphore_mem>>)
      %dma_wait3A = arith.constant 0 : i32
      %dma_wait3A_42 = arith.constant 0 : i32
      %dma_wait3A_43 = tpu.memref_slice %arg6[%arg0, %dma_wait3A, %dma_wait3A_42] : memref<4x10240x128xf32, #tpu.memory_space<hbm>> -> memref<1x10240x128xf32, #tpu.memory_space<hbm>>
      %dma_wait3A_44 = tpu.memref_squeeze %dma_wait3A_43 : memref<1x10240x128xf32, #tpu.memory_space<hbm>> -> memref<10240x128xf32, #tpu.memory_space<hbm>>
      %dma_wait3A_45 = arith.constant 0 : i32
      %dma_wait3A_46 = tpu.memref_slice %dma_wait3A_44[%mul3A_12, %dma_wait3A_45] : memref<10240x128xf32, #tpu.memory_space<hbm>> -> memref<640x128xf32, #tpu.memory_space<hbm>>
      %dma_wait3A_47 = arith.constant 0 : i32
      %dma_wait3A_48 = tpu.memref_slice %arg7[%mul3A_10, %dma_wait3A_47] : memref<10240x128xf32, #tpu.memory_space<vmem_shared>> -> memref<640x128xf32, #tpu.memory_space<vmem_shared>>
      tpu.wait_dma2 semaphore(%run_scoped3A : memref<!tpu.dma_semaphore, #tpu.memory_space<semaphore_mem>>) src(%dma_wait3A_48 : memref<640x128xf32, #tpu.memory_space<vmem_shared>>) dst(%dma_wait3A_46 : memref<640x128xf32, #tpu.memory_space<hbm>>)
      tpu.yield
    }) : () -> ()
    %barrier3A_13 = arith.constant 0 : index
    tpu.barrier barrier_id(%barrier3A_13)
    %add3A = arith.constant 2 : i32
    %add3A_14 = arith.addi %add3A, %arg0 : i32
    %mul3A_15 = arith.constant 2560 : i32
    %mul3A_16 = arith.muli %arg0, %mul3A_15 : i32
    %mul3A_17 = arith.constant 640 : i32
    %mul3A_18 = arith.muli %arg1, %mul3A_17 : i32
    %mul3A_19 = arith.constant 640 : i32
    %mul3A_20 = arith.muli %arg1, %mul3A_19 : i32
    "tpu.region"() ({
      %run_scoped3A = tpu.sem_alloc : memref<!tpu.dma_semaphore, #tpu.memory_space<semaphore_mem>>
      %dma_start3A = arith.constant 0 : i32
      %dma_start3A_35 = tpu.memref_slice %arg7[%mul3A_20, %dma_start3A] : memref<10240x128xf32, #tpu.memory_space<vmem_shared>> -> memref<640x128xf32, #tpu.memory_space<vmem_shared>>
      %dma_start3A_36 = arith.constant 0 : i32
      %dma_start3A_37 = tpu.memref_slice %arg5[%mul3A_18, %dma_start3A_36] : memref<10240x128xf32, #tpu.memory_space<hbm>> -> memref<640x128xf32, #tpu.memory_space<hbm>>
      tpu.enqueue_dma source(%dma_start3A_37 : memref<640x128xf32, #tpu.memory_space<hbm>>) target(%dma_start3A_35 : memref<640x128xf32, #tpu.memory_space<vmem_shared>>) target_semaphore(%run_scoped3A : memref<!tpu.dma_semaphore, #tpu.memory_space<semaphore_mem>>)
      %dma_wait3A = arith.constant 0 : i32
      %dma_wait3A_38 = tpu.memref_slice %arg7[%mul3A_20, %dma_wait3A] : memref<10240x128xf32, #tpu.memory_space<vmem_shared>> -> memref<640x128xf32, #tpu.memory_space<vmem_shared>>
      %dma_wait3A_39 = arith.constant 0 : i32
      %dma_wait3A_40 = tpu.memref_slice %arg5[%mul3A_18, %dma_wait3A_39] : memref<10240x128xf32, #tpu.memory_space<hbm>> -> memref<640x128xf32, #tpu.memory_space<hbm>>
      tpu.wait_dma2 semaphore(%run_scoped3A : memref<!tpu.dma_semaphore, #tpu.memory_space<semaphore_mem>>) src(%dma_wait3A_40 : memref<640x128xf32, #tpu.memory_space<hbm>>) dst(%dma_wait3A_38 : memref<640x128xf32, #tpu.memory_space<vmem_shared>>)
      tpu.yield
    }) : () -> ()
    %barrier3A_21 = arith.constant 0 : index
    tpu.barrier barrier_id(%barrier3A_21)
    %scan3A_22 = arith.constant 0 : i32
    %scan3A_23 = arith.constant 2 : i32
    %scan3A_24 = arith.constant 0 : i32
    %scan3A_25 = arith.constant 5 : i32
    %scan3A_26 = arith.addi %scan3A_24, %scan3A_25 : i32
    %scan3A_27 = arith.constant 1 : i32
    scf.for %scan3A_35 = %scan3A_24 to %scan3A_26 step %scan3A_27  : i32 {
      %mul3A_36 = arith.constant 160 : i32
      %mul3A_37 = arith.muli %arg1, %mul3A_36 : i32
      %add3A_38 = arith.addi %mul3A_16, %mul3A_37 : i32
      %mul3A_39 = arith.constant 32 : i32
      %mul3A_40 = arith.muli %scan3A_35, %mul3A_39 : i32
      %add3A_41 = arith.addi %add3A_38, %mul3A_40 : i32
      "tpu.region"() ({
        %run_scoped3A = tpu.sem_alloc : memref<!tpu.dma_semaphore, #tpu.memory_space<semaphore_mem>>
        %dma_start3A_162 = arith.constant 0 : i32
        %dma_start3A_163 = tpu.memref_slice %arg3[%add3A_41, %dma_start3A_162] : memref<5120x128xi32, #tpu.memory_space<hbm>> -> memref<32x128xi32, #tpu.memory_space<hbm>>
        %dma_start3A_164 = arith.constant 0 : i32
        %dma_start3A_165 = tpu.memref_slice %arg3[%add3A_41, %dma_start3A_164] : memref<5120x128xi32, #tpu.memory_space<hbm>> -> memref<32x128xi32, #tpu.memory_space<hbm>>
        tpu.enqueue_dma source(%dma_start3A_165 : memref<32x128xi32, #tpu.memory_space<hbm>>) target(%arg8 : memref<32x128xi32, #tpu.memory_space<vmem>>) target_semaphore(%run_scoped3A : memref<!tpu.dma_semaphore, #tpu.memory_space<semaphore_mem>>)
        %dma_wait3A_166 = arith.constant 0 : i32
        %dma_wait3A_167 = tpu.memref_slice %arg3[%add3A_41, %dma_wait3A_166] : memref<5120x128xi32, #tpu.memory_space<hbm>> -> memref<32x128xi32, #tpu.memory_space<hbm>>
        %dma_wait3A_168 = arith.constant 0 : i32
        %dma_wait3A_169 = tpu.memref_slice %arg3[%add3A_41, %dma_wait3A_168] : memref<5120x128xi32, #tpu.memory_space<hbm>> -> memref<32x128xi32, #tpu.memory_space<hbm>>
        tpu.wait_dma2 semaphore(%run_scoped3A : memref<!tpu.dma_semaphore, #tpu.memory_space<semaphore_mem>>) src(%dma_wait3A_169 : memref<32x128xi32, #tpu.memory_space<hbm>>) dst(%arg8 : memref<32x128xi32, #tpu.memory_space<vmem>>)
        tpu.yield
      }) : () -> ()
      "tpu.region"() ({
        %run_scoped3A = tpu.sem_alloc : memref<!tpu.dma_semaphore, #tpu.memory_space<semaphore_mem>>
        %dma_start3A_162 = arith.constant 0 : i32
        %dma_start3A_163 = tpu.memref_slice %arg4[%add3A_41, %dma_start3A_162] : memref<5120x128xi32, #tpu.memory_space<hbm>> -> memref<32x128xi32, #tpu.memory_space<hbm>>
        %dma_start3A_164 = arith.constant 0 : i32
        %dma_start3A_165 = tpu.memref_slice %arg4[%add3A_41, %dma_start3A_164] : memref<5120x128xi32, #tpu.memory_space<hbm>> -> memref<32x128xi32, #tpu.memory_space<hbm>>
        tpu.enqueue_dma source(%dma_start3A_165 : memref<32x128xi32, #tpu.memory_space<hbm>>) target(%arg9 : memref<32x128xi32, #tpu.memory_space<vmem>>) target_semaphore(%run_scoped3A : memref<!tpu.dma_semaphore, #tpu.memory_space<semaphore_mem>>)
        %dma_wait3A_166 = arith.constant 0 : i32
        %dma_wait3A_167 = tpu.memref_slice %arg4[%add3A_41, %dma_wait3A_166] : memref<5120x128xi32, #tpu.memory_space<hbm>> -> memref<32x128xi32, #tpu.memory_space<hbm>>
        %dma_wait3A_168 = arith.constant 0 : i32
        %dma_wait3A_169 = tpu.memref_slice %arg4[%add3A_41, %dma_wait3A_168] : memref<5120x128xi32, #tpu.memory_space<hbm>> -> memref<32x128xi32, #tpu.memory_space<hbm>>
        tpu.wait_dma2 semaphore(%run_scoped3A : memref<!tpu.dma_semaphore, #tpu.memory_space<semaphore_mem>>) src(%dma_wait3A_169 : memref<32x128xi32, #tpu.memory_space<hbm>>) dst(%arg9 : memref<32x128xi32, #tpu.memory_space<vmem>>)
        tpu.yield
      }) : () -> ()
      %dma_start3A = arith.constant 0 : i32
      %dma_start3A_42 = arith.constant 0 : i32
      %dma_start3A_43 = arith.constant 0 : i32
      %dma_start3A_44 = arith.constant 0 : i32
      %dma_start3A_45 = tpu.memref_slice %arg10[%dma_start3A_42, %dma_start3A_43, %dma_start3A_44] : memref<2x128x128xf32, #tpu.memory_space<vmem>> -> memref<1x128x128xf32, #tpu.memory_space<vmem>>
      %dma_start3A_46 = tpu.memref_squeeze %dma_start3A_45 : memref<1x128x128xf32, #tpu.memory_space<vmem>> -> memref<128x128xf32, #tpu.memory_space<vmem>>
      %dma_start3A_47 = arith.constant 0 : i32
      %dma_start3A_48 = tpu.memref_slice %arg8[%dma_start3A, %dma_start3A_47] : memref<32x128xi32, #tpu.memory_space<vmem>> -> memref<1x128xi32, #tpu.memory_space<vmem>>
      %dma_start3A_49 = tpu.memref_squeeze %dma_start3A_48 : memref<1x128xi32, #tpu.memory_space<vmem>> -> memref<128xi32, #tpu.memory_space<vmem>>
      %dma_start3A_50 = arith.constant 0 : i32
      %dma_start3A_51 = arith.constant 0 : i32
      %dma_start3A_52 = tpu.memref_slice %arg2[%scan3A_23, %dma_start3A_50, %dma_start3A_51] : memref<3x10240x128xf32, #tpu.memory_space<hbm>> -> memref<1x10240x128xf32, #tpu.memory_space<hbm>>
      %dma_start3A_53 = tpu.memref_squeeze %dma_start3A_52 : memref<1x10240x128xf32, #tpu.memory_space<hbm>> -> memref<10240x128xf32, #tpu.memory_space<hbm>>
      %dma_start3A_54 = arith.constant 0 : i32
      %dma_start3A_55 = arith.constant 0 : i32
      %dma_start3A_56 = tpu.memref_slice %dma_start3A_53[%dma_start3A_54, %dma_start3A_55] : memref<10240x128xf32, #tpu.memory_space<hbm>> -> memref<10240x128xf32, #tpu.memory_space<hbm>>
      tpu.enqueue_indirect_dma source(%dma_start3A_56 : memref<10240x128xf32, #tpu.memory_space<hbm>>) target(%dma_start3A_46 : memref<128x128xf32, #tpu.memory_space<vmem>>) offsets(%dma_start3A_49 : memref<128xi32, #tpu.memory_space<vmem>>) semaphore(%arg11 : memref<!tpu.dma_semaphore, #tpu.memory_space<semaphore_mem>>)
      %dma_wait3A = arith.constant 0 : i32
      %dma_wait3A_57 = arith.constant 0 : i32
      %dma_wait3A_58 = arith.constant 0 : i32
      %dma_wait3A_59 = tpu.memref_slice %arg10[%dma_wait3A, %dma_wait3A_57, %dma_wait3A_58] : memref<2x128x128xf32, #tpu.memory_space<vmem>> -> memref<1x128x128xf32, #tpu.memory_space<vmem>>
      %dma_wait3A_60 = tpu.memref_squeeze %dma_wait3A_59 : memref<1x128x128xf32, #tpu.memory_space<vmem>> -> memref<128x128xf32, #tpu.memory_space<vmem>>
      %dma_wait3A_61 = arith.constant 0 : i32
      %dma_wait3A_62 = arith.constant 0 : i32
      %dma_wait3A_63 = tpu.memref_slice %arg5[%dma_wait3A_61, %dma_wait3A_62] : memref<10240x128xf32, #tpu.memory_space<hbm>> -> memref<128x128xf32, #tpu.memory_space<hbm>>
      %dma_wait3A_64 = arith.constant 0 : i32
      %dma_wait3A_65 = arith.constant 0 : i32
      %dma_wait3A_66 = tpu.memref_slice %arg10[%dma_wait3A, %dma_wait3A_64, %dma_wait3A_65] : memref<2x128x128xf32, #tpu.memory_space<vmem>> -> memref<1x128x128xf32, #tpu.memory_space<vmem>>
      %dma_wait3A_67 = tpu.memref_squeeze %dma_wait3A_66 : memref<1x128x128xf32, #tpu.memory_space<vmem>> -> memref<128x128xf32, #tpu.memory_space<vmem>>
      %dma_wait3A_68 = arith.constant 0 : i32
      %dma_wait3A_69 = arith.constant 0 : i32
      %dma_wait3A_70 = tpu.memref_slice %arg5[%dma_wait3A_68, %dma_wait3A_69] : memref<10240x128xf32, #tpu.memory_space<hbm>> -> memref<128x128xf32, #tpu.memory_space<hbm>>
      tpu.wait_dma2 semaphore(%arg11 : memref<!tpu.dma_semaphore, #tpu.memory_space<semaphore_mem>>) src(%dma_wait3A_70 : memref<128x128xf32, #tpu.memory_space<hbm>>) dst(%dma_wait3A_67 : memref<128x128xf32, #tpu.memory_space<vmem>>)
      %dma_start3A_71 = arith.constant 1 : i32
      %dma_start3A_72 = arith.constant 1 : i32
      %dma_start3A_73 = arith.constant 0 : i32
      %dma_start3A_74 = arith.constant 0 : i32
      %dma_start3A_75 = tpu.memref_slice %arg10[%dma_start3A_72, %dma_start3A_73, %dma_start3A_74] : memref<2x128x128xf32, #tpu.memory_space<vmem>> -> memref<1x128x128xf32, #tpu.memory_space<vmem>>
      %dma_start3A_76 = tpu.memref_squeeze %dma_start3A_75 : memref<1x128x128xf32, #tpu.memory_space<vmem>> -> memref<128x128xf32, #tpu.memory_space<vmem>>
      %dma_start3A_77 = arith.constant 0 : i32
      %dma_start3A_78 = tpu.memref_slice %arg8[%dma_start3A_71, %dma_start3A_77] : memref<32x128xi32, #tpu.memory_space<vmem>> -> memref<1x128xi32, #tpu.memory_space<vmem>>
      %dma_start3A_79 = tpu.memref_squeeze %dma_start3A_78 : memref<1x128xi32, #tpu.memory_space<vmem>> -> memref<128xi32, #tpu.memory_space<vmem>>
      %dma_start3A_80 = arith.constant 0 : i32
      %dma_start3A_81 = arith.constant 0 : i32
      %dma_start3A_82 = tpu.memref_slice %arg2[%scan3A_23, %dma_start3A_80, %dma_start3A_81] : memref<3x10240x128xf32, #tpu.memory_space<hbm>> -> memref<1x10240x128xf32, #tpu.memory_space<hbm>>
      %dma_start3A_83 = tpu.memref_squeeze %dma_start3A_82 : memref<1x10240x128xf32, #tpu.memory_space<hbm>> -> memref<10240x128xf32, #tpu.memory_space<hbm>>
      %dma_start3A_84 = arith.constant 0 : i32
      %dma_start3A_85 = arith.constant 0 : i32
      %dma_start3A_86 = tpu.memref_slice %dma_start3A_83[%dma_start3A_84, %dma_start3A_85] : memref<10240x128xf32, #tpu.memory_space<hbm>> -> memref<10240x128xf32, #tpu.memory_space<hbm>>
      tpu.enqueue_indirect_dma source(%dma_start3A_86 : memref<10240x128xf32, #tpu.memory_space<hbm>>) target(%dma_start3A_76 : memref<128x128xf32, #tpu.memory_space<vmem>>) offsets(%dma_start3A_79 : memref<128xi32, #tpu.memory_space<vmem>>) semaphore(%arg11 : memref<!tpu.dma_semaphore, #tpu.memory_space<semaphore_mem>>)
      %dma_start3A_87 = arith.constant 0 : i32
      %dma_start3A_88 = arith.constant 0 : i32
      %dma_start3A_89 = arith.constant 0 : i32
      %dma_start3A_90 = arith.constant 0 : i32
      %dma_start3A_91 = tpu.memref_slice %arg10[%dma_start3A_87, %dma_start3A_89, %dma_start3A_90] : memref<2x128x128xf32, #tpu.memory_space<vmem>> -> memref<1x128x128xf32, #tpu.memory_space<vmem>>
      %dma_start3A_92 = tpu.memref_squeeze %dma_start3A_91 : memref<1x128x128xf32, #tpu.memory_space<vmem>> -> memref<128x128xf32, #tpu.memory_space<vmem>>
      %dma_start3A_93 = arith.constant 0 : i32
      %dma_start3A_94 = tpu.memref_slice %arg9[%dma_start3A_88, %dma_start3A_93] : memref<32x128xi32, #tpu.memory_space<vmem>> -> memref<1x128xi32, #tpu.memory_space<vmem>>
      %dma_start3A_95 = tpu.memref_squeeze %dma_start3A_94 : memref<1x128xi32, #tpu.memory_space<vmem>> -> memref<128xi32, #tpu.memory_space<vmem>>
      %dma_start3A_96 = arith.constant 0 : i32
      %dma_start3A_97 = arith.constant 0 : i32
      %dma_start3A_98 = tpu.memref_slice %arg7[%dma_start3A_96, %dma_start3A_97] : memref<10240x128xf32, #tpu.memory_space<vmem_shared>> -> memref<10240x128xf32, #tpu.memory_space<vmem_shared>>
      tpu.enqueue_indirect_dma source(%dma_start3A_92 : memref<128x128xf32, #tpu.memory_space<vmem>>) target(%dma_start3A_98 : memref<10240x128xf32, #tpu.memory_space<vmem_shared>>) offsets(%dma_start3A_95 : memref<128xi32, #tpu.memory_space<vmem>>) semaphore(%arg12 : memref<!tpu.dma_semaphore, #tpu.memory_space<semaphore_mem>>) {add = true}
      %scan3A_99 = arith.constant 0 : i32
      %scan3A_100 = arith.constant 0 : i32
      %scan3A_101 = arith.constant 15 : i32
      %scan3A_102 = arith.addi %scan3A_100, %scan3A_101 : i32
      %scan3A_103 = arith.constant 1 : i32
      scf.for %scan3A_162 = %scan3A_100 to %scan3A_102 step %scan3A_103  : i32 {
        %dma_wait3A_163 = arith.constant 0 : i32
        %dma_wait3A_164 = arith.constant 0 : i32
        %dma_wait3A_165 = arith.constant 0 : i32
        %dma_wait3A_166 = tpu.memref_slice %arg10[%dma_wait3A_163, %dma_wait3A_164, %dma_wait3A_165] : memref<2x128x128xf32, #tpu.memory_space<vmem>> -> memref<1x128x128xf32, #tpu.memory_space<vmem>>
        %dma_wait3A_167 = tpu.memref_squeeze %dma_wait3A_166 : memref<1x128x128xf32, #tpu.memory_space<vmem>> -> memref<128x128xf32, #tpu.memory_space<vmem>>
        %dma_wait3A_168 = arith.constant 0 : i32
        %dma_wait3A_169 = arith.constant 0 : i32
        %dma_wait3A_170 = tpu.memref_slice %arg5[%dma_wait3A_168, %dma_wait3A_169] : memref<10240x128xf32, #tpu.memory_space<hbm>> -> memref<128x128xf32, #tpu.memory_space<hbm>>
        %dma_wait3A_171 = arith.constant 0 : i32
        %dma_wait3A_172 = arith.constant 0 : i32
        %dma_wait3A_173 = tpu.memref_slice %arg10[%dma_wait3A_163, %dma_wait3A_171, %dma_wait3A_172] : memref<2x128x128xf32, #tpu.memory_space<vmem>> -> memref<1x128x128xf32, #tpu.memory_space<vmem>>
        %dma_wait3A_174 = tpu.memref_squeeze %dma_wait3A_173 : memref<1x128x128xf32, #tpu.memory_space<vmem>> -> memref<128x128xf32, #tpu.memory_space<vmem>>
        %dma_wait3A_175 = arith.constant 0 : i32
        %dma_wait3A_176 = arith.constant 0 : i32
        %dma_wait3A_177 = tpu.memref_slice %arg5[%dma_wait3A_175, %dma_wait3A_176] : memref<10240x128xf32, #tpu.memory_space<hbm>> -> memref<128x128xf32, #tpu.memory_space<hbm>>
        tpu.wait_dma2 semaphore(%arg11 : memref<!tpu.dma_semaphore, #tpu.memory_space<semaphore_mem>>) src(%dma_wait3A_177 : memref<128x128xf32, #tpu.memory_space<hbm>>) dst(%dma_wait3A_174 : memref<128x128xf32, #tpu.memory_space<vmem>>)
        %dma_wait3A_178 = arith.constant 0 : i32
        %dma_wait3A_179 = arith.constant 0 : i32
        %dma_wait3A_180 = arith.constant 0 : i32
        %dma_wait3A_181 = tpu.memref_slice %arg10[%dma_wait3A_178, %dma_wait3A_179, %dma_wait3A_180] : memref<2x128x128xf32, #tpu.memory_space<vmem>> -> memref<1x128x128xf32, #tpu.memory_space<vmem>>
        %dma_wait3A_182 = tpu.memref_squeeze %dma_wait3A_181 : memref<1x128x128xf32, #tpu.memory_space<vmem>> -> memref<128x128xf32, #tpu.memory_space<vmem>>
        %dma_wait3A_183 = arith.constant 0 : i32
        %dma_wait3A_184 = arith.constant 0 : i32
        %dma_wait3A_185 = tpu.memref_slice %arg5[%dma_wait3A_183, %dma_wait3A_184] : memref<10240x128xf32, #tpu.memory_space<hbm>> -> memref<128x128xf32, #tpu.memory_space<hbm>>
        %dma_wait3A_186 = arith.constant 0 : i32
        %dma_wait3A_187 = arith.constant 0 : i32
        %dma_wait3A_188 = tpu.memref_slice %arg10[%dma_wait3A_178, %dma_wait3A_186, %dma_wait3A_187] : memref<2x128x128xf32, #tpu.memory_space<vmem>> -> memref<1x128x128xf32, #tpu.memory_space<vmem>>
        %dma_wait3A_189 = tpu.memref_squeeze %dma_wait3A_188 : memref<1x128x128xf32, #tpu.memory_space<vmem>> -> memref<128x128xf32, #tpu.memory_space<vmem>>
        %dma_wait3A_190 = arith.constant 0 : i32
        %dma_wait3A_191 = arith.constant 0 : i32
        %dma_wait3A_192 = tpu.memref_slice %arg5[%dma_wait3A_190, %dma_wait3A_191] : memref<10240x128xf32, #tpu.memory_space<hbm>> -> memref<128x128xf32, #tpu.memory_space<hbm>>
        tpu.wait_dma2 semaphore(%arg12 : memref<!tpu.dma_semaphore, #tpu.memory_space<semaphore_mem>>) src(%dma_wait3A_192 : memref<128x128xf32, #tpu.memory_space<hbm>>) dst(%dma_wait3A_189 : memref<128x128xf32, #tpu.memory_space<vmem>>)
        %mul3A_193 = arith.constant 2 : i32
        %mul3A_194 = arith.muli %mul3A_193, %scan3A_162 : i32
        %add3A_195 = arith.constant 2 : i32
        %add3A_196 = arith.addi %mul3A_194, %add3A_195 : i32
        %dma_start3A_197 = arith.constant 0 : i32
        %dma_start3A_198 = arith.constant 0 : i32
        %dma_start3A_199 = arith.constant 0 : i32
        %dma_start3A_200 = tpu.memref_slice %arg10[%dma_start3A_197, %dma_start3A_198, %dma_start3A_199] : memref<2x128x128xf32, #tpu.memory_space<vmem>> -> memref<1x128x128xf32, #tpu.memory_space<vmem>>
        %dma_start3A_201 = tpu.memref_squeeze %dma_start3A_200 : memref<1x128x128xf32, #tpu.memory_space<vmem>> -> memref<128x128xf32, #tpu.memory_space<vmem>>
        %dma_start3A_202 = arith.constant 0 : i32
        %dma_start3A_203 = tpu.memref_slice %arg8[%add3A_196, %dma_start3A_202] : memref<32x128xi32, #tpu.memory_space<vmem>> -> memref<1x128xi32, #tpu.memory_space<vmem>>
        %dma_start3A_204 = tpu.memref_squeeze %dma_start3A_203 : memref<1x128xi32, #tpu.memory_space<vmem>> -> memref<128xi32, #tpu.memory_space<vmem>>
        %dma_start3A_205 = arith.constant 0 : i32
        %dma_start3A_206 = arith.constant 0 : i32
        %dma_start3A_207 = tpu.memref_slice %arg2[%scan3A_23, %dma_start3A_205, %dma_start3A_206] : memref<3x10240x128xf32, #tpu.memory_space<hbm>> -> memref<1x10240x128xf32, #tpu.memory_space<hbm>>
        %dma_start3A_208 = tpu.memref_squeeze %dma_start3A_207 : memref<1x10240x128xf32, #tpu.memory_space<hbm>> -> memref<10240x128xf32, #tpu.memory_space<hbm>>
        %dma_start3A_209 = arith.constant 0 : i32
        %dma_start3A_210 = arith.constant 0 : i32
        %dma_start3A_211 = tpu.memref_slice %dma_start3A_208[%dma_start3A_209, %dma_start3A_210] : memref<10240x128xf32, #tpu.memory_space<hbm>> -> memref<10240x128xf32, #tpu.memory_space<hbm>>
        tpu.enqueue_indirect_dma source(%dma_start3A_211 : memref<10240x128xf32, #tpu.memory_space<hbm>>) target(%dma_start3A_201 : memref<128x128xf32, #tpu.memory_space<vmem>>) offsets(%dma_start3A_204 : memref<128xi32, #tpu.memory_space<vmem>>) semaphore(%arg11 : memref<!tpu.dma_semaphore, #tpu.memory_space<semaphore_mem>>)
        %mul3A_212 = arith.constant 2 : i32
        %mul3A_213 = arith.muli %mul3A_212, %scan3A_162 : i32
        %add3A_214 = arith.constant 1 : i32
        %add3A_215 = arith.addi %mul3A_213, %add3A_214 : i32
        %dma_start3A_216 = arith.constant 1 : i32
        %dma_start3A_217 = arith.constant 0 : i32
        %dma_start3A_218 = arith.constant 0 : i32
        %dma_start3A_219 = tpu.memref_slice %arg10[%dma_start3A_216, %dma_start3A_217, %dma_start3A_218] : memref<2x128x128xf32, #tpu.memory_space<vmem>> -> memref<1x128x128xf32, #tpu.memory_space<vmem>>
        %dma_start3A_220 = tpu.memref_squeeze %dma_start3A_219 : memref<1x128x128xf32, #tpu.memory_space<vmem>> -> memref<128x128xf32, #tpu.memory_space<vmem>>
        %dma_start3A_221 = arith.constant 0 : i32
        %dma_start3A_222 = tpu.memref_slice %arg9[%add3A_215, %dma_start3A_221] : memref<32x128xi32, #tpu.memory_space<vmem>> -> memref<1x128xi32, #tpu.memory_space<vmem>>
        %dma_start3A_223 = tpu.memref_squeeze %dma_start3A_222 : memref<1x128xi32, #tpu.memory_space<vmem>> -> memref<128xi32, #tpu.memory_space<vmem>>
        %dma_start3A_224 = arith.constant 0 : i32
        %dma_start3A_225 = arith.constant 0 : i32
        %dma_start3A_226 = tpu.memref_slice %arg7[%dma_start3A_224, %dma_start3A_225] : memref<10240x128xf32, #tpu.memory_space<vmem_shared>> -> memref<10240x128xf32, #tpu.memory_space<vmem_shared>>
        tpu.enqueue_indirect_dma source(%dma_start3A_220 : memref<128x128xf32, #tpu.memory_space<vmem>>) target(%dma_start3A_226 : memref<10240x128xf32, #tpu.memory_space<vmem_shared>>) offsets(%dma_start3A_223 : memref<128xi32, #tpu.memory_space<vmem>>) semaphore(%arg12 : memref<!tpu.dma_semaphore, #tpu.memory_space<semaphore_mem>>) {add = true}
        %dma_wait3A_227 = arith.constant 0 : i32
        %dma_wait3A_228 = arith.constant 0 : i32
        %dma_wait3A_229 = arith.constant 0 : i32
        %dma_wait3A_230 = tpu.memref_slice %arg10[%dma_wait3A_227, %dma_wait3A_228, %dma_wait3A_229] : memref<2x128x128xf32, #tpu.memory_space<vmem>> -> memref<1x128x128xf32, #tpu.memory_space<vmem>>
        %dma_wait3A_231 = tpu.memref_squeeze %dma_wait3A_230 : memref<1x128x128xf32, #tpu.memory_space<vmem>> -> memref<128x128xf32, #tpu.memory_space<vmem>>
        %dma_wait3A_232 = arith.constant 0 : i32
        %dma_wait3A_233 = arith.constant 0 : i32
        %dma_wait3A_234 = tpu.memref_slice %arg5[%dma_wait3A_232, %dma_wait3A_233] : memref<10240x128xf32, #tpu.memory_space<hbm>> -> memref<128x128xf32, #tpu.memory_space<hbm>>
        %dma_wait3A_235 = arith.constant 0 : i32
        %dma_wait3A_236 = arith.constant 0 : i32
        %dma_wait3A_237 = tpu.memref_slice %arg10[%dma_wait3A_227, %dma_wait3A_235, %dma_wait3A_236] : memref<2x128x128xf32, #tpu.memory_space<vmem>> -> memref<1x128x128xf32, #tpu.memory_space<vmem>>
        %dma_wait3A_238 = tpu.memref_squeeze %dma_wait3A_237 : memref<1x128x128xf32, #tpu.memory_space<vmem>> -> memref<128x128xf32, #tpu.memory_space<vmem>>
        %dma_wait3A_239 = arith.constant 0 : i32
        %dma_wait3A_240 = arith.constant 0 : i32
        %dma_wait3A_241 = tpu.memref_slice %arg5[%dma_wait3A_239, %dma_wait3A_240] : memref<10240x128xf32, #tpu.memory_space<hbm>> -> memref<128x128xf32, #tpu.memory_space<hbm>>
        tpu.wait_dma2 semaphore(%arg11 : memref<!tpu.dma_semaphore, #tpu.memory_space<semaphore_mem>>) src(%dma_wait3A_241 : memref<128x128xf32, #tpu.memory_space<hbm>>) dst(%dma_wait3A_238 : memref<128x128xf32, #tpu.memory_space<vmem>>)
        %dma_wait3A_242 = arith.constant 0 : i32
        %dma_wait3A_243 = arith.constant 0 : i32
        %dma_wait3A_244 = arith.constant 0 : i32
        %dma_wait3A_245 = tpu.memref_slice %arg10[%dma_wait3A_242, %dma_wait3A_243, %dma_wait3A_244] : memref<2x128x128xf32, #tpu.memory_space<vmem>> -> memref<1x128x128xf32, #tpu.memory_space<vmem>>
        %dma_wait3A_246 = tpu.memref_squeeze %dma_wait3A_245 : memref<1x128x128xf32, #tpu.memory_space<vmem>> -> memref<128x128xf32, #tpu.memory_space<vmem>>
        %dma_wait3A_247 = arith.constant 0 : i32
        %dma_wait3A_248 = arith.constant 0 : i32
        %dma_wait3A_249 = tpu.memref_slice %arg5[%dma_wait3A_247, %dma_wait3A_248] : memref<10240x128xf32, #tpu.memory_space<hbm>> -> memref<128x128xf32, #tpu.memory_space<hbm>>
        %dma_wait3A_250 = arith.constant 0 : i32
        %dma_wait3A_251 = arith.constant 0 : i32
        %dma_wait3A_252 = tpu.memref_slice %arg10[%dma_wait3A_242, %dma_wait3A_250, %dma_wait3A_251] : memref<2x128x128xf32, #tpu.memory_space<vmem>> -> memref<1x128x128xf32, #tpu.memory_space<vmem>>
        %dma_wait3A_253 = tpu.memref_squeeze %dma_wait3A_252 : memref<1x128x128xf32, #tpu.memory_space<vmem>> -> memref<128x128xf32, #tpu.memory_space<vmem>>
        %dma_wait3A_254 = arith.constant 0 : i32
        %dma_wait3A_255 = arith.constant 0 : i32
        %dma_wait3A_256 = tpu.memref_slice %arg5[%dma_wait3A_254, %dma_wait3A_255] : memref<10240x128xf32, #tpu.memory_space<hbm>> -> memref<128x128xf32, #tpu.memory_space<hbm>>
        tpu.wait_dma2 semaphore(%arg12 : memref<!tpu.dma_semaphore, #tpu.memory_space<semaphore_mem>>) src(%dma_wait3A_256 : memref<128x128xf32, #tpu.memory_space<hbm>>) dst(%dma_wait3A_253 : memref<128x128xf32, #tpu.memory_space<vmem>>)
        %mul3A_257 = arith.constant 2 : i32
        %mul3A_258 = arith.muli %mul3A_257, %scan3A_162 : i32
        %add3A_259 = arith.constant 3 : i32
        %add3A_260 = arith.addi %mul3A_258, %add3A_259 : i32
        %dma_start3A_261 = arith.constant 1 : i32
        %dma_start3A_262 = arith.constant 0 : i32
        %dma_start3A_263 = arith.constant 0 : i32
        %dma_start3A_264 = tpu.memref_slice %arg10[%dma_start3A_261, %dma_start3A_262, %dma_start3A_263] : memref<2x128x128xf32, #tpu.memory_space<vmem>> -> memref<1x128x128xf32, #tpu.memory_space<vmem>>
        %dma_start3A_265 = tpu.memref_squeeze %dma_start3A_264 : memref<1x128x128xf32, #tpu.memory_space<vmem>> -> memref<128x128xf32, #tpu.memory_space<vmem>>
        %dma_start3A_266 = arith.constant 0 : i32
        %dma_start3A_267 = tpu.memref_slice %arg8[%add3A_260, %dma_start3A_266] : memref<32x128xi32, #tpu.memory_space<vmem>> -> memref<1x128xi32, #tpu.memory_space<vmem>>
        %dma_start3A_268 = tpu.memref_squeeze %dma_start3A_267 : memref<1x128xi32, #tpu.memory_space<vmem>> -> memref<128xi32, #tpu.memory_space<vmem>>
        %dma_start3A_269 = arith.constant 0 : i32
        %dma_start3A_270 = arith.constant 0 : i32
        %dma_start3A_271 = tpu.memref_slice %arg2[%scan3A_23, %dma_start3A_269, %dma_start3A_270] : memref<3x10240x128xf32, #tpu.memory_space<hbm>> -> memref<1x10240x128xf32, #tpu.memory_space<hbm>>
        %dma_start3A_272 = tpu.memref_squeeze %dma_start3A_271 : memref<1x10240x128xf32, #tpu.memory_space<hbm>> -> memref<10240x128xf32, #tpu.memory_space<hbm>>
        %dma_start3A_273 = arith.constant 0 : i32
        %dma_start3A_274 = arith.constant 0 : i32
        %dma_start3A_275 = tpu.memref_slice %dma_start3A_272[%dma_start3A_273, %dma_start3A_274] : memref<10240x128xf32, #tpu.memory_space<hbm>> -> memref<10240x128xf32, #tpu.memory_space<hbm>>
        tpu.enqueue_indirect_dma source(%dma_start3A_275 : memref<10240x128xf32, #tpu.memory_space<hbm>>) target(%dma_start3A_265 : memref<128x128xf32, #tpu.memory_space<vmem>>) offsets(%dma_start3A_268 : memref<128xi32, #tpu.memory_space<vmem>>) semaphore(%arg11 : memref<!tpu.dma_semaphore, #tpu.memory_space<semaphore_mem>>)
        %mul3A_276 = arith.constant 2 : i32
        %mul3A_277 = arith.muli %mul3A_276, %scan3A_162 : i32
        %add3A_278 = arith.constant 2 : i32
        %add3A_279 = arith.addi %mul3A_277, %add3A_278 : i32
        %dma_start3A_280 = arith.constant 0 : i32
        %dma_start3A_281 = arith.constant 0 : i32
        %dma_start3A_282 = arith.constant 0 : i32
        %dma_start3A_283 = tpu.memref_slice %arg10[%dma_start3A_280, %dma_start3A_281, %dma_start3A_282] : memref<2x128x128xf32, #tpu.memory_space<vmem>> -> memref<1x128x128xf32, #tpu.memory_space<vmem>>
        %dma_start3A_284 = tpu.memref_squeeze %dma_start3A_283 : memref<1x128x128xf32, #tpu.memory_space<vmem>> -> memref<128x128xf32, #tpu.memory_space<vmem>>
        %dma_start3A_285 = arith.constant 0 : i32
        %dma_start3A_286 = tpu.memref_slice %arg9[%add3A_279, %dma_start3A_285] : memref<32x128xi32, #tpu.memory_space<vmem>> -> memref<1x128xi32, #tpu.memory_space<vmem>>
        %dma_start3A_287 = tpu.memref_squeeze %dma_start3A_286 : memref<1x128xi32, #tpu.memory_space<vmem>> -> memref<128xi32, #tpu.memory_space<vmem>>
        %dma_start3A_288 = arith.constant 0 : i32
        %dma_start3A_289 = arith.constant 0 : i32
        %dma_start3A_290 = tpu.memref_slice %arg7[%dma_start3A_288, %dma_start3A_289] : memref<10240x128xf32, #tpu.memory_space<vmem_shared>> -> memref<10240x128xf32, #tpu.memory_space<vmem_shared>>
        tpu.enqueue_indirect_dma source(%dma_start3A_284 : memref<128x128xf32, #tpu.memory_space<vmem>>) target(%dma_start3A_290 : memref<10240x128xf32, #tpu.memory_space<vmem_shared>>) offsets(%dma_start3A_287 : memref<128xi32, #tpu.memory_space<vmem>>) semaphore(%arg12 : memref<!tpu.dma_semaphore, #tpu.memory_space<semaphore_mem>>) {add = true}
      }
      %scan3A_104 = arith.constant 15 : i32
      %dma_wait3A_105 = arith.constant 0 : i32
      %dma_wait3A_106 = arith.constant 0 : i32
      %dma_wait3A_107 = arith.constant 0 : i32
      %dma_wait3A_108 = tpu.memref_slice %arg10[%dma_wait3A_105, %dma_wait3A_106, %dma_wait3A_107] : memref<2x128x128xf32, #tpu.memory_space<vmem>> -> memref<1x128x128xf32, #tpu.memory_space<vmem>>
      %dma_wait3A_109 = tpu.memref_squeeze %dma_wait3A_108 : memref<1x128x128xf32, #tpu.memory_space<vmem>> -> memref<128x128xf32, #tpu.memory_space<vmem>>
      %dma_wait3A_110 = arith.constant 0 : i32
      %dma_wait3A_111 = arith.constant 0 : i32
      %dma_wait3A_112 = tpu.memref_slice %arg5[%dma_wait3A_110, %dma_wait3A_111] : memref<10240x128xf32, #tpu.memory_space<hbm>> -> memref<128x128xf32, #tpu.memory_space<hbm>>
      %dma_wait3A_113 = arith.constant 0 : i32
      %dma_wait3A_114 = arith.constant 0 : i32
      %dma_wait3A_115 = tpu.memref_slice %arg10[%dma_wait3A_105, %dma_wait3A_113, %dma_wait3A_114] : memref<2x128x128xf32, #tpu.memory_space<vmem>> -> memref<1x128x128xf32, #tpu.memory_space<vmem>>
      %dma_wait3A_116 = tpu.memref_squeeze %dma_wait3A_115 : memref<1x128x128xf32, #tpu.memory_space<vmem>> -> memref<128x128xf32, #tpu.memory_space<vmem>>
      %dma_wait3A_117 = arith.constant 0 : i32
      %dma_wait3A_118 = arith.constant 0 : i32
      %dma_wait3A_119 = tpu.memref_slice %arg5[%dma_wait3A_117, %dma_wait3A_118] : memref<10240x128xf32, #tpu.memory_space<hbm>> -> memref<128x128xf32, #tpu.memory_space<hbm>>
      tpu.wait_dma2 semaphore(%arg11 : memref<!tpu.dma_semaphore, #tpu.memory_space<semaphore_mem>>) src(%dma_wait3A_119 : memref<128x128xf32, #tpu.memory_space<hbm>>) dst(%dma_wait3A_116 : memref<128x128xf32, #tpu.memory_space<vmem>>)
      %dma_wait3A_120 = arith.constant 0 : i32
      %dma_wait3A_121 = arith.constant 0 : i32
      %dma_wait3A_122 = arith.constant 0 : i32
      %dma_wait3A_123 = tpu.memref_slice %arg10[%dma_wait3A_120, %dma_wait3A_121, %dma_wait3A_122] : memref<2x128x128xf32, #tpu.memory_space<vmem>> -> memref<1x128x128xf32, #tpu.memory_space<vmem>>
      %dma_wait3A_124 = tpu.memref_squeeze %dma_wait3A_123 : memref<1x128x128xf32, #tpu.memory_space<vmem>> -> memref<128x128xf32, #tpu.memory_space<vmem>>
      %dma_wait3A_125 = arith.constant 0 : i32
      %dma_wait3A_126 = arith.constant 0 : i32
      %dma_wait3A_127 = tpu.memref_slice %arg5[%dma_wait3A_125, %dma_wait3A_126] : memref<10240x128xf32, #tpu.memory_space<hbm>> -> memref<128x128xf32, #tpu.memory_space<hbm>>
      %dma_wait3A_128 = arith.constant 0 : i32
      %dma_wait3A_129 = arith.constant 0 : i32
      %dma_wait3A_130 = tpu.memref_slice %arg10[%dma_wait3A_120, %dma_wait3A_128, %dma_wait3A_129] : memref<2x128x128xf32, #tpu.memory_space<vmem>> -> memref<1x128x128xf32, #tpu.memory_space<vmem>>
      %dma_wait3A_131 = tpu.memref_squeeze %dma_wait3A_130 : memref<1x128x128xf32, #tpu.memory_space<vmem>> -> memref<128x128xf32, #tpu.memory_space<vmem>>
      %dma_wait3A_132 = arith.constant 0 : i32
      %dma_wait3A_133 = arith.constant 0 : i32
      %dma_wait3A_134 = tpu.memref_slice %arg5[%dma_wait3A_132, %dma_wait3A_133] : memref<10240x128xf32, #tpu.memory_space<hbm>> -> memref<128x128xf32, #tpu.memory_space<hbm>>
      tpu.wait_dma2 semaphore(%arg12 : memref<!tpu.dma_semaphore, #tpu.memory_space<semaphore_mem>>) src(%dma_wait3A_134 : memref<128x128xf32, #tpu.memory_space<hbm>>) dst(%dma_wait3A_131 : memref<128x128xf32, #tpu.memory_space<vmem>>)
      %dma_start3A_135 = arith.constant 1 : i32
      %dma_start3A_136 = arith.constant 31 : i32
      %dma_start3A_137 = arith.constant 0 : i32
      %dma_start3A_138 = arith.constant 0 : i32
      %dma_start3A_139 = tpu.memref_slice %arg10[%dma_start3A_135, %dma_start3A_137, %dma_start3A_138] : memref<2x128x128xf32, #tpu.memory_space<vmem>> -> memref<1x128x128xf32, #tpu.memory_space<vmem>>
      %dma_start3A_140 = tpu.memref_squeeze %dma_start3A_139 : memref<1x128x128xf32, #tpu.memory_space<vmem>> -> memref<128x128xf32, #tpu.memory_space<vmem>>
      %dma_start3A_141 = arith.constant 0 : i32
      %dma_start3A_142 = tpu.memref_slice %arg9[%dma_start3A_136, %dma_start3A_141] : memref<32x128xi32, #tpu.memory_space<vmem>> -> memref<1x128xi32, #tpu.memory_space<vmem>>
      %dma_start3A_143 = tpu.memref_squeeze %dma_start3A_142 : memref<1x128xi32, #tpu.memory_space<vmem>> -> memref<128xi32, #tpu.memory_space<vmem>>
      %dma_start3A_144 = arith.constant 0 : i32
      %dma_start3A_145 = arith.constant 0 : i32
      %dma_start3A_146 = tpu.memref_slice %arg7[%dma_start3A_144, %dma_start3A_145] : memref<10240x128xf32, #tpu.memory_space<vmem_shared>> -> memref<10240x128xf32, #tpu.memory_space<vmem_shared>>
      tpu.enqueue_indirect_dma source(%dma_start3A_140 : memref<128x128xf32, #tpu.memory_space<vmem>>) target(%dma_start3A_146 : memref<10240x128xf32, #tpu.memory_space<vmem_shared>>) offsets(%dma_start3A_143 : memref<128xi32, #tpu.memory_space<vmem>>) semaphore(%arg12 : memref<!tpu.dma_semaphore, #tpu.memory_space<semaphore_mem>>) {add = true}
      %dma_wait3A_147 = arith.constant 0 : i32
      %dma_wait3A_148 = arith.constant 0 : i32
      %dma_wait3A_149 = arith.constant 0 : i32
      %dma_wait3A_150 = tpu.memref_slice %arg10[%dma_wait3A_147, %dma_wait3A_148, %dma_wait3A_149] : memref<2x128x128xf32, #tpu.memory_space<vmem>> -> memref<1x128x128xf32, #tpu.memory_space<vmem>>
      %dma_wait3A_151 = tpu.memref_squeeze %dma_wait3A_150 : memref<1x128x128xf32, #tpu.memory_space<vmem>> -> memref<128x128xf32, #tpu.memory_space<vmem>>
      %dma_wait3A_152 = arith.constant 0 : i32
      %dma_wait3A_153 = arith.constant 0 : i32
      %dma_wait3A_154 = tpu.memref_slice %arg5[%dma_wait3A_152, %dma_wait3A_153] : memref<10240x128xf32, #tpu.memory_space<hbm>> -> memref<128x128xf32, #tpu.memory_space<hbm>>
      %dma_wait3A_155 = arith.constant 0 : i32
      %dma_wait3A_156 = arith.constant 0 : i32
      %dma_wait3A_157 = tpu.memref_slice %arg10[%dma_wait3A_147, %dma_wait3A_155, %dma_wait3A_156] : memref<2x128x128xf32, #tpu.memory_space<vmem>> -> memref<1x128x128xf32, #tpu.memory_space<vmem>>
      %dma_wait3A_158 = tpu.memref_squeeze %dma_wait3A_157 : memref<1x128x128xf32, #tpu.memory_space<vmem>> -> memref<128x128xf32, #tpu.memory_space<vmem>>
      %dma_wait3A_159 = arith.constant 0 : i32
      %dma_wait3A_160 = arith.constant 0 : i32
      %dma_wait3A_161 = tpu.memref_slice %arg5[%dma_wait3A_159, %dma_wait3A_160] : memref<10240x128xf32, #tpu.memory_space<hbm>> -> memref<128x128xf32, #tpu.memory_space<hbm>>
      tpu.wait_dma2 semaphore(%arg12 : memref<!tpu.dma_semaphore, #tpu.memory_space<semaphore_mem>>) src(%dma_wait3A_161 : memref<128x128xf32, #tpu.memory_space<hbm>>) dst(%dma_wait3A_158 : memref<128x128xf32, #tpu.memory_space<vmem>>)
    }
    %scan3A_28 = arith.constant 5 : i32
    %barrier3A_29 = arith.constant 0 : index
    tpu.barrier barrier_id(%barrier3A_29)
    %mul3A_30 = arith.constant 640 : i32
    %mul3A_31 = arith.muli %arg1, %mul3A_30 : i32
    %mul3A_32 = arith.constant 640 : i32
    %mul3A_33 = arith.muli %arg1, %mul3A_32 : i32
    "tpu.region"() ({
      %run_scoped3A = tpu.sem_alloc : memref<!tpu.dma_semaphore, #tpu.memory_space<semaphore_mem>>
      %dma_start3A = arith.constant 0 : i32
      %dma_start3A_35 = arith.constant 0 : i32
      %dma_start3A_36 = tpu.memref_slice %arg6[%add3A_14, %dma_start3A, %dma_start3A_35] : memref<4x10240x128xf32, #tpu.memory_space<hbm>> -> memref<1x10240x128xf32, #tpu.memory_space<hbm>>
      %dma_start3A_37 = tpu.memref_squeeze %dma_start3A_36 : memref<1x10240x128xf32, #tpu.memory_space<hbm>> -> memref<10240x128xf32, #tpu.memory_space<hbm>>
      %dma_start3A_38 = arith.constant 0 : i32
      %dma_start3A_39 = tpu.memref_slice %dma_start3A_37[%mul3A_33, %dma_start3A_38] : memref<10240x128xf32, #tpu.memory_space<hbm>> -> memref<640x128xf32, #tpu.memory_space<hbm>>
      %dma_start3A_40 = arith.constant 0 : i32
      %dma_start3A_41 = tpu.memref_slice %arg7[%mul3A_31, %dma_start3A_40] : memref<10240x128xf32, #tpu.memory_space<vmem_shared>> -> memref<640x128xf32, #tpu.memory_space<vmem_shared>>
      tpu.enqueue_dma source(%dma_start3A_41 : memref<640x128xf32, #tpu.memory_space<vmem_shared>>) target(%dma_start3A_39 : memref<640x128xf32, #tpu.memory_space<hbm>>) target_semaphore(%run_scoped3A : memref<!tpu.dma_semaphore, #tpu.memory_space<semaphore_mem>>)
      %dma_wait3A = arith.constant 0 : i32
      %dma_wait3A_42 = arith.constant 0 : i32
      %dma_wait3A_43 = tpu.memref_slice %arg6[%add3A_14, %dma_wait3A, %dma_wait3A_42] : memref<4x10240x128xf32, #tpu.memory_space<hbm>> -> memref<1x10240x128xf32, #tpu.memory_space<hbm>>
      %dma_wait3A_44 = tpu.memref_squeeze %dma_wait3A_43 : memref<1x10240x128xf32, #tpu.memory_space<hbm>> -> memref<10240x128xf32, #tpu.memory_space<hbm>>
      %dma_wait3A_45 = arith.constant 0 : i32
      %dma_wait3A_46 = tpu.memref_slice %dma_wait3A_44[%mul3A_33, %dma_wait3A_45] : memref<10240x128xf32, #tpu.memory_space<hbm>> -> memref<640x128xf32, #tpu.memory_space<hbm>>
      %dma_wait3A_47 = arith.constant 0 : i32
      %dma_wait3A_48 = tpu.memref_slice %arg7[%mul3A_31, %dma_wait3A_47] : memref<10240x128xf32, #tpu.memory_space<vmem_shared>> -> memref<640x128xf32, #tpu.memory_space<vmem_shared>>
      tpu.wait_dma2 semaphore(%run_scoped3A : memref<!tpu.dma_semaphore, #tpu.memory_space<semaphore_mem>>) src(%dma_wait3A_48 : memref<640x128xf32, #tpu.memory_space<vmem_shared>>) dst(%dma_wait3A_46 : memref<640x128xf32, #tpu.memory_space<hbm>>)
      tpu.yield
    }) : () -> ()
    %barrier3A_34 = arith.constant 0 : index
    tpu.barrier barrier_id(%barrier3A_34)
    return
  }
}

#map = affine_map<(d0, d1) -> (0, 0, 0)>
#map1 = affine_map<(d0, d1) -> (0, 0)>
module attributes {stable_mosaic.version = 14 : i64} {
  func.func @agg(%arg0: i32, %arg1: i32, %arg2: memref<3x10240x128xf32, #tpu.memory_space<hbm>>, %arg3: memref<5120x128xi32, #tpu.memory_space<hbm>>, %arg4: memref<5120x128xi32, #tpu.memory_space<hbm>>, %arg5: memref<10240x128xf32, #tpu.memory_space<hbm>>, %arg6: memref<4x10240x128xf32, #tpu.memory_space<hbm>>, %arg7: memref<10240x128xf32, #tpu.memory_space<vmem_shared>>, %arg8: memref<32x128xi32, #tpu.memory_space<vmem>>, %arg9: memref<32x128xi32, #tpu.memory_space<vmem>>, %arg10: memref<2x128x128xf32, #tpu.memory_space<vmem>>, %arg11: memref<!tpu.dma_semaphore, #tpu.memory_space<semaphore_mem>>, %arg12: memref<!tpu.dma_semaphore, #tpu.memory_space<semaphore_mem>>) attributes {dimension_semantics = [#tpu.dimension_semantics<core_parallel>, #tpu.dimension_semantics<subcore_parallel>], iteration_bounds = array<i64: 2, 16>, scalar_prefetch = 0 : i64, scratch_operands = 6 : i64, tpu.core_type = #tpu.core_type<sc_vector_subcore>, window_params = [{transform_indices = #map}, {transform_indices = #map1}, {transform_indices = #map1}, {transform_indices = #map1}, {transform_indices = #map}]} {
    %mul3A = arith.constant 640 : i32
    %mul3A_0 = arith.muli %arg1, %mul3A : i32
    %mul3A_1 = arith.constant 640 : i32
    %mul3A_2 = arith.muli %arg1, %mul3A_1 : i32
    "tpu.region"() ({
      %run_scoped3A = tpu.sem_alloc : memref<!tpu.dma_semaphore, #tpu.memory_space<semaphore_mem>>
      %dma_start3A = arith.constant 0 : i32
      %dma_start3A_35 = tpu.memref_slice %arg7[%mul3A_2, %dma_start3A] : memref<10240x128xf32, #tpu.memory_space<vmem_shared>> -> memref<640x128xf32, #tpu.memory_space<vmem_shared>>
      %dma_start3A_36 = arith.constant 0 : i32
      %dma_start3A_37 = tpu.memref_slice %arg5[%mul3A_0, %dma_start3A_36] : memref<10240x128xf32, #tpu.memory_space<hbm>> -> memref<640x128xf32, #tpu.memory_space<hbm>>
      tpu.enqueue_dma source(%dma_start3A_37 : memref<640x128xf32, #tpu.memory_space<hbm>>) target(%dma_start3A_35 : memref<640x128xf32, #tpu.memory_space<vmem_shared>>) target_semaphore(%run_scoped3A : memref<!tpu.dma_semaphore, #tpu.memory_space<semaphore_mem>>)
      %dma_wait3A = arith.constant 0 : i32
      %dma_wait3A_38 = tpu.memref_slice %arg7[%mul3A_2, %dma_wait3A] : memref<10240x128xf32, #tpu.memory_space<vmem_shared>> -> memref<640x128xf32, #tpu.memory_space<vmem_shared>>
      %dma_wait3A_39 = arith.constant 0 : i32
      %dma_wait3A_40 = tpu.memref_slice %arg5[%mul3A_0, %dma_wait3A_39] : memref<10240x128xf32, #tpu.memory_space<hbm>> -> memref<640x128xf32, #tpu.memory_space<hbm>>
      tpu.wait_dma2 semaphore(%run_scoped3A : memref<!tpu.dma_semaphore, #tpu.memory_space<semaphore_mem>>) src(%dma_wait3A_40 : memref<640x128xf32, #tpu.memory_space<hbm>>) dst(%dma_wait3A_38 : memref<640x128xf32, #tpu.memory_space<vmem_shared>>)
      tpu.yield
    }) : () -> ()
    %barrier3A = arith.constant 0 : index
    tpu.barrier barrier_id(%barrier3A)
    %scan3A = arith.constant 0 : i32
    %scan3A_3 = arith.constant 0 : i32
    %scan3A_4 = arith.constant 10 : i32
    %scan3A_5 = arith.addi %scan3A_3, %scan3A_4 : i32
    %scan3A_6 = arith.constant 1 : i32
    scf.for %scan3A_35 = %scan3A_3 to %scan3A_5 step %scan3A_6  : i32 {
      %mul3A_36 = arith.constant 320 : i32
      %mul3A_37 = arith.muli %arg1, %mul3A_36 : i32
      %add3A_38 = arith.constant 0 : i32
      %add3A_39 = arith.addi %add3A_38, %mul3A_37 : i32
      %mul3A_40 = arith.constant 32 : i32
      %mul3A_41 = arith.muli %scan3A_35, %mul3A_40 : i32
      %add3A_42 = arith.addi %add3A_39, %mul3A_41 : i32
      "tpu.region"() ({
        %run_scoped3A = tpu.sem_alloc : memref<!tpu.dma_semaphore, #tpu.memory_space<semaphore_mem>>
        %dma_start3A_163 = arith.constant 0 : i32
        %dma_start3A_164 = tpu.memref_slice %arg3[%add3A_42, %dma_start3A_163] : memref<5120x128xi32, #tpu.memory_space<hbm>> -> memref<32x128xi32, #tpu.memory_space<hbm>>
        %dma_start3A_165 = arith.constant 0 : i32
        %dma_start3A_166 = tpu.memref_slice %arg3[%add3A_42, %dma_start3A_165] : memref<5120x128xi32, #tpu.memory_space<hbm>> -> memref<32x128xi32, #tpu.memory_space<hbm>>
        tpu.enqueue_dma source(%dma_start3A_166 : memref<32x128xi32, #tpu.memory_space<hbm>>) target(%arg8 : memref<32x128xi32, #tpu.memory_space<vmem>>) target_semaphore(%run_scoped3A : memref<!tpu.dma_semaphore, #tpu.memory_space<semaphore_mem>>)
        %dma_wait3A_167 = arith.constant 0 : i32
        %dma_wait3A_168 = tpu.memref_slice %arg3[%add3A_42, %dma_wait3A_167] : memref<5120x128xi32, #tpu.memory_space<hbm>> -> memref<32x128xi32, #tpu.memory_space<hbm>>
        %dma_wait3A_169 = arith.constant 0 : i32
        %dma_wait3A_170 = tpu.memref_slice %arg3[%add3A_42, %dma_wait3A_169] : memref<5120x128xi32, #tpu.memory_space<hbm>> -> memref<32x128xi32, #tpu.memory_space<hbm>>
        tpu.wait_dma2 semaphore(%run_scoped3A : memref<!tpu.dma_semaphore, #tpu.memory_space<semaphore_mem>>) src(%dma_wait3A_170 : memref<32x128xi32, #tpu.memory_space<hbm>>) dst(%arg8 : memref<32x128xi32, #tpu.memory_space<vmem>>)
        tpu.yield
      }) : () -> ()
      "tpu.region"() ({
        %run_scoped3A = tpu.sem_alloc : memref<!tpu.dma_semaphore, #tpu.memory_space<semaphore_mem>>
        %dma_start3A_163 = arith.constant 0 : i32
        %dma_start3A_164 = tpu.memref_slice %arg4[%add3A_42, %dma_start3A_163] : memref<5120x128xi32, #tpu.memory_space<hbm>> -> memref<32x128xi32, #tpu.memory_space<hbm>>
        %dma_start3A_165 = arith.constant 0 : i32
        %dma_start3A_166 = tpu.memref_slice %arg4[%add3A_42, %dma_start3A_165] : memref<5120x128xi32, #tpu.memory_space<hbm>> -> memref<32x128xi32, #tpu.memory_space<hbm>>
        tpu.enqueue_dma source(%dma_start3A_166 : memref<32x128xi32, #tpu.memory_space<hbm>>) target(%arg9 : memref<32x128xi32, #tpu.memory_space<vmem>>) target_semaphore(%run_scoped3A : memref<!tpu.dma_semaphore, #tpu.memory_space<semaphore_mem>>)
        %dma_wait3A_167 = arith.constant 0 : i32
        %dma_wait3A_168 = tpu.memref_slice %arg4[%add3A_42, %dma_wait3A_167] : memref<5120x128xi32, #tpu.memory_space<hbm>> -> memref<32x128xi32, #tpu.memory_space<hbm>>
        %dma_wait3A_169 = arith.constant 0 : i32
        %dma_wait3A_170 = tpu.memref_slice %arg4[%add3A_42, %dma_wait3A_169] : memref<5120x128xi32, #tpu.memory_space<hbm>> -> memref<32x128xi32, #tpu.memory_space<hbm>>
        tpu.wait_dma2 semaphore(%run_scoped3A : memref<!tpu.dma_semaphore, #tpu.memory_space<semaphore_mem>>) src(%dma_wait3A_170 : memref<32x128xi32, #tpu.memory_space<hbm>>) dst(%arg9 : memref<32x128xi32, #tpu.memory_space<vmem>>)
        tpu.yield
      }) : () -> ()
      %dma_start3A = arith.constant 0 : i32
      %dma_start3A_43 = arith.constant 0 : i32
      %dma_start3A_44 = arith.constant 0 : i32
      %dma_start3A_45 = arith.constant 0 : i32
      %dma_start3A_46 = tpu.memref_slice %arg10[%dma_start3A_43, %dma_start3A_44, %dma_start3A_45] : memref<2x128x128xf32, #tpu.memory_space<vmem>> -> memref<1x128x128xf32, #tpu.memory_space<vmem>>
      %dma_start3A_47 = tpu.memref_squeeze %dma_start3A_46 : memref<1x128x128xf32, #tpu.memory_space<vmem>> -> memref<128x128xf32, #tpu.memory_space<vmem>>
      %dma_start3A_48 = arith.constant 0 : i32
      %dma_start3A_49 = tpu.memref_slice %arg8[%dma_start3A, %dma_start3A_48] : memref<32x128xi32, #tpu.memory_space<vmem>> -> memref<1x128xi32, #tpu.memory_space<vmem>>
      %dma_start3A_50 = tpu.memref_squeeze %dma_start3A_49 : memref<1x128xi32, #tpu.memory_space<vmem>> -> memref<128xi32, #tpu.memory_space<vmem>>
      %dma_start3A_51 = arith.constant 0 : i32
      %dma_start3A_52 = arith.constant 0 : i32
      %dma_start3A_53 = tpu.memref_slice %arg2[%arg0, %dma_start3A_51, %dma_start3A_52] : memref<3x10240x128xf32, #tpu.memory_space<hbm>> -> memref<1x10240x128xf32, #tpu.memory_space<hbm>>
      %dma_start3A_54 = tpu.memref_squeeze %dma_start3A_53 : memref<1x10240x128xf32, #tpu.memory_space<hbm>> -> memref<10240x128xf32, #tpu.memory_space<hbm>>
      %dma_start3A_55 = arith.constant 0 : i32
      %dma_start3A_56 = arith.constant 0 : i32
      %dma_start3A_57 = tpu.memref_slice %dma_start3A_54[%dma_start3A_55, %dma_start3A_56] : memref<10240x128xf32, #tpu.memory_space<hbm>> -> memref<10240x128xf32, #tpu.memory_space<hbm>>
      tpu.enqueue_indirect_dma source(%dma_start3A_57 : memref<10240x128xf32, #tpu.memory_space<hbm>>) target(%dma_start3A_47 : memref<128x128xf32, #tpu.memory_space<vmem>>) offsets(%dma_start3A_50 : memref<128xi32, #tpu.memory_space<vmem>>) semaphore(%arg11 : memref<!tpu.dma_semaphore, #tpu.memory_space<semaphore_mem>>)
      %dma_wait3A = arith.constant 0 : i32
      %dma_wait3A_58 = arith.constant 0 : i32
      %dma_wait3A_59 = arith.constant 0 : i32
      %dma_wait3A_60 = tpu.memref_slice %arg10[%dma_wait3A, %dma_wait3A_58, %dma_wait3A_59] : memref<2x128x128xf32, #tpu.memory_space<vmem>> -> memref<1x128x128xf32, #tpu.memory_space<vmem>>
      %dma_wait3A_61 = tpu.memref_squeeze %dma_wait3A_60 : memref<1x128x128xf32, #tpu.memory_space<vmem>> -> memref<128x128xf32, #tpu.memory_space<vmem>>
      %dma_wait3A_62 = arith.constant 0 : i32
      %dma_wait3A_63 = arith.constant 0 : i32
      %dma_wait3A_64 = tpu.memref_slice %arg5[%dma_wait3A_62, %dma_wait3A_63] : memref<10240x128xf32, #tpu.memory_space<hbm>> -> memref<128x128xf32, #tpu.memory_space<hbm>>
      %dma_wait3A_65 = arith.constant 0 : i32
      %dma_wait3A_66 = arith.constant 0 : i32
      %dma_wait3A_67 = tpu.memref_slice %arg10[%dma_wait3A, %dma_wait3A_65, %dma_wait3A_66] : memref<2x128x128xf32, #tpu.memory_space<vmem>> -> memref<1x128x128xf32, #tpu.memory_space<vmem>>
      %dma_wait3A_68 = tpu.memref_squeeze %dma_wait3A_67 : memref<1x128x128xf32, #tpu.memory_space<vmem>> -> memref<128x128xf32, #tpu.memory_space<vmem>>
      %dma_wait3A_69 = arith.constant 0 : i32
      %dma_wait3A_70 = arith.constant 0 : i32
      %dma_wait3A_71 = tpu.memref_slice %arg5[%dma_wait3A_69, %dma_wait3A_70] : memref<10240x128xf32, #tpu.memory_space<hbm>> -> memref<128x128xf32, #tpu.memory_space<hbm>>
      tpu.wait_dma2 semaphore(%arg11 : memref<!tpu.dma_semaphore, #tpu.memory_space<semaphore_mem>>) src(%dma_wait3A_71 : memref<128x128xf32, #tpu.memory_space<hbm>>) dst(%dma_wait3A_68 : memref<128x128xf32, #tpu.memory_space<vmem>>)
      %dma_start3A_72 = arith.constant 1 : i32
      %dma_start3A_73 = arith.constant 1 : i32
      %dma_start3A_74 = arith.constant 0 : i32
      %dma_start3A_75 = arith.constant 0 : i32
      %dma_start3A_76 = tpu.memref_slice %arg10[%dma_start3A_73, %dma_start3A_74, %dma_start3A_75] : memref<2x128x128xf32, #tpu.memory_space<vmem>> -> memref<1x128x128xf32, #tpu.memory_space<vmem>>
      %dma_start3A_77 = tpu.memref_squeeze %dma_start3A_76 : memref<1x128x128xf32, #tpu.memory_space<vmem>> -> memref<128x128xf32, #tpu.memory_space<vmem>>
      %dma_start3A_78 = arith.constant 0 : i32
      %dma_start3A_79 = tpu.memref_slice %arg8[%dma_start3A_72, %dma_start3A_78] : memref<32x128xi32, #tpu.memory_space<vmem>> -> memref<1x128xi32, #tpu.memory_space<vmem>>
      %dma_start3A_80 = tpu.memref_squeeze %dma_start3A_79 : memref<1x128xi32, #tpu.memory_space<vmem>> -> memref<128xi32, #tpu.memory_space<vmem>>
      %dma_start3A_81 = arith.constant 0 : i32
      %dma_start3A_82 = arith.constant 0 : i32
      %dma_start3A_83 = tpu.memref_slice %arg2[%arg0, %dma_start3A_81, %dma_start3A_82] : memref<3x10240x128xf32, #tpu.memory_space<hbm>> -> memref<1x10240x128xf32, #tpu.memory_space<hbm>>
      %dma_start3A_84 = tpu.memref_squeeze %dma_start3A_83 : memref<1x10240x128xf32, #tpu.memory_space<hbm>> -> memref<10240x128xf32, #tpu.memory_space<hbm>>
      %dma_start3A_85 = arith.constant 0 : i32
      %dma_start3A_86 = arith.constant 0 : i32
      %dma_start3A_87 = tpu.memref_slice %dma_start3A_84[%dma_start3A_85, %dma_start3A_86] : memref<10240x128xf32, #tpu.memory_space<hbm>> -> memref<10240x128xf32, #tpu.memory_space<hbm>>
      tpu.enqueue_indirect_dma source(%dma_start3A_87 : memref<10240x128xf32, #tpu.memory_space<hbm>>) target(%dma_start3A_77 : memref<128x128xf32, #tpu.memory_space<vmem>>) offsets(%dma_start3A_80 : memref<128xi32, #tpu.memory_space<vmem>>) semaphore(%arg11 : memref<!tpu.dma_semaphore, #tpu.memory_space<semaphore_mem>>)
      %dma_start3A_88 = arith.constant 0 : i32
      %dma_start3A_89 = arith.constant 0 : i32
      %dma_start3A_90 = arith.constant 0 : i32
      %dma_start3A_91 = arith.constant 0 : i32
      %dma_start3A_92 = tpu.memref_slice %arg10[%dma_start3A_88, %dma_start3A_90, %dma_start3A_91] : memref<2x128x128xf32, #tpu.memory_space<vmem>> -> memref<1x128x128xf32, #tpu.memory_space<vmem>>
      %dma_start3A_93 = tpu.memref_squeeze %dma_start3A_92 : memref<1x128x128xf32, #tpu.memory_space<vmem>> -> memref<128x128xf32, #tpu.memory_space<vmem>>
      %dma_start3A_94 = arith.constant 0 : i32
      %dma_start3A_95 = tpu.memref_slice %arg9[%dma_start3A_89, %dma_start3A_94] : memref<32x128xi32, #tpu.memory_space<vmem>> -> memref<1x128xi32, #tpu.memory_space<vmem>>
      %dma_start3A_96 = tpu.memref_squeeze %dma_start3A_95 : memref<1x128xi32, #tpu.memory_space<vmem>> -> memref<128xi32, #tpu.memory_space<vmem>>
      %dma_start3A_97 = arith.constant 0 : i32
      %dma_start3A_98 = arith.constant 0 : i32
      %dma_start3A_99 = tpu.memref_slice %arg7[%dma_start3A_97, %dma_start3A_98] : memref<10240x128xf32, #tpu.memory_space<vmem_shared>> -> memref<10240x128xf32, #tpu.memory_space<vmem_shared>>
      tpu.enqueue_indirect_dma source(%dma_start3A_93 : memref<128x128xf32, #tpu.memory_space<vmem>>) target(%dma_start3A_99 : memref<10240x128xf32, #tpu.memory_space<vmem_shared>>) offsets(%dma_start3A_96 : memref<128xi32, #tpu.memory_space<vmem>>) semaphore(%arg12 : memref<!tpu.dma_semaphore, #tpu.memory_space<semaphore_mem>>) {add = true}
      %scan3A_100 = arith.constant 0 : i32
      %scan3A_101 = arith.constant 0 : i32
      %scan3A_102 = arith.constant 15 : i32
      %scan3A_103 = arith.addi %scan3A_101, %scan3A_102 : i32
      %scan3A_104 = arith.constant 1 : i32
      scf.for %scan3A_163 = %scan3A_101 to %scan3A_103 step %scan3A_104  : i32 {
        %dma_wait3A_164 = arith.constant 0 : i32
        %dma_wait3A_165 = arith.constant 0 : i32
        %dma_wait3A_166 = arith.constant 0 : i32
        %dma_wait3A_167 = tpu.memref_slice %arg10[%dma_wait3A_164, %dma_wait3A_165, %dma_wait3A_166] : memref<2x128x128xf32, #tpu.memory_space<vmem>> -> memref<1x128x128xf32, #tpu.memory_space<vmem>>
        %dma_wait3A_168 = tpu.memref_squeeze %dma_wait3A_167 : memref<1x128x128xf32, #tpu.memory_space<vmem>> -> memref<128x128xf32, #tpu.memory_space<vmem>>
        %dma_wait3A_169 = arith.constant 0 : i32
        %dma_wait3A_170 = arith.constant 0 : i32
        %dma_wait3A_171 = tpu.memref_slice %arg5[%dma_wait3A_169, %dma_wait3A_170] : memref<10240x128xf32, #tpu.memory_space<hbm>> -> memref<128x128xf32, #tpu.memory_space<hbm>>
        %dma_wait3A_172 = arith.constant 0 : i32
        %dma_wait3A_173 = arith.constant 0 : i32
        %dma_wait3A_174 = tpu.memref_slice %arg10[%dma_wait3A_164, %dma_wait3A_172, %dma_wait3A_173] : memref<2x128x128xf32, #tpu.memory_space<vmem>> -> memref<1x128x128xf32, #tpu.memory_space<vmem>>
        %dma_wait3A_175 = tpu.memref_squeeze %dma_wait3A_174 : memref<1x128x128xf32, #tpu.memory_space<vmem>> -> memref<128x128xf32, #tpu.memory_space<vmem>>
        %dma_wait3A_176 = arith.constant 0 : i32
        %dma_wait3A_177 = arith.constant 0 : i32
        %dma_wait3A_178 = tpu.memref_slice %arg5[%dma_wait3A_176, %dma_wait3A_177] : memref<10240x128xf32, #tpu.memory_space<hbm>> -> memref<128x128xf32, #tpu.memory_space<hbm>>
        tpu.wait_dma2 semaphore(%arg11 : memref<!tpu.dma_semaphore, #tpu.memory_space<semaphore_mem>>) src(%dma_wait3A_178 : memref<128x128xf32, #tpu.memory_space<hbm>>) dst(%dma_wait3A_175 : memref<128x128xf32, #tpu.memory_space<vmem>>)
        %dma_wait3A_179 = arith.constant 0 : i32
        %dma_wait3A_180 = arith.constant 0 : i32
        %dma_wait3A_181 = arith.constant 0 : i32
        %dma_wait3A_182 = tpu.memref_slice %arg10[%dma_wait3A_179, %dma_wait3A_180, %dma_wait3A_181] : memref<2x128x128xf32, #tpu.memory_space<vmem>> -> memref<1x128x128xf32, #tpu.memory_space<vmem>>
        %dma_wait3A_183 = tpu.memref_squeeze %dma_wait3A_182 : memref<1x128x128xf32, #tpu.memory_space<vmem>> -> memref<128x128xf32, #tpu.memory_space<vmem>>
        %dma_wait3A_184 = arith.constant 0 : i32
        %dma_wait3A_185 = arith.constant 0 : i32
        %dma_wait3A_186 = tpu.memref_slice %arg5[%dma_wait3A_184, %dma_wait3A_185] : memref<10240x128xf32, #tpu.memory_space<hbm>> -> memref<128x128xf32, #tpu.memory_space<hbm>>
        %dma_wait3A_187 = arith.constant 0 : i32
        %dma_wait3A_188 = arith.constant 0 : i32
        %dma_wait3A_189 = tpu.memref_slice %arg10[%dma_wait3A_179, %dma_wait3A_187, %dma_wait3A_188] : memref<2x128x128xf32, #tpu.memory_space<vmem>> -> memref<1x128x128xf32, #tpu.memory_space<vmem>>
        %dma_wait3A_190 = tpu.memref_squeeze %dma_wait3A_189 : memref<1x128x128xf32, #tpu.memory_space<vmem>> -> memref<128x128xf32, #tpu.memory_space<vmem>>
        %dma_wait3A_191 = arith.constant 0 : i32
        %dma_wait3A_192 = arith.constant 0 : i32
        %dma_wait3A_193 = tpu.memref_slice %arg5[%dma_wait3A_191, %dma_wait3A_192] : memref<10240x128xf32, #tpu.memory_space<hbm>> -> memref<128x128xf32, #tpu.memory_space<hbm>>
        tpu.wait_dma2 semaphore(%arg12 : memref<!tpu.dma_semaphore, #tpu.memory_space<semaphore_mem>>) src(%dma_wait3A_193 : memref<128x128xf32, #tpu.memory_space<hbm>>) dst(%dma_wait3A_190 : memref<128x128xf32, #tpu.memory_space<vmem>>)
        %mul3A_194 = arith.constant 2 : i32
        %mul3A_195 = arith.muli %mul3A_194, %scan3A_163 : i32
        %add3A_196 = arith.constant 2 : i32
        %add3A_197 = arith.addi %mul3A_195, %add3A_196 : i32
        %dma_start3A_198 = arith.constant 0 : i32
        %dma_start3A_199 = arith.constant 0 : i32
        %dma_start3A_200 = arith.constant 0 : i32
        %dma_start3A_201 = tpu.memref_slice %arg10[%dma_start3A_198, %dma_start3A_199, %dma_start3A_200] : memref<2x128x128xf32, #tpu.memory_space<vmem>> -> memref<1x128x128xf32, #tpu.memory_space<vmem>>
        %dma_start3A_202 = tpu.memref_squeeze %dma_start3A_201 : memref<1x128x128xf32, #tpu.memory_space<vmem>> -> memref<128x128xf32, #tpu.memory_space<vmem>>
        %dma_start3A_203 = arith.constant 0 : i32
        %dma_start3A_204 = tpu.memref_slice %arg8[%add3A_197, %dma_start3A_203] : memref<32x128xi32, #tpu.memory_space<vmem>> -> memref<1x128xi32, #tpu.memory_space<vmem>>
        %dma_start3A_205 = tpu.memref_squeeze %dma_start3A_204 : memref<1x128xi32, #tpu.memory_space<vmem>> -> memref<128xi32, #tpu.memory_space<vmem>>
        %dma_start3A_206 = arith.constant 0 : i32
        %dma_start3A_207 = arith.constant 0 : i32
        %dma_start3A_208 = tpu.memref_slice %arg2[%arg0, %dma_start3A_206, %dma_start3A_207] : memref<3x10240x128xf32, #tpu.memory_space<hbm>> -> memref<1x10240x128xf32, #tpu.memory_space<hbm>>
        %dma_start3A_209 = tpu.memref_squeeze %dma_start3A_208 : memref<1x10240x128xf32, #tpu.memory_space<hbm>> -> memref<10240x128xf32, #tpu.memory_space<hbm>>
        %dma_start3A_210 = arith.constant 0 : i32
        %dma_start3A_211 = arith.constant 0 : i32
        %dma_start3A_212 = tpu.memref_slice %dma_start3A_209[%dma_start3A_210, %dma_start3A_211] : memref<10240x128xf32, #tpu.memory_space<hbm>> -> memref<10240x128xf32, #tpu.memory_space<hbm>>
        tpu.enqueue_indirect_dma source(%dma_start3A_212 : memref<10240x128xf32, #tpu.memory_space<hbm>>) target(%dma_start3A_202 : memref<128x128xf32, #tpu.memory_space<vmem>>) offsets(%dma_start3A_205 : memref<128xi32, #tpu.memory_space<vmem>>) semaphore(%arg11 : memref<!tpu.dma_semaphore, #tpu.memory_space<semaphore_mem>>)
        %mul3A_213 = arith.constant 2 : i32
        %mul3A_214 = arith.muli %mul3A_213, %scan3A_163 : i32
        %add3A_215 = arith.constant 1 : i32
        %add3A_216 = arith.addi %mul3A_214, %add3A_215 : i32
        %dma_start3A_217 = arith.constant 1 : i32
        %dma_start3A_218 = arith.constant 0 : i32
        %dma_start3A_219 = arith.constant 0 : i32
        %dma_start3A_220 = tpu.memref_slice %arg10[%dma_start3A_217, %dma_start3A_218, %dma_start3A_219] : memref<2x128x128xf32, #tpu.memory_space<vmem>> -> memref<1x128x128xf32, #tpu.memory_space<vmem>>
        %dma_start3A_221 = tpu.memref_squeeze %dma_start3A_220 : memref<1x128x128xf32, #tpu.memory_space<vmem>> -> memref<128x128xf32, #tpu.memory_space<vmem>>
        %dma_start3A_222 = arith.constant 0 : i32
        %dma_start3A_223 = tpu.memref_slice %arg9[%add3A_216, %dma_start3A_222] : memref<32x128xi32, #tpu.memory_space<vmem>> -> memref<1x128xi32, #tpu.memory_space<vmem>>
        %dma_start3A_224 = tpu.memref_squeeze %dma_start3A_223 : memref<1x128xi32, #tpu.memory_space<vmem>> -> memref<128xi32, #tpu.memory_space<vmem>>
        %dma_start3A_225 = arith.constant 0 : i32
        %dma_start3A_226 = arith.constant 0 : i32
        %dma_start3A_227 = tpu.memref_slice %arg7[%dma_start3A_225, %dma_start3A_226] : memref<10240x128xf32, #tpu.memory_space<vmem_shared>> -> memref<10240x128xf32, #tpu.memory_space<vmem_shared>>
        tpu.enqueue_indirect_dma source(%dma_start3A_221 : memref<128x128xf32, #tpu.memory_space<vmem>>) target(%dma_start3A_227 : memref<10240x128xf32, #tpu.memory_space<vmem_shared>>) offsets(%dma_start3A_224 : memref<128xi32, #tpu.memory_space<vmem>>) semaphore(%arg12 : memref<!tpu.dma_semaphore, #tpu.memory_space<semaphore_mem>>) {add = true}
        %dma_wait3A_228 = arith.constant 0 : i32
        %dma_wait3A_229 = arith.constant 0 : i32
        %dma_wait3A_230 = arith.constant 0 : i32
        %dma_wait3A_231 = tpu.memref_slice %arg10[%dma_wait3A_228, %dma_wait3A_229, %dma_wait3A_230] : memref<2x128x128xf32, #tpu.memory_space<vmem>> -> memref<1x128x128xf32, #tpu.memory_space<vmem>>
        %dma_wait3A_232 = tpu.memref_squeeze %dma_wait3A_231 : memref<1x128x128xf32, #tpu.memory_space<vmem>> -> memref<128x128xf32, #tpu.memory_space<vmem>>
        %dma_wait3A_233 = arith.constant 0 : i32
        %dma_wait3A_234 = arith.constant 0 : i32
        %dma_wait3A_235 = tpu.memref_slice %arg5[%dma_wait3A_233, %dma_wait3A_234] : memref<10240x128xf32, #tpu.memory_space<hbm>> -> memref<128x128xf32, #tpu.memory_space<hbm>>
        %dma_wait3A_236 = arith.constant 0 : i32
        %dma_wait3A_237 = arith.constant 0 : i32
        %dma_wait3A_238 = tpu.memref_slice %arg10[%dma_wait3A_228, %dma_wait3A_236, %dma_wait3A_237] : memref<2x128x128xf32, #tpu.memory_space<vmem>> -> memref<1x128x128xf32, #tpu.memory_space<vmem>>
        %dma_wait3A_239 = tpu.memref_squeeze %dma_wait3A_238 : memref<1x128x128xf32, #tpu.memory_space<vmem>> -> memref<128x128xf32, #tpu.memory_space<vmem>>
        %dma_wait3A_240 = arith.constant 0 : i32
        %dma_wait3A_241 = arith.constant 0 : i32
        %dma_wait3A_242 = tpu.memref_slice %arg5[%dma_wait3A_240, %dma_wait3A_241] : memref<10240x128xf32, #tpu.memory_space<hbm>> -> memref<128x128xf32, #tpu.memory_space<hbm>>
        tpu.wait_dma2 semaphore(%arg11 : memref<!tpu.dma_semaphore, #tpu.memory_space<semaphore_mem>>) src(%dma_wait3A_242 : memref<128x128xf32, #tpu.memory_space<hbm>>) dst(%dma_wait3A_239 : memref<128x128xf32, #tpu.memory_space<vmem>>)
        %dma_wait3A_243 = arith.constant 0 : i32
        %dma_wait3A_244 = arith.constant 0 : i32
        %dma_wait3A_245 = arith.constant 0 : i32
        %dma_wait3A_246 = tpu.memref_slice %arg10[%dma_wait3A_243, %dma_wait3A_244, %dma_wait3A_245] : memref<2x128x128xf32, #tpu.memory_space<vmem>> -> memref<1x128x128xf32, #tpu.memory_space<vmem>>
        %dma_wait3A_247 = tpu.memref_squeeze %dma_wait3A_246 : memref<1x128x128xf32, #tpu.memory_space<vmem>> -> memref<128x128xf32, #tpu.memory_space<vmem>>
        %dma_wait3A_248 = arith.constant 0 : i32
        %dma_wait3A_249 = arith.constant 0 : i32
        %dma_wait3A_250 = tpu.memref_slice %arg5[%dma_wait3A_248, %dma_wait3A_249] : memref<10240x128xf32, #tpu.memory_space<hbm>> -> memref<128x128xf32, #tpu.memory_space<hbm>>
        %dma_wait3A_251 = arith.constant 0 : i32
        %dma_wait3A_252 = arith.constant 0 : i32
        %dma_wait3A_253 = tpu.memref_slice %arg10[%dma_wait3A_243, %dma_wait3A_251, %dma_wait3A_252] : memref<2x128x128xf32, #tpu.memory_space<vmem>> -> memref<1x128x128xf32, #tpu.memory_space<vmem>>
        %dma_wait3A_254 = tpu.memref_squeeze %dma_wait3A_253 : memref<1x128x128xf32, #tpu.memory_space<vmem>> -> memref<128x128xf32, #tpu.memory_space<vmem>>
        %dma_wait3A_255 = arith.constant 0 : i32
        %dma_wait3A_256 = arith.constant 0 : i32
        %dma_wait3A_257 = tpu.memref_slice %arg5[%dma_wait3A_255, %dma_wait3A_256] : memref<10240x128xf32, #tpu.memory_space<hbm>> -> memref<128x128xf32, #tpu.memory_space<hbm>>
        tpu.wait_dma2 semaphore(%arg12 : memref<!tpu.dma_semaphore, #tpu.memory_space<semaphore_mem>>) src(%dma_wait3A_257 : memref<128x128xf32, #tpu.memory_space<hbm>>) dst(%dma_wait3A_254 : memref<128x128xf32, #tpu.memory_space<vmem>>)
        %mul3A_258 = arith.constant 2 : i32
        %mul3A_259 = arith.muli %mul3A_258, %scan3A_163 : i32
        %add3A_260 = arith.constant 3 : i32
        %add3A_261 = arith.addi %mul3A_259, %add3A_260 : i32
        %dma_start3A_262 = arith.constant 1 : i32
        %dma_start3A_263 = arith.constant 0 : i32
        %dma_start3A_264 = arith.constant 0 : i32
        %dma_start3A_265 = tpu.memref_slice %arg10[%dma_start3A_262, %dma_start3A_263, %dma_start3A_264] : memref<2x128x128xf32, #tpu.memory_space<vmem>> -> memref<1x128x128xf32, #tpu.memory_space<vmem>>
        %dma_start3A_266 = tpu.memref_squeeze %dma_start3A_265 : memref<1x128x128xf32, #tpu.memory_space<vmem>> -> memref<128x128xf32, #tpu.memory_space<vmem>>
        %dma_start3A_267 = arith.constant 0 : i32
        %dma_start3A_268 = tpu.memref_slice %arg8[%add3A_261, %dma_start3A_267] : memref<32x128xi32, #tpu.memory_space<vmem>> -> memref<1x128xi32, #tpu.memory_space<vmem>>
        %dma_start3A_269 = tpu.memref_squeeze %dma_start3A_268 : memref<1x128xi32, #tpu.memory_space<vmem>> -> memref<128xi32, #tpu.memory_space<vmem>>
        %dma_start3A_270 = arith.constant 0 : i32
        %dma_start3A_271 = arith.constant 0 : i32
        %dma_start3A_272 = tpu.memref_slice %arg2[%arg0, %dma_start3A_270, %dma_start3A_271] : memref<3x10240x128xf32, #tpu.memory_space<hbm>> -> memref<1x10240x128xf32, #tpu.memory_space<hbm>>
        %dma_start3A_273 = tpu.memref_squeeze %dma_start3A_272 : memref<1x10240x128xf32, #tpu.memory_space<hbm>> -> memref<10240x128xf32, #tpu.memory_space<hbm>>
        %dma_start3A_274 = arith.constant 0 : i32
        %dma_start3A_275 = arith.constant 0 : i32
        %dma_start3A_276 = tpu.memref_slice %dma_start3A_273[%dma_start3A_274, %dma_start3A_275] : memref<10240x128xf32, #tpu.memory_space<hbm>> -> memref<10240x128xf32, #tpu.memory_space<hbm>>
        tpu.enqueue_indirect_dma source(%dma_start3A_276 : memref<10240x128xf32, #tpu.memory_space<hbm>>) target(%dma_start3A_266 : memref<128x128xf32, #tpu.memory_space<vmem>>) offsets(%dma_start3A_269 : memref<128xi32, #tpu.memory_space<vmem>>) semaphore(%arg11 : memref<!tpu.dma_semaphore, #tpu.memory_space<semaphore_mem>>)
        %mul3A_277 = arith.constant 2 : i32
        %mul3A_278 = arith.muli %mul3A_277, %scan3A_163 : i32
        %add3A_279 = arith.constant 2 : i32
        %add3A_280 = arith.addi %mul3A_278, %add3A_279 : i32
        %dma_start3A_281 = arith.constant 0 : i32
        %dma_start3A_282 = arith.constant 0 : i32
        %dma_start3A_283 = arith.constant 0 : i32
        %dma_start3A_284 = tpu.memref_slice %arg10[%dma_start3A_281, %dma_start3A_282, %dma_start3A_283] : memref<2x128x128xf32, #tpu.memory_space<vmem>> -> memref<1x128x128xf32, #tpu.memory_space<vmem>>
        %dma_start3A_285 = tpu.memref_squeeze %dma_start3A_284 : memref<1x128x128xf32, #tpu.memory_space<vmem>> -> memref<128x128xf32, #tpu.memory_space<vmem>>
        %dma_start3A_286 = arith.constant 0 : i32
        %dma_start3A_287 = tpu.memref_slice %arg9[%add3A_280, %dma_start3A_286] : memref<32x128xi32, #tpu.memory_space<vmem>> -> memref<1x128xi32, #tpu.memory_space<vmem>>
        %dma_start3A_288 = tpu.memref_squeeze %dma_start3A_287 : memref<1x128xi32, #tpu.memory_space<vmem>> -> memref<128xi32, #tpu.memory_space<vmem>>
        %dma_start3A_289 = arith.constant 0 : i32
        %dma_start3A_290 = arith.constant 0 : i32
        %dma_start3A_291 = tpu.memref_slice %arg7[%dma_start3A_289, %dma_start3A_290] : memref<10240x128xf32, #tpu.memory_space<vmem_shared>> -> memref<10240x128xf32, #tpu.memory_space<vmem_shared>>
        tpu.enqueue_indirect_dma source(%dma_start3A_285 : memref<128x128xf32, #tpu.memory_space<vmem>>) target(%dma_start3A_291 : memref<10240x128xf32, #tpu.memory_space<vmem_shared>>) offsets(%dma_start3A_288 : memref<128xi32, #tpu.memory_space<vmem>>) semaphore(%arg12 : memref<!tpu.dma_semaphore, #tpu.memory_space<semaphore_mem>>) {add = true}
      }
      %scan3A_105 = arith.constant 15 : i32
      %dma_wait3A_106 = arith.constant 0 : i32
      %dma_wait3A_107 = arith.constant 0 : i32
      %dma_wait3A_108 = arith.constant 0 : i32
      %dma_wait3A_109 = tpu.memref_slice %arg10[%dma_wait3A_106, %dma_wait3A_107, %dma_wait3A_108] : memref<2x128x128xf32, #tpu.memory_space<vmem>> -> memref<1x128x128xf32, #tpu.memory_space<vmem>>
      %dma_wait3A_110 = tpu.memref_squeeze %dma_wait3A_109 : memref<1x128x128xf32, #tpu.memory_space<vmem>> -> memref<128x128xf32, #tpu.memory_space<vmem>>
      %dma_wait3A_111 = arith.constant 0 : i32
      %dma_wait3A_112 = arith.constant 0 : i32
      %dma_wait3A_113 = tpu.memref_slice %arg5[%dma_wait3A_111, %dma_wait3A_112] : memref<10240x128xf32, #tpu.memory_space<hbm>> -> memref<128x128xf32, #tpu.memory_space<hbm>>
      %dma_wait3A_114 = arith.constant 0 : i32
      %dma_wait3A_115 = arith.constant 0 : i32
      %dma_wait3A_116 = tpu.memref_slice %arg10[%dma_wait3A_106, %dma_wait3A_114, %dma_wait3A_115] : memref<2x128x128xf32, #tpu.memory_space<vmem>> -> memref<1x128x128xf32, #tpu.memory_space<vmem>>
      %dma_wait3A_117 = tpu.memref_squeeze %dma_wait3A_116 : memref<1x128x128xf32, #tpu.memory_space<vmem>> -> memref<128x128xf32, #tpu.memory_space<vmem>>
      %dma_wait3A_118 = arith.constant 0 : i32
      %dma_wait3A_119 = arith.constant 0 : i32
      %dma_wait3A_120 = tpu.memref_slice %arg5[%dma_wait3A_118, %dma_wait3A_119] : memref<10240x128xf32, #tpu.memory_space<hbm>> -> memref<128x128xf32, #tpu.memory_space<hbm>>
      tpu.wait_dma2 semaphore(%arg11 : memref<!tpu.dma_semaphore, #tpu.memory_space<semaphore_mem>>) src(%dma_wait3A_120 : memref<128x128xf32, #tpu.memory_space<hbm>>) dst(%dma_wait3A_117 : memref<128x128xf32, #tpu.memory_space<vmem>>)
      %dma_wait3A_121 = arith.constant 0 : i32
      %dma_wait3A_122 = arith.constant 0 : i32
      %dma_wait3A_123 = arith.constant 0 : i32
      %dma_wait3A_124 = tpu.memref_slice %arg10[%dma_wait3A_121, %dma_wait3A_122, %dma_wait3A_123] : memref<2x128x128xf32, #tpu.memory_space<vmem>> -> memref<1x128x128xf32, #tpu.memory_space<vmem>>
      %dma_wait3A_125 = tpu.memref_squeeze %dma_wait3A_124 : memref<1x128x128xf32, #tpu.memory_space<vmem>> -> memref<128x128xf32, #tpu.memory_space<vmem>>
      %dma_wait3A_126 = arith.constant 0 : i32
      %dma_wait3A_127 = arith.constant 0 : i32
      %dma_wait3A_128 = tpu.memref_slice %arg5[%dma_wait3A_126, %dma_wait3A_127] : memref<10240x128xf32, #tpu.memory_space<hbm>> -> memref<128x128xf32, #tpu.memory_space<hbm>>
      %dma_wait3A_129 = arith.constant 0 : i32
      %dma_wait3A_130 = arith.constant 0 : i32
      %dma_wait3A_131 = tpu.memref_slice %arg10[%dma_wait3A_121, %dma_wait3A_129, %dma_wait3A_130] : memref<2x128x128xf32, #tpu.memory_space<vmem>> -> memref<1x128x128xf32, #tpu.memory_space<vmem>>
      %dma_wait3A_132 = tpu.memref_squeeze %dma_wait3A_131 : memref<1x128x128xf32, #tpu.memory_space<vmem>> -> memref<128x128xf32, #tpu.memory_space<vmem>>
      %dma_wait3A_133 = arith.constant 0 : i32
      %dma_wait3A_134 = arith.constant 0 : i32
      %dma_wait3A_135 = tpu.memref_slice %arg5[%dma_wait3A_133, %dma_wait3A_134] : memref<10240x128xf32, #tpu.memory_space<hbm>> -> memref<128x128xf32, #tpu.memory_space<hbm>>
      tpu.wait_dma2 semaphore(%arg12 : memref<!tpu.dma_semaphore, #tpu.memory_space<semaphore_mem>>) src(%dma_wait3A_135 : memref<128x128xf32, #tpu.memory_space<hbm>>) dst(%dma_wait3A_132 : memref<128x128xf32, #tpu.memory_space<vmem>>)
      %dma_start3A_136 = arith.constant 1 : i32
      %dma_start3A_137 = arith.constant 31 : i32
      %dma_start3A_138 = arith.constant 0 : i32
      %dma_start3A_139 = arith.constant 0 : i32
      %dma_start3A_140 = tpu.memref_slice %arg10[%dma_start3A_136, %dma_start3A_138, %dma_start3A_139] : memref<2x128x128xf32, #tpu.memory_space<vmem>> -> memref<1x128x128xf32, #tpu.memory_space<vmem>>
      %dma_start3A_141 = tpu.memref_squeeze %dma_start3A_140 : memref<1x128x128xf32, #tpu.memory_space<vmem>> -> memref<128x128xf32, #tpu.memory_space<vmem>>
      %dma_start3A_142 = arith.constant 0 : i32
      %dma_start3A_143 = tpu.memref_slice %arg9[%dma_start3A_137, %dma_start3A_142] : memref<32x128xi32, #tpu.memory_space<vmem>> -> memref<1x128xi32, #tpu.memory_space<vmem>>
      %dma_start3A_144 = tpu.memref_squeeze %dma_start3A_143 : memref<1x128xi32, #tpu.memory_space<vmem>> -> memref<128xi32, #tpu.memory_space<vmem>>
      %dma_start3A_145 = arith.constant 0 : i32
      %dma_start3A_146 = arith.constant 0 : i32
      %dma_start3A_147 = tpu.memref_slice %arg7[%dma_start3A_145, %dma_start3A_146] : memref<10240x128xf32, #tpu.memory_space<vmem_shared>> -> memref<10240x128xf32, #tpu.memory_space<vmem_shared>>
      tpu.enqueue_indirect_dma source(%dma_start3A_141 : memref<128x128xf32, #tpu.memory_space<vmem>>) target(%dma_start3A_147 : memref<10240x128xf32, #tpu.memory_space<vmem_shared>>) offsets(%dma_start3A_144 : memref<128xi32, #tpu.memory_space<vmem>>) semaphore(%arg12 : memref<!tpu.dma_semaphore, #tpu.memory_space<semaphore_mem>>) {add = true}
      %dma_wait3A_148 = arith.constant 0 : i32
      %dma_wait3A_149 = arith.constant 0 : i32
      %dma_wait3A_150 = arith.constant 0 : i32
      %dma_wait3A_151 = tpu.memref_slice %arg10[%dma_wait3A_148, %dma_wait3A_149, %dma_wait3A_150] : memref<2x128x128xf32, #tpu.memory_space<vmem>> -> memref<1x128x128xf32, #tpu.memory_space<vmem>>
      %dma_wait3A_152 = tpu.memref_squeeze %dma_wait3A_151 : memref<1x128x128xf32, #tpu.memory_space<vmem>> -> memref<128x128xf32, #tpu.memory_space<vmem>>
      %dma_wait3A_153 = arith.constant 0 : i32
      %dma_wait3A_154 = arith.constant 0 : i32
      %dma_wait3A_155 = tpu.memref_slice %arg5[%dma_wait3A_153, %dma_wait3A_154] : memref<10240x128xf32, #tpu.memory_space<hbm>> -> memref<128x128xf32, #tpu.memory_space<hbm>>
      %dma_wait3A_156 = arith.constant 0 : i32
      %dma_wait3A_157 = arith.constant 0 : i32
      %dma_wait3A_158 = tpu.memref_slice %arg10[%dma_wait3A_148, %dma_wait3A_156, %dma_wait3A_157] : memref<2x128x128xf32, #tpu.memory_space<vmem>> -> memref<1x128x128xf32, #tpu.memory_space<vmem>>
      %dma_wait3A_159 = tpu.memref_squeeze %dma_wait3A_158 : memref<1x128x128xf32, #tpu.memory_space<vmem>> -> memref<128x128xf32, #tpu.memory_space<vmem>>
      %dma_wait3A_160 = arith.constant 0 : i32
      %dma_wait3A_161 = arith.constant 0 : i32
      %dma_wait3A_162 = tpu.memref_slice %arg5[%dma_wait3A_160, %dma_wait3A_161] : memref<10240x128xf32, #tpu.memory_space<hbm>> -> memref<128x128xf32, #tpu.memory_space<hbm>>
      tpu.wait_dma2 semaphore(%arg12 : memref<!tpu.dma_semaphore, #tpu.memory_space<semaphore_mem>>) src(%dma_wait3A_162 : memref<128x128xf32, #tpu.memory_space<hbm>>) dst(%dma_wait3A_159 : memref<128x128xf32, #tpu.memory_space<vmem>>)
    }
    %scan3A_7 = arith.constant 10 : i32
    %barrier3A_8 = arith.constant 0 : index
    tpu.barrier barrier_id(%barrier3A_8)
    %mul3A_9 = arith.constant 640 : i32
    %mul3A_10 = arith.muli %arg1, %mul3A_9 : i32
    %mul3A_11 = arith.constant 640 : i32
    %mul3A_12 = arith.muli %arg1, %mul3A_11 : i32
    "tpu.region"() ({
      %run_scoped3A = tpu.sem_alloc : memref<!tpu.dma_semaphore, #tpu.memory_space<semaphore_mem>>
      %dma_start3A = arith.constant 0 : i32
      %dma_start3A_35 = arith.constant 0 : i32
      %dma_start3A_36 = tpu.memref_slice %arg6[%arg0, %dma_start3A, %dma_start3A_35] : memref<4x10240x128xf32, #tpu.memory_space<hbm>> -> memref<1x10240x128xf32, #tpu.memory_space<hbm>>
      %dma_start3A_37 = tpu.memref_squeeze %dma_start3A_36 : memref<1x10240x128xf32, #tpu.memory_space<hbm>> -> memref<10240x128xf32, #tpu.memory_space<hbm>>
      %dma_start3A_38 = arith.constant 0 : i32
      %dma_start3A_39 = tpu.memref_slice %dma_start3A_37[%mul3A_12, %dma_start3A_38] : memref<10240x128xf32, #tpu.memory_space<hbm>> -> memref<640x128xf32, #tpu.memory_space<hbm>>
      %dma_start3A_40 = arith.constant 0 : i32
      %dma_start3A_41 = tpu.memref_slice %arg7[%mul3A_10, %dma_start3A_40] : memref<10240x128xf32, #tpu.memory_space<vmem_shared>> -> memref<640x128xf32, #tpu.memory_space<vmem_shared>>
      tpu.enqueue_dma source(%dma_start3A_41 : memref<640x128xf32, #tpu.memory_space<vmem_shared>>) target(%dma_start3A_39 : memref<640x128xf32, #tpu.memory_space<hbm>>) target_semaphore(%run_scoped3A : memref<!tpu.dma_semaphore, #tpu.memory_space<semaphore_mem>>)
      %dma_wait3A = arith.constant 0 : i32
      %dma_wait3A_42 = arith.constant 0 : i32
      %dma_wait3A_43 = tpu.memref_slice %arg6[%arg0, %dma_wait3A, %dma_wait3A_42] : memref<4x10240x128xf32, #tpu.memory_space<hbm>> -> memref<1x10240x128xf32, #tpu.memory_space<hbm>>
      %dma_wait3A_44 = tpu.memref_squeeze %dma_wait3A_43 : memref<1x10240x128xf32, #tpu.memory_space<hbm>> -> memref<10240x128xf32, #tpu.memory_space<hbm>>
      %dma_wait3A_45 = arith.constant 0 : i32
      %dma_wait3A_46 = tpu.memref_slice %dma_wait3A_44[%mul3A_12, %dma_wait3A_45] : memref<10240x128xf32, #tpu.memory_space<hbm>> -> memref<640x128xf32, #tpu.memory_space<hbm>>
      %dma_wait3A_47 = arith.constant 0 : i32
      %dma_wait3A_48 = tpu.memref_slice %arg7[%mul3A_10, %dma_wait3A_47] : memref<10240x128xf32, #tpu.memory_space<vmem_shared>> -> memref<640x128xf32, #tpu.memory_space<vmem_shared>>
      tpu.wait_dma2 semaphore(%run_scoped3A : memref<!tpu.dma_semaphore, #tpu.memory_space<semaphore_mem>>) src(%dma_wait3A_48 : memref<640x128xf32, #tpu.memory_space<vmem_shared>>) dst(%dma_wait3A_46 : memref<640x128xf32, #tpu.memory_space<hbm>>)
      tpu.yield
    }) : () -> ()
    %barrier3A_13 = arith.constant 0 : index
    tpu.barrier barrier_id(%barrier3A_13)
    %add3A = arith.constant 2 : i32
    %add3A_14 = arith.addi %add3A, %arg0 : i32
    %mul3A_15 = arith.constant 2560 : i32
    %mul3A_16 = arith.muli %arg0, %mul3A_15 : i32
    %mul3A_17 = arith.constant 640 : i32
    %mul3A_18 = arith.muli %arg1, %mul3A_17 : i32
    %mul3A_19 = arith.constant 640 : i32
    %mul3A_20 = arith.muli %arg1, %mul3A_19 : i32
    "tpu.region"() ({
      %run_scoped3A = tpu.sem_alloc : memref<!tpu.dma_semaphore, #tpu.memory_space<semaphore_mem>>
      %dma_start3A = arith.constant 0 : i32
      %dma_start3A_35 = tpu.memref_slice %arg7[%mul3A_20, %dma_start3A] : memref<10240x128xf32, #tpu.memory_space<vmem_shared>> -> memref<640x128xf32, #tpu.memory_space<vmem_shared>>
      %dma_start3A_36 = arith.constant 0 : i32
      %dma_start3A_37 = tpu.memref_slice %arg5[%mul3A_18, %dma_start3A_36] : memref<10240x128xf32, #tpu.memory_space<hbm>> -> memref<640x128xf32, #tpu.memory_space<hbm>>
      tpu.enqueue_dma source(%dma_start3A_37 : memref<640x128xf32, #tpu.memory_space<hbm>>) target(%dma_start3A_35 : memref<640x128xf32, #tpu.memory_space<vmem_shared>>) target_semaphore(%run_scoped3A : memref<!tpu.dma_semaphore, #tpu.memory_space<semaphore_mem>>)
      %dma_wait3A = arith.constant 0 : i32
      %dma_wait3A_38 = tpu.memref_slice %arg7[%mul3A_20, %dma_wait3A] : memref<10240x128xf32, #tpu.memory_space<vmem_shared>> -> memref<640x128xf32, #tpu.memory_space<vmem_shared>>
      %dma_wait3A_39 = arith.constant 0 : i32
      %dma_wait3A_40 = tpu.memref_slice %arg5[%mul3A_18, %dma_wait3A_39] : memref<10240x128xf32, #tpu.memory_space<hbm>> -> memref<640x128xf32, #tpu.memory_space<hbm>>
      tpu.wait_dma2 semaphore(%run_scoped3A : memref<!tpu.dma_semaphore, #tpu.memory_space<semaphore_mem>>) src(%dma_wait3A_40 : memref<640x128xf32, #tpu.memory_space<hbm>>) dst(%dma_wait3A_38 : memref<640x128xf32, #tpu.memory_space<vmem_shared>>)
      tpu.yield
    }) : () -> ()
    %barrier3A_21 = arith.constant 0 : index
    tpu.barrier barrier_id(%barrier3A_21)
    %scan3A_22 = arith.constant 0 : i32
    %scan3A_23 = arith.constant 2 : i32
    %scan3A_24 = arith.constant 0 : i32
    %scan3A_25 = arith.constant 5 : i32
    %scan3A_26 = arith.addi %scan3A_24, %scan3A_25 : i32
    %scan3A_27 = arith.constant 1 : i32
    scf.for %scan3A_35 = %scan3A_24 to %scan3A_26 step %scan3A_27  : i32 {
      %mul3A_36 = arith.constant 160 : i32
      %mul3A_37 = arith.muli %arg1, %mul3A_36 : i32
      %add3A_38 = arith.addi %mul3A_16, %mul3A_37 : i32
      %mul3A_39 = arith.constant 32 : i32
      %mul3A_40 = arith.muli %scan3A_35, %mul3A_39 : i32
      %add3A_41 = arith.addi %add3A_38, %mul3A_40 : i32
      "tpu.region"() ({
        %run_scoped3A = tpu.sem_alloc : memref<!tpu.dma_semaphore, #tpu.memory_space<semaphore_mem>>
        %dma_start3A_162 = arith.constant 0 : i32
        %dma_start3A_163 = tpu.memref_slice %arg3[%add3A_41, %dma_start3A_162] : memref<5120x128xi32, #tpu.memory_space<hbm>> -> memref<32x128xi32, #tpu.memory_space<hbm>>
        %dma_start3A_164 = arith.constant 0 : i32
        %dma_start3A_165 = tpu.memref_slice %arg3[%add3A_41, %dma_start3A_164] : memref<5120x128xi32, #tpu.memory_space<hbm>> -> memref<32x128xi32, #tpu.memory_space<hbm>>
        tpu.enqueue_dma source(%dma_start3A_165 : memref<32x128xi32, #tpu.memory_space<hbm>>) target(%arg8 : memref<32x128xi32, #tpu.memory_space<vmem>>) target_semaphore(%run_scoped3A : memref<!tpu.dma_semaphore, #tpu.memory_space<semaphore_mem>>)
        %dma_wait3A_166 = arith.constant 0 : i32
        %dma_wait3A_167 = tpu.memref_slice %arg3[%add3A_41, %dma_wait3A_166] : memref<5120x128xi32, #tpu.memory_space<hbm>> -> memref<32x128xi32, #tpu.memory_space<hbm>>
        %dma_wait3A_168 = arith.constant 0 : i32
        %dma_wait3A_169 = tpu.memref_slice %arg3[%add3A_41, %dma_wait3A_168] : memref<5120x128xi32, #tpu.memory_space<hbm>> -> memref<32x128xi32, #tpu.memory_space<hbm>>
        tpu.wait_dma2 semaphore(%run_scoped3A : memref<!tpu.dma_semaphore, #tpu.memory_space<semaphore_mem>>) src(%dma_wait3A_169 : memref<32x128xi32, #tpu.memory_space<hbm>>) dst(%arg8 : memref<32x128xi32, #tpu.memory_space<vmem>>)
        tpu.yield
      }) : () -> ()
      "tpu.region"() ({
        %run_scoped3A = tpu.sem_alloc : memref<!tpu.dma_semaphore, #tpu.memory_space<semaphore_mem>>
        %dma_start3A_162 = arith.constant 0 : i32
        %dma_start3A_163 = tpu.memref_slice %arg4[%add3A_41, %dma_start3A_162] : memref<5120x128xi32, #tpu.memory_space<hbm>> -> memref<32x128xi32, #tpu.memory_space<hbm>>
        %dma_start3A_164 = arith.constant 0 : i32
        %dma_start3A_165 = tpu.memref_slice %arg4[%add3A_41, %dma_start3A_164] : memref<5120x128xi32, #tpu.memory_space<hbm>> -> memref<32x128xi32, #tpu.memory_space<hbm>>
        tpu.enqueue_dma source(%dma_start3A_165 : memref<32x128xi32, #tpu.memory_space<hbm>>) target(%arg9 : memref<32x128xi32, #tpu.memory_space<vmem>>) target_semaphore(%run_scoped3A : memref<!tpu.dma_semaphore, #tpu.memory_space<semaphore_mem>>)
        %dma_wait3A_166 = arith.constant 0 : i32
        %dma_wait3A_167 = tpu.memref_slice %arg4[%add3A_41, %dma_wait3A_166] : memref<5120x128xi32, #tpu.memory_space<hbm>> -> memref<32x128xi32, #tpu.memory_space<hbm>>
        %dma_wait3A_168 = arith.constant 0 : i32
        %dma_wait3A_169 = tpu.memref_slice %arg4[%add3A_41, %dma_wait3A_168] : memref<5120x128xi32, #tpu.memory_space<hbm>> -> memref<32x128xi32, #tpu.memory_space<hbm>>
        tpu.wait_dma2 semaphore(%run_scoped3A : memref<!tpu.dma_semaphore, #tpu.memory_space<semaphore_mem>>) src(%dma_wait3A_169 : memref<32x128xi32, #tpu.memory_space<hbm>>) dst(%arg9 : memref<32x128xi32, #tpu.memory_space<vmem>>)
        tpu.yield
      }) : () -> ()
      %dma_start3A = arith.constant 0 : i32
      %dma_start3A_42 = arith.constant 0 : i32
      %dma_start3A_43 = arith.constant 0 : i32
      %dma_start3A_44 = arith.constant 0 : i32
      %dma_start3A_45 = tpu.memref_slice %arg10[%dma_start3A_42, %dma_start3A_43, %dma_start3A_44] : memref<2x128x128xf32, #tpu.memory_space<vmem>> -> memref<1x128x128xf32, #tpu.memory_space<vmem>>
      %dma_start3A_46 = tpu.memref_squeeze %dma_start3A_45 : memref<1x128x128xf32, #tpu.memory_space<vmem>> -> memref<128x128xf32, #tpu.memory_space<vmem>>
      %dma_start3A_47 = arith.constant 0 : i32
      %dma_start3A_48 = tpu.memref_slice %arg8[%dma_start3A, %dma_start3A_47] : memref<32x128xi32, #tpu.memory_space<vmem>> -> memref<1x128xi32, #tpu.memory_space<vmem>>
      %dma_start3A_49 = tpu.memref_squeeze %dma_start3A_48 : memref<1x128xi32, #tpu.memory_space<vmem>> -> memref<128xi32, #tpu.memory_space<vmem>>
      %dma_start3A_50 = arith.constant 0 : i32
      %dma_start3A_51 = arith.constant 0 : i32
      %dma_start3A_52 = tpu.memref_slice %arg2[%scan3A_23, %dma_start3A_50, %dma_start3A_51] : memref<3x10240x128xf32, #tpu.memory_space<hbm>> -> memref<1x10240x128xf32, #tpu.memory_space<hbm>>
      %dma_start3A_53 = tpu.memref_squeeze %dma_start3A_52 : memref<1x10240x128xf32, #tpu.memory_space<hbm>> -> memref<10240x128xf32, #tpu.memory_space<hbm>>
      %dma_start3A_54 = arith.constant 0 : i32
      %dma_start3A_55 = arith.constant 0 : i32
      %dma_start3A_56 = tpu.memref_slice %dma_start3A_53[%dma_start3A_54, %dma_start3A_55] : memref<10240x128xf32, #tpu.memory_space<hbm>> -> memref<10240x128xf32, #tpu.memory_space<hbm>>
      tpu.enqueue_indirect_dma source(%dma_start3A_56 : memref<10240x128xf32, #tpu.memory_space<hbm>>) target(%dma_start3A_46 : memref<128x128xf32, #tpu.memory_space<vmem>>) offsets(%dma_start3A_49 : memref<128xi32, #tpu.memory_space<vmem>>) semaphore(%arg11 : memref<!tpu.dma_semaphore, #tpu.memory_space<semaphore_mem>>)
      %dma_wait3A = arith.constant 0 : i32
      %dma_wait3A_57 = arith.constant 0 : i32
      %dma_wait3A_58 = arith.constant 0 : i32
      %dma_wait3A_59 = tpu.memref_slice %arg10[%dma_wait3A, %dma_wait3A_57, %dma_wait3A_58] : memref<2x128x128xf32, #tpu.memory_space<vmem>> -> memref<1x128x128xf32, #tpu.memory_space<vmem>>
      %dma_wait3A_60 = tpu.memref_squeeze %dma_wait3A_59 : memref<1x128x128xf32, #tpu.memory_space<vmem>> -> memref<128x128xf32, #tpu.memory_space<vmem>>
      %dma_wait3A_61 = arith.constant 0 : i32
      %dma_wait3A_62 = arith.constant 0 : i32
      %dma_wait3A_63 = tpu.memref_slice %arg5[%dma_wait3A_61, %dma_wait3A_62] : memref<10240x128xf32, #tpu.memory_space<hbm>> -> memref<128x128xf32, #tpu.memory_space<hbm>>
      %dma_wait3A_64 = arith.constant 0 : i32
      %dma_wait3A_65 = arith.constant 0 : i32
      %dma_wait3A_66 = tpu.memref_slice %arg10[%dma_wait3A, %dma_wait3A_64, %dma_wait3A_65] : memref<2x128x128xf32, #tpu.memory_space<vmem>> -> memref<1x128x128xf32, #tpu.memory_space<vmem>>
      %dma_wait3A_67 = tpu.memref_squeeze %dma_wait3A_66 : memref<1x128x128xf32, #tpu.memory_space<vmem>> -> memref<128x128xf32, #tpu.memory_space<vmem>>
      %dma_wait3A_68 = arith.constant 0 : i32
      %dma_wait3A_69 = arith.constant 0 : i32
      %dma_wait3A_70 = tpu.memref_slice %arg5[%dma_wait3A_68, %dma_wait3A_69] : memref<10240x128xf32, #tpu.memory_space<hbm>> -> memref<128x128xf32, #tpu.memory_space<hbm>>
      tpu.wait_dma2 semaphore(%arg11 : memref<!tpu.dma_semaphore, #tpu.memory_space<semaphore_mem>>) src(%dma_wait3A_70 : memref<128x128xf32, #tpu.memory_space<hbm>>) dst(%dma_wait3A_67 : memref<128x128xf32, #tpu.memory_space<vmem>>)
      %dma_start3A_71 = arith.constant 1 : i32
      %dma_start3A_72 = arith.constant 1 : i32
      %dma_start3A_73 = arith.constant 0 : i32
      %dma_start3A_74 = arith.constant 0 : i32
      %dma_start3A_75 = tpu.memref_slice %arg10[%dma_start3A_72, %dma_start3A_73, %dma_start3A_74] : memref<2x128x128xf32, #tpu.memory_space<vmem>> -> memref<1x128x128xf32, #tpu.memory_space<vmem>>
      %dma_start3A_76 = tpu.memref_squeeze %dma_start3A_75 : memref<1x128x128xf32, #tpu.memory_space<vmem>> -> memref<128x128xf32, #tpu.memory_space<vmem>>
      %dma_start3A_77 = arith.constant 0 : i32
      %dma_start3A_78 = tpu.memref_slice %arg8[%dma_start3A_71, %dma_start3A_77] : memref<32x128xi32, #tpu.memory_space<vmem>> -> memref<1x128xi32, #tpu.memory_space<vmem>>
      %dma_start3A_79 = tpu.memref_squeeze %dma_start3A_78 : memref<1x128xi32, #tpu.memory_space<vmem>> -> memref<128xi32, #tpu.memory_space<vmem>>
      %dma_start3A_80 = arith.constant 0 : i32
      %dma_start3A_81 = arith.constant 0 : i32
      %dma_start3A_82 = tpu.memref_slice %arg2[%scan3A_23, %dma_start3A_80, %dma_start3A_81] : memref<3x10240x128xf32, #tpu.memory_space<hbm>> -> memref<1x10240x128xf32, #tpu.memory_space<hbm>>
      %dma_start3A_83 = tpu.memref_squeeze %dma_start3A_82 : memref<1x10240x128xf32, #tpu.memory_space<hbm>> -> memref<10240x128xf32, #tpu.memory_space<hbm>>
      %dma_start3A_84 = arith.constant 0 : i32
      %dma_start3A_85 = arith.constant 0 : i32
      %dma_start3A_86 = tpu.memref_slice %dma_start3A_83[%dma_start3A_84, %dma_start3A_85] : memref<10240x128xf32, #tpu.memory_space<hbm>> -> memref<10240x128xf32, #tpu.memory_space<hbm>>
      tpu.enqueue_indirect_dma source(%dma_start3A_86 : memref<10240x128xf32, #tpu.memory_space<hbm>>) target(%dma_start3A_76 : memref<128x128xf32, #tpu.memory_space<vmem>>) offsets(%dma_start3A_79 : memref<128xi32, #tpu.memory_space<vmem>>) semaphore(%arg11 : memref<!tpu.dma_semaphore, #tpu.memory_space<semaphore_mem>>)
      %dma_start3A_87 = arith.constant 0 : i32
      %dma_start3A_88 = arith.constant 0 : i32
      %dma_start3A_89 = arith.constant 0 : i32
      %dma_start3A_90 = arith.constant 0 : i32
      %dma_start3A_91 = tpu.memref_slice %arg10[%dma_start3A_87, %dma_start3A_89, %dma_start3A_90] : memref<2x128x128xf32, #tpu.memory_space<vmem>> -> memref<1x128x128xf32, #tpu.memory_space<vmem>>
      %dma_start3A_92 = tpu.memref_squeeze %dma_start3A_91 : memref<1x128x128xf32, #tpu.memory_space<vmem>> -> memref<128x128xf32, #tpu.memory_space<vmem>>
      %dma_start3A_93 = arith.constant 0 : i32
      %dma_start3A_94 = tpu.memref_slice %arg9[%dma_start3A_88, %dma_start3A_93] : memref<32x128xi32, #tpu.memory_space<vmem>> -> memref<1x128xi32, #tpu.memory_space<vmem>>
      %dma_start3A_95 = tpu.memref_squeeze %dma_start3A_94 : memref<1x128xi32, #tpu.memory_space<vmem>> -> memref<128xi32, #tpu.memory_space<vmem>>
      %dma_start3A_96 = arith.constant 0 : i32
      %dma_start3A_97 = arith.constant 0 : i32
      %dma_start3A_98 = tpu.memref_slice %arg7[%dma_start3A_96, %dma_start3A_97] : memref<10240x128xf32, #tpu.memory_space<vmem_shared>> -> memref<10240x128xf32, #tpu.memory_space<vmem_shared>>
      tpu.enqueue_indirect_dma source(%dma_start3A_92 : memref<128x128xf32, #tpu.memory_space<vmem>>) target(%dma_start3A_98 : memref<10240x128xf32, #tpu.memory_space<vmem_shared>>) offsets(%dma_start3A_95 : memref<128xi32, #tpu.memory_space<vmem>>) semaphore(%arg12 : memref<!tpu.dma_semaphore, #tpu.memory_space<semaphore_mem>>) {add = true}
      %scan3A_99 = arith.constant 0 : i32
      %scan3A_100 = arith.constant 0 : i32
      %scan3A_101 = arith.constant 15 : i32
      %scan3A_102 = arith.addi %scan3A_100, %scan3A_101 : i32
      %scan3A_103 = arith.constant 1 : i32
      scf.for %scan3A_162 = %scan3A_100 to %scan3A_102 step %scan3A_103  : i32 {
        %dma_wait3A_163 = arith.constant 0 : i32
        %dma_wait3A_164 = arith.constant 0 : i32
        %dma_wait3A_165 = arith.constant 0 : i32
        %dma_wait3A_166 = tpu.memref_slice %arg10[%dma_wait3A_163, %dma_wait3A_164, %dma_wait3A_165] : memref<2x128x128xf32, #tpu.memory_space<vmem>> -> memref<1x128x128xf32, #tpu.memory_space<vmem>>
        %dma_wait3A_167 = tpu.memref_squeeze %dma_wait3A_166 : memref<1x128x128xf32, #tpu.memory_space<vmem>> -> memref<128x128xf32, #tpu.memory_space<vmem>>
        %dma_wait3A_168 = arith.constant 0 : i32
        %dma_wait3A_169 = arith.constant 0 : i32
        %dma_wait3A_170 = tpu.memref_slice %arg5[%dma_wait3A_168, %dma_wait3A_169] : memref<10240x128xf32, #tpu.memory_space<hbm>> -> memref<128x128xf32, #tpu.memory_space<hbm>>
        %dma_wait3A_171 = arith.constant 0 : i32
        %dma_wait3A_172 = arith.constant 0 : i32
        %dma_wait3A_173 = tpu.memref_slice %arg10[%dma_wait3A_163, %dma_wait3A_171, %dma_wait3A_172] : memref<2x128x128xf32, #tpu.memory_space<vmem>> -> memref<1x128x128xf32, #tpu.memory_space<vmem>>
        %dma_wait3A_174 = tpu.memref_squeeze %dma_wait3A_173 : memref<1x128x128xf32, #tpu.memory_space<vmem>> -> memref<128x128xf32, #tpu.memory_space<vmem>>
        %dma_wait3A_175 = arith.constant 0 : i32
        %dma_wait3A_176 = arith.constant 0 : i32
        %dma_wait3A_177 = tpu.memref_slice %arg5[%dma_wait3A_175, %dma_wait3A_176] : memref<10240x128xf32, #tpu.memory_space<hbm>> -> memref<128x128xf32, #tpu.memory_space<hbm>>
        tpu.wait_dma2 semaphore(%arg11 : memref<!tpu.dma_semaphore, #tpu.memory_space<semaphore_mem>>) src(%dma_wait3A_177 : memref<128x128xf32, #tpu.memory_space<hbm>>) dst(%dma_wait3A_174 : memref<128x128xf32, #tpu.memory_space<vmem>>)
        %dma_wait3A_178 = arith.constant 0 : i32
        %dma_wait3A_179 = arith.constant 0 : i32
        %dma_wait3A_180 = arith.constant 0 : i32
        %dma_wait3A_181 = tpu.memref_slice %arg10[%dma_wait3A_178, %dma_wait3A_179, %dma_wait3A_180] : memref<2x128x128xf32, #tpu.memory_space<vmem>> -> memref<1x128x128xf32, #tpu.memory_space<vmem>>
        %dma_wait3A_182 = tpu.memref_squeeze %dma_wait3A_181 : memref<1x128x128xf32, #tpu.memory_space<vmem>> -> memref<128x128xf32, #tpu.memory_space<vmem>>
        %dma_wait3A_183 = arith.constant 0 : i32
        %dma_wait3A_184 = arith.constant 0 : i32
        %dma_wait3A_185 = tpu.memref_slice %arg5[%dma_wait3A_183, %dma_wait3A_184] : memref<10240x128xf32, #tpu.memory_space<hbm>> -> memref<128x128xf32, #tpu.memory_space<hbm>>
        %dma_wait3A_186 = arith.constant 0 : i32
        %dma_wait3A_187 = arith.constant 0 : i32
        %dma_wait3A_188 = tpu.memref_slice %arg10[%dma_wait3A_178, %dma_wait3A_186, %dma_wait3A_187] : memref<2x128x128xf32, #tpu.memory_space<vmem>> -> memref<1x128x128xf32, #tpu.memory_space<vmem>>
        %dma_wait3A_189 = tpu.memref_squeeze %dma_wait3A_188 : memref<1x128x128xf32, #tpu.memory_space<vmem>> -> memref<128x128xf32, #tpu.memory_space<vmem>>
        %dma_wait3A_190 = arith.constant 0 : i32
        %dma_wait3A_191 = arith.constant 0 : i32
        %dma_wait3A_192 = tpu.memref_slice %arg5[%dma_wait3A_190, %dma_wait3A_191] : memref<10240x128xf32, #tpu.memory_space<hbm>> -> memref<128x128xf32, #tpu.memory_space<hbm>>
        tpu.wait_dma2 semaphore(%arg12 : memref<!tpu.dma_semaphore, #tpu.memory_space<semaphore_mem>>) src(%dma_wait3A_192 : memref<128x128xf32, #tpu.memory_space<hbm>>) dst(%dma_wait3A_189 : memref<128x128xf32, #tpu.memory_space<vmem>>)
        %mul3A_193 = arith.constant 2 : i32
        %mul3A_194 = arith.muli %mul3A_193, %scan3A_162 : i32
        %add3A_195 = arith.constant 2 : i32
        %add3A_196 = arith.addi %mul3A_194, %add3A_195 : i32
        %dma_start3A_197 = arith.constant 0 : i32
        %dma_start3A_198 = arith.constant 0 : i32
        %dma_start3A_199 = arith.constant 0 : i32
        %dma_start3A_200 = tpu.memref_slice %arg10[%dma_start3A_197, %dma_start3A_198, %dma_start3A_199] : memref<2x128x128xf32, #tpu.memory_space<vmem>> -> memref<1x128x128xf32, #tpu.memory_space<vmem>>
        %dma_start3A_201 = tpu.memref_squeeze %dma_start3A_200 : memref<1x128x128xf32, #tpu.memory_space<vmem>> -> memref<128x128xf32, #tpu.memory_space<vmem>>
        %dma_start3A_202 = arith.constant 0 : i32
        %dma_start3A_203 = tpu.memref_slice %arg8[%add3A_196, %dma_start3A_202] : memref<32x128xi32, #tpu.memory_space<vmem>> -> memref<1x128xi32, #tpu.memory_space<vmem>>
        %dma_start3A_204 = tpu.memref_squeeze %dma_start3A_203 : memref<1x128xi32, #tpu.memory_space<vmem>> -> memref<128xi32, #tpu.memory_space<vmem>>
        %dma_start3A_205 = arith.constant 0 : i32
        %dma_start3A_206 = arith.constant 0 : i32
        %dma_start3A_207 = tpu.memref_slice %arg2[%scan3A_23, %dma_start3A_205, %dma_start3A_206] : memref<3x10240x128xf32, #tpu.memory_space<hbm>> -> memref<1x10240x128xf32, #tpu.memory_space<hbm>>
        %dma_start3A_208 = tpu.memref_squeeze %dma_start3A_207 : memref<1x10240x128xf32, #tpu.memory_space<hbm>> -> memref<10240x128xf32, #tpu.memory_space<hbm>>
        %dma_start3A_209 = arith.constant 0 : i32
        %dma_start3A_210 = arith.constant 0 : i32
        %dma_start3A_211 = tpu.memref_slice %dma_start3A_208[%dma_start3A_209, %dma_start3A_210] : memref<10240x128xf32, #tpu.memory_space<hbm>> -> memref<10240x128xf32, #tpu.memory_space<hbm>>
        tpu.enqueue_indirect_dma source(%dma_start3A_211 : memref<10240x128xf32, #tpu.memory_space<hbm>>) target(%dma_start3A_201 : memref<128x128xf32, #tpu.memory_space<vmem>>) offsets(%dma_start3A_204 : memref<128xi32, #tpu.memory_space<vmem>>) semaphore(%arg11 : memref<!tpu.dma_semaphore, #tpu.memory_space<semaphore_mem>>)
        %mul3A_212 = arith.constant 2 : i32
        %mul3A_213 = arith.muli %mul3A_212, %scan3A_162 : i32
        %add3A_214 = arith.constant 1 : i32
        %add3A_215 = arith.addi %mul3A_213, %add3A_214 : i32
        %dma_start3A_216 = arith.constant 1 : i32
        %dma_start3A_217 = arith.constant 0 : i32
        %dma_start3A_218 = arith.constant 0 : i32
        %dma_start3A_219 = tpu.memref_slice %arg10[%dma_start3A_216, %dma_start3A_217, %dma_start3A_218] : memref<2x128x128xf32, #tpu.memory_space<vmem>> -> memref<1x128x128xf32, #tpu.memory_space<vmem>>
        %dma_start3A_220 = tpu.memref_squeeze %dma_start3A_219 : memref<1x128x128xf32, #tpu.memory_space<vmem>> -> memref<128x128xf32, #tpu.memory_space<vmem>>
        %dma_start3A_221 = arith.constant 0 : i32
        %dma_start3A_222 = tpu.memref_slice %arg9[%add3A_215, %dma_start3A_221] : memref<32x128xi32, #tpu.memory_space<vmem>> -> memref<1x128xi32, #tpu.memory_space<vmem>>
        %dma_start3A_223 = tpu.memref_squeeze %dma_start3A_222 : memref<1x128xi32, #tpu.memory_space<vmem>> -> memref<128xi32, #tpu.memory_space<vmem>>
        %dma_start3A_224 = arith.constant 0 : i32
        %dma_start3A_225 = arith.constant 0 : i32
        %dma_start3A_226 = tpu.memref_slice %arg7[%dma_start3A_224, %dma_start3A_225] : memref<10240x128xf32, #tpu.memory_space<vmem_shared>> -> memref<10240x128xf32, #tpu.memory_space<vmem_shared>>
        tpu.enqueue_indirect_dma source(%dma_start3A_220 : memref<128x128xf32, #tpu.memory_space<vmem>>) target(%dma_start3A_226 : memref<10240x128xf32, #tpu.memory_space<vmem_shared>>) offsets(%dma_start3A_223 : memref<128xi32, #tpu.memory_space<vmem>>) semaphore(%arg12 : memref<!tpu.dma_semaphore, #tpu.memory_space<semaphore_mem>>) {add = true}
        %dma_wait3A_227 = arith.constant 0 : i32
        %dma_wait3A_228 = arith.constant 0 : i32
        %dma_wait3A_229 = arith.constant 0 : i32
        %dma_wait3A_230 = tpu.memref_slice %arg10[%dma_wait3A_227, %dma_wait3A_228, %dma_wait3A_229] : memref<2x128x128xf32, #tpu.memory_space<vmem>> -> memref<1x128x128xf32, #tpu.memory_space<vmem>>
        %dma_wait3A_231 = tpu.memref_squeeze %dma_wait3A_230 : memref<1x128x128xf32, #tpu.memory_space<vmem>> -> memref<128x128xf32, #tpu.memory_space<vmem>>
        %dma_wait3A_232 = arith.constant 0 : i32
        %dma_wait3A_233 = arith.constant 0 : i32
        %dma_wait3A_234 = tpu.memref_slice %arg5[%dma_wait3A_232, %dma_wait3A_233] : memref<10240x128xf32, #tpu.memory_space<hbm>> -> memref<128x128xf32, #tpu.memory_space<hbm>>
        %dma_wait3A_235 = arith.constant 0 : i32
        %dma_wait3A_236 = arith.constant 0 : i32
        %dma_wait3A_237 = tpu.memref_slice %arg10[%dma_wait3A_227, %dma_wait3A_235, %dma_wait3A_236] : memref<2x128x128xf32, #tpu.memory_space<vmem>> -> memref<1x128x128xf32, #tpu.memory_space<vmem>>
        %dma_wait3A_238 = tpu.memref_squeeze %dma_wait3A_237 : memref<1x128x128xf32, #tpu.memory_space<vmem>> -> memref<128x128xf32, #tpu.memory_space<vmem>>
        %dma_wait3A_239 = arith.constant 0 : i32
        %dma_wait3A_240 = arith.constant 0 : i32
        %dma_wait3A_241 = tpu.memref_slice %arg5[%dma_wait3A_239, %dma_wait3A_240] : memref<10240x128xf32, #tpu.memory_space<hbm>> -> memref<128x128xf32, #tpu.memory_space<hbm>>
        tpu.wait_dma2 semaphore(%arg11 : memref<!tpu.dma_semaphore, #tpu.memory_space<semaphore_mem>>) src(%dma_wait3A_241 : memref<128x128xf32, #tpu.memory_space<hbm>>) dst(%dma_wait3A_238 : memref<128x128xf32, #tpu.memory_space<vmem>>)
        %dma_wait3A_242 = arith.constant 0 : i32
        %dma_wait3A_243 = arith.constant 0 : i32
        %dma_wait3A_244 = arith.constant 0 : i32
        %dma_wait3A_245 = tpu.memref_slice %arg10[%dma_wait3A_242, %dma_wait3A_243, %dma_wait3A_244] : memref<2x128x128xf32, #tpu.memory_space<vmem>> -> memref<1x128x128xf32, #tpu.memory_space<vmem>>
        %dma_wait3A_246 = tpu.memref_squeeze %dma_wait3A_245 : memref<1x128x128xf32, #tpu.memory_space<vmem>> -> memref<128x128xf32, #tpu.memory_space<vmem>>
        %dma_wait3A_247 = arith.constant 0 : i32
        %dma_wait3A_248 = arith.constant 0 : i32
        %dma_wait3A_249 = tpu.memref_slice %arg5[%dma_wait3A_247, %dma_wait3A_248] : memref<10240x128xf32, #tpu.memory_space<hbm>> -> memref<128x128xf32, #tpu.memory_space<hbm>>
        %dma_wait3A_250 = arith.constant 0 : i32
        %dma_wait3A_251 = arith.constant 0 : i32
        %dma_wait3A_252 = tpu.memref_slice %arg10[%dma_wait3A_242, %dma_wait3A_250, %dma_wait3A_251] : memref<2x128x128xf32, #tpu.memory_space<vmem>> -> memref<1x128x128xf32, #tpu.memory_space<vmem>>
        %dma_wait3A_253 = tpu.memref_squeeze %dma_wait3A_252 : memref<1x128x128xf32, #tpu.memory_space<vmem>> -> memref<128x128xf32, #tpu.memory_space<vmem>>
        %dma_wait3A_254 = arith.constant 0 : i32
        %dma_wait3A_255 = arith.constant 0 : i32
        %dma_wait3A_256 = tpu.memref_slice %arg5[%dma_wait3A_254, %dma_wait3A_255] : memref<10240x128xf32, #tpu.memory_space<hbm>> -> memref<128x128xf32, #tpu.memory_space<hbm>>
        tpu.wait_dma2 semaphore(%arg12 : memref<!tpu.dma_semaphore, #tpu.memory_space<semaphore_mem>>) src(%dma_wait3A_256 : memref<128x128xf32, #tpu.memory_space<hbm>>) dst(%dma_wait3A_253 : memref<128x128xf32, #tpu.memory_space<vmem>>)
        %mul3A_257 = arith.constant 2 : i32
        %mul3A_258 = arith.muli %mul3A_257, %scan3A_162 : i32
        %add3A_259 = arith.constant 3 : i32
        %add3A_260 = arith.addi %mul3A_258, %add3A_259 : i32
        %dma_start3A_261 = arith.constant 1 : i32
        %dma_start3A_262 = arith.constant 0 : i32
        %dma_start3A_263 = arith.constant 0 : i32
        %dma_start3A_264 = tpu.memref_slice %arg10[%dma_start3A_261, %dma_start3A_262, %dma_start3A_263] : memref<2x128x128xf32, #tpu.memory_space<vmem>> -> memref<1x128x128xf32, #tpu.memory_space<vmem>>
        %dma_start3A_265 = tpu.memref_squeeze %dma_start3A_264 : memref<1x128x128xf32, #tpu.memory_space<vmem>> -> memref<128x128xf32, #tpu.memory_space<vmem>>
        %dma_start3A_266 = arith.constant 0 : i32
        %dma_start3A_267 = tpu.memref_slice %arg8[%add3A_260, %dma_start3A_266] : memref<32x128xi32, #tpu.memory_space<vmem>> -> memref<1x128xi32, #tpu.memory_space<vmem>>
        %dma_start3A_268 = tpu.memref_squeeze %dma_start3A_267 : memref<1x128xi32, #tpu.memory_space<vmem>> -> memref<128xi32, #tpu.memory_space<vmem>>
        %dma_start3A_269 = arith.constant 0 : i32
        %dma_start3A_270 = arith.constant 0 : i32
        %dma_start3A_271 = tpu.memref_slice %arg2[%scan3A_23, %dma_start3A_269, %dma_start3A_270] : memref<3x10240x128xf32, #tpu.memory_space<hbm>> -> memref<1x10240x128xf32, #tpu.memory_space<hbm>>
        %dma_start3A_272 = tpu.memref_squeeze %dma_start3A_271 : memref<1x10240x128xf32, #tpu.memory_space<hbm>> -> memref<10240x128xf32, #tpu.memory_space<hbm>>
        %dma_start3A_273 = arith.constant 0 : i32
        %dma_start3A_274 = arith.constant 0 : i32
        %dma_start3A_275 = tpu.memref_slice %dma_start3A_272[%dma_start3A_273, %dma_start3A_274] : memref<10240x128xf32, #tpu.memory_space<hbm>> -> memref<10240x128xf32, #tpu.memory_space<hbm>>
        tpu.enqueue_indirect_dma source(%dma_start3A_275 : memref<10240x128xf32, #tpu.memory_space<hbm>>) target(%dma_start3A_265 : memref<128x128xf32, #tpu.memory_space<vmem>>) offsets(%dma_start3A_268 : memref<128xi32, #tpu.memory_space<vmem>>) semaphore(%arg11 : memref<!tpu.dma_semaphore, #tpu.memory_space<semaphore_mem>>)
        %mul3A_276 = arith.constant 2 : i32
        %mul3A_277 = arith.muli %mul3A_276, %scan3A_162 : i32
        %add3A_278 = arith.constant 2 : i32
        %add3A_279 = arith.addi %mul3A_277, %add3A_278 : i32
        %dma_start3A_280 = arith.constant 0 : i32
        %dma_start3A_281 = arith.constant 0 : i32
        %dma_start3A_282 = arith.constant 0 : i32
        %dma_start3A_283 = tpu.memref_slice %arg10[%dma_start3A_280, %dma_start3A_281, %dma_start3A_282] : memref<2x128x128xf32, #tpu.memory_space<vmem>> -> memref<1x128x128xf32, #tpu.memory_space<vmem>>
        %dma_start3A_284 = tpu.memref_squeeze %dma_start3A_283 : memref<1x128x128xf32, #tpu.memory_space<vmem>> -> memref<128x128xf32, #tpu.memory_space<vmem>>
        %dma_start3A_285 = arith.constant 0 : i32
        %dma_start3A_286 = tpu.memref_slice %arg9[%add3A_279, %dma_start3A_285] : memref<32x128xi32, #tpu.memory_space<vmem>> -> memref<1x128xi32, #tpu.memory_space<vmem>>
        %dma_start3A_287 = tpu.memref_squeeze %dma_start3A_286 : memref<1x128xi32, #tpu.memory_space<vmem>> -> memref<128xi32, #tpu.memory_space<vmem>>
        %dma_start3A_288 = arith.constant 0 : i32
        %dma_start3A_289 = arith.constant 0 : i32
        %dma_start3A_290 = tpu.memref_slice %arg7[%dma_start3A_288, %dma_start3A_289] : memref<10240x128xf32, #tpu.memory_space<vmem_shared>> -> memref<10240x128xf32, #tpu.memory_space<vmem_shared>>
        tpu.enqueue_indirect_dma source(%dma_start3A_284 : memref<128x128xf32, #tpu.memory_space<vmem>>) target(%dma_start3A_290 : memref<10240x128xf32, #tpu.memory_space<vmem_shared>>) offsets(%dma_start3A_287 : memref<128xi32, #tpu.memory_space<vmem>>) semaphore(%arg12 : memref<!tpu.dma_semaphore, #tpu.memory_space<semaphore_mem>>) {add = true}
      }
      %scan3A_104 = arith.constant 15 : i32
      %dma_wait3A_105 = arith.constant 0 : i32
      %dma_wait3A_106 = arith.constant 0 : i32
      %dma_wait3A_107 = arith.constant 0 : i32
      %dma_wait3A_108 = tpu.memref_slice %arg10[%dma_wait3A_105, %dma_wait3A_106, %dma_wait3A_107] : memref<2x128x128xf32, #tpu.memory_space<vmem>> -> memref<1x128x128xf32, #tpu.memory_space<vmem>>
      %dma_wait3A_109 = tpu.memref_squeeze %dma_wait3A_108 : memref<1x128x128xf32, #tpu.memory_space<vmem>> -> memref<128x128xf32, #tpu.memory_space<vmem>>
      %dma_wait3A_110 = arith.constant 0 : i32
      %dma_wait3A_111 = arith.constant 0 : i32
      %dma_wait3A_112 = tpu.memref_slice %arg5[%dma_wait3A_110, %dma_wait3A_111] : memref<10240x128xf32, #tpu.memory_space<hbm>> -> memref<128x128xf32, #tpu.memory_space<hbm>>
      %dma_wait3A_113 = arith.constant 0 : i32
      %dma_wait3A_114 = arith.constant 0 : i32
      %dma_wait3A_115 = tpu.memref_slice %arg10[%dma_wait3A_105, %dma_wait3A_113, %dma_wait3A_114] : memref<2x128x128xf32, #tpu.memory_space<vmem>> -> memref<1x128x128xf32, #tpu.memory_space<vmem>>
      %dma_wait3A_116 = tpu.memref_squeeze %dma_wait3A_115 : memref<1x128x128xf32, #tpu.memory_space<vmem>> -> memref<128x128xf32, #tpu.memory_space<vmem>>
      %dma_wait3A_117 = arith.constant 0 : i32
      %dma_wait3A_118 = arith.constant 0 : i32
      %dma_wait3A_119 = tpu.memref_slice %arg5[%dma_wait3A_117, %dma_wait3A_118] : memref<10240x128xf32, #tpu.memory_space<hbm>> -> memref<128x128xf32, #tpu.memory_space<hbm>>
      tpu.wait_dma2 semaphore(%arg11 : memref<!tpu.dma_semaphore, #tpu.memory_space<semaphore_mem>>) src(%dma_wait3A_119 : memref<128x128xf32, #tpu.memory_space<hbm>>) dst(%dma_wait3A_116 : memref<128x128xf32, #tpu.memory_space<vmem>>)
      %dma_wait3A_120 = arith.constant 0 : i32
      %dma_wait3A_121 = arith.constant 0 : i32
      %dma_wait3A_122 = arith.constant 0 : i32
      %dma_wait3A_123 = tpu.memref_slice %arg10[%dma_wait3A_120, %dma_wait3A_121, %dma_wait3A_122] : memref<2x128x128xf32, #tpu.memory_space<vmem>> -> memref<1x128x128xf32, #tpu.memory_space<vmem>>
      %dma_wait3A_124 = tpu.memref_squeeze %dma_wait3A_123 : memref<1x128x128xf32, #tpu.memory_space<vmem>> -> memref<128x128xf32, #tpu.memory_space<vmem>>
      %dma_wait3A_125 = arith.constant 0 : i32
      %dma_wait3A_126 = arith.constant 0 : i32
      %dma_wait3A_127 = tpu.memref_slice %arg5[%dma_wait3A_125, %dma_wait3A_126] : memref<10240x128xf32, #tpu.memory_space<hbm>> -> memref<128x128xf32, #tpu.memory_space<hbm>>
      %dma_wait3A_128 = arith.constant 0 : i32
      %dma_wait3A_129 = arith.constant 0 : i32
      %dma_wait3A_130 = tpu.memref_slice %arg10[%dma_wait3A_120, %dma_wait3A_128, %dma_wait3A_129] : memref<2x128x128xf32, #tpu.memory_space<vmem>> -> memref<1x128x128xf32, #tpu.memory_space<vmem>>
      %dma_wait3A_131 = tpu.memref_squeeze %dma_wait3A_130 : memref<1x128x128xf32, #tpu.memory_space<vmem>> -> memref<128x128xf32, #tpu.memory_space<vmem>>
      %dma_wait3A_132 = arith.constant 0 : i32
      %dma_wait3A_133 = arith.constant 0 : i32
      %dma_wait3A_134 = tpu.memref_slice %arg5[%dma_wait3A_132, %dma_wait3A_133] : memref<10240x128xf32, #tpu.memory_space<hbm>> -> memref<128x128xf32, #tpu.memory_space<hbm>>
      tpu.wait_dma2 semaphore(%arg12 : memref<!tpu.dma_semaphore, #tpu.memory_space<semaphore_mem>>) src(%dma_wait3A_134 : memref<128x128xf32, #tpu.memory_space<hbm>>) dst(%dma_wait3A_131 : memref<128x128xf32, #tpu.memory_space<vmem>>)
      %dma_start3A_135 = arith.constant 1 : i32
      %dma_start3A_136 = arith.constant 31 : i32
      %dma_start3A_137 = arith.constant 0 : i32
      %dma_start3A_138 = arith.constant 0 : i32
      %dma_start3A_139 = tpu.memref_slice %arg10[%dma_start3A_135, %dma_start3A_137, %dma_start3A_138] : memref<2x128x128xf32, #tpu.memory_space<vmem>> -> memref<1x128x128xf32, #tpu.memory_space<vmem>>
      %dma_start3A_140 = tpu.memref_squeeze %dma_start3A_139 : memref<1x128x128xf32, #tpu.memory_space<vmem>> -> memref<128x128xf32, #tpu.memory_space<vmem>>
      %dma_start3A_141 = arith.constant 0 : i32
      %dma_start3A_142 = tpu.memref_slice %arg9[%dma_start3A_136, %dma_start3A_141] : memref<32x128xi32, #tpu.memory_space<vmem>> -> memref<1x128xi32, #tpu.memory_space<vmem>>
      %dma_start3A_143 = tpu.memref_squeeze %dma_start3A_142 : memref<1x128xi32, #tpu.memory_space<vmem>> -> memref<128xi32, #tpu.memory_space<vmem>>
      %dma_start3A_144 = arith.constant 0 : i32
      %dma_start3A_145 = arith.constant 0 : i32
      %dma_start3A_146 = tpu.memref_slice %arg7[%dma_start3A_144, %dma_start3A_145] : memref<10240x128xf32, #tpu.memory_space<vmem_shared>> -> memref<10240x128xf32, #tpu.memory_space<vmem_shared>>
      tpu.enqueue_indirect_dma source(%dma_start3A_140 : memref<128x128xf32, #tpu.memory_space<vmem>>) target(%dma_start3A_146 : memref<10240x128xf32, #tpu.memory_space<vmem_shared>>) offsets(%dma_start3A_143 : memref<128xi32, #tpu.memory_space<vmem>>) semaphore(%arg12 : memref<!tpu.dma_semaphore, #tpu.memory_space<semaphore_mem>>) {add = true}
      %dma_wait3A_147 = arith.constant 0 : i32
      %dma_wait3A_148 = arith.constant 0 : i32
      %dma_wait3A_149 = arith.constant 0 : i32
      %dma_wait3A_150 = tpu.memref_slice %arg10[%dma_wait3A_147, %dma_wait3A_148, %dma_wait3A_149] : memref<2x128x128xf32, #tpu.memory_space<vmem>> -> memref<1x128x128xf32, #tpu.memory_space<vmem>>
      %dma_wait3A_151 = tpu.memref_squeeze %dma_wait3A_150 : memref<1x128x128xf32, #tpu.memory_space<vmem>> -> memref<128x128xf32, #tpu.memory_space<vmem>>
      %dma_wait3A_152 = arith.constant 0 : i32
      %dma_wait3A_153 = arith.constant 0 : i32
      %dma_wait3A_154 = tpu.memref_slice %arg5[%dma_wait3A_152, %dma_wait3A_153] : memref<10240x128xf32, #tpu.memory_space<hbm>> -> memref<128x128xf32, #tpu.memory_space<hbm>>
      %dma_wait3A_155 = arith.constant 0 : i32
      %dma_wait3A_156 = arith.constant 0 : i32
      %dma_wait3A_157 = tpu.memref_slice %arg10[%dma_wait3A_147, %dma_wait3A_155, %dma_wait3A_156] : memref<2x128x128xf32, #tpu.memory_space<vmem>> -> memref<1x128x128xf32, #tpu.memory_space<vmem>>
      %dma_wait3A_158 = tpu.memref_squeeze %dma_wait3A_157 : memref<1x128x128xf32, #tpu.memory_space<vmem>> -> memref<128x128xf32, #tpu.memory_space<vmem>>
      %dma_wait3A_159 = arith.constant 0 : i32
      %dma_wait3A_160 = arith.constant 0 : i32
      %dma_wait3A_161 = tpu.memref_slice %arg5[%dma_wait3A_159, %dma_wait3A_160] : memref<10240x128xf32, #tpu.memory_space<hbm>> -> memref<128x128xf32, #tpu.memory_space<hbm>>
      tpu.wait_dma2 semaphore(%arg12 : memref<!tpu.dma_semaphore, #tpu.memory_space<semaphore_mem>>) src(%dma_wait3A_161 : memref<128x128xf32, #tpu.memory_space<hbm>>) dst(%dma_wait3A_158 : memref<128x128xf32, #tpu.memory_space<vmem>>)
    }
    %scan3A_28 = arith.constant 5 : i32
    %barrier3A_29 = arith.constant 0 : index
    tpu.barrier barrier_id(%barrier3A_29)
    %mul3A_30 = arith.constant 640 : i32
    %mul3A_31 = arith.muli %arg1, %mul3A_30 : i32
    %mul3A_32 = arith.constant 640 : i32
    %mul3A_33 = arith.muli %arg1, %mul3A_32 : i32
    "tpu.region"() ({
      %run_scoped3A = tpu.sem_alloc : memref<!tpu.dma_semaphore, #tpu.memory_space<semaphore_mem>>
      %dma_start3A = arith.constant 0 : i32
      %dma_start3A_35 = arith.constant 0 : i32
      %dma_start3A_36 = tpu.memref_slice %arg6[%add3A_14, %dma_start3A, %dma_start3A_35] : memref<4x10240x128xf32, #tpu.memory_space<hbm>> -> memref<1x10240x128xf32, #tpu.memory_space<hbm>>
      %dma_start3A_37 = tpu.memref_squeeze %dma_start3A_36 : memref<1x10240x128xf32, #tpu.memory_space<hbm>> -> memref<10240x128xf32, #tpu.memory_space<hbm>>
      %dma_start3A_38 = arith.constant 0 : i32
      %dma_start3A_39 = tpu.memref_slice %dma_start3A_37[%mul3A_33, %dma_start3A_38] : memref<10240x128xf32, #tpu.memory_space<hbm>> -> memref<640x128xf32, #tpu.memory_space<hbm>>
      %dma_start3A_40 = arith.constant 0 : i32
      %dma_start3A_41 = tpu.memref_slice %arg7[%mul3A_31, %dma_start3A_40] : memref<10240x128xf32, #tpu.memory_space<vmem_shared>> -> memref<640x128xf32, #tpu.memory_space<vmem_shared>>
      tpu.enqueue_dma source(%dma_start3A_41 : memref<640x128xf32, #tpu.memory_space<vmem_shared>>) target(%dma_start3A_39 : memref<640x128xf32, #tpu.memory_space<hbm>>) target_semaphore(%run_scoped3A : memref<!tpu.dma_semaphore, #tpu.memory_space<semaphore_mem>>)
      %dma_wait3A = arith.constant 0 : i32
      %dma_wait3A_42 = arith.constant 0 : i32
      %dma_wait3A_43 = tpu.memref_slice %arg6[%add3A_14, %dma_wait3A, %dma_wait3A_42] : memref<4x10240x128xf32, #tpu.memory_space<hbm>> -> memref<1x10240x128xf32, #tpu.memory_space<hbm>>
      %dma_wait3A_44 = tpu.memref_squeeze %dma_wait3A_43 : memref<1x10240x128xf32, #tpu.memory_space<hbm>> -> memref<10240x128xf32, #tpu.memory_space<hbm>>
      %dma_wait3A_45 = arith.constant 0 : i32
      %dma_wait3A_46 = tpu.memref_slice %dma_wait3A_44[%mul3A_33, %dma_wait3A_45] : memref<10240x128xf32, #tpu.memory_space<hbm>> -> memref<640x128xf32, #tpu.memory_space<hbm>>
      %dma_wait3A_47 = arith.constant 0 : i32
      %dma_wait3A_48 = tpu.memref_slice %arg7[%mul3A_31, %dma_wait3A_47] : memref<10240x128xf32, #tpu.memory_space<vmem_shared>> -> memref<640x128xf32, #tpu.memory_space<vmem_shared>>
      tpu.wait_dma2 semaphore(%run_scoped3A : memref<!tpu.dma_semaphore, #tpu.memory_space<semaphore_mem>>) src(%dma_wait3A_48 : memref<640x128xf32, #tpu.memory_space<vmem_shared>>) dst(%dma_wait3A_46 : memref<640x128xf32, #tpu.memory_space<hbm>>)
      tpu.yield
    }) : () -> ()
    %barrier3A_34 = arith.constant 0 : index
    tpu.barrier barrier_id(%barrier3A_34)
    return
  }
}

#map = affine_map<(d0, d1) -> (0, 0, 0)>
#map1 = affine_map<(d0, d1) -> (0, 0)>
module attributes {stable_mosaic.version = 14 : i64} {
  func.func @agg(%arg0: i32, %arg1: i32, %arg2: memref<4x10240x128xf32, #tpu.memory_space<hbm>>, %arg3: memref<5120x128xi32, #tpu.memory_space<hbm>>, %arg4: memref<5120x128xi32, #tpu.memory_space<hbm>>, %arg5: memref<10240x128xf32, #tpu.memory_space<hbm>>, %arg6: memref<4x10240x128xf32, #tpu.memory_space<hbm>>, %arg7: memref<10240x128xf32, #tpu.memory_space<vmem_shared>>, %arg8: memref<32x128xi32, #tpu.memory_space<vmem>>, %arg9: memref<32x128xi32, #tpu.memory_space<vmem>>, %arg10: memref<2x128x128xf32, #tpu.memory_space<vmem>>, %arg11: memref<!tpu.dma_semaphore, #tpu.memory_space<semaphore_mem>>, %arg12: memref<!tpu.dma_semaphore, #tpu.memory_space<semaphore_mem>>) attributes {dimension_semantics = [#tpu.dimension_semantics<core_parallel>, #tpu.dimension_semantics<subcore_parallel>], iteration_bounds = array<i64: 2, 16>, scalar_prefetch = 0 : i64, scratch_operands = 6 : i64, tpu.core_type = #tpu.core_type<sc_vector_subcore>, window_params = [{transform_indices = #map}, {transform_indices = #map1}, {transform_indices = #map1}, {transform_indices = #map1}, {transform_indices = #map}]} {
    %mul3A = arith.constant 2 : i32
    %mul3A_0 = arith.muli %mul3A, %arg0 : i32
    %mul3A_1 = arith.constant 2 : i32
    %mul3A_2 = arith.muli %mul3A_1, %arg0 : i32
    %mul3A_3 = arith.constant 640 : i32
    %mul3A_4 = arith.muli %arg1, %mul3A_3 : i32
    %mul3A_5 = arith.constant 640 : i32
    %mul3A_6 = arith.muli %arg1, %mul3A_5 : i32
    "tpu.region"() ({
      %run_scoped3A = tpu.sem_alloc : memref<!tpu.dma_semaphore, #tpu.memory_space<semaphore_mem>>
      %dma_start3A = arith.constant 0 : i32
      %dma_start3A_42 = tpu.memref_slice %arg7[%mul3A_6, %dma_start3A] : memref<10240x128xf32, #tpu.memory_space<vmem_shared>> -> memref<640x128xf32, #tpu.memory_space<vmem_shared>>
      %dma_start3A_43 = arith.constant 0 : i32
      %dma_start3A_44 = tpu.memref_slice %arg5[%mul3A_4, %dma_start3A_43] : memref<10240x128xf32, #tpu.memory_space<hbm>> -> memref<640x128xf32, #tpu.memory_space<hbm>>
      tpu.enqueue_dma source(%dma_start3A_44 : memref<640x128xf32, #tpu.memory_space<hbm>>) target(%dma_start3A_42 : memref<640x128xf32, #tpu.memory_space<vmem_shared>>) target_semaphore(%run_scoped3A : memref<!tpu.dma_semaphore, #tpu.memory_space<semaphore_mem>>)
      %dma_wait3A = arith.constant 0 : i32
      %dma_wait3A_45 = tpu.memref_slice %arg7[%mul3A_6, %dma_wait3A] : memref<10240x128xf32, #tpu.memory_space<vmem_shared>> -> memref<640x128xf32, #tpu.memory_space<vmem_shared>>
      %dma_wait3A_46 = arith.constant 0 : i32
      %dma_wait3A_47 = tpu.memref_slice %arg5[%mul3A_4, %dma_wait3A_46] : memref<10240x128xf32, #tpu.memory_space<hbm>> -> memref<640x128xf32, #tpu.memory_space<hbm>>
      tpu.wait_dma2 semaphore(%run_scoped3A : memref<!tpu.dma_semaphore, #tpu.memory_space<semaphore_mem>>) src(%dma_wait3A_47 : memref<640x128xf32, #tpu.memory_space<hbm>>) dst(%dma_wait3A_45 : memref<640x128xf32, #tpu.memory_space<vmem_shared>>)
      tpu.yield
    }) : () -> ()
    %barrier3A = arith.constant 0 : index
    tpu.barrier barrier_id(%barrier3A)
    %scan3A = arith.constant 0 : i32
    %scan3A_7 = arith.constant 0 : i32
    %scan3A_8 = arith.constant 10 : i32
    %scan3A_9 = arith.addi %scan3A_7, %scan3A_8 : i32
    %scan3A_10 = arith.constant 1 : i32
    scf.for %scan3A_42 = %scan3A_7 to %scan3A_9 step %scan3A_10  : i32 {
      %mul3A_43 = arith.constant 320 : i32
      %mul3A_44 = arith.muli %arg1, %mul3A_43 : i32
      %add3A_45 = arith.constant 0 : i32
      %add3A_46 = arith.addi %add3A_45, %mul3A_44 : i32
      %mul3A_47 = arith.constant 32 : i32
      %mul3A_48 = arith.muli %scan3A_42, %mul3A_47 : i32
      %add3A_49 = arith.addi %add3A_46, %mul3A_48 : i32
      "tpu.region"() ({
        %run_scoped3A = tpu.sem_alloc : memref<!tpu.dma_semaphore, #tpu.memory_space<semaphore_mem>>
        %dma_start3A_170 = arith.constant 0 : i32
        %dma_start3A_171 = tpu.memref_slice %arg3[%add3A_49, %dma_start3A_170] : memref<5120x128xi32, #tpu.memory_space<hbm>> -> memref<32x128xi32, #tpu.memory_space<hbm>>
        %dma_start3A_172 = arith.constant 0 : i32
        %dma_start3A_173 = tpu.memref_slice %arg3[%add3A_49, %dma_start3A_172] : memref<5120x128xi32, #tpu.memory_space<hbm>> -> memref<32x128xi32, #tpu.memory_space<hbm>>
        tpu.enqueue_dma source(%dma_start3A_173 : memref<32x128xi32, #tpu.memory_space<hbm>>) target(%arg8 : memref<32x128xi32, #tpu.memory_space<vmem>>) target_semaphore(%run_scoped3A : memref<!tpu.dma_semaphore, #tpu.memory_space<semaphore_mem>>)
        %dma_wait3A_174 = arith.constant 0 : i32
        %dma_wait3A_175 = tpu.memref_slice %arg3[%add3A_49, %dma_wait3A_174] : memref<5120x128xi32, #tpu.memory_space<hbm>> -> memref<32x128xi32, #tpu.memory_space<hbm>>
        %dma_wait3A_176 = arith.constant 0 : i32
        %dma_wait3A_177 = tpu.memref_slice %arg3[%add3A_49, %dma_wait3A_176] : memref<5120x128xi32, #tpu.memory_space<hbm>> -> memref<32x128xi32, #tpu.memory_space<hbm>>
        tpu.wait_dma2 semaphore(%run_scoped3A : memref<!tpu.dma_semaphore, #tpu.memory_space<semaphore_mem>>) src(%dma_wait3A_177 : memref<32x128xi32, #tpu.memory_space<hbm>>) dst(%arg8 : memref<32x128xi32, #tpu.memory_space<vmem>>)
        tpu.yield
      }) : () -> ()
      "tpu.region"() ({
        %run_scoped3A = tpu.sem_alloc : memref<!tpu.dma_semaphore, #tpu.memory_space<semaphore_mem>>
        %dma_start3A_170 = arith.constant 0 : i32
        %dma_start3A_171 = tpu.memref_slice %arg4[%add3A_49, %dma_start3A_170] : memref<5120x128xi32, #tpu.memory_space<hbm>> -> memref<32x128xi32, #tpu.memory_space<hbm>>
        %dma_start3A_172 = arith.constant 0 : i32
        %dma_start3A_173 = tpu.memref_slice %arg4[%add3A_49, %dma_start3A_172] : memref<5120x128xi32, #tpu.memory_space<hbm>> -> memref<32x128xi32, #tpu.memory_space<hbm>>
        tpu.enqueue_dma source(%dma_start3A_173 : memref<32x128xi32, #tpu.memory_space<hbm>>) target(%arg9 : memref<32x128xi32, #tpu.memory_space<vmem>>) target_semaphore(%run_scoped3A : memref<!tpu.dma_semaphore, #tpu.memory_space<semaphore_mem>>)
        %dma_wait3A_174 = arith.constant 0 : i32
        %dma_wait3A_175 = tpu.memref_slice %arg4[%add3A_49, %dma_wait3A_174] : memref<5120x128xi32, #tpu.memory_space<hbm>> -> memref<32x128xi32, #tpu.memory_space<hbm>>
        %dma_wait3A_176 = arith.constant 0 : i32
        %dma_wait3A_177 = tpu.memref_slice %arg4[%add3A_49, %dma_wait3A_176] : memref<5120x128xi32, #tpu.memory_space<hbm>> -> memref<32x128xi32, #tpu.memory_space<hbm>>
        tpu.wait_dma2 semaphore(%run_scoped3A : memref<!tpu.dma_semaphore, #tpu.memory_space<semaphore_mem>>) src(%dma_wait3A_177 : memref<32x128xi32, #tpu.memory_space<hbm>>) dst(%arg9 : memref<32x128xi32, #tpu.memory_space<vmem>>)
        tpu.yield
      }) : () -> ()
      %dma_start3A = arith.constant 0 : i32
      %dma_start3A_50 = arith.constant 0 : i32
      %dma_start3A_51 = arith.constant 0 : i32
      %dma_start3A_52 = arith.constant 0 : i32
      %dma_start3A_53 = tpu.memref_slice %arg10[%dma_start3A_50, %dma_start3A_51, %dma_start3A_52] : memref<2x128x128xf32, #tpu.memory_space<vmem>> -> memref<1x128x128xf32, #tpu.memory_space<vmem>>
      %dma_start3A_54 = tpu.memref_squeeze %dma_start3A_53 : memref<1x128x128xf32, #tpu.memory_space<vmem>> -> memref<128x128xf32, #tpu.memory_space<vmem>>
      %dma_start3A_55 = arith.constant 0 : i32
      %dma_start3A_56 = tpu.memref_slice %arg8[%dma_start3A, %dma_start3A_55] : memref<32x128xi32, #tpu.memory_space<vmem>> -> memref<1x128xi32, #tpu.memory_space<vmem>>
      %dma_start3A_57 = tpu.memref_squeeze %dma_start3A_56 : memref<1x128xi32, #tpu.memory_space<vmem>> -> memref<128xi32, #tpu.memory_space<vmem>>
      %dma_start3A_58 = arith.constant 0 : i32
      %dma_start3A_59 = arith.constant 0 : i32
      %dma_start3A_60 = tpu.memref_slice %arg2[%mul3A_0, %dma_start3A_58, %dma_start3A_59] : memref<4x10240x128xf32, #tpu.memory_space<hbm>> -> memref<1x10240x128xf32, #tpu.memory_space<hbm>>
      %dma_start3A_61 = tpu.memref_squeeze %dma_start3A_60 : memref<1x10240x128xf32, #tpu.memory_space<hbm>> -> memref<10240x128xf32, #tpu.memory_space<hbm>>
      %dma_start3A_62 = arith.constant 0 : i32
      %dma_start3A_63 = arith.constant 0 : i32
      %dma_start3A_64 = tpu.memref_slice %dma_start3A_61[%dma_start3A_62, %dma_start3A_63] : memref<10240x128xf32, #tpu.memory_space<hbm>> -> memref<10240x128xf32, #tpu.memory_space<hbm>>
      tpu.enqueue_indirect_dma source(%dma_start3A_64 : memref<10240x128xf32, #tpu.memory_space<hbm>>) target(%dma_start3A_54 : memref<128x128xf32, #tpu.memory_space<vmem>>) offsets(%dma_start3A_57 : memref<128xi32, #tpu.memory_space<vmem>>) semaphore(%arg11 : memref<!tpu.dma_semaphore, #tpu.memory_space<semaphore_mem>>)
      %dma_wait3A = arith.constant 0 : i32
      %dma_wait3A_65 = arith.constant 0 : i32
      %dma_wait3A_66 = arith.constant 0 : i32
      %dma_wait3A_67 = tpu.memref_slice %arg10[%dma_wait3A, %dma_wait3A_65, %dma_wait3A_66] : memref<2x128x128xf32, #tpu.memory_space<vmem>> -> memref<1x128x128xf32, #tpu.memory_space<vmem>>
      %dma_wait3A_68 = tpu.memref_squeeze %dma_wait3A_67 : memref<1x128x128xf32, #tpu.memory_space<vmem>> -> memref<128x128xf32, #tpu.memory_space<vmem>>
      %dma_wait3A_69 = arith.constant 0 : i32
      %dma_wait3A_70 = arith.constant 0 : i32
      %dma_wait3A_71 = tpu.memref_slice %arg5[%dma_wait3A_69, %dma_wait3A_70] : memref<10240x128xf32, #tpu.memory_space<hbm>> -> memref<128x128xf32, #tpu.memory_space<hbm>>
      %dma_wait3A_72 = arith.constant 0 : i32
      %dma_wait3A_73 = arith.constant 0 : i32
      %dma_wait3A_74 = tpu.memref_slice %arg10[%dma_wait3A, %dma_wait3A_72, %dma_wait3A_73] : memref<2x128x128xf32, #tpu.memory_space<vmem>> -> memref<1x128x128xf32, #tpu.memory_space<vmem>>
      %dma_wait3A_75 = tpu.memref_squeeze %dma_wait3A_74 : memref<1x128x128xf32, #tpu.memory_space<vmem>> -> memref<128x128xf32, #tpu.memory_space<vmem>>
      %dma_wait3A_76 = arith.constant 0 : i32
      %dma_wait3A_77 = arith.constant 0 : i32
      %dma_wait3A_78 = tpu.memref_slice %arg5[%dma_wait3A_76, %dma_wait3A_77] : memref<10240x128xf32, #tpu.memory_space<hbm>> -> memref<128x128xf32, #tpu.memory_space<hbm>>
      tpu.wait_dma2 semaphore(%arg11 : memref<!tpu.dma_semaphore, #tpu.memory_space<semaphore_mem>>) src(%dma_wait3A_78 : memref<128x128xf32, #tpu.memory_space<hbm>>) dst(%dma_wait3A_75 : memref<128x128xf32, #tpu.memory_space<vmem>>)
      %dma_start3A_79 = arith.constant 1 : i32
      %dma_start3A_80 = arith.constant 1 : i32
      %dma_start3A_81 = arith.constant 0 : i32
      %dma_start3A_82 = arith.constant 0 : i32
      %dma_start3A_83 = tpu.memref_slice %arg10[%dma_start3A_80, %dma_start3A_81, %dma_start3A_82] : memref<2x128x128xf32, #tpu.memory_space<vmem>> -> memref<1x128x128xf32, #tpu.memory_space<vmem>>
      %dma_start3A_84 = tpu.memref_squeeze %dma_start3A_83 : memref<1x128x128xf32, #tpu.memory_space<vmem>> -> memref<128x128xf32, #tpu.memory_space<vmem>>
      %dma_start3A_85 = arith.constant 0 : i32
      %dma_start3A_86 = tpu.memref_slice %arg8[%dma_start3A_79, %dma_start3A_85] : memref<32x128xi32, #tpu.memory_space<vmem>> -> memref<1x128xi32, #tpu.memory_space<vmem>>
      %dma_start3A_87 = tpu.memref_squeeze %dma_start3A_86 : memref<1x128xi32, #tpu.memory_space<vmem>> -> memref<128xi32, #tpu.memory_space<vmem>>
      %dma_start3A_88 = arith.constant 0 : i32
      %dma_start3A_89 = arith.constant 0 : i32
      %dma_start3A_90 = tpu.memref_slice %arg2[%mul3A_0, %dma_start3A_88, %dma_start3A_89] : memref<4x10240x128xf32, #tpu.memory_space<hbm>> -> memref<1x10240x128xf32, #tpu.memory_space<hbm>>
      %dma_start3A_91 = tpu.memref_squeeze %dma_start3A_90 : memref<1x10240x128xf32, #tpu.memory_space<hbm>> -> memref<10240x128xf32, #tpu.memory_space<hbm>>
      %dma_start3A_92 = arith.constant 0 : i32
      %dma_start3A_93 = arith.constant 0 : i32
      %dma_start3A_94 = tpu.memref_slice %dma_start3A_91[%dma_start3A_92, %dma_start3A_93] : memref<10240x128xf32, #tpu.memory_space<hbm>> -> memref<10240x128xf32, #tpu.memory_space<hbm>>
      tpu.enqueue_indirect_dma source(%dma_start3A_94 : memref<10240x128xf32, #tpu.memory_space<hbm>>) target(%dma_start3A_84 : memref<128x128xf32, #tpu.memory_space<vmem>>) offsets(%dma_start3A_87 : memref<128xi32, #tpu.memory_space<vmem>>) semaphore(%arg11 : memref<!tpu.dma_semaphore, #tpu.memory_space<semaphore_mem>>)
      %dma_start3A_95 = arith.constant 0 : i32
      %dma_start3A_96 = arith.constant 0 : i32
      %dma_start3A_97 = arith.constant 0 : i32
      %dma_start3A_98 = arith.constant 0 : i32
      %dma_start3A_99 = tpu.memref_slice %arg10[%dma_start3A_95, %dma_start3A_97, %dma_start3A_98] : memref<2x128x128xf32, #tpu.memory_space<vmem>> -> memref<1x128x128xf32, #tpu.memory_space<vmem>>
      %dma_start3A_100 = tpu.memref_squeeze %dma_start3A_99 : memref<1x128x128xf32, #tpu.memory_space<vmem>> -> memref<128x128xf32, #tpu.memory_space<vmem>>
      %dma_start3A_101 = arith.constant 0 : i32
      %dma_start3A_102 = tpu.memref_slice %arg9[%dma_start3A_96, %dma_start3A_101] : memref<32x128xi32, #tpu.memory_space<vmem>> -> memref<1x128xi32, #tpu.memory_space<vmem>>
      %dma_start3A_103 = tpu.memref_squeeze %dma_start3A_102 : memref<1x128xi32, #tpu.memory_space<vmem>> -> memref<128xi32, #tpu.memory_space<vmem>>
      %dma_start3A_104 = arith.constant 0 : i32
      %dma_start3A_105 = arith.constant 0 : i32
      %dma_start3A_106 = tpu.memref_slice %arg7[%dma_start3A_104, %dma_start3A_105] : memref<10240x128xf32, #tpu.memory_space<vmem_shared>> -> memref<10240x128xf32, #tpu.memory_space<vmem_shared>>
      tpu.enqueue_indirect_dma source(%dma_start3A_100 : memref<128x128xf32, #tpu.memory_space<vmem>>) target(%dma_start3A_106 : memref<10240x128xf32, #tpu.memory_space<vmem_shared>>) offsets(%dma_start3A_103 : memref<128xi32, #tpu.memory_space<vmem>>) semaphore(%arg12 : memref<!tpu.dma_semaphore, #tpu.memory_space<semaphore_mem>>) {add = true}
      %scan3A_107 = arith.constant 0 : i32
      %scan3A_108 = arith.constant 0 : i32
      %scan3A_109 = arith.constant 15 : i32
      %scan3A_110 = arith.addi %scan3A_108, %scan3A_109 : i32
      %scan3A_111 = arith.constant 1 : i32
      scf.for %scan3A_170 = %scan3A_108 to %scan3A_110 step %scan3A_111  : i32 {
        %dma_wait3A_171 = arith.constant 0 : i32
        %dma_wait3A_172 = arith.constant 0 : i32
        %dma_wait3A_173 = arith.constant 0 : i32
        %dma_wait3A_174 = tpu.memref_slice %arg10[%dma_wait3A_171, %dma_wait3A_172, %dma_wait3A_173] : memref<2x128x128xf32, #tpu.memory_space<vmem>> -> memref<1x128x128xf32, #tpu.memory_space<vmem>>
        %dma_wait3A_175 = tpu.memref_squeeze %dma_wait3A_174 : memref<1x128x128xf32, #tpu.memory_space<vmem>> -> memref<128x128xf32, #tpu.memory_space<vmem>>
        %dma_wait3A_176 = arith.constant 0 : i32
        %dma_wait3A_177 = arith.constant 0 : i32
        %dma_wait3A_178 = tpu.memref_slice %arg5[%dma_wait3A_176, %dma_wait3A_177] : memref<10240x128xf32, #tpu.memory_space<hbm>> -> memref<128x128xf32, #tpu.memory_space<hbm>>
        %dma_wait3A_179 = arith.constant 0 : i32
        %dma_wait3A_180 = arith.constant 0 : i32
        %dma_wait3A_181 = tpu.memref_slice %arg10[%dma_wait3A_171, %dma_wait3A_179, %dma_wait3A_180] : memref<2x128x128xf32, #tpu.memory_space<vmem>> -> memref<1x128x128xf32, #tpu.memory_space<vmem>>
        %dma_wait3A_182 = tpu.memref_squeeze %dma_wait3A_181 : memref<1x128x128xf32, #tpu.memory_space<vmem>> -> memref<128x128xf32, #tpu.memory_space<vmem>>
        %dma_wait3A_183 = arith.constant 0 : i32
        %dma_wait3A_184 = arith.constant 0 : i32
        %dma_wait3A_185 = tpu.memref_slice %arg5[%dma_wait3A_183, %dma_wait3A_184] : memref<10240x128xf32, #tpu.memory_space<hbm>> -> memref<128x128xf32, #tpu.memory_space<hbm>>
        tpu.wait_dma2 semaphore(%arg11 : memref<!tpu.dma_semaphore, #tpu.memory_space<semaphore_mem>>) src(%dma_wait3A_185 : memref<128x128xf32, #tpu.memory_space<hbm>>) dst(%dma_wait3A_182 : memref<128x128xf32, #tpu.memory_space<vmem>>)
        %dma_wait3A_186 = arith.constant 0 : i32
        %dma_wait3A_187 = arith.constant 0 : i32
        %dma_wait3A_188 = arith.constant 0 : i32
        %dma_wait3A_189 = tpu.memref_slice %arg10[%dma_wait3A_186, %dma_wait3A_187, %dma_wait3A_188] : memref<2x128x128xf32, #tpu.memory_space<vmem>> -> memref<1x128x128xf32, #tpu.memory_space<vmem>>
        %dma_wait3A_190 = tpu.memref_squeeze %dma_wait3A_189 : memref<1x128x128xf32, #tpu.memory_space<vmem>> -> memref<128x128xf32, #tpu.memory_space<vmem>>
        %dma_wait3A_191 = arith.constant 0 : i32
        %dma_wait3A_192 = arith.constant 0 : i32
        %dma_wait3A_193 = tpu.memref_slice %arg5[%dma_wait3A_191, %dma_wait3A_192] : memref<10240x128xf32, #tpu.memory_space<hbm>> -> memref<128x128xf32, #tpu.memory_space<hbm>>
        %dma_wait3A_194 = arith.constant 0 : i32
        %dma_wait3A_195 = arith.constant 0 : i32
        %dma_wait3A_196 = tpu.memref_slice %arg10[%dma_wait3A_186, %dma_wait3A_194, %dma_wait3A_195] : memref<2x128x128xf32, #tpu.memory_space<vmem>> -> memref<1x128x128xf32, #tpu.memory_space<vmem>>
        %dma_wait3A_197 = tpu.memref_squeeze %dma_wait3A_196 : memref<1x128x128xf32, #tpu.memory_space<vmem>> -> memref<128x128xf32, #tpu.memory_space<vmem>>
        %dma_wait3A_198 = arith.constant 0 : i32
        %dma_wait3A_199 = arith.constant 0 : i32
        %dma_wait3A_200 = tpu.memref_slice %arg5[%dma_wait3A_198, %dma_wait3A_199] : memref<10240x128xf32, #tpu.memory_space<hbm>> -> memref<128x128xf32, #tpu.memory_space<hbm>>
        tpu.wait_dma2 semaphore(%arg12 : memref<!tpu.dma_semaphore, #tpu.memory_space<semaphore_mem>>) src(%dma_wait3A_200 : memref<128x128xf32, #tpu.memory_space<hbm>>) dst(%dma_wait3A_197 : memref<128x128xf32, #tpu.memory_space<vmem>>)
        %mul3A_201 = arith.constant 2 : i32
        %mul3A_202 = arith.muli %mul3A_201, %scan3A_170 : i32
        %add3A_203 = arith.constant 2 : i32
        %add3A_204 = arith.addi %mul3A_202, %add3A_203 : i32
        %dma_start3A_205 = arith.constant 0 : i32
        %dma_start3A_206 = arith.constant 0 : i32
        %dma_start3A_207 = arith.constant 0 : i32
        %dma_start3A_208 = tpu.memref_slice %arg10[%dma_start3A_205, %dma_start3A_206, %dma_start3A_207] : memref<2x128x128xf32, #tpu.memory_space<vmem>> -> memref<1x128x128xf32, #tpu.memory_space<vmem>>
        %dma_start3A_209 = tpu.memref_squeeze %dma_start3A_208 : memref<1x128x128xf32, #tpu.memory_space<vmem>> -> memref<128x128xf32, #tpu.memory_space<vmem>>
        %dma_start3A_210 = arith.constant 0 : i32
        %dma_start3A_211 = tpu.memref_slice %arg8[%add3A_204, %dma_start3A_210] : memref<32x128xi32, #tpu.memory_space<vmem>> -> memref<1x128xi32, #tpu.memory_space<vmem>>
        %dma_start3A_212 = tpu.memref_squeeze %dma_start3A_211 : memref<1x128xi32, #tpu.memory_space<vmem>> -> memref<128xi32, #tpu.memory_space<vmem>>
        %dma_start3A_213 = arith.constant 0 : i32
        %dma_start3A_214 = arith.constant 0 : i32
        %dma_start3A_215 = tpu.memref_slice %arg2[%mul3A_0, %dma_start3A_213, %dma_start3A_214] : memref<4x10240x128xf32, #tpu.memory_space<hbm>> -> memref<1x10240x128xf32, #tpu.memory_space<hbm>>
        %dma_start3A_216 = tpu.memref_squeeze %dma_start3A_215 : memref<1x10240x128xf32, #tpu.memory_space<hbm>> -> memref<10240x128xf32, #tpu.memory_space<hbm>>
        %dma_start3A_217 = arith.constant 0 : i32
        %dma_start3A_218 = arith.constant 0 : i32
        %dma_start3A_219 = tpu.memref_slice %dma_start3A_216[%dma_start3A_217, %dma_start3A_218] : memref<10240x128xf32, #tpu.memory_space<hbm>> -> memref<10240x128xf32, #tpu.memory_space<hbm>>
        tpu.enqueue_indirect_dma source(%dma_start3A_219 : memref<10240x128xf32, #tpu.memory_space<hbm>>) target(%dma_start3A_209 : memref<128x128xf32, #tpu.memory_space<vmem>>) offsets(%dma_start3A_212 : memref<128xi32, #tpu.memory_space<vmem>>) semaphore(%arg11 : memref<!tpu.dma_semaphore, #tpu.memory_space<semaphore_mem>>)
        %mul3A_220 = arith.constant 2 : i32
        %mul3A_221 = arith.muli %mul3A_220, %scan3A_170 : i32
        %add3A_222 = arith.constant 1 : i32
        %add3A_223 = arith.addi %mul3A_221, %add3A_222 : i32
        %dma_start3A_224 = arith.constant 1 : i32
        %dma_start3A_225 = arith.constant 0 : i32
        %dma_start3A_226 = arith.constant 0 : i32
        %dma_start3A_227 = tpu.memref_slice %arg10[%dma_start3A_224, %dma_start3A_225, %dma_start3A_226] : memref<2x128x128xf32, #tpu.memory_space<vmem>> -> memref<1x128x128xf32, #tpu.memory_space<vmem>>
        %dma_start3A_228 = tpu.memref_squeeze %dma_start3A_227 : memref<1x128x128xf32, #tpu.memory_space<vmem>> -> memref<128x128xf32, #tpu.memory_space<vmem>>
        %dma_start3A_229 = arith.constant 0 : i32
        %dma_start3A_230 = tpu.memref_slice %arg9[%add3A_223, %dma_start3A_229] : memref<32x128xi32, #tpu.memory_space<vmem>> -> memref<1x128xi32, #tpu.memory_space<vmem>>
        %dma_start3A_231 = tpu.memref_squeeze %dma_start3A_230 : memref<1x128xi32, #tpu.memory_space<vmem>> -> memref<128xi32, #tpu.memory_space<vmem>>
        %dma_start3A_232 = arith.constant 0 : i32
        %dma_start3A_233 = arith.constant 0 : i32
        %dma_start3A_234 = tpu.memref_slice %arg7[%dma_start3A_232, %dma_start3A_233] : memref<10240x128xf32, #tpu.memory_space<vmem_shared>> -> memref<10240x128xf32, #tpu.memory_space<vmem_shared>>
        tpu.enqueue_indirect_dma source(%dma_start3A_228 : memref<128x128xf32, #tpu.memory_space<vmem>>) target(%dma_start3A_234 : memref<10240x128xf32, #tpu.memory_space<vmem_shared>>) offsets(%dma_start3A_231 : memref<128xi32, #tpu.memory_space<vmem>>) semaphore(%arg12 : memref<!tpu.dma_semaphore, #tpu.memory_space<semaphore_mem>>) {add = true}
        %dma_wait3A_235 = arith.constant 0 : i32
        %dma_wait3A_236 = arith.constant 0 : i32
        %dma_wait3A_237 = arith.constant 0 : i32
        %dma_wait3A_238 = tpu.memref_slice %arg10[%dma_wait3A_235, %dma_wait3A_236, %dma_wait3A_237] : memref<2x128x128xf32, #tpu.memory_space<vmem>> -> memref<1x128x128xf32, #tpu.memory_space<vmem>>
        %dma_wait3A_239 = tpu.memref_squeeze %dma_wait3A_238 : memref<1x128x128xf32, #tpu.memory_space<vmem>> -> memref<128x128xf32, #tpu.memory_space<vmem>>
        %dma_wait3A_240 = arith.constant 0 : i32
        %dma_wait3A_241 = arith.constant 0 : i32
        %dma_wait3A_242 = tpu.memref_slice %arg5[%dma_wait3A_240, %dma_wait3A_241] : memref<10240x128xf32, #tpu.memory_space<hbm>> -> memref<128x128xf32, #tpu.memory_space<hbm>>
        %dma_wait3A_243 = arith.constant 0 : i32
        %dma_wait3A_244 = arith.constant 0 : i32
        %dma_wait3A_245 = tpu.memref_slice %arg10[%dma_wait3A_235, %dma_wait3A_243, %dma_wait3A_244] : memref<2x128x128xf32, #tpu.memory_space<vmem>> -> memref<1x128x128xf32, #tpu.memory_space<vmem>>
        %dma_wait3A_246 = tpu.memref_squeeze %dma_wait3A_245 : memref<1x128x128xf32, #tpu.memory_space<vmem>> -> memref<128x128xf32, #tpu.memory_space<vmem>>
        %dma_wait3A_247 = arith.constant 0 : i32
        %dma_wait3A_248 = arith.constant 0 : i32
        %dma_wait3A_249 = tpu.memref_slice %arg5[%dma_wait3A_247, %dma_wait3A_248] : memref<10240x128xf32, #tpu.memory_space<hbm>> -> memref<128x128xf32, #tpu.memory_space<hbm>>
        tpu.wait_dma2 semaphore(%arg11 : memref<!tpu.dma_semaphore, #tpu.memory_space<semaphore_mem>>) src(%dma_wait3A_249 : memref<128x128xf32, #tpu.memory_space<hbm>>) dst(%dma_wait3A_246 : memref<128x128xf32, #tpu.memory_space<vmem>>)
        %dma_wait3A_250 = arith.constant 0 : i32
        %dma_wait3A_251 = arith.constant 0 : i32
        %dma_wait3A_252 = arith.constant 0 : i32
        %dma_wait3A_253 = tpu.memref_slice %arg10[%dma_wait3A_250, %dma_wait3A_251, %dma_wait3A_252] : memref<2x128x128xf32, #tpu.memory_space<vmem>> -> memref<1x128x128xf32, #tpu.memory_space<vmem>>
        %dma_wait3A_254 = tpu.memref_squeeze %dma_wait3A_253 : memref<1x128x128xf32, #tpu.memory_space<vmem>> -> memref<128x128xf32, #tpu.memory_space<vmem>>
        %dma_wait3A_255 = arith.constant 0 : i32
        %dma_wait3A_256 = arith.constant 0 : i32
        %dma_wait3A_257 = tpu.memref_slice %arg5[%dma_wait3A_255, %dma_wait3A_256] : memref<10240x128xf32, #tpu.memory_space<hbm>> -> memref<128x128xf32, #tpu.memory_space<hbm>>
        %dma_wait3A_258 = arith.constant 0 : i32
        %dma_wait3A_259 = arith.constant 0 : i32
        %dma_wait3A_260 = tpu.memref_slice %arg10[%dma_wait3A_250, %dma_wait3A_258, %dma_wait3A_259] : memref<2x128x128xf32, #tpu.memory_space<vmem>> -> memref<1x128x128xf32, #tpu.memory_space<vmem>>
        %dma_wait3A_261 = tpu.memref_squeeze %dma_wait3A_260 : memref<1x128x128xf32, #tpu.memory_space<vmem>> -> memref<128x128xf32, #tpu.memory_space<vmem>>
        %dma_wait3A_262 = arith.constant 0 : i32
        %dma_wait3A_263 = arith.constant 0 : i32
        %dma_wait3A_264 = tpu.memref_slice %arg5[%dma_wait3A_262, %dma_wait3A_263] : memref<10240x128xf32, #tpu.memory_space<hbm>> -> memref<128x128xf32, #tpu.memory_space<hbm>>
        tpu.wait_dma2 semaphore(%arg12 : memref<!tpu.dma_semaphore, #tpu.memory_space<semaphore_mem>>) src(%dma_wait3A_264 : memref<128x128xf32, #tpu.memory_space<hbm>>) dst(%dma_wait3A_261 : memref<128x128xf32, #tpu.memory_space<vmem>>)
        %mul3A_265 = arith.constant 2 : i32
        %mul3A_266 = arith.muli %mul3A_265, %scan3A_170 : i32
        %add3A_267 = arith.constant 3 : i32
        %add3A_268 = arith.addi %mul3A_266, %add3A_267 : i32
        %dma_start3A_269 = arith.constant 1 : i32
        %dma_start3A_270 = arith.constant 0 : i32
        %dma_start3A_271 = arith.constant 0 : i32
        %dma_start3A_272 = tpu.memref_slice %arg10[%dma_start3A_269, %dma_start3A_270, %dma_start3A_271] : memref<2x128x128xf32, #tpu.memory_space<vmem>> -> memref<1x128x128xf32, #tpu.memory_space<vmem>>
        %dma_start3A_273 = tpu.memref_squeeze %dma_start3A_272 : memref<1x128x128xf32, #tpu.memory_space<vmem>> -> memref<128x128xf32, #tpu.memory_space<vmem>>
        %dma_start3A_274 = arith.constant 0 : i32
        %dma_start3A_275 = tpu.memref_slice %arg8[%add3A_268, %dma_start3A_274] : memref<32x128xi32, #tpu.memory_space<vmem>> -> memref<1x128xi32, #tpu.memory_space<vmem>>
        %dma_start3A_276 = tpu.memref_squeeze %dma_start3A_275 : memref<1x128xi32, #tpu.memory_space<vmem>> -> memref<128xi32, #tpu.memory_space<vmem>>
        %dma_start3A_277 = arith.constant 0 : i32
        %dma_start3A_278 = arith.constant 0 : i32
        %dma_start3A_279 = tpu.memref_slice %arg2[%mul3A_0, %dma_start3A_277, %dma_start3A_278] : memref<4x10240x128xf32, #tpu.memory_space<hbm>> -> memref<1x10240x128xf32, #tpu.memory_space<hbm>>
        %dma_start3A_280 = tpu.memref_squeeze %dma_start3A_279 : memref<1x10240x128xf32, #tpu.memory_space<hbm>> -> memref<10240x128xf32, #tpu.memory_space<hbm>>
        %dma_start3A_281 = arith.constant 0 : i32
        %dma_start3A_282 = arith.constant 0 : i32
        %dma_start3A_283 = tpu.memref_slice %dma_start3A_280[%dma_start3A_281, %dma_start3A_282] : memref<10240x128xf32, #tpu.memory_space<hbm>> -> memref<10240x128xf32, #tpu.memory_space<hbm>>
        tpu.enqueue_indirect_dma source(%dma_start3A_283 : memref<10240x128xf32, #tpu.memory_space<hbm>>) target(%dma_start3A_273 : memref<128x128xf32, #tpu.memory_space<vmem>>) offsets(%dma_start3A_276 : memref<128xi32, #tpu.memory_space<vmem>>) semaphore(%arg11 : memref<!tpu.dma_semaphore, #tpu.memory_space<semaphore_mem>>)
        %mul3A_284 = arith.constant 2 : i32
        %mul3A_285 = arith.muli %mul3A_284, %scan3A_170 : i32
        %add3A_286 = arith.constant 2 : i32
        %add3A_287 = arith.addi %mul3A_285, %add3A_286 : i32
        %dma_start3A_288 = arith.constant 0 : i32
        %dma_start3A_289 = arith.constant 0 : i32
        %dma_start3A_290 = arith.constant 0 : i32
        %dma_start3A_291 = tpu.memref_slice %arg10[%dma_start3A_288, %dma_start3A_289, %dma_start3A_290] : memref<2x128x128xf32, #tpu.memory_space<vmem>> -> memref<1x128x128xf32, #tpu.memory_space<vmem>>
        %dma_start3A_292 = tpu.memref_squeeze %dma_start3A_291 : memref<1x128x128xf32, #tpu.memory_space<vmem>> -> memref<128x128xf32, #tpu.memory_space<vmem>>
        %dma_start3A_293 = arith.constant 0 : i32
        %dma_start3A_294 = tpu.memref_slice %arg9[%add3A_287, %dma_start3A_293] : memref<32x128xi32, #tpu.memory_space<vmem>> -> memref<1x128xi32, #tpu.memory_space<vmem>>
        %dma_start3A_295 = tpu.memref_squeeze %dma_start3A_294 : memref<1x128xi32, #tpu.memory_space<vmem>> -> memref<128xi32, #tpu.memory_space<vmem>>
        %dma_start3A_296 = arith.constant 0 : i32
        %dma_start3A_297 = arith.constant 0 : i32
        %dma_start3A_298 = tpu.memref_slice %arg7[%dma_start3A_296, %dma_start3A_297] : memref<10240x128xf32, #tpu.memory_space<vmem_shared>> -> memref<10240x128xf32, #tpu.memory_space<vmem_shared>>
        tpu.enqueue_indirect_dma source(%dma_start3A_292 : memref<128x128xf32, #tpu.memory_space<vmem>>) target(%dma_start3A_298 : memref<10240x128xf32, #tpu.memory_space<vmem_shared>>) offsets(%dma_start3A_295 : memref<128xi32, #tpu.memory_space<vmem>>) semaphore(%arg12 : memref<!tpu.dma_semaphore, #tpu.memory_space<semaphore_mem>>) {add = true}
      }
      %scan3A_112 = arith.constant 15 : i32
      %dma_wait3A_113 = arith.constant 0 : i32
      %dma_wait3A_114 = arith.constant 0 : i32
      %dma_wait3A_115 = arith.constant 0 : i32
      %dma_wait3A_116 = tpu.memref_slice %arg10[%dma_wait3A_113, %dma_wait3A_114, %dma_wait3A_115] : memref<2x128x128xf32, #tpu.memory_space<vmem>> -> memref<1x128x128xf32, #tpu.memory_space<vmem>>
      %dma_wait3A_117 = tpu.memref_squeeze %dma_wait3A_116 : memref<1x128x128xf32, #tpu.memory_space<vmem>> -> memref<128x128xf32, #tpu.memory_space<vmem>>
      %dma_wait3A_118 = arith.constant 0 : i32
      %dma_wait3A_119 = arith.constant 0 : i32
      %dma_wait3A_120 = tpu.memref_slice %arg5[%dma_wait3A_118, %dma_wait3A_119] : memref<10240x128xf32, #tpu.memory_space<hbm>> -> memref<128x128xf32, #tpu.memory_space<hbm>>
      %dma_wait3A_121 = arith.constant 0 : i32
      %dma_wait3A_122 = arith.constant 0 : i32
      %dma_wait3A_123 = tpu.memref_slice %arg10[%dma_wait3A_113, %dma_wait3A_121, %dma_wait3A_122] : memref<2x128x128xf32, #tpu.memory_space<vmem>> -> memref<1x128x128xf32, #tpu.memory_space<vmem>>
      %dma_wait3A_124 = tpu.memref_squeeze %dma_wait3A_123 : memref<1x128x128xf32, #tpu.memory_space<vmem>> -> memref<128x128xf32, #tpu.memory_space<vmem>>
      %dma_wait3A_125 = arith.constant 0 : i32
      %dma_wait3A_126 = arith.constant 0 : i32
      %dma_wait3A_127 = tpu.memref_slice %arg5[%dma_wait3A_125, %dma_wait3A_126] : memref<10240x128xf32, #tpu.memory_space<hbm>> -> memref<128x128xf32, #tpu.memory_space<hbm>>
      tpu.wait_dma2 semaphore(%arg11 : memref<!tpu.dma_semaphore, #tpu.memory_space<semaphore_mem>>) src(%dma_wait3A_127 : memref<128x128xf32, #tpu.memory_space<hbm>>) dst(%dma_wait3A_124 : memref<128x128xf32, #tpu.memory_space<vmem>>)
      %dma_wait3A_128 = arith.constant 0 : i32
      %dma_wait3A_129 = arith.constant 0 : i32
      %dma_wait3A_130 = arith.constant 0 : i32
      %dma_wait3A_131 = tpu.memref_slice %arg10[%dma_wait3A_128, %dma_wait3A_129, %dma_wait3A_130] : memref<2x128x128xf32, #tpu.memory_space<vmem>> -> memref<1x128x128xf32, #tpu.memory_space<vmem>>
      %dma_wait3A_132 = tpu.memref_squeeze %dma_wait3A_131 : memref<1x128x128xf32, #tpu.memory_space<vmem>> -> memref<128x128xf32, #tpu.memory_space<vmem>>
      %dma_wait3A_133 = arith.constant 0 : i32
      %dma_wait3A_134 = arith.constant 0 : i32
      %dma_wait3A_135 = tpu.memref_slice %arg5[%dma_wait3A_133, %dma_wait3A_134] : memref<10240x128xf32, #tpu.memory_space<hbm>> -> memref<128x128xf32, #tpu.memory_space<hbm>>
      %dma_wait3A_136 = arith.constant 0 : i32
      %dma_wait3A_137 = arith.constant 0 : i32
      %dma_wait3A_138 = tpu.memref_slice %arg10[%dma_wait3A_128, %dma_wait3A_136, %dma_wait3A_137] : memref<2x128x128xf32, #tpu.memory_space<vmem>> -> memref<1x128x128xf32, #tpu.memory_space<vmem>>
      %dma_wait3A_139 = tpu.memref_squeeze %dma_wait3A_138 : memref<1x128x128xf32, #tpu.memory_space<vmem>> -> memref<128x128xf32, #tpu.memory_space<vmem>>
      %dma_wait3A_140 = arith.constant 0 : i32
      %dma_wait3A_141 = arith.constant 0 : i32
      %dma_wait3A_142 = tpu.memref_slice %arg5[%dma_wait3A_140, %dma_wait3A_141] : memref<10240x128xf32, #tpu.memory_space<hbm>> -> memref<128x128xf32, #tpu.memory_space<hbm>>
      tpu.wait_dma2 semaphore(%arg12 : memref<!tpu.dma_semaphore, #tpu.memory_space<semaphore_mem>>) src(%dma_wait3A_142 : memref<128x128xf32, #tpu.memory_space<hbm>>) dst(%dma_wait3A_139 : memref<128x128xf32, #tpu.memory_space<vmem>>)
      %dma_start3A_143 = arith.constant 1 : i32
      %dma_start3A_144 = arith.constant 31 : i32
      %dma_start3A_145 = arith.constant 0 : i32
      %dma_start3A_146 = arith.constant 0 : i32
      %dma_start3A_147 = tpu.memref_slice %arg10[%dma_start3A_143, %dma_start3A_145, %dma_start3A_146] : memref<2x128x128xf32, #tpu.memory_space<vmem>> -> memref<1x128x128xf32, #tpu.memory_space<vmem>>
      %dma_start3A_148 = tpu.memref_squeeze %dma_start3A_147 : memref<1x128x128xf32, #tpu.memory_space<vmem>> -> memref<128x128xf32, #tpu.memory_space<vmem>>
      %dma_start3A_149 = arith.constant 0 : i32
      %dma_start3A_150 = tpu.memref_slice %arg9[%dma_start3A_144, %dma_start3A_149] : memref<32x128xi32, #tpu.memory_space<vmem>> -> memref<1x128xi32, #tpu.memory_space<vmem>>
      %dma_start3A_151 = tpu.memref_squeeze %dma_start3A_150 : memref<1x128xi32, #tpu.memory_space<vmem>> -> memref<128xi32, #tpu.memory_space<vmem>>
      %dma_start3A_152 = arith.constant 0 : i32
      %dma_start3A_153 = arith.constant 0 : i32
      %dma_start3A_154 = tpu.memref_slice %arg7[%dma_start3A_152, %dma_start3A_153] : memref<10240x128xf32, #tpu.memory_space<vmem_shared>> -> memref<10240x128xf32, #tpu.memory_space<vmem_shared>>
      tpu.enqueue_indirect_dma source(%dma_start3A_148 : memref<128x128xf32, #tpu.memory_space<vmem>>) target(%dma_start3A_154 : memref<10240x128xf32, #tpu.memory_space<vmem_shared>>) offsets(%dma_start3A_151 : memref<128xi32, #tpu.memory_space<vmem>>) semaphore(%arg12 : memref<!tpu.dma_semaphore, #tpu.memory_space<semaphore_mem>>) {add = true}
      %dma_wait3A_155 = arith.constant 0 : i32
      %dma_wait3A_156 = arith.constant 0 : i32
      %dma_wait3A_157 = arith.constant 0 : i32
      %dma_wait3A_158 = tpu.memref_slice %arg10[%dma_wait3A_155, %dma_wait3A_156, %dma_wait3A_157] : memref<2x128x128xf32, #tpu.memory_space<vmem>> -> memref<1x128x128xf32, #tpu.memory_space<vmem>>
      %dma_wait3A_159 = tpu.memref_squeeze %dma_wait3A_158 : memref<1x128x128xf32, #tpu.memory_space<vmem>> -> memref<128x128xf32, #tpu.memory_space<vmem>>
      %dma_wait3A_160 = arith.constant 0 : i32
      %dma_wait3A_161 = arith.constant 0 : i32
      %dma_wait3A_162 = tpu.memref_slice %arg5[%dma_wait3A_160, %dma_wait3A_161] : memref<10240x128xf32, #tpu.memory_space<hbm>> -> memref<128x128xf32, #tpu.memory_space<hbm>>
      %dma_wait3A_163 = arith.constant 0 : i32
      %dma_wait3A_164 = arith.constant 0 : i32
      %dma_wait3A_165 = tpu.memref_slice %arg10[%dma_wait3A_155, %dma_wait3A_163, %dma_wait3A_164] : memref<2x128x128xf32, #tpu.memory_space<vmem>> -> memref<1x128x128xf32, #tpu.memory_space<vmem>>
      %dma_wait3A_166 = tpu.memref_squeeze %dma_wait3A_165 : memref<1x128x128xf32, #tpu.memory_space<vmem>> -> memref<128x128xf32, #tpu.memory_space<vmem>>
      %dma_wait3A_167 = arith.constant 0 : i32
      %dma_wait3A_168 = arith.constant 0 : i32
      %dma_wait3A_169 = tpu.memref_slice %arg5[%dma_wait3A_167, %dma_wait3A_168] : memref<10240x128xf32, #tpu.memory_space<hbm>> -> memref<128x128xf32, #tpu.memory_space<hbm>>
      tpu.wait_dma2 semaphore(%arg12 : memref<!tpu.dma_semaphore, #tpu.memory_space<semaphore_mem>>) src(%dma_wait3A_169 : memref<128x128xf32, #tpu.memory_space<hbm>>) dst(%dma_wait3A_166 : memref<128x128xf32, #tpu.memory_space<vmem>>)
    }
    %scan3A_11 = arith.constant 10 : i32
    %barrier3A_12 = arith.constant 0 : index
    tpu.barrier barrier_id(%barrier3A_12)
    %mul3A_13 = arith.constant 640 : i32
    %mul3A_14 = arith.muli %arg1, %mul3A_13 : i32
    %mul3A_15 = arith.constant 640 : i32
    %mul3A_16 = arith.muli %arg1, %mul3A_15 : i32
    "tpu.region"() ({
      %run_scoped3A = tpu.sem_alloc : memref<!tpu.dma_semaphore, #tpu.memory_space<semaphore_mem>>
      %dma_start3A = arith.constant 0 : i32
      %dma_start3A_42 = arith.constant 0 : i32
      %dma_start3A_43 = tpu.memref_slice %arg6[%mul3A_2, %dma_start3A, %dma_start3A_42] : memref<4x10240x128xf32, #tpu.memory_space<hbm>> -> memref<1x10240x128xf32, #tpu.memory_space<hbm>>
      %dma_start3A_44 = tpu.memref_squeeze %dma_start3A_43 : memref<1x10240x128xf32, #tpu.memory_space<hbm>> -> memref<10240x128xf32, #tpu.memory_space<hbm>>
      %dma_start3A_45 = arith.constant 0 : i32
      %dma_start3A_46 = tpu.memref_slice %dma_start3A_44[%mul3A_16, %dma_start3A_45] : memref<10240x128xf32, #tpu.memory_space<hbm>> -> memref<640x128xf32, #tpu.memory_space<hbm>>
      %dma_start3A_47 = arith.constant 0 : i32
      %dma_start3A_48 = tpu.memref_slice %arg7[%mul3A_14, %dma_start3A_47] : memref<10240x128xf32, #tpu.memory_space<vmem_shared>> -> memref<640x128xf32, #tpu.memory_space<vmem_shared>>
      tpu.enqueue_dma source(%dma_start3A_48 : memref<640x128xf32, #tpu.memory_space<vmem_shared>>) target(%dma_start3A_46 : memref<640x128xf32, #tpu.memory_space<hbm>>) target_semaphore(%run_scoped3A : memref<!tpu.dma_semaphore, #tpu.memory_space<semaphore_mem>>)
      %dma_wait3A = arith.constant 0 : i32
      %dma_wait3A_49 = arith.constant 0 : i32
      %dma_wait3A_50 = tpu.memref_slice %arg6[%mul3A_2, %dma_wait3A, %dma_wait3A_49] : memref<4x10240x128xf32, #tpu.memory_space<hbm>> -> memref<1x10240x128xf32, #tpu.memory_space<hbm>>
      %dma_wait3A_51 = tpu.memref_squeeze %dma_wait3A_50 : memref<1x10240x128xf32, #tpu.memory_space<hbm>> -> memref<10240x128xf32, #tpu.memory_space<hbm>>
      %dma_wait3A_52 = arith.constant 0 : i32
      %dma_wait3A_53 = tpu.memref_slice %dma_wait3A_51[%mul3A_16, %dma_wait3A_52] : memref<10240x128xf32, #tpu.memory_space<hbm>> -> memref<640x128xf32, #tpu.memory_space<hbm>>
      %dma_wait3A_54 = arith.constant 0 : i32
      %dma_wait3A_55 = tpu.memref_slice %arg7[%mul3A_14, %dma_wait3A_54] : memref<10240x128xf32, #tpu.memory_space<vmem_shared>> -> memref<640x128xf32, #tpu.memory_space<vmem_shared>>
      tpu.wait_dma2 semaphore(%run_scoped3A : memref<!tpu.dma_semaphore, #tpu.memory_space<semaphore_mem>>) src(%dma_wait3A_55 : memref<640x128xf32, #tpu.memory_space<vmem_shared>>) dst(%dma_wait3A_53 : memref<640x128xf32, #tpu.memory_space<hbm>>)
      tpu.yield
    }) : () -> ()
    %barrier3A_17 = arith.constant 0 : index
    tpu.barrier barrier_id(%barrier3A_17)
    %mul3A_18 = arith.constant 2 : i32
    %mul3A_19 = arith.muli %mul3A_18, %arg0 : i32
    %add3A = arith.constant 1 : i32
    %add3A_20 = arith.addi %mul3A_19, %add3A : i32
    %mul3A_21 = arith.constant 2 : i32
    %mul3A_22 = arith.muli %mul3A_21, %arg0 : i32
    %add3A_23 = arith.constant 1 : i32
    %add3A_24 = arith.addi %mul3A_22, %add3A_23 : i32
    %mul3A_25 = arith.constant 640 : i32
    %mul3A_26 = arith.muli %arg1, %mul3A_25 : i32
    %mul3A_27 = arith.constant 640 : i32
    %mul3A_28 = arith.muli %arg1, %mul3A_27 : i32
    "tpu.region"() ({
      %run_scoped3A = tpu.sem_alloc : memref<!tpu.dma_semaphore, #tpu.memory_space<semaphore_mem>>
      %dma_start3A = arith.constant 0 : i32
      %dma_start3A_42 = tpu.memref_slice %arg7[%mul3A_28, %dma_start3A] : memref<10240x128xf32, #tpu.memory_space<vmem_shared>> -> memref<640x128xf32, #tpu.memory_space<vmem_shared>>
      %dma_start3A_43 = arith.constant 0 : i32
      %dma_start3A_44 = tpu.memref_slice %arg5[%mul3A_26, %dma_start3A_43] : memref<10240x128xf32, #tpu.memory_space<hbm>> -> memref<640x128xf32, #tpu.memory_space<hbm>>
      tpu.enqueue_dma source(%dma_start3A_44 : memref<640x128xf32, #tpu.memory_space<hbm>>) target(%dma_start3A_42 : memref<640x128xf32, #tpu.memory_space<vmem_shared>>) target_semaphore(%run_scoped3A : memref<!tpu.dma_semaphore, #tpu.memory_space<semaphore_mem>>)
      %dma_wait3A = arith.constant 0 : i32
      %dma_wait3A_45 = tpu.memref_slice %arg7[%mul3A_28, %dma_wait3A] : memref<10240x128xf32, #tpu.memory_space<vmem_shared>> -> memref<640x128xf32, #tpu.memory_space<vmem_shared>>
      %dma_wait3A_46 = arith.constant 0 : i32
      %dma_wait3A_47 = tpu.memref_slice %arg5[%mul3A_26, %dma_wait3A_46] : memref<10240x128xf32, #tpu.memory_space<hbm>> -> memref<640x128xf32, #tpu.memory_space<hbm>>
      tpu.wait_dma2 semaphore(%run_scoped3A : memref<!tpu.dma_semaphore, #tpu.memory_space<semaphore_mem>>) src(%dma_wait3A_47 : memref<640x128xf32, #tpu.memory_space<hbm>>) dst(%dma_wait3A_45 : memref<640x128xf32, #tpu.memory_space<vmem_shared>>)
      tpu.yield
    }) : () -> ()
    %barrier3A_29 = arith.constant 0 : index
    tpu.barrier barrier_id(%barrier3A_29)
    %scan3A_30 = arith.constant 0 : i32
    %scan3A_31 = arith.constant 0 : i32
    %scan3A_32 = arith.constant 10 : i32
    %scan3A_33 = arith.addi %scan3A_31, %scan3A_32 : i32
    %scan3A_34 = arith.constant 1 : i32
    scf.for %scan3A_42 = %scan3A_31 to %scan3A_33 step %scan3A_34  : i32 {
      %mul3A_43 = arith.constant 320 : i32
      %mul3A_44 = arith.muli %arg1, %mul3A_43 : i32
      %add3A_45 = arith.constant 0 : i32
      %add3A_46 = arith.addi %add3A_45, %mul3A_44 : i32
      %mul3A_47 = arith.constant 32 : i32
      %mul3A_48 = arith.muli %scan3A_42, %mul3A_47 : i32
      %add3A_49 = arith.addi %add3A_46, %mul3A_48 : i32
      "tpu.region"() ({
        %run_scoped3A = tpu.sem_alloc : memref<!tpu.dma_semaphore, #tpu.memory_space<semaphore_mem>>
        %dma_start3A_170 = arith.constant 0 : i32
        %dma_start3A_171 = tpu.memref_slice %arg3[%add3A_49, %dma_start3A_170] : memref<5120x128xi32, #tpu.memory_space<hbm>> -> memref<32x128xi32, #tpu.memory_space<hbm>>
        %dma_start3A_172 = arith.constant 0 : i32
        %dma_start3A_173 = tpu.memref_slice %arg3[%add3A_49, %dma_start3A_172] : memref<5120x128xi32, #tpu.memory_space<hbm>> -> memref<32x128xi32, #tpu.memory_space<hbm>>
        tpu.enqueue_dma source(%dma_start3A_173 : memref<32x128xi32, #tpu.memory_space<hbm>>) target(%arg8 : memref<32x128xi32, #tpu.memory_space<vmem>>) target_semaphore(%run_scoped3A : memref<!tpu.dma_semaphore, #tpu.memory_space<semaphore_mem>>)
        %dma_wait3A_174 = arith.constant 0 : i32
        %dma_wait3A_175 = tpu.memref_slice %arg3[%add3A_49, %dma_wait3A_174] : memref<5120x128xi32, #tpu.memory_space<hbm>> -> memref<32x128xi32, #tpu.memory_space<hbm>>
        %dma_wait3A_176 = arith.constant 0 : i32
        %dma_wait3A_177 = tpu.memref_slice %arg3[%add3A_49, %dma_wait3A_176] : memref<5120x128xi32, #tpu.memory_space<hbm>> -> memref<32x128xi32, #tpu.memory_space<hbm>>
        tpu.wait_dma2 semaphore(%run_scoped3A : memref<!tpu.dma_semaphore, #tpu.memory_space<semaphore_mem>>) src(%dma_wait3A_177 : memref<32x128xi32, #tpu.memory_space<hbm>>) dst(%arg8 : memref<32x128xi32, #tpu.memory_space<vmem>>)
        tpu.yield
      }) : () -> ()
      "tpu.region"() ({
        %run_scoped3A = tpu.sem_alloc : memref<!tpu.dma_semaphore, #tpu.memory_space<semaphore_mem>>
        %dma_start3A_170 = arith.constant 0 : i32
        %dma_start3A_171 = tpu.memref_slice %arg4[%add3A_49, %dma_start3A_170] : memref<5120x128xi32, #tpu.memory_space<hbm>> -> memref<32x128xi32, #tpu.memory_space<hbm>>
        %dma_start3A_172 = arith.constant 0 : i32
        %dma_start3A_173 = tpu.memref_slice %arg4[%add3A_49, %dma_start3A_172] : memref<5120x128xi32, #tpu.memory_space<hbm>> -> memref<32x128xi32, #tpu.memory_space<hbm>>
        tpu.enqueue_dma source(%dma_start3A_173 : memref<32x128xi32, #tpu.memory_space<hbm>>) target(%arg9 : memref<32x128xi32, #tpu.memory_space<vmem>>) target_semaphore(%run_scoped3A : memref<!tpu.dma_semaphore, #tpu.memory_space<semaphore_mem>>)
        %dma_wait3A_174 = arith.constant 0 : i32
        %dma_wait3A_175 = tpu.memref_slice %arg4[%add3A_49, %dma_wait3A_174] : memref<5120x128xi32, #tpu.memory_space<hbm>> -> memref<32x128xi32, #tpu.memory_space<hbm>>
        %dma_wait3A_176 = arith.constant 0 : i32
        %dma_wait3A_177 = tpu.memref_slice %arg4[%add3A_49, %dma_wait3A_176] : memref<5120x128xi32, #tpu.memory_space<hbm>> -> memref<32x128xi32, #tpu.memory_space<hbm>>
        tpu.wait_dma2 semaphore(%run_scoped3A : memref<!tpu.dma_semaphore, #tpu.memory_space<semaphore_mem>>) src(%dma_wait3A_177 : memref<32x128xi32, #tpu.memory_space<hbm>>) dst(%arg9 : memref<32x128xi32, #tpu.memory_space<vmem>>)
        tpu.yield
      }) : () -> ()
      %dma_start3A = arith.constant 0 : i32
      %dma_start3A_50 = arith.constant 0 : i32
      %dma_start3A_51 = arith.constant 0 : i32
      %dma_start3A_52 = arith.constant 0 : i32
      %dma_start3A_53 = tpu.memref_slice %arg10[%dma_start3A_50, %dma_start3A_51, %dma_start3A_52] : memref<2x128x128xf32, #tpu.memory_space<vmem>> -> memref<1x128x128xf32, #tpu.memory_space<vmem>>
      %dma_start3A_54 = tpu.memref_squeeze %dma_start3A_53 : memref<1x128x128xf32, #tpu.memory_space<vmem>> -> memref<128x128xf32, #tpu.memory_space<vmem>>
      %dma_start3A_55 = arith.constant 0 : i32
      %dma_start3A_56 = tpu.memref_slice %arg8[%dma_start3A, %dma_start3A_55] : memref<32x128xi32, #tpu.memory_space<vmem>> -> memref<1x128xi32, #tpu.memory_space<vmem>>
      %dma_start3A_57 = tpu.memref_squeeze %dma_start3A_56 : memref<1x128xi32, #tpu.memory_space<vmem>> -> memref<128xi32, #tpu.memory_space<vmem>>
      %dma_start3A_58 = arith.constant 0 : i32
      %dma_start3A_59 = arith.constant 0 : i32
      %dma_start3A_60 = tpu.memref_slice %arg2[%add3A_20, %dma_start3A_58, %dma_start3A_59] : memref<4x10240x128xf32, #tpu.memory_space<hbm>> -> memref<1x10240x128xf32, #tpu.memory_space<hbm>>
      %dma_start3A_61 = tpu.memref_squeeze %dma_start3A_60 : memref<1x10240x128xf32, #tpu.memory_space<hbm>> -> memref<10240x128xf32, #tpu.memory_space<hbm>>
      %dma_start3A_62 = arith.constant 0 : i32
      %dma_start3A_63 = arith.constant 0 : i32
      %dma_start3A_64 = tpu.memref_slice %dma_start3A_61[%dma_start3A_62, %dma_start3A_63] : memref<10240x128xf32, #tpu.memory_space<hbm>> -> memref<10240x128xf32, #tpu.memory_space<hbm>>
      tpu.enqueue_indirect_dma source(%dma_start3A_64 : memref<10240x128xf32, #tpu.memory_space<hbm>>) target(%dma_start3A_54 : memref<128x128xf32, #tpu.memory_space<vmem>>) offsets(%dma_start3A_57 : memref<128xi32, #tpu.memory_space<vmem>>) semaphore(%arg11 : memref<!tpu.dma_semaphore, #tpu.memory_space<semaphore_mem>>)
      %dma_wait3A = arith.constant 0 : i32
      %dma_wait3A_65 = arith.constant 0 : i32
      %dma_wait3A_66 = arith.constant 0 : i32
      %dma_wait3A_67 = tpu.memref_slice %arg10[%dma_wait3A, %dma_wait3A_65, %dma_wait3A_66] : memref<2x128x128xf32, #tpu.memory_space<vmem>> -> memref<1x128x128xf32, #tpu.memory_space<vmem>>
      %dma_wait3A_68 = tpu.memref_squeeze %dma_wait3A_67 : memref<1x128x128xf32, #tpu.memory_space<vmem>> -> memref<128x128xf32, #tpu.memory_space<vmem>>
      %dma_wait3A_69 = arith.constant 0 : i32
      %dma_wait3A_70 = arith.constant 0 : i32
      %dma_wait3A_71 = tpu.memref_slice %arg5[%dma_wait3A_69, %dma_wait3A_70] : memref<10240x128xf32, #tpu.memory_space<hbm>> -> memref<128x128xf32, #tpu.memory_space<hbm>>
      %dma_wait3A_72 = arith.constant 0 : i32
      %dma_wait3A_73 = arith.constant 0 : i32
      %dma_wait3A_74 = tpu.memref_slice %arg10[%dma_wait3A, %dma_wait3A_72, %dma_wait3A_73] : memref<2x128x128xf32, #tpu.memory_space<vmem>> -> memref<1x128x128xf32, #tpu.memory_space<vmem>>
      %dma_wait3A_75 = tpu.memref_squeeze %dma_wait3A_74 : memref<1x128x128xf32, #tpu.memory_space<vmem>> -> memref<128x128xf32, #tpu.memory_space<vmem>>
      %dma_wait3A_76 = arith.constant 0 : i32
      %dma_wait3A_77 = arith.constant 0 : i32
      %dma_wait3A_78 = tpu.memref_slice %arg5[%dma_wait3A_76, %dma_wait3A_77] : memref<10240x128xf32, #tpu.memory_space<hbm>> -> memref<128x128xf32, #tpu.memory_space<hbm>>
      tpu.wait_dma2 semaphore(%arg11 : memref<!tpu.dma_semaphore, #tpu.memory_space<semaphore_mem>>) src(%dma_wait3A_78 : memref<128x128xf32, #tpu.memory_space<hbm>>) dst(%dma_wait3A_75 : memref<128x128xf32, #tpu.memory_space<vmem>>)
      %dma_start3A_79 = arith.constant 1 : i32
      %dma_start3A_80 = arith.constant 1 : i32
      %dma_start3A_81 = arith.constant 0 : i32
      %dma_start3A_82 = arith.constant 0 : i32
      %dma_start3A_83 = tpu.memref_slice %arg10[%dma_start3A_80, %dma_start3A_81, %dma_start3A_82] : memref<2x128x128xf32, #tpu.memory_space<vmem>> -> memref<1x128x128xf32, #tpu.memory_space<vmem>>
      %dma_start3A_84 = tpu.memref_squeeze %dma_start3A_83 : memref<1x128x128xf32, #tpu.memory_space<vmem>> -> memref<128x128xf32, #tpu.memory_space<vmem>>
      %dma_start3A_85 = arith.constant 0 : i32
      %dma_start3A_86 = tpu.memref_slice %arg8[%dma_start3A_79, %dma_start3A_85] : memref<32x128xi32, #tpu.memory_space<vmem>> -> memref<1x128xi32, #tpu.memory_space<vmem>>
      %dma_start3A_87 = tpu.memref_squeeze %dma_start3A_86 : memref<1x128xi32, #tpu.memory_space<vmem>> -> memref<128xi32, #tpu.memory_space<vmem>>
      %dma_start3A_88 = arith.constant 0 : i32
      %dma_start3A_89 = arith.constant 0 : i32
      %dma_start3A_90 = tpu.memref_slice %arg2[%add3A_20, %dma_start3A_88, %dma_start3A_89] : memref<4x10240x128xf32, #tpu.memory_space<hbm>> -> memref<1x10240x128xf32, #tpu.memory_space<hbm>>
      %dma_start3A_91 = tpu.memref_squeeze %dma_start3A_90 : memref<1x10240x128xf32, #tpu.memory_space<hbm>> -> memref<10240x128xf32, #tpu.memory_space<hbm>>
      %dma_start3A_92 = arith.constant 0 : i32
      %dma_start3A_93 = arith.constant 0 : i32
      %dma_start3A_94 = tpu.memref_slice %dma_start3A_91[%dma_start3A_92, %dma_start3A_93] : memref<10240x128xf32, #tpu.memory_space<hbm>> -> memref<10240x128xf32, #tpu.memory_space<hbm>>
      tpu.enqueue_indirect_dma source(%dma_start3A_94 : memref<10240x128xf32, #tpu.memory_space<hbm>>) target(%dma_start3A_84 : memref<128x128xf32, #tpu.memory_space<vmem>>) offsets(%dma_start3A_87 : memref<128xi32, #tpu.memory_space<vmem>>) semaphore(%arg11 : memref<!tpu.dma_semaphore, #tpu.memory_space<semaphore_mem>>)
      %dma_start3A_95 = arith.constant 0 : i32
      %dma_start3A_96 = arith.constant 0 : i32
      %dma_start3A_97 = arith.constant 0 : i32
      %dma_start3A_98 = arith.constant 0 : i32
      %dma_start3A_99 = tpu.memref_slice %arg10[%dma_start3A_95, %dma_start3A_97, %dma_start3A_98] : memref<2x128x128xf32, #tpu.memory_space<vmem>> -> memref<1x128x128xf32, #tpu.memory_space<vmem>>
      %dma_start3A_100 = tpu.memref_squeeze %dma_start3A_99 : memref<1x128x128xf32, #tpu.memory_space<vmem>> -> memref<128x128xf32, #tpu.memory_space<vmem>>
      %dma_start3A_101 = arith.constant 0 : i32
      %dma_start3A_102 = tpu.memref_slice %arg9[%dma_start3A_96, %dma_start3A_101] : memref<32x128xi32, #tpu.memory_space<vmem>> -> memref<1x128xi32, #tpu.memory_space<vmem>>
      %dma_start3A_103 = tpu.memref_squeeze %dma_start3A_102 : memref<1x128xi32, #tpu.memory_space<vmem>> -> memref<128xi32, #tpu.memory_space<vmem>>
      %dma_start3A_104 = arith.constant 0 : i32
      %dma_start3A_105 = arith.constant 0 : i32
      %dma_start3A_106 = tpu.memref_slice %arg7[%dma_start3A_104, %dma_start3A_105] : memref<10240x128xf32, #tpu.memory_space<vmem_shared>> -> memref<10240x128xf32, #tpu.memory_space<vmem_shared>>
      tpu.enqueue_indirect_dma source(%dma_start3A_100 : memref<128x128xf32, #tpu.memory_space<vmem>>) target(%dma_start3A_106 : memref<10240x128xf32, #tpu.memory_space<vmem_shared>>) offsets(%dma_start3A_103 : memref<128xi32, #tpu.memory_space<vmem>>) semaphore(%arg12 : memref<!tpu.dma_semaphore, #tpu.memory_space<semaphore_mem>>) {add = true}
      %scan3A_107 = arith.constant 0 : i32
      %scan3A_108 = arith.constant 0 : i32
      %scan3A_109 = arith.constant 15 : i32
      %scan3A_110 = arith.addi %scan3A_108, %scan3A_109 : i32
      %scan3A_111 = arith.constant 1 : i32
      scf.for %scan3A_170 = %scan3A_108 to %scan3A_110 step %scan3A_111  : i32 {
        %dma_wait3A_171 = arith.constant 0 : i32
        %dma_wait3A_172 = arith.constant 0 : i32
        %dma_wait3A_173 = arith.constant 0 : i32
        %dma_wait3A_174 = tpu.memref_slice %arg10[%dma_wait3A_171, %dma_wait3A_172, %dma_wait3A_173] : memref<2x128x128xf32, #tpu.memory_space<vmem>> -> memref<1x128x128xf32, #tpu.memory_space<vmem>>
        %dma_wait3A_175 = tpu.memref_squeeze %dma_wait3A_174 : memref<1x128x128xf32, #tpu.memory_space<vmem>> -> memref<128x128xf32, #tpu.memory_space<vmem>>
        %dma_wait3A_176 = arith.constant 0 : i32
        %dma_wait3A_177 = arith.constant 0 : i32
        %dma_wait3A_178 = tpu.memref_slice %arg5[%dma_wait3A_176, %dma_wait3A_177] : memref<10240x128xf32, #tpu.memory_space<hbm>> -> memref<128x128xf32, #tpu.memory_space<hbm>>
        %dma_wait3A_179 = arith.constant 0 : i32
        %dma_wait3A_180 = arith.constant 0 : i32
        %dma_wait3A_181 = tpu.memref_slice %arg10[%dma_wait3A_171, %dma_wait3A_179, %dma_wait3A_180] : memref<2x128x128xf32, #tpu.memory_space<vmem>> -> memref<1x128x128xf32, #tpu.memory_space<vmem>>
        %dma_wait3A_182 = tpu.memref_squeeze %dma_wait3A_181 : memref<1x128x128xf32, #tpu.memory_space<vmem>> -> memref<128x128xf32, #tpu.memory_space<vmem>>
        %dma_wait3A_183 = arith.constant 0 : i32
        %dma_wait3A_184 = arith.constant 0 : i32
        %dma_wait3A_185 = tpu.memref_slice %arg5[%dma_wait3A_183, %dma_wait3A_184] : memref<10240x128xf32, #tpu.memory_space<hbm>> -> memref<128x128xf32, #tpu.memory_space<hbm>>
        tpu.wait_dma2 semaphore(%arg11 : memref<!tpu.dma_semaphore, #tpu.memory_space<semaphore_mem>>) src(%dma_wait3A_185 : memref<128x128xf32, #tpu.memory_space<hbm>>) dst(%dma_wait3A_182 : memref<128x128xf32, #tpu.memory_space<vmem>>)
        %dma_wait3A_186 = arith.constant 0 : i32
        %dma_wait3A_187 = arith.constant 0 : i32
        %dma_wait3A_188 = arith.constant 0 : i32
        %dma_wait3A_189 = tpu.memref_slice %arg10[%dma_wait3A_186, %dma_wait3A_187, %dma_wait3A_188] : memref<2x128x128xf32, #tpu.memory_space<vmem>> -> memref<1x128x128xf32, #tpu.memory_space<vmem>>
        %dma_wait3A_190 = tpu.memref_squeeze %dma_wait3A_189 : memref<1x128x128xf32, #tpu.memory_space<vmem>> -> memref<128x128xf32, #tpu.memory_space<vmem>>
        %dma_wait3A_191 = arith.constant 0 : i32
        %dma_wait3A_192 = arith.constant 0 : i32
        %dma_wait3A_193 = tpu.memref_slice %arg5[%dma_wait3A_191, %dma_wait3A_192] : memref<10240x128xf32, #tpu.memory_space<hbm>> -> memref<128x128xf32, #tpu.memory_space<hbm>>
        %dma_wait3A_194 = arith.constant 0 : i32
        %dma_wait3A_195 = arith.constant 0 : i32
        %dma_wait3A_196 = tpu.memref_slice %arg10[%dma_wait3A_186, %dma_wait3A_194, %dma_wait3A_195] : memref<2x128x128xf32, #tpu.memory_space<vmem>> -> memref<1x128x128xf32, #tpu.memory_space<vmem>>
        %dma_wait3A_197 = tpu.memref_squeeze %dma_wait3A_196 : memref<1x128x128xf32, #tpu.memory_space<vmem>> -> memref<128x128xf32, #tpu.memory_space<vmem>>
        %dma_wait3A_198 = arith.constant 0 : i32
        %dma_wait3A_199 = arith.constant 0 : i32
        %dma_wait3A_200 = tpu.memref_slice %arg5[%dma_wait3A_198, %dma_wait3A_199] : memref<10240x128xf32, #tpu.memory_space<hbm>> -> memref<128x128xf32, #tpu.memory_space<hbm>>
        tpu.wait_dma2 semaphore(%arg12 : memref<!tpu.dma_semaphore, #tpu.memory_space<semaphore_mem>>) src(%dma_wait3A_200 : memref<128x128xf32, #tpu.memory_space<hbm>>) dst(%dma_wait3A_197 : memref<128x128xf32, #tpu.memory_space<vmem>>)
        %mul3A_201 = arith.constant 2 : i32
        %mul3A_202 = arith.muli %mul3A_201, %scan3A_170 : i32
        %add3A_203 = arith.constant 2 : i32
        %add3A_204 = arith.addi %mul3A_202, %add3A_203 : i32
        %dma_start3A_205 = arith.constant 0 : i32
        %dma_start3A_206 = arith.constant 0 : i32
        %dma_start3A_207 = arith.constant 0 : i32
        %dma_start3A_208 = tpu.memref_slice %arg10[%dma_start3A_205, %dma_start3A_206, %dma_start3A_207] : memref<2x128x128xf32, #tpu.memory_space<vmem>> -> memref<1x128x128xf32, #tpu.memory_space<vmem>>
        %dma_start3A_209 = tpu.memref_squeeze %dma_start3A_208 : memref<1x128x128xf32, #tpu.memory_space<vmem>> -> memref<128x128xf32, #tpu.memory_space<vmem>>
        %dma_start3A_210 = arith.constant 0 : i32
        %dma_start3A_211 = tpu.memref_slice %arg8[%add3A_204, %dma_start3A_210] : memref<32x128xi32, #tpu.memory_space<vmem>> -> memref<1x128xi32, #tpu.memory_space<vmem>>
        %dma_start3A_212 = tpu.memref_squeeze %dma_start3A_211 : memref<1x128xi32, #tpu.memory_space<vmem>> -> memref<128xi32, #tpu.memory_space<vmem>>
        %dma_start3A_213 = arith.constant 0 : i32
        %dma_start3A_214 = arith.constant 0 : i32
        %dma_start3A_215 = tpu.memref_slice %arg2[%add3A_20, %dma_start3A_213, %dma_start3A_214] : memref<4x10240x128xf32, #tpu.memory_space<hbm>> -> memref<1x10240x128xf32, #tpu.memory_space<hbm>>
        %dma_start3A_216 = tpu.memref_squeeze %dma_start3A_215 : memref<1x10240x128xf32, #tpu.memory_space<hbm>> -> memref<10240x128xf32, #tpu.memory_space<hbm>>
        %dma_start3A_217 = arith.constant 0 : i32
        %dma_start3A_218 = arith.constant 0 : i32
        %dma_start3A_219 = tpu.memref_slice %dma_start3A_216[%dma_start3A_217, %dma_start3A_218] : memref<10240x128xf32, #tpu.memory_space<hbm>> -> memref<10240x128xf32, #tpu.memory_space<hbm>>
        tpu.enqueue_indirect_dma source(%dma_start3A_219 : memref<10240x128xf32, #tpu.memory_space<hbm>>) target(%dma_start3A_209 : memref<128x128xf32, #tpu.memory_space<vmem>>) offsets(%dma_start3A_212 : memref<128xi32, #tpu.memory_space<vmem>>) semaphore(%arg11 : memref<!tpu.dma_semaphore, #tpu.memory_space<semaphore_mem>>)
        %mul3A_220 = arith.constant 2 : i32
        %mul3A_221 = arith.muli %mul3A_220, %scan3A_170 : i32
        %add3A_222 = arith.constant 1 : i32
        %add3A_223 = arith.addi %mul3A_221, %add3A_222 : i32
        %dma_start3A_224 = arith.constant 1 : i32
        %dma_start3A_225 = arith.constant 0 : i32
        %dma_start3A_226 = arith.constant 0 : i32
        %dma_start3A_227 = tpu.memref_slice %arg10[%dma_start3A_224, %dma_start3A_225, %dma_start3A_226] : memref<2x128x128xf32, #tpu.memory_space<vmem>> -> memref<1x128x128xf32, #tpu.memory_space<vmem>>
        %dma_start3A_228 = tpu.memref_squeeze %dma_start3A_227 : memref<1x128x128xf32, #tpu.memory_space<vmem>> -> memref<128x128xf32, #tpu.memory_space<vmem>>
        %dma_start3A_229 = arith.constant 0 : i32
        %dma_start3A_230 = tpu.memref_slice %arg9[%add3A_223, %dma_start3A_229] : memref<32x128xi32, #tpu.memory_space<vmem>> -> memref<1x128xi32, #tpu.memory_space<vmem>>
        %dma_start3A_231 = tpu.memref_squeeze %dma_start3A_230 : memref<1x128xi32, #tpu.memory_space<vmem>> -> memref<128xi32, #tpu.memory_space<vmem>>
        %dma_start3A_232 = arith.constant 0 : i32
        %dma_start3A_233 = arith.constant 0 : i32
        %dma_start3A_234 = tpu.memref_slice %arg7[%dma_start3A_232, %dma_start3A_233] : memref<10240x128xf32, #tpu.memory_space<vmem_shared>> -> memref<10240x128xf32, #tpu.memory_space<vmem_shared>>
        tpu.enqueue_indirect_dma source(%dma_start3A_228 : memref<128x128xf32, #tpu.memory_space<vmem>>) target(%dma_start3A_234 : memref<10240x128xf32, #tpu.memory_space<vmem_shared>>) offsets(%dma_start3A_231 : memref<128xi32, #tpu.memory_space<vmem>>) semaphore(%arg12 : memref<!tpu.dma_semaphore, #tpu.memory_space<semaphore_mem>>) {add = true}
        %dma_wait3A_235 = arith.constant 0 : i32
        %dma_wait3A_236 = arith.constant 0 : i32
        %dma_wait3A_237 = arith.constant 0 : i32
        %dma_wait3A_238 = tpu.memref_slice %arg10[%dma_wait3A_235, %dma_wait3A_236, %dma_wait3A_237] : memref<2x128x128xf32, #tpu.memory_space<vmem>> -> memref<1x128x128xf32, #tpu.memory_space<vmem>>
        %dma_wait3A_239 = tpu.memref_squeeze %dma_wait3A_238 : memref<1x128x128xf32, #tpu.memory_space<vmem>> -> memref<128x128xf32, #tpu.memory_space<vmem>>
        %dma_wait3A_240 = arith.constant 0 : i32
        %dma_wait3A_241 = arith.constant 0 : i32
        %dma_wait3A_242 = tpu.memref_slice %arg5[%dma_wait3A_240, %dma_wait3A_241] : memref<10240x128xf32, #tpu.memory_space<hbm>> -> memref<128x128xf32, #tpu.memory_space<hbm>>
        %dma_wait3A_243 = arith.constant 0 : i32
        %dma_wait3A_244 = arith.constant 0 : i32
        %dma_wait3A_245 = tpu.memref_slice %arg10[%dma_wait3A_235, %dma_wait3A_243, %dma_wait3A_244] : memref<2x128x128xf32, #tpu.memory_space<vmem>> -> memref<1x128x128xf32, #tpu.memory_space<vmem>>
        %dma_wait3A_246 = tpu.memref_squeeze %dma_wait3A_245 : memref<1x128x128xf32, #tpu.memory_space<vmem>> -> memref<128x128xf32, #tpu.memory_space<vmem>>
        %dma_wait3A_247 = arith.constant 0 : i32
        %dma_wait3A_248 = arith.constant 0 : i32
        %dma_wait3A_249 = tpu.memref_slice %arg5[%dma_wait3A_247, %dma_wait3A_248] : memref<10240x128xf32, #tpu.memory_space<hbm>> -> memref<128x128xf32, #tpu.memory_space<hbm>>
        tpu.wait_dma2 semaphore(%arg11 : memref<!tpu.dma_semaphore, #tpu.memory_space<semaphore_mem>>) src(%dma_wait3A_249 : memref<128x128xf32, #tpu.memory_space<hbm>>) dst(%dma_wait3A_246 : memref<128x128xf32, #tpu.memory_space<vmem>>)
        %dma_wait3A_250 = arith.constant 0 : i32
        %dma_wait3A_251 = arith.constant 0 : i32
        %dma_wait3A_252 = arith.constant 0 : i32
        %dma_wait3A_253 = tpu.memref_slice %arg10[%dma_wait3A_250, %dma_wait3A_251, %dma_wait3A_252] : memref<2x128x128xf32, #tpu.memory_space<vmem>> -> memref<1x128x128xf32, #tpu.memory_space<vmem>>
        %dma_wait3A_254 = tpu.memref_squeeze %dma_wait3A_253 : memref<1x128x128xf32, #tpu.memory_space<vmem>> -> memref<128x128xf32, #tpu.memory_space<vmem>>
        %dma_wait3A_255 = arith.constant 0 : i32
        %dma_wait3A_256 = arith.constant 0 : i32
        %dma_wait3A_257 = tpu.memref_slice %arg5[%dma_wait3A_255, %dma_wait3A_256] : memref<10240x128xf32, #tpu.memory_space<hbm>> -> memref<128x128xf32, #tpu.memory_space<hbm>>
        %dma_wait3A_258 = arith.constant 0 : i32
        %dma_wait3A_259 = arith.constant 0 : i32
        %dma_wait3A_260 = tpu.memref_slice %arg10[%dma_wait3A_250, %dma_wait3A_258, %dma_wait3A_259] : memref<2x128x128xf32, #tpu.memory_space<vmem>> -> memref<1x128x128xf32, #tpu.memory_space<vmem>>
        %dma_wait3A_261 = tpu.memref_squeeze %dma_wait3A_260 : memref<1x128x128xf32, #tpu.memory_space<vmem>> -> memref<128x128xf32, #tpu.memory_space<vmem>>
        %dma_wait3A_262 = arith.constant 0 : i32
        %dma_wait3A_263 = arith.constant 0 : i32
        %dma_wait3A_264 = tpu.memref_slice %arg5[%dma_wait3A_262, %dma_wait3A_263] : memref<10240x128xf32, #tpu.memory_space<hbm>> -> memref<128x128xf32, #tpu.memory_space<hbm>>
        tpu.wait_dma2 semaphore(%arg12 : memref<!tpu.dma_semaphore, #tpu.memory_space<semaphore_mem>>) src(%dma_wait3A_264 : memref<128x128xf32, #tpu.memory_space<hbm>>) dst(%dma_wait3A_261 : memref<128x128xf32, #tpu.memory_space<vmem>>)
        %mul3A_265 = arith.constant 2 : i32
        %mul3A_266 = arith.muli %mul3A_265, %scan3A_170 : i32
        %add3A_267 = arith.constant 3 : i32
        %add3A_268 = arith.addi %mul3A_266, %add3A_267 : i32
        %dma_start3A_269 = arith.constant 1 : i32
        %dma_start3A_270 = arith.constant 0 : i32
        %dma_start3A_271 = arith.constant 0 : i32
        %dma_start3A_272 = tpu.memref_slice %arg10[%dma_start3A_269, %dma_start3A_270, %dma_start3A_271] : memref<2x128x128xf32, #tpu.memory_space<vmem>> -> memref<1x128x128xf32, #tpu.memory_space<vmem>>
        %dma_start3A_273 = tpu.memref_squeeze %dma_start3A_272 : memref<1x128x128xf32, #tpu.memory_space<vmem>> -> memref<128x128xf32, #tpu.memory_space<vmem>>
        %dma_start3A_274 = arith.constant 0 : i32
        %dma_start3A_275 = tpu.memref_slice %arg8[%add3A_268, %dma_start3A_274] : memref<32x128xi32, #tpu.memory_space<vmem>> -> memref<1x128xi32, #tpu.memory_space<vmem>>
        %dma_start3A_276 = tpu.memref_squeeze %dma_start3A_275 : memref<1x128xi32, #tpu.memory_space<vmem>> -> memref<128xi32, #tpu.memory_space<vmem>>
        %dma_start3A_277 = arith.constant 0 : i32
        %dma_start3A_278 = arith.constant 0 : i32
        %dma_start3A_279 = tpu.memref_slice %arg2[%add3A_20, %dma_start3A_277, %dma_start3A_278] : memref<4x10240x128xf32, #tpu.memory_space<hbm>> -> memref<1x10240x128xf32, #tpu.memory_space<hbm>>
        %dma_start3A_280 = tpu.memref_squeeze %dma_start3A_279 : memref<1x10240x128xf32, #tpu.memory_space<hbm>> -> memref<10240x128xf32, #tpu.memory_space<hbm>>
        %dma_start3A_281 = arith.constant 0 : i32
        %dma_start3A_282 = arith.constant 0 : i32
        %dma_start3A_283 = tpu.memref_slice %dma_start3A_280[%dma_start3A_281, %dma_start3A_282] : memref<10240x128xf32, #tpu.memory_space<hbm>> -> memref<10240x128xf32, #tpu.memory_space<hbm>>
        tpu.enqueue_indirect_dma source(%dma_start3A_283 : memref<10240x128xf32, #tpu.memory_space<hbm>>) target(%dma_start3A_273 : memref<128x128xf32, #tpu.memory_space<vmem>>) offsets(%dma_start3A_276 : memref<128xi32, #tpu.memory_space<vmem>>) semaphore(%arg11 : memref<!tpu.dma_semaphore, #tpu.memory_space<semaphore_mem>>)
        %mul3A_284 = arith.constant 2 : i32
        %mul3A_285 = arith.muli %mul3A_284, %scan3A_170 : i32
        %add3A_286 = arith.constant 2 : i32
        %add3A_287 = arith.addi %mul3A_285, %add3A_286 : i32
        %dma_start3A_288 = arith.constant 0 : i32
        %dma_start3A_289 = arith.constant 0 : i32
        %dma_start3A_290 = arith.constant 0 : i32
        %dma_start3A_291 = tpu.memref_slice %arg10[%dma_start3A_288, %dma_start3A_289, %dma_start3A_290] : memref<2x128x128xf32, #tpu.memory_space<vmem>> -> memref<1x128x128xf32, #tpu.memory_space<vmem>>
        %dma_start3A_292 = tpu.memref_squeeze %dma_start3A_291 : memref<1x128x128xf32, #tpu.memory_space<vmem>> -> memref<128x128xf32, #tpu.memory_space<vmem>>
        %dma_start3A_293 = arith.constant 0 : i32
        %dma_start3A_294 = tpu.memref_slice %arg9[%add3A_287, %dma_start3A_293] : memref<32x128xi32, #tpu.memory_space<vmem>> -> memref<1x128xi32, #tpu.memory_space<vmem>>
        %dma_start3A_295 = tpu.memref_squeeze %dma_start3A_294 : memref<1x128xi32, #tpu.memory_space<vmem>> -> memref<128xi32, #tpu.memory_space<vmem>>
        %dma_start3A_296 = arith.constant 0 : i32
        %dma_start3A_297 = arith.constant 0 : i32
        %dma_start3A_298 = tpu.memref_slice %arg7[%dma_start3A_296, %dma_start3A_297] : memref<10240x128xf32, #tpu.memory_space<vmem_shared>> -> memref<10240x128xf32, #tpu.memory_space<vmem_shared>>
        tpu.enqueue_indirect_dma source(%dma_start3A_292 : memref<128x128xf32, #tpu.memory_space<vmem>>) target(%dma_start3A_298 : memref<10240x128xf32, #tpu.memory_space<vmem_shared>>) offsets(%dma_start3A_295 : memref<128xi32, #tpu.memory_space<vmem>>) semaphore(%arg12 : memref<!tpu.dma_semaphore, #tpu.memory_space<semaphore_mem>>) {add = true}
      }
      %scan3A_112 = arith.constant 15 : i32
      %dma_wait3A_113 = arith.constant 0 : i32
      %dma_wait3A_114 = arith.constant 0 : i32
      %dma_wait3A_115 = arith.constant 0 : i32
      %dma_wait3A_116 = tpu.memref_slice %arg10[%dma_wait3A_113, %dma_wait3A_114, %dma_wait3A_115] : memref<2x128x128xf32, #tpu.memory_space<vmem>> -> memref<1x128x128xf32, #tpu.memory_space<vmem>>
      %dma_wait3A_117 = tpu.memref_squeeze %dma_wait3A_116 : memref<1x128x128xf32, #tpu.memory_space<vmem>> -> memref<128x128xf32, #tpu.memory_space<vmem>>
      %dma_wait3A_118 = arith.constant 0 : i32
      %dma_wait3A_119 = arith.constant 0 : i32
      %dma_wait3A_120 = tpu.memref_slice %arg5[%dma_wait3A_118, %dma_wait3A_119] : memref<10240x128xf32, #tpu.memory_space<hbm>> -> memref<128x128xf32, #tpu.memory_space<hbm>>
      %dma_wait3A_121 = arith.constant 0 : i32
      %dma_wait3A_122 = arith.constant 0 : i32
      %dma_wait3A_123 = tpu.memref_slice %arg10[%dma_wait3A_113, %dma_wait3A_121, %dma_wait3A_122] : memref<2x128x128xf32, #tpu.memory_space<vmem>> -> memref<1x128x128xf32, #tpu.memory_space<vmem>>
      %dma_wait3A_124 = tpu.memref_squeeze %dma_wait3A_123 : memref<1x128x128xf32, #tpu.memory_space<vmem>> -> memref<128x128xf32, #tpu.memory_space<vmem>>
      %dma_wait3A_125 = arith.constant 0 : i32
      %dma_wait3A_126 = arith.constant 0 : i32
      %dma_wait3A_127 = tpu.memref_slice %arg5[%dma_wait3A_125, %dma_wait3A_126] : memref<10240x128xf32, #tpu.memory_space<hbm>> -> memref<128x128xf32, #tpu.memory_space<hbm>>
      tpu.wait_dma2 semaphore(%arg11 : memref<!tpu.dma_semaphore, #tpu.memory_space<semaphore_mem>>) src(%dma_wait3A_127 : memref<128x128xf32, #tpu.memory_space<hbm>>) dst(%dma_wait3A_124 : memref<128x128xf32, #tpu.memory_space<vmem>>)
      %dma_wait3A_128 = arith.constant 0 : i32
      %dma_wait3A_129 = arith.constant 0 : i32
      %dma_wait3A_130 = arith.constant 0 : i32
      %dma_wait3A_131 = tpu.memref_slice %arg10[%dma_wait3A_128, %dma_wait3A_129, %dma_wait3A_130] : memref<2x128x128xf32, #tpu.memory_space<vmem>> -> memref<1x128x128xf32, #tpu.memory_space<vmem>>
      %dma_wait3A_132 = tpu.memref_squeeze %dma_wait3A_131 : memref<1x128x128xf32, #tpu.memory_space<vmem>> -> memref<128x128xf32, #tpu.memory_space<vmem>>
      %dma_wait3A_133 = arith.constant 0 : i32
      %dma_wait3A_134 = arith.constant 0 : i32
      %dma_wait3A_135 = tpu.memref_slice %arg5[%dma_wait3A_133, %dma_wait3A_134] : memref<10240x128xf32, #tpu.memory_space<hbm>> -> memref<128x128xf32, #tpu.memory_space<hbm>>
      %dma_wait3A_136 = arith.constant 0 : i32
      %dma_wait3A_137 = arith.constant 0 : i32
      %dma_wait3A_138 = tpu.memref_slice %arg10[%dma_wait3A_128, %dma_wait3A_136, %dma_wait3A_137] : memref<2x128x128xf32, #tpu.memory_space<vmem>> -> memref<1x128x128xf32, #tpu.memory_space<vmem>>
      %dma_wait3A_139 = tpu.memref_squeeze %dma_wait3A_138 : memref<1x128x128xf32, #tpu.memory_space<vmem>> -> memref<128x128xf32, #tpu.memory_space<vmem>>
      %dma_wait3A_140 = arith.constant 0 : i32
      %dma_wait3A_141 = arith.constant 0 : i32
      %dma_wait3A_142 = tpu.memref_slice %arg5[%dma_wait3A_140, %dma_wait3A_141] : memref<10240x128xf32, #tpu.memory_space<hbm>> -> memref<128x128xf32, #tpu.memory_space<hbm>>
      tpu.wait_dma2 semaphore(%arg12 : memref<!tpu.dma_semaphore, #tpu.memory_space<semaphore_mem>>) src(%dma_wait3A_142 : memref<128x128xf32, #tpu.memory_space<hbm>>) dst(%dma_wait3A_139 : memref<128x128xf32, #tpu.memory_space<vmem>>)
      %dma_start3A_143 = arith.constant 1 : i32
      %dma_start3A_144 = arith.constant 31 : i32
      %dma_start3A_145 = arith.constant 0 : i32
      %dma_start3A_146 = arith.constant 0 : i32
      %dma_start3A_147 = tpu.memref_slice %arg10[%dma_start3A_143, %dma_start3A_145, %dma_start3A_146] : memref<2x128x128xf32, #tpu.memory_space<vmem>> -> memref<1x128x128xf32, #tpu.memory_space<vmem>>
      %dma_start3A_148 = tpu.memref_squeeze %dma_start3A_147 : memref<1x128x128xf32, #tpu.memory_space<vmem>> -> memref<128x128xf32, #tpu.memory_space<vmem>>
      %dma_start3A_149 = arith.constant 0 : i32
      %dma_start3A_150 = tpu.memref_slice %arg9[%dma_start3A_144, %dma_start3A_149] : memref<32x128xi32, #tpu.memory_space<vmem>> -> memref<1x128xi32, #tpu.memory_space<vmem>>
      %dma_start3A_151 = tpu.memref_squeeze %dma_start3A_150 : memref<1x128xi32, #tpu.memory_space<vmem>> -> memref<128xi32, #tpu.memory_space<vmem>>
      %dma_start3A_152 = arith.constant 0 : i32
      %dma_start3A_153 = arith.constant 0 : i32
      %dma_start3A_154 = tpu.memref_slice %arg7[%dma_start3A_152, %dma_start3A_153] : memref<10240x128xf32, #tpu.memory_space<vmem_shared>> -> memref<10240x128xf32, #tpu.memory_space<vmem_shared>>
      tpu.enqueue_indirect_dma source(%dma_start3A_148 : memref<128x128xf32, #tpu.memory_space<vmem>>) target(%dma_start3A_154 : memref<10240x128xf32, #tpu.memory_space<vmem_shared>>) offsets(%dma_start3A_151 : memref<128xi32, #tpu.memory_space<vmem>>) semaphore(%arg12 : memref<!tpu.dma_semaphore, #tpu.memory_space<semaphore_mem>>) {add = true}
      %dma_wait3A_155 = arith.constant 0 : i32
      %dma_wait3A_156 = arith.constant 0 : i32
      %dma_wait3A_157 = arith.constant 0 : i32
      %dma_wait3A_158 = tpu.memref_slice %arg10[%dma_wait3A_155, %dma_wait3A_156, %dma_wait3A_157] : memref<2x128x128xf32, #tpu.memory_space<vmem>> -> memref<1x128x128xf32, #tpu.memory_space<vmem>>
      %dma_wait3A_159 = tpu.memref_squeeze %dma_wait3A_158 : memref<1x128x128xf32, #tpu.memory_space<vmem>> -> memref<128x128xf32, #tpu.memory_space<vmem>>
      %dma_wait3A_160 = arith.constant 0 : i32
      %dma_wait3A_161 = arith.constant 0 : i32
      %dma_wait3A_162 = tpu.memref_slice %arg5[%dma_wait3A_160, %dma_wait3A_161] : memref<10240x128xf32, #tpu.memory_space<hbm>> -> memref<128x128xf32, #tpu.memory_space<hbm>>
      %dma_wait3A_163 = arith.constant 0 : i32
      %dma_wait3A_164 = arith.constant 0 : i32
      %dma_wait3A_165 = tpu.memref_slice %arg10[%dma_wait3A_155, %dma_wait3A_163, %dma_wait3A_164] : memref<2x128x128xf32, #tpu.memory_space<vmem>> -> memref<1x128x128xf32, #tpu.memory_space<vmem>>
      %dma_wait3A_166 = tpu.memref_squeeze %dma_wait3A_165 : memref<1x128x128xf32, #tpu.memory_space<vmem>> -> memref<128x128xf32, #tpu.memory_space<vmem>>
      %dma_wait3A_167 = arith.constant 0 : i32
      %dma_wait3A_168 = arith.constant 0 : i32
      %dma_wait3A_169 = tpu.memref_slice %arg5[%dma_wait3A_167, %dma_wait3A_168] : memref<10240x128xf32, #tpu.memory_space<hbm>> -> memref<128x128xf32, #tpu.memory_space<hbm>>
      tpu.wait_dma2 semaphore(%arg12 : memref<!tpu.dma_semaphore, #tpu.memory_space<semaphore_mem>>) src(%dma_wait3A_169 : memref<128x128xf32, #tpu.memory_space<hbm>>) dst(%dma_wait3A_166 : memref<128x128xf32, #tpu.memory_space<vmem>>)
    }
    %scan3A_35 = arith.constant 10 : i32
    %barrier3A_36 = arith.constant 0 : index
    tpu.barrier barrier_id(%barrier3A_36)
    %mul3A_37 = arith.constant 640 : i32
    %mul3A_38 = arith.muli %arg1, %mul3A_37 : i32
    %mul3A_39 = arith.constant 640 : i32
    %mul3A_40 = arith.muli %arg1, %mul3A_39 : i32
    "tpu.region"() ({
      %run_scoped3A = tpu.sem_alloc : memref<!tpu.dma_semaphore, #tpu.memory_space<semaphore_mem>>
      %dma_start3A = arith.constant 0 : i32
      %dma_start3A_42 = arith.constant 0 : i32
      %dma_start3A_43 = tpu.memref_slice %arg6[%add3A_24, %dma_start3A, %dma_start3A_42] : memref<4x10240x128xf32, #tpu.memory_space<hbm>> -> memref<1x10240x128xf32, #tpu.memory_space<hbm>>
      %dma_start3A_44 = tpu.memref_squeeze %dma_start3A_43 : memref<1x10240x128xf32, #tpu.memory_space<hbm>> -> memref<10240x128xf32, #tpu.memory_space<hbm>>
      %dma_start3A_45 = arith.constant 0 : i32
      %dma_start3A_46 = tpu.memref_slice %dma_start3A_44[%mul3A_40, %dma_start3A_45] : memref<10240x128xf32, #tpu.memory_space<hbm>> -> memref<640x128xf32, #tpu.memory_space<hbm>>
      %dma_start3A_47 = arith.constant 0 : i32
      %dma_start3A_48 = tpu.memref_slice %arg7[%mul3A_38, %dma_start3A_47] : memref<10240x128xf32, #tpu.memory_space<vmem_shared>> -> memref<640x128xf32, #tpu.memory_space<vmem_shared>>
      tpu.enqueue_dma source(%dma_start3A_48 : memref<640x128xf32, #tpu.memory_space<vmem_shared>>) target(%dma_start3A_46 : memref<640x128xf32, #tpu.memory_space<hbm>>) target_semaphore(%run_scoped3A : memref<!tpu.dma_semaphore, #tpu.memory_space<semaphore_mem>>)
      %dma_wait3A = arith.constant 0 : i32
      %dma_wait3A_49 = arith.constant 0 : i32
      %dma_wait3A_50 = tpu.memref_slice %arg6[%add3A_24, %dma_wait3A, %dma_wait3A_49] : memref<4x10240x128xf32, #tpu.memory_space<hbm>> -> memref<1x10240x128xf32, #tpu.memory_space<hbm>>
      %dma_wait3A_51 = tpu.memref_squeeze %dma_wait3A_50 : memref<1x10240x128xf32, #tpu.memory_space<hbm>> -> memref<10240x128xf32, #tpu.memory_space<hbm>>
      %dma_wait3A_52 = arith.constant 0 : i32
      %dma_wait3A_53 = tpu.memref_slice %dma_wait3A_51[%mul3A_40, %dma_wait3A_52] : memref<10240x128xf32, #tpu.memory_space<hbm>> -> memref<640x128xf32, #tpu.memory_space<hbm>>
      %dma_wait3A_54 = arith.constant 0 : i32
      %dma_wait3A_55 = tpu.memref_slice %arg7[%mul3A_38, %dma_wait3A_54] : memref<10240x128xf32, #tpu.memory_space<vmem_shared>> -> memref<640x128xf32, #tpu.memory_space<vmem_shared>>
      tpu.wait_dma2 semaphore(%run_scoped3A : memref<!tpu.dma_semaphore, #tpu.memory_space<semaphore_mem>>) src(%dma_wait3A_55 : memref<640x128xf32, #tpu.memory_space<vmem_shared>>) dst(%dma_wait3A_53 : memref<640x128xf32, #tpu.memory_space<hbm>>)
      tpu.yield
    }) : () -> ()
    %barrier3A_41 = arith.constant 0 : index
    tpu.barrier barrier_id(%barrier3A_41)
    return
  }
}

#map = affine_map<(d0, d1) -> (0, 0)>
#map1 = affine_map<(d0, d1) -> (0, 0, 0)>
module attributes {stable_mosaic.version = 14 : i64} {
  func.func @_deg_kernel(%arg0: i32, %arg1: i32, %arg2: memref<5120x128xi32, #tpu.memory_space<hbm>>, %arg3: memref<128x128xf32, #tpu.memory_space<hbm>>, %arg4: memref<10240x128xf32, #tpu.memory_space<hbm>>, %arg5: memref<2x10240x128xf32, #tpu.memory_space<hbm>>, %arg6: memref<10240x128xf32, #tpu.memory_space<vmem_shared>>, %arg7: memref<8x128xi32, #tpu.memory_space<vmem>>, %arg8: memref<128x128xf32, #tpu.memory_space<vmem>>) attributes {dimension_semantics = [#tpu.dimension_semantics<core_parallel>, #tpu.dimension_semantics<subcore_parallel>], iteration_bounds = array<i64: 2, 16>, scalar_prefetch = 0 : i64, scratch_operands = 3 : i64, tpu.core_type = #tpu.core_type<sc_vector_subcore>, window_params = [{transform_indices = #map}, {transform_indices = #map}, {transform_indices = #map}, {transform_indices = #map1}]} {
    %mul3A = arith.constant 640 : i32
    %mul3A_0 = arith.muli %arg1, %mul3A : i32
    %mul3A_1 = arith.constant 640 : i32
    %mul3A_2 = arith.muli %arg1, %mul3A_1 : i32
    "tpu.region"() ({
      %run_scoped3A = tpu.sem_alloc : memref<!tpu.dma_semaphore, #tpu.memory_space<semaphore_mem>>
      %dma_start3A = arith.constant 0 : i32
      %dma_start3A_13 = tpu.memref_slice %arg6[%mul3A_2, %dma_start3A] : memref<10240x128xf32, #tpu.memory_space<vmem_shared>> -> memref<640x128xf32, #tpu.memory_space<vmem_shared>>
      %dma_start3A_14 = arith.constant 0 : i32
      %dma_start3A_15 = tpu.memref_slice %arg4[%mul3A_0, %dma_start3A_14] : memref<10240x128xf32, #tpu.memory_space<hbm>> -> memref<640x128xf32, #tpu.memory_space<hbm>>
      tpu.enqueue_dma source(%dma_start3A_15 : memref<640x128xf32, #tpu.memory_space<hbm>>) target(%dma_start3A_13 : memref<640x128xf32, #tpu.memory_space<vmem_shared>>) target_semaphore(%run_scoped3A : memref<!tpu.dma_semaphore, #tpu.memory_space<semaphore_mem>>)
      %dma_wait3A = arith.constant 0 : i32
      %dma_wait3A_16 = tpu.memref_slice %arg6[%mul3A_2, %dma_wait3A] : memref<10240x128xf32, #tpu.memory_space<vmem_shared>> -> memref<640x128xf32, #tpu.memory_space<vmem_shared>>
      %dma_wait3A_17 = arith.constant 0 : i32
      %dma_wait3A_18 = tpu.memref_slice %arg4[%mul3A_0, %dma_wait3A_17] : memref<10240x128xf32, #tpu.memory_space<hbm>> -> memref<640x128xf32, #tpu.memory_space<hbm>>
      tpu.wait_dma2 semaphore(%run_scoped3A : memref<!tpu.dma_semaphore, #tpu.memory_space<semaphore_mem>>) src(%dma_wait3A_18 : memref<640x128xf32, #tpu.memory_space<hbm>>) dst(%dma_wait3A_16 : memref<640x128xf32, #tpu.memory_space<vmem_shared>>)
      tpu.yield
    }) : () -> ()
    "tpu.region"() ({
      %run_scoped3A = tpu.sem_alloc : memref<!tpu.dma_semaphore, #tpu.memory_space<semaphore_mem>>
      tpu.enqueue_dma source(%arg3 : memref<128x128xf32, #tpu.memory_space<hbm>>) target(%arg8 : memref<128x128xf32, #tpu.memory_space<vmem>>) target_semaphore(%run_scoped3A : memref<!tpu.dma_semaphore, #tpu.memory_space<semaphore_mem>>)
      tpu.wait_dma2 semaphore(%run_scoped3A : memref<!tpu.dma_semaphore, #tpu.memory_space<semaphore_mem>>) src(%arg3 : memref<128x128xf32, #tpu.memory_space<hbm>>) dst(%arg8 : memref<128x128xf32, #tpu.memory_space<vmem>>)
      tpu.yield
    }) : () -> ()
    %barrier3A = arith.constant 0 : index
    tpu.barrier barrier_id(%barrier3A)
    %scan3A = arith.constant 0 : i32
    %scan3A_3 = arith.constant 0 : i32
    %scan3A_4 = arith.constant 20 : i32
    %scan3A_5 = arith.addi %scan3A_3, %scan3A_4 : i32
    %scan3A_6 = arith.constant 1 : i32
    scf.for %scan3A_13 = %scan3A_3 to %scan3A_5 step %scan3A_6  : i32 {
      %mul3A_14 = arith.constant 2560 : i32
      %mul3A_15 = arith.muli %arg0, %mul3A_14 : i32
      %mul3A_16 = arith.constant 160 : i32
      %mul3A_17 = arith.muli %arg1, %mul3A_16 : i32
      %add3A = arith.addi %mul3A_15, %mul3A_17 : i32
      %mul3A_18 = arith.constant 8 : i32
      %mul3A_19 = arith.muli %scan3A_13, %mul3A_18 : i32
      %add3A_20 = arith.addi %add3A, %mul3A_19 : i32
      "tpu.region"() ({
        %run_scoped3A_28 = tpu.sem_alloc : memref<!tpu.dma_semaphore, #tpu.memory_space<semaphore_mem>>
        %dma_start3A = arith.constant 0 : i32
        %dma_start3A_29 = tpu.memref_slice %arg2[%add3A_20, %dma_start3A] : memref<5120x128xi32, #tpu.memory_space<hbm>> -> memref<8x128xi32, #tpu.memory_space<hbm>>
        %dma_start3A_30 = arith.constant 0 : i32
        %dma_start3A_31 = tpu.memref_slice %arg2[%add3A_20, %dma_start3A_30] : memref<5120x128xi32, #tpu.memory_space<hbm>> -> memref<8x128xi32, #tpu.memory_space<hbm>>
        tpu.enqueue_dma source(%dma_start3A_31 : memref<8x128xi32, #tpu.memory_space<hbm>>) target(%arg7 : memref<8x128xi32, #tpu.memory_space<vmem>>) target_semaphore(%run_scoped3A_28 : memref<!tpu.dma_semaphore, #tpu.memory_space<semaphore_mem>>)
        %dma_wait3A = arith.constant 0 : i32
        %dma_wait3A_32 = tpu.memref_slice %arg2[%add3A_20, %dma_wait3A] : memref<5120x128xi32, #tpu.memory_space<hbm>> -> memref<8x128xi32, #tpu.memory_space<hbm>>
        %dma_wait3A_33 = arith.constant 0 : i32
        %dma_wait3A_34 = tpu.memref_slice %arg2[%add3A_20, %dma_wait3A_33] : memref<5120x128xi32, #tpu.memory_space<hbm>> -> memref<8x128xi32, #tpu.memory_space<hbm>>
        tpu.wait_dma2 semaphore(%run_scoped3A_28 : memref<!tpu.dma_semaphore, #tpu.memory_space<semaphore_mem>>) src(%dma_wait3A_34 : memref<8x128xi32, #tpu.memory_space<hbm>>) dst(%arg7 : memref<8x128xi32, #tpu.memory_space<vmem>>)
        tpu.yield
      }) : () -> ()
      %run_scoped3A = arith.constant 0 : i32
      "tpu.region"() ({
        %run_scoped3A_28 = tpu.sem_alloc : memref<!tpu.dma_semaphore, #tpu.memory_space<semaphore_mem>>
        %dma_start3A = arith.constant 0 : i32
        %dma_start3A_29 = tpu.memref_slice %arg7[%run_scoped3A, %dma_start3A] : memref<8x128xi32, #tpu.memory_space<vmem>> -> memref<1x128xi32, #tpu.memory_space<vmem>>
        %dma_start3A_30 = tpu.memref_squeeze %dma_start3A_29 : memref<1x128xi32, #tpu.memory_space<vmem>> -> memref<128xi32, #tpu.memory_space<vmem>>
        %dma_start3A_31 = arith.constant 0 : i32
        %dma_start3A_32 = arith.constant 0 : i32
        %dma_start3A_33 = tpu.memref_slice %arg6[%dma_start3A_31, %dma_start3A_32] : memref<10240x128xf32, #tpu.memory_space<vmem_shared>> -> memref<10240x128xf32, #tpu.memory_space<vmem_shared>>
        tpu.enqueue_indirect_dma source(%arg8 : memref<128x128xf32, #tpu.memory_space<vmem>>) target(%dma_start3A_33 : memref<10240x128xf32, #tpu.memory_space<vmem_shared>>) offsets(%dma_start3A_30 : memref<128xi32, #tpu.memory_space<vmem>>) semaphore(%run_scoped3A_28 : memref<!tpu.dma_semaphore, #tpu.memory_space<semaphore_mem>>) {add = true}
        %dma_wait3A = arith.constant 0 : i32
        %dma_wait3A_34 = tpu.memref_slice %arg7[%run_scoped3A, %dma_wait3A] : memref<8x128xi32, #tpu.memory_space<vmem>> -> memref<1x128xi32, #tpu.memory_space<vmem>>
        %dma_wait3A_35 = tpu.memref_squeeze %dma_wait3A_34 : memref<1x128xi32, #tpu.memory_space<vmem>> -> memref<128xi32, #tpu.memory_space<vmem>>
        %dma_wait3A_36 = arith.constant 0 : i32
        %dma_wait3A_37 = arith.constant 0 : i32
        %dma_wait3A_38 = tpu.memref_slice %arg6[%dma_wait3A_36, %dma_wait3A_37] : memref<10240x128xf32, #tpu.memory_space<vmem_shared>> -> memref<10240x128xf32, #tpu.memory_space<vmem_shared>>
        tpu.wait_indirect_dma semaphore(%run_scoped3A_28 : memref<!tpu.dma_semaphore, #tpu.memory_space<semaphore_mem>>) src(%arg8 : memref<128x128xf32, #tpu.memory_space<vmem>>) dst(%dma_wait3A_38 : memref<10240x128xf32, #tpu.memory_space<vmem_shared>>)
        tpu.yield
      }) : () -> ()
      %run_scoped3A_21 = arith.constant 1 : i32
      "tpu.region"() ({
        %run_scoped3A_28 = tpu.sem_alloc : memref<!tpu.dma_semaphore, #tpu.memory_space<semaphore_mem>>
        %dma_start3A = arith.constant 0 : i32
        %dma_start3A_29 = tpu.memref_slice %arg7[%run_scoped3A_21, %dma_start3A] : memref<8x128xi32, #tpu.memory_space<vmem>> -> memref<1x128xi32, #tpu.memory_space<vmem>>
        %dma_start3A_30 = tpu.memref_squeeze %dma_start3A_29 : memref<1x128xi32, #tpu.memory_space<vmem>> -> memref<128xi32, #tpu.memory_space<vmem>>
        %dma_start3A_31 = arith.constant 0 : i32
        %dma_start3A_32 = arith.constant 0 : i32
        %dma_start3A_33 = tpu.memref_slice %arg6[%dma_start3A_31, %dma_start3A_32] : memref<10240x128xf32, #tpu.memory_space<vmem_shared>> -> memref<10240x128xf32, #tpu.memory_space<vmem_shared>>
        tpu.enqueue_indirect_dma source(%arg8 : memref<128x128xf32, #tpu.memory_space<vmem>>) target(%dma_start3A_33 : memref<10240x128xf32, #tpu.memory_space<vmem_shared>>) offsets(%dma_start3A_30 : memref<128xi32, #tpu.memory_space<vmem>>) semaphore(%run_scoped3A_28 : memref<!tpu.dma_semaphore, #tpu.memory_space<semaphore_mem>>) {add = true}
        %dma_wait3A = arith.constant 0 : i32
        %dma_wait3A_34 = tpu.memref_slice %arg7[%run_scoped3A_21, %dma_wait3A] : memref<8x128xi32, #tpu.memory_space<vmem>> -> memref<1x128xi32, #tpu.memory_space<vmem>>
        %dma_wait3A_35 = tpu.memref_squeeze %dma_wait3A_34 : memref<1x128xi32, #tpu.memory_space<vmem>> -> memref<128xi32, #tpu.memory_space<vmem>>
        %dma_wait3A_36 = arith.constant 0 : i32
        %dma_wait3A_37 = arith.constant 0 : i32
        %dma_wait3A_38 = tpu.memref_slice %arg6[%dma_wait3A_36, %dma_wait3A_37] : memref<10240x128xf32, #tpu.memory_space<vmem_shared>> -> memref<10240x128xf32, #tpu.memory_space<vmem_shared>>
        tpu.wait_indirect_dma semaphore(%run_scoped3A_28 : memref<!tpu.dma_semaphore, #tpu.memory_space<semaphore_mem>>) src(%arg8 : memref<128x128xf32, #tpu.memory_space<vmem>>) dst(%dma_wait3A_38 : memref<10240x128xf32, #tpu.memory_space<vmem_shared>>)
        tpu.yield
      }) : () -> ()
      %run_scoped3A_22 = arith.constant 2 : i32
      "tpu.region"() ({
        %run_scoped3A_28 = tpu.sem_alloc : memref<!tpu.dma_semaphore, #tpu.memory_space<semaphore_mem>>
        %dma_start3A = arith.constant 0 : i32
        %dma_start3A_29 = tpu.memref_slice %arg7[%run_scoped3A_22, %dma_start3A] : memref<8x128xi32, #tpu.memory_space<vmem>> -> memref<1x128xi32, #tpu.memory_space<vmem>>
        %dma_start3A_30 = tpu.memref_squeeze %dma_start3A_29 : memref<1x128xi32, #tpu.memory_space<vmem>> -> memref<128xi32, #tpu.memory_space<vmem>>
        %dma_start3A_31 = arith.constant 0 : i32
        %dma_start3A_32 = arith.constant 0 : i32
        %dma_start3A_33 = tpu.memref_slice %arg6[%dma_start3A_31, %dma_start3A_32] : memref<10240x128xf32, #tpu.memory_space<vmem_shared>> -> memref<10240x128xf32, #tpu.memory_space<vmem_shared>>
        tpu.enqueue_indirect_dma source(%arg8 : memref<128x128xf32, #tpu.memory_space<vmem>>) target(%dma_start3A_33 : memref<10240x128xf32, #tpu.memory_space<vmem_shared>>) offsets(%dma_start3A_30 : memref<128xi32, #tpu.memory_space<vmem>>) semaphore(%run_scoped3A_28 : memref<!tpu.dma_semaphore, #tpu.memory_space<semaphore_mem>>) {add = true}
        %dma_wait3A = arith.constant 0 : i32
        %dma_wait3A_34 = tpu.memref_slice %arg7[%run_scoped3A_22, %dma_wait3A] : memref<8x128xi32, #tpu.memory_space<vmem>> -> memref<1x128xi32, #tpu.memory_space<vmem>>
        %dma_wait3A_35 = tpu.memref_squeeze %dma_wait3A_34 : memref<1x128xi32, #tpu.memory_space<vmem>> -> memref<128xi32, #tpu.memory_space<vmem>>
        %dma_wait3A_36 = arith.constant 0 : i32
        %dma_wait3A_37 = arith.constant 0 : i32
        %dma_wait3A_38 = tpu.memref_slice %arg6[%dma_wait3A_36, %dma_wait3A_37] : memref<10240x128xf32, #tpu.memory_space<vmem_shared>> -> memref<10240x128xf32, #tpu.memory_space<vmem_shared>>
        tpu.wait_indirect_dma semaphore(%run_scoped3A_28 : memref<!tpu.dma_semaphore, #tpu.memory_space<semaphore_mem>>) src(%arg8 : memref<128x128xf32, #tpu.memory_space<vmem>>) dst(%dma_wait3A_38 : memref<10240x128xf32, #tpu.memory_space<vmem_shared>>)
        tpu.yield
      }) : () -> ()
      %run_scoped3A_23 = arith.constant 3 : i32
      "tpu.region"() ({
        %run_scoped3A_28 = tpu.sem_alloc : memref<!tpu.dma_semaphore, #tpu.memory_space<semaphore_mem>>
        %dma_start3A = arith.constant 0 : i32
        %dma_start3A_29 = tpu.memref_slice %arg7[%run_scoped3A_23, %dma_start3A] : memref<8x128xi32, #tpu.memory_space<vmem>> -> memref<1x128xi32, #tpu.memory_space<vmem>>
        %dma_start3A_30 = tpu.memref_squeeze %dma_start3A_29 : memref<1x128xi32, #tpu.memory_space<vmem>> -> memref<128xi32, #tpu.memory_space<vmem>>
        %dma_start3A_31 = arith.constant 0 : i32
        %dma_start3A_32 = arith.constant 0 : i32
        %dma_start3A_33 = tpu.memref_slice %arg6[%dma_start3A_31, %dma_start3A_32] : memref<10240x128xf32, #tpu.memory_space<vmem_shared>> -> memref<10240x128xf32, #tpu.memory_space<vmem_shared>>
        tpu.enqueue_indirect_dma source(%arg8 : memref<128x128xf32, #tpu.memory_space<vmem>>) target(%dma_start3A_33 : memref<10240x128xf32, #tpu.memory_space<vmem_shared>>) offsets(%dma_start3A_30 : memref<128xi32, #tpu.memory_space<vmem>>) semaphore(%run_scoped3A_28 : memref<!tpu.dma_semaphore, #tpu.memory_space<semaphore_mem>>) {add = true}
        %dma_wait3A = arith.constant 0 : i32
        %dma_wait3A_34 = tpu.memref_slice %arg7[%run_scoped3A_23, %dma_wait3A] : memref<8x128xi32, #tpu.memory_space<vmem>> -> memref<1x128xi32, #tpu.memory_space<vmem>>
        %dma_wait3A_35 = tpu.memref_squeeze %dma_wait3A_34 : memref<1x128xi32, #tpu.memory_space<vmem>> -> memref<128xi32, #tpu.memory_space<vmem>>
        %dma_wait3A_36 = arith.constant 0 : i32
        %dma_wait3A_37 = arith.constant 0 : i32
        %dma_wait3A_38 = tpu.memref_slice %arg6[%dma_wait3A_36, %dma_wait3A_37] : memref<10240x128xf32, #tpu.memory_space<vmem_shared>> -> memref<10240x128xf32, #tpu.memory_space<vmem_shared>>
        tpu.wait_indirect_dma semaphore(%run_scoped3A_28 : memref<!tpu.dma_semaphore, #tpu.memory_space<semaphore_mem>>) src(%arg8 : memref<128x128xf32, #tpu.memory_space<vmem>>) dst(%dma_wait3A_38 : memref<10240x128xf32, #tpu.memory_space<vmem_shared>>)
        tpu.yield
      }) : () -> ()
      %run_scoped3A_24 = arith.constant 4 : i32
      "tpu.region"() ({
        %run_scoped3A_28 = tpu.sem_alloc : memref<!tpu.dma_semaphore, #tpu.memory_space<semaphore_mem>>
        %dma_start3A = arith.constant 0 : i32
        %dma_start3A_29 = tpu.memref_slice %arg7[%run_scoped3A_24, %dma_start3A] : memref<8x128xi32, #tpu.memory_space<vmem>> -> memref<1x128xi32, #tpu.memory_space<vmem>>
        %dma_start3A_30 = tpu.memref_squeeze %dma_start3A_29 : memref<1x128xi32, #tpu.memory_space<vmem>> -> memref<128xi32, #tpu.memory_space<vmem>>
        %dma_start3A_31 = arith.constant 0 : i32
        %dma_start3A_32 = arith.constant 0 : i32
        %dma_start3A_33 = tpu.memref_slice %arg6[%dma_start3A_31, %dma_start3A_32] : memref<10240x128xf32, #tpu.memory_space<vmem_shared>> -> memref<10240x128xf32, #tpu.memory_space<vmem_shared>>
        tpu.enqueue_indirect_dma source(%arg8 : memref<128x128xf32, #tpu.memory_space<vmem>>) target(%dma_start3A_33 : memref<10240x128xf32, #tpu.memory_space<vmem_shared>>) offsets(%dma_start3A_30 : memref<128xi32, #tpu.memory_space<vmem>>) semaphore(%run_scoped3A_28 : memref<!tpu.dma_semaphore, #tpu.memory_space<semaphore_mem>>) {add = true}
        %dma_wait3A = arith.constant 0 : i32
        %dma_wait3A_34 = tpu.memref_slice %arg7[%run_scoped3A_24, %dma_wait3A] : memref<8x128xi32, #tpu.memory_space<vmem>> -> memref<1x128xi32, #tpu.memory_space<vmem>>
        %dma_wait3A_35 = tpu.memref_squeeze %dma_wait3A_34 : memref<1x128xi32, #tpu.memory_space<vmem>> -> memref<128xi32, #tpu.memory_space<vmem>>
        %dma_wait3A_36 = arith.constant 0 : i32
        %dma_wait3A_37 = arith.constant 0 : i32
        %dma_wait3A_38 = tpu.memref_slice %arg6[%dma_wait3A_36, %dma_wait3A_37] : memref<10240x128xf32, #tpu.memory_space<vmem_shared>> -> memref<10240x128xf32, #tpu.memory_space<vmem_shared>>
        tpu.wait_indirect_dma semaphore(%run_scoped3A_28 : memref<!tpu.dma_semaphore, #tpu.memory_space<semaphore_mem>>) src(%arg8 : memref<128x128xf32, #tpu.memory_space<vmem>>) dst(%dma_wait3A_38 : memref<10240x128xf32, #tpu.memory_space<vmem_shared>>)
        tpu.yield
      }) : () -> ()
      %run_scoped3A_25 = arith.constant 5 : i32
      "tpu.region"() ({
        %run_scoped3A_28 = tpu.sem_alloc : memref<!tpu.dma_semaphore, #tpu.memory_space<semaphore_mem>>
        %dma_start3A = arith.constant 0 : i32
        %dma_start3A_29 = tpu.memref_slice %arg7[%run_scoped3A_25, %dma_start3A] : memref<8x128xi32, #tpu.memory_space<vmem>> -> memref<1x128xi32, #tpu.memory_space<vmem>>
        %dma_start3A_30 = tpu.memref_squeeze %dma_start3A_29 : memref<1x128xi32, #tpu.memory_space<vmem>> -> memref<128xi32, #tpu.memory_space<vmem>>
        %dma_start3A_31 = arith.constant 0 : i32
        %dma_start3A_32 = arith.constant 0 : i32
        %dma_start3A_33 = tpu.memref_slice %arg6[%dma_start3A_31, %dma_start3A_32] : memref<10240x128xf32, #tpu.memory_space<vmem_shared>> -> memref<10240x128xf32, #tpu.memory_space<vmem_shared>>
        tpu.enqueue_indirect_dma source(%arg8 : memref<128x128xf32, #tpu.memory_space<vmem>>) target(%dma_start3A_33 : memref<10240x128xf32, #tpu.memory_space<vmem_shared>>) offsets(%dma_start3A_30 : memref<128xi32, #tpu.memory_space<vmem>>) semaphore(%run_scoped3A_28 : memref<!tpu.dma_semaphore, #tpu.memory_space<semaphore_mem>>) {add = true}
        %dma_wait3A = arith.constant 0 : i32
        %dma_wait3A_34 = tpu.memref_slice %arg7[%run_scoped3A_25, %dma_wait3A] : memref<8x128xi32, #tpu.memory_space<vmem>> -> memref<1x128xi32, #tpu.memory_space<vmem>>
        %dma_wait3A_35 = tpu.memref_squeeze %dma_wait3A_34 : memref<1x128xi32, #tpu.memory_space<vmem>> -> memref<128xi32, #tpu.memory_space<vmem>>
        %dma_wait3A_36 = arith.constant 0 : i32
        %dma_wait3A_37 = arith.constant 0 : i32
        %dma_wait3A_38 = tpu.memref_slice %arg6[%dma_wait3A_36, %dma_wait3A_37] : memref<10240x128xf32, #tpu.memory_space<vmem_shared>> -> memref<10240x128xf32, #tpu.memory_space<vmem_shared>>
        tpu.wait_indirect_dma semaphore(%run_scoped3A_28 : memref<!tpu.dma_semaphore, #tpu.memory_space<semaphore_mem>>) src(%arg8 : memref<128x128xf32, #tpu.memory_space<vmem>>) dst(%dma_wait3A_38 : memref<10240x128xf32, #tpu.memory_space<vmem_shared>>)
        tpu.yield
      }) : () -> ()
      %run_scoped3A_26 = arith.constant 6 : i32
      "tpu.region"() ({
        %run_scoped3A_28 = tpu.sem_alloc : memref<!tpu.dma_semaphore, #tpu.memory_space<semaphore_mem>>
        %dma_start3A = arith.constant 0 : i32
        %dma_start3A_29 = tpu.memref_slice %arg7[%run_scoped3A_26, %dma_start3A] : memref<8x128xi32, #tpu.memory_space<vmem>> -> memref<1x128xi32, #tpu.memory_space<vmem>>
        %dma_start3A_30 = tpu.memref_squeeze %dma_start3A_29 : memref<1x128xi32, #tpu.memory_space<vmem>> -> memref<128xi32, #tpu.memory_space<vmem>>
        %dma_start3A_31 = arith.constant 0 : i32
        %dma_start3A_32 = arith.constant 0 : i32
        %dma_start3A_33 = tpu.memref_slice %arg6[%dma_start3A_31, %dma_start3A_32] : memref<10240x128xf32, #tpu.memory_space<vmem_shared>> -> memref<10240x128xf32, #tpu.memory_space<vmem_shared>>
        tpu.enqueue_indirect_dma source(%arg8 : memref<128x128xf32, #tpu.memory_space<vmem>>) target(%dma_start3A_33 : memref<10240x128xf32, #tpu.memory_space<vmem_shared>>) offsets(%dma_start3A_30 : memref<128xi32, #tpu.memory_space<vmem>>) semaphore(%run_scoped3A_28 : memref<!tpu.dma_semaphore, #tpu.memory_space<semaphore_mem>>) {add = true}
        %dma_wait3A = arith.constant 0 : i32
        %dma_wait3A_34 = tpu.memref_slice %arg7[%run_scoped3A_26, %dma_wait3A] : memref<8x128xi32, #tpu.memory_space<vmem>> -> memref<1x128xi32, #tpu.memory_space<vmem>>
        %dma_wait3A_35 = tpu.memref_squeeze %dma_wait3A_34 : memref<1x128xi32, #tpu.memory_space<vmem>> -> memref<128xi32, #tpu.memory_space<vmem>>
        %dma_wait3A_36 = arith.constant 0 : i32
        %dma_wait3A_37 = arith.constant 0 : i32
        %dma_wait3A_38 = tpu.memref_slice %arg6[%dma_wait3A_36, %dma_wait3A_37] : memref<10240x128xf32, #tpu.memory_space<vmem_shared>> -> memref<10240x128xf32, #tpu.memory_space<vmem_shared>>
        tpu.wait_indirect_dma semaphore(%run_scoped3A_28 : memref<!tpu.dma_semaphore, #tpu.memory_space<semaphore_mem>>) src(%arg8 : memref<128x128xf32, #tpu.memory_space<vmem>>) dst(%dma_wait3A_38 : memref<10240x128xf32, #tpu.memory_space<vmem_shared>>)
        tpu.yield
      }) : () -> ()
      %run_scoped3A_27 = arith.constant 7 : i32
      "tpu.region"() ({
        %run_scoped3A_28 = tpu.sem_alloc : memref<!tpu.dma_semaphore, #tpu.memory_space<semaphore_mem>>
        %dma_start3A = arith.constant 0 : i32
        %dma_start3A_29 = tpu.memref_slice %arg7[%run_scoped3A_27, %dma_start3A] : memref<8x128xi32, #tpu.memory_space<vmem>> -> memref<1x128xi32, #tpu.memory_space<vmem>>
        %dma_start3A_30 = tpu.memref_squeeze %dma_start3A_29 : memref<1x128xi32, #tpu.memory_space<vmem>> -> memref<128xi32, #tpu.memory_space<vmem>>
        %dma_start3A_31 = arith.constant 0 : i32
        %dma_start3A_32 = arith.constant 0 : i32
        %dma_start3A_33 = tpu.memref_slice %arg6[%dma_start3A_31, %dma_start3A_32] : memref<10240x128xf32, #tpu.memory_space<vmem_shared>> -> memref<10240x128xf32, #tpu.memory_space<vmem_shared>>
        tpu.enqueue_indirect_dma source(%arg8 : memref<128x128xf32, #tpu.memory_space<vmem>>) target(%dma_start3A_33 : memref<10240x128xf32, #tpu.memory_space<vmem_shared>>) offsets(%dma_start3A_30 : memref<128xi32, #tpu.memory_space<vmem>>) semaphore(%run_scoped3A_28 : memref<!tpu.dma_semaphore, #tpu.memory_space<semaphore_mem>>) {add = true}
        %dma_wait3A = arith.constant 0 : i32
        %dma_wait3A_34 = tpu.memref_slice %arg7[%run_scoped3A_27, %dma_wait3A] : memref<8x128xi32, #tpu.memory_space<vmem>> -> memref<1x128xi32, #tpu.memory_space<vmem>>
        %dma_wait3A_35 = tpu.memref_squeeze %dma_wait3A_34 : memref<1x128xi32, #tpu.memory_space<vmem>> -> memref<128xi32, #tpu.memory_space<vmem>>
        %dma_wait3A_36 = arith.constant 0 : i32
        %dma_wait3A_37 = arith.constant 0 : i32
        %dma_wait3A_38 = tpu.memref_slice %arg6[%dma_wait3A_36, %dma_wait3A_37] : memref<10240x128xf32, #tpu.memory_space<vmem_shared>> -> memref<10240x128xf32, #tpu.memory_space<vmem_shared>>
        tpu.wait_indirect_dma semaphore(%run_scoped3A_28 : memref<!tpu.dma_semaphore, #tpu.memory_space<semaphore_mem>>) src(%arg8 : memref<128x128xf32, #tpu.memory_space<vmem>>) dst(%dma_wait3A_38 : memref<10240x128xf32, #tpu.memory_space<vmem_shared>>)
        tpu.yield
      }) : () -> ()
    }
    %scan3A_7 = arith.constant 20 : i32
    %barrier3A_8 = arith.constant 0 : index
    tpu.barrier barrier_id(%barrier3A_8)
    %mul3A_9 = arith.constant 640 : i32
    %mul3A_10 = arith.muli %arg1, %mul3A_9 : i32
    %mul3A_11 = arith.constant 640 : i32
    %mul3A_12 = arith.muli %arg1, %mul3A_11 : i32
    "tpu.region"() ({
      %run_scoped3A = tpu.sem_alloc : memref<!tpu.dma_semaphore, #tpu.memory_space<semaphore_mem>>
      %dma_start3A = arith.constant 0 : i32
      %dma_start3A_13 = arith.constant 0 : i32
      %dma_start3A_14 = tpu.memref_slice %arg5[%arg0, %dma_start3A, %dma_start3A_13] : memref<2x10240x128xf32, #tpu.memory_space<hbm>> -> memref<1x10240x128xf32, #tpu.memory_space<hbm>>
      %dma_start3A_15 = tpu.memref_squeeze %dma_start3A_14 : memref<1x10240x128xf32, #tpu.memory_space<hbm>> -> memref<10240x128xf32, #tpu.memory_space<hbm>>
      %dma_start3A_16 = arith.constant 0 : i32
      %dma_start3A_17 = tpu.memref_slice %dma_start3A_15[%mul3A_12, %dma_start3A_16] : memref<10240x128xf32, #tpu.memory_space<hbm>> -> memref<640x128xf32, #tpu.memory_space<hbm>>
      %dma_start3A_18 = arith.constant 0 : i32
      %dma_start3A_19 = tpu.memref_slice %arg6[%mul3A_10, %dma_start3A_18] : memref<10240x128xf32, #tpu.memory_space<vmem_shared>> -> memref<640x128xf32, #tpu.memory_space<vmem_shared>>
      tpu.enqueue_dma source(%dma_start3A_19 : memref<640x128xf32, #tpu.memory_space<vmem_shared>>) target(%dma_start3A_17 : memref<640x128xf32, #tpu.memory_space<hbm>>) target_semaphore(%run_scoped3A : memref<!tpu.dma_semaphore, #tpu.memory_space<semaphore_mem>>)
      %dma_wait3A = arith.constant 0 : i32
      %dma_wait3A_20 = arith.constant 0 : i32
      %dma_wait3A_21 = tpu.memref_slice %arg5[%arg0, %dma_wait3A, %dma_wait3A_20] : memref<2x10240x128xf32, #tpu.memory_space<hbm>> -> memref<1x10240x128xf32, #tpu.memory_space<hbm>>
      %dma_wait3A_22 = tpu.memref_squeeze %dma_wait3A_21 : memref<1x10240x128xf32, #tpu.memory_space<hbm>> -> memref<10240x128xf32, #tpu.memory_space<hbm>>
      %dma_wait3A_23 = arith.constant 0 : i32
      %dma_wait3A_24 = tpu.memref_slice %dma_wait3A_22[%mul3A_12, %dma_wait3A_23] : memref<10240x128xf32, #tpu.memory_space<hbm>> -> memref<640x128xf32, #tpu.memory_space<hbm>>
      %dma_wait3A_25 = arith.constant 0 : i32
      %dma_wait3A_26 = tpu.memref_slice %arg6[%mul3A_10, %dma_wait3A_25] : memref<10240x128xf32, #tpu.memory_space<vmem_shared>> -> memref<640x128xf32, #tpu.memory_space<vmem_shared>>
      tpu.wait_dma2 semaphore(%run_scoped3A : memref<!tpu.dma_semaphore, #tpu.memory_space<semaphore_mem>>) src(%dma_wait3A_26 : memref<640x128xf32, #tpu.memory_space<vmem_shared>>) dst(%dma_wait3A_24 : memref<640x128xf32, #tpu.memory_space<hbm>>)
      tpu.yield
    }) : () -> ()
    return
  }
}

module attributes {stable_mosaic.version = 14 : i64} {
  func.func @body(%arg0: i32, %arg1: memref<400x1280xf32, #tpu.memory_space<vmem>>, %arg2: memref<1280x512xf32, #tpu.memory_space<vmem>>, %arg3: memref<400x512xf32, #tpu.memory_space<vmem>>) attributes {dimension_semantics = [#tpu.dimension_semantics<arbitrary>], iteration_bounds = array<i64: 25>, scalar_prefetch = 0 : i64, scratch_operands = 0 : i64, tpu.core_type = #tpu.core_type<tc>, window_params = [{transform_indices = @transform_0, window_bounds = array<i64: 400, 1280>}, {pipeline_mode = #tpu.pipeline_mode<synchronous>, transform_indices = @transform_1, window_bounds = array<i64: 1280, 512>}, {transform_indices = @transform_2, window_bounds = array<i64: 400, 512>}]} {
    %get3A = arith.constant 0 : index
    %get3A_0 = arith.constant 0 : index
    %get3A_1 = vector.load %arg1[%get3A, %get3A_0] : memref<400x1280xf32, #tpu.memory_space<vmem>>, vector<400x1280xf32>
    %get3A_2 = arith.constant 0 : index
    %get3A_3 = arith.constant 0 : index
    %get3A_4 = vector.load %arg2[%get3A_2, %get3A_3] : memref<1280x512xf32, #tpu.memory_space<vmem>>, vector<1280x512xf32>
    %dot_general3A = arith.constant dense<0.000000e+00> : vector<400x512xf32>
    %dot_general3A_5 = tpu.matmul %get3A_1, %get3A_4, %dot_general3A {dimension_numbers = #tpu.dot_dimension_numbers<[1], [0], [0], [1], [0, 0, 1, 1], [], []>, transpose_lhs_hint = false} : vector<400x1280xf32>, vector<1280x512xf32>, vector<400x512xf32> -> vector<400x512xf32>
    %swap3A = arith.constant 0 : index
    %swap3A_6 = arith.constant 0 : index
    %swap3A_7 = vector.load %arg3[%swap3A, %swap3A_6] : memref<400x512xf32, #tpu.memory_space<vmem>>, vector<400x512xf32>
    tpu.vector_store %arg3[%swap3A, %swap3A_6], %dot_general3A_5 {strides = array<i32>} : memref<400x512xf32, #tpu.memory_space<vmem>>, vector<400x512xf32>,
    return
  }
  func.func @transform_0(%arg0: i32) -> (i32, i32) {
    %c0_i32 = arith.constant 0 : i32
    %c0_i32_0 = arith.constant 0 : i32
    return %arg0, %c0_i32 : i32, i32
  }
  func.func @transform_1(%arg0: i32) -> (i32, i32) {
    %c0_i32 = arith.constant 0 : i32
    %c0_i32_0 = arith.constant 0 : i32
    %c0_i32_1 = arith.constant 0 : i32
    return %c0_i32, %c0_i32_0 : i32, i32
  }
  func.func @transform_2(%arg0: i32) -> (i32, i32) {
    %c0_i32 = arith.constant 0 : i32
    %c0_i32_0 = arith.constant 0 : i32
    return %arg0, %c0_i32 : i32, i32
  }
}

module attributes {stable_mosaic.version = 14 : i64} {
  func.func @body(%arg0: i32, %arg1: memref<512x512xf32, #tpu.memory_space<vmem>>, %arg2: memref<2x512x128xf32, #tpu.memory_space<vmem>>, %arg3: memref<4x512x128xf32, #tpu.memory_space<vmem>>, %arg4: memref<512x1xf32, #tpu.memory_space<vmem>>) attributes {dimension_semantics = [#tpu.dimension_semantics<arbitrary>], iteration_bounds = array<i64: 20>, scalar_prefetch = 0 : i64, scratch_operands = 0 : i64, tpu.core_type = #tpu.core_type<tc>, window_params = [{transform_indices = @transform_0, window_bounds = array<i64: 512, 512>}, {transform_indices = @transform_1, window_bounds = array<i64: 2, 512, 128>}, {transform_indices = @transform_2, window_bounds = array<i64: 4, 512, 128>}, {transform_indices = @transform_3, window_bounds = array<i64: 512, 1>}]} {
    %get3A = arith.constant 0 : index
    %get3A_0 = arith.constant 0 : index
    %get3A_1 = arith.constant 0 : index
    %get3A_2 = vector.load %arg2[%get3A, %get3A_0, %get3A_1] : memref<2x512x128xf32, #tpu.memory_space<vmem>>, vector<1x512x1xf32>
    %get3A_3 = vector.shape_cast %get3A_2 : vector<1x512x1xf32> to vector<512x1xf32>
    %get3A_4 = arith.constant 1 : index
    %get3A_5 = arith.constant 0 : index
    %get3A_6 = arith.constant 0 : index
    %get3A_7 = vector.load %arg2[%get3A_4, %get3A_5, %get3A_6] : memref<2x512x128xf32, #tpu.memory_space<vmem>>, vector<1x512x1xf32>
    %get3A_8 = vector.shape_cast %get3A_7 : vector<1x512x1xf32> to vector<512x1xf32>
    %add3A = arith.addf %get3A_3, %get3A_8 : vector<512x1xf32>
    %add3A_9 = arith.constant 1.000000e+00 : f32
    %add3A_10 = vector.broadcast %add3A_9 : f32 to vector<512x1xf32>
    %add3A_11 = arith.addf %add3A, %add3A_10 : vector<512x1xf32>
    %rsqrt3A = math.rsqrt %add3A_11 : vector<512x1xf32>
    %swap3A = arith.constant 0 : index
    %swap3A_12 = arith.constant 0 : index
    %swap3A_13 = vector.load %arg4[%swap3A, %swap3A_12] : memref<512x1xf32, #tpu.memory_space<vmem>>, vector<512x1xf32>
    tpu.vector_store %arg4[%swap3A, %swap3A_12], %rsqrt3A {strides = array<i32>} : memref<512x1xf32, #tpu.memory_space<vmem>>, vector<512x1xf32>,
    %get3A_14 = arith.constant 0 : index
    %get3A_15 = arith.constant 0 : index
    %get3A_16 = vector.load %arg1[%get3A_14, %get3A_15] : memref<512x512xf32, #tpu.memory_space<vmem>>, vector<512x512xf32>
    %mul3A = vector.broadcast %rsqrt3A : vector<512x1xf32> to vector<512x512xf32>
    %mul3A_17 = arith.mulf %get3A_16, %mul3A : vector<512x512xf32>
    %slice3A = vector.extract_strided_slice %mul3A_17 {offsets = [0, 0], sizes = [512, 128], strides = [1, 1]} : vector<512x512xf32> to vector<512x128xf32>
    %swap3A_18 = arith.constant 0 : index
    %swap3A_19 = arith.constant 0 : index
    %swap3A_20 = arith.constant 0 : index
    %swap3A_21 = vector.load %arg3[%swap3A_18, %swap3A_19, %swap3A_20] : memref<4x512x128xf32, #tpu.memory_space<vmem>>, vector<1x512x128xf32>
    %swap3A_22 = vector.shape_cast %swap3A_21 : vector<1x512x128xf32> to vector<512x128xf32>
    %swap3A_23 = vector.shape_cast %slice3A : vector<512x128xf32> to vector<1x512x128xf32>
    tpu.vector_store %arg3[%swap3A_18, %swap3A_19, %swap3A_20], %swap3A_23 {strides = array<i32>} : memref<4x512x128xf32, #tpu.memory_space<vmem>>, vector<1x512x128xf32>,
    %slice3A_24 = vector.extract_strided_slice %mul3A_17 {offsets = [0, 128], sizes = [512, 128], strides = [1, 1]} : vector<512x512xf32> to vector<512x128xf32>
    %swap3A_25 = arith.constant 1 : index
    %swap3A_26 = arith.constant 0 : index
    %swap3A_27 = arith.constant 0 : index
    %swap3A_28 = vector.load %arg3[%swap3A_25, %swap3A_26, %swap3A_27] : memref<4x512x128xf32, #tpu.memory_space<vmem>>, vector<1x512x128xf32>
    %swap3A_29 = vector.shape_cast %swap3A_28 : vector<1x512x128xf32> to vector<512x128xf32>
    %swap3A_30 = vector.shape_cast %slice3A_24 : vector<512x128xf32> to vector<1x512x128xf32>
    tpu.vector_store %arg3[%swap3A_25, %swap3A_26, %swap3A_27], %swap3A_30 {strides = array<i32>} : memref<4x512x128xf32, #tpu.memory_space<vmem>>, vector<1x512x128xf32>,
    %slice3A_31 = vector.extract_strided_slice %mul3A_17 {offsets = [0, 256], sizes = [512, 128], strides = [1, 1]} : vector<512x512xf32> to vector<512x128xf32>
    %swap3A_32 = arith.constant 2 : index
    %swap3A_33 = arith.constant 0 : index
    %swap3A_34 = arith.constant 0 : index
    %swap3A_35 = vector.load %arg3[%swap3A_32, %swap3A_33, %swap3A_34] : memref<4x512x128xf32, #tpu.memory_space<vmem>>, vector<1x512x128xf32>
    %swap3A_36 = vector.shape_cast %swap3A_35 : vector<1x512x128xf32> to vector<512x128xf32>
    %swap3A_37 = vector.shape_cast %slice3A_31 : vector<512x128xf32> to vector<1x512x128xf32>
    tpu.vector_store %arg3[%swap3A_32, %swap3A_33, %swap3A_34], %swap3A_37 {strides = array<i32>} : memref<4x512x128xf32, #tpu.memory_space<vmem>>, vector<1x512x128xf32>,
    %slice3A_38 = vector.extract_strided_slice %mul3A_17 {offsets = [0, 384], sizes = [512, 128], strides = [1, 1]} : vector<512x512xf32> to vector<512x128xf32>
    %swap3A_39 = arith.constant 3 : index
    %swap3A_40 = arith.constant 0 : index
    %swap3A_41 = arith.constant 0 : index
    %swap3A_42 = vector.load %arg3[%swap3A_39, %swap3A_40, %swap3A_41] : memref<4x512x128xf32, #tpu.memory_space<vmem>>, vector<1x512x128xf32>
    %swap3A_43 = vector.shape_cast %swap3A_42 : vector<1x512x128xf32> to vector<512x128xf32>
    %swap3A_44 = vector.shape_cast %slice3A_38 : vector<512x128xf32> to vector<1x512x128xf32>
    tpu.vector_store %arg3[%swap3A_39, %swap3A_40, %swap3A_41], %swap3A_44 {strides = array<i32>} : memref<4x512x128xf32, #tpu.memory_space<vmem>>, vector<1x512x128xf32>,
    return
  }
  func.func @transform_0(%arg0: i32) -> (i32, i32) {
    %c0_i32 = arith.constant 0 : i32
    %c0_i32_0 = arith.constant 0 : i32
    return %arg0, %c0_i32 : i32, i32
  }
  func.func @transform_1(%arg0: i32) -> (i32, i32, i32) {
    %c0_i32 = arith.constant 0 : i32
    %c0_i32_0 = arith.constant 0 : i32
    %c0_i32_1 = arith.constant 0 : i32
    return %c0_i32, %arg0, %c0_i32_0 : i32, i32, i32
  }
  func.func @transform_2(%arg0: i32) -> (i32, i32, i32) {
    %c0_i32 = arith.constant 0 : i32
    %c0_i32_0 = arith.constant 0 : i32
    %c0_i32_1 = arith.constant 0 : i32
    return %c0_i32, %arg0, %c0_i32_0 : i32, i32, i32
  }
  func.func @transform_3(%arg0: i32) -> (i32, i32) {
    %c0_i32 = arith.constant 0 : i32
    %c0_i32_0 = arith.constant 0 : i32
    return %arg0, %c0_i32 : i32, i32
  }
}

module attributes {stable_mosaic.version = 14 : i64} {
  func.func @body(%arg0: i32, %arg1: memref<4x512x128xf32, #tpu.memory_space<vmem>>, %arg2: memref<4x512x128xf32, #tpu.memory_space<vmem>>, %arg3: memref<512x1xf32, #tpu.memory_space<vmem>>, %arg4: memref<1x512xf32, #tpu.memory_space<vmem>>, %arg5: memref<512x384xf32, #tpu.memory_space<vmem>>, %arg6: memref<3x512x128xf32, #tpu.memory_space<vmem>>) attributes {dimension_semantics = [#tpu.dimension_semantics<arbitrary>], iteration_bounds = array<i64: 20>, scalar_prefetch = 0 : i64, scratch_operands = 0 : i64, tpu.core_type = #tpu.core_type<tc>, window_params = [{transform_indices = @transform_0, window_bounds = array<i64: 4, 512, 128>}, {transform_indices = @transform_1, window_bounds = array<i64: 4, 512, 128>}, {transform_indices = @transform_2, window_bounds = array<i64: 512, 1>}, {pipeline_mode = #tpu.pipeline_mode<synchronous>, transform_indices = @transform_3, window_bounds = array<i64: 1, 512>}, {pipeline_mode = #tpu.pipeline_mode<synchronous>, transform_indices = @transform_4, window_bounds = array<i64: 512, 384>}, {transform_indices = @transform_5, window_bounds = array<i64: 3, 512, 128>}]} {
    %get3A = arith.constant 0 : index
    %get3A_0 = arith.constant 0 : index
    %get3A_1 = arith.constant 0 : index
    %get3A_2 = vector.load %arg1[%get3A, %get3A_0, %get3A_1] : memref<4x512x128xf32, #tpu.memory_space<vmem>>, vector<1x512x128xf32>
    %get3A_3 = vector.shape_cast %get3A_2 : vector<1x512x128xf32> to vector<512x128xf32>
    %get3A_4 = arith.constant 0 : index
    %get3A_5 = arith.constant 0 : index
    %get3A_6 = arith.constant 0 : index
    %get3A_7 = vector.load %arg2[%get3A_4, %get3A_5, %get3A_6] : memref<4x512x128xf32, #tpu.memory_space<vmem>>, vector<1x512x128xf32>
    %get3A_8 = vector.shape_cast %get3A_7 : vector<1x512x128xf32> to vector<512x128xf32>
    %add3A = arith.addf %get3A_3, %get3A_8 : vector<512x128xf32>
    %get3A_9 = arith.constant 1 : index
    %get3A_10 = arith.constant 0 : index
    %get3A_11 = arith.constant 0 : index
    %get3A_12 = vector.load %arg1[%get3A_9, %get3A_10, %get3A_11] : memref<4x512x128xf32, #tpu.memory_space<vmem>>, vector<1x512x128xf32>
    %get3A_13 = vector.shape_cast %get3A_12 : vector<1x512x128xf32> to vector<512x128xf32>
    %get3A_14 = arith.constant 1 : index
    %get3A_15 = arith.constant 0 : index
    %get3A_16 = arith.constant 0 : index
    %get3A_17 = vector.load %arg2[%get3A_14, %get3A_15, %get3A_16] : memref<4x512x128xf32, #tpu.memory_space<vmem>>, vector<1x512x128xf32>
    %get3A_18 = vector.shape_cast %get3A_17 : vector<1x512x128xf32> to vector<512x128xf32>
    %add3A_19 = arith.addf %get3A_13, %get3A_18 : vector<512x128xf32>
    %get3A_20 = arith.constant 2 : index
    %get3A_21 = arith.constant 0 : index
    %get3A_22 = arith.constant 0 : index
    %get3A_23 = vector.load %arg1[%get3A_20, %get3A_21, %get3A_22] : memref<4x512x128xf32, #tpu.memory_space<vmem>>, vector<1x512x128xf32>
    %get3A_24 = vector.shape_cast %get3A_23 : vector<1x512x128xf32> to vector<512x128xf32>
    %get3A_25 = arith.constant 2 : index
    %get3A_26 = arith.constant 0 : index
    %get3A_27 = arith.constant 0 : index
    %get3A_28 = vector.load %arg2[%get3A_25, %get3A_26, %get3A_27] : memref<4x512x128xf32, #tpu.memory_space<vmem>>, vector<1x512x128xf32>
    %get3A_29 = vector.shape_cast %get3A_28 : vector<1x512x128xf32> to vector<512x128xf32>
    %add3A_30 = arith.addf %get3A_24, %get3A_29 : vector<512x128xf32>
    %get3A_31 = arith.constant 3 : index
    %get3A_32 = arith.constant 0 : index
    %get3A_33 = arith.constant 0 : index
    %get3A_34 = vector.load %arg1[%get3A_31, %get3A_32, %get3A_33] : memref<4x512x128xf32, #tpu.memory_space<vmem>>, vector<1x512x128xf32>
    %get3A_35 = vector.shape_cast %get3A_34 : vector<1x512x128xf32> to vector<512x128xf32>
    %get3A_36 = arith.constant 3 : index
    %get3A_37 = arith.constant 0 : index
    %get3A_38 = arith.constant 0 : index
    %get3A_39 = vector.load %arg2[%get3A_36, %get3A_37, %get3A_38] : memref<4x512x128xf32, #tpu.memory_space<vmem>>, vector<1x512x128xf32>
    %get3A_40 = vector.shape_cast %get3A_39 : vector<1x512x128xf32> to vector<512x128xf32>
    %add3A_41 = arith.addf %get3A_35, %get3A_40 : vector<512x128xf32>
    %concatenate3A = tpu.concatenate %add3A, %add3A_19, %add3A_30, %add3A_41 in 1 : vector<512x128xf32>, vector<512x128xf32>, vector<512x128xf32>, vector<512x128xf32> -> vector<512x512xf32>
    %get3A_42 = arith.constant 0 : index
    %get3A_43 = arith.constant 0 : index
    %get3A_44 = vector.load %arg3[%get3A_42, %get3A_43] : memref<512x1xf32, #tpu.memory_space<vmem>>, vector<512x1xf32>
    %mul3A = vector.broadcast %get3A_44 : vector<512x1xf32> to vector<512x512xf32>
    %mul3A_45 = arith.mulf %concatenate3A, %mul3A : vector<512x512xf32>
    %get3A_46 = arith.constant 0 : index
    %get3A_47 = arith.constant 0 : index
    %get3A_48 = vector.load %arg4[%get3A_46, %get3A_47] : memref<1x512xf32, #tpu.memory_space<vmem>>, vector<1x512xf32>
    %add3A_49 = vector.broadcast %get3A_48 : vector<1x512xf32> to vector<512x512xf32>
    %add3A_50 = arith.addf %mul3A_45, %add3A_49 : vector<512x512xf32>
    %max3A = arith.constant 0.000000e+00 : f32
    %max3A_51 = vector.broadcast %max3A : f32 to vector<512x512xf32>
    %max3A_52 = arith.maximumf %add3A_50, %max3A_51 : vector<512x512xf32>
    %get3A_53 = arith.constant 0 : index
    %get3A_54 = arith.constant 0 : index
    %get3A_55 = vector.load %arg5[%get3A_53, %get3A_54] : memref<512x384xf32, #tpu.memory_space<vmem>>, vector<512x384xf32>
    %dot_general3A = arith.constant dense<0.000000e+00> : vector<512x384xf32>
    %dot_general3A_56 = tpu.matmul %max3A_52, %get3A_55, %dot_general3A {dimension_numbers = #tpu.dot_dimension_numbers<[1], [0], [0], [1], [0, 0, 1, 1], [], []>, transpose_lhs_hint = false} : vector<512x512xf32>, vector<512x384xf32>, vector<512x384xf32> -> vector<512x384xf32>
    %get3A_57 = arith.constant 0 : index
    %get3A_58 = arith.constant 0 : index
    %get3A_59 = vector.load %arg3[%get3A_57, %get3A_58] : memref<512x1xf32, #tpu.memory_space<vmem>>, vector<512x1xf32>
    %mul3A_60 = vector.broadcast %get3A_59 : vector<512x1xf32> to vector<512x384xf32>
    %mul3A_61 = arith.mulf %dot_general3A_56, %mul3A_60 : vector<512x384xf32>
    %slice3A = vector.extract_strided_slice %mul3A_61 {offsets = [0, 0], sizes = [512, 128], strides = [1, 1]} : vector<512x384xf32> to vector<512x128xf32>
    %swap3A = arith.constant 0 : index
    %swap3A_62 = arith.constant 0 : index
    %swap3A_63 = arith.constant 0 : index
    %swap3A_64 = vector.load %arg6[%swap3A, %swap3A_62, %swap3A_63] : memref<3x512x128xf32, #tpu.memory_space<vmem>>, vector<1x512x128xf32>
    %swap3A_65 = vector.shape_cast %swap3A_64 : vector<1x512x128xf32> to vector<512x128xf32>
    %swap3A_66 = vector.shape_cast %slice3A : vector<512x128xf32> to vector<1x512x128xf32>
    tpu.vector_store %arg6[%swap3A, %swap3A_62, %swap3A_63], %swap3A_66 {strides = array<i32>} : memref<3x512x128xf32, #tpu.memory_space<vmem>>, vector<1x512x128xf32>,
    %slice3A_67 = vector.extract_strided_slice %mul3A_61 {offsets = [0, 128], sizes = [512, 128], strides = [1, 1]} : vector<512x384xf32> to vector<512x128xf32>
    %swap3A_68 = arith.constant 1 : index
    %swap3A_69 = arith.constant 0 : index
    %swap3A_70 = arith.constant 0 : index
    %swap3A_71 = vector.load %arg6[%swap3A_68, %swap3A_69, %swap3A_70] : memref<3x512x128xf32, #tpu.memory_space<vmem>>, vector<1x512x128xf32>
    %swap3A_72 = vector.shape_cast %swap3A_71 : vector<1x512x128xf32> to vector<512x128xf32>
    %swap3A_73 = vector.shape_cast %slice3A_67 : vector<512x128xf32> to vector<1x512x128xf32>
    tpu.vector_store %arg6[%swap3A_68, %swap3A_69, %swap3A_70], %swap3A_73 {strides = array<i32>} : memref<3x512x128xf32, #tpu.memory_space<vmem>>, vector<1x512x128xf32>,
    %slice3A_74 = vector.extract_strided_slice %mul3A_61 {offsets = [0, 256], sizes = [512, 128], strides = [1, 1]} : vector<512x384xf32> to vector<512x128xf32>
    %swap3A_75 = arith.constant 2 : index
    %swap3A_76 = arith.constant 0 : index
    %swap3A_77 = arith.constant 0 : index
    %swap3A_78 = vector.load %arg6[%swap3A_75, %swap3A_76, %swap3A_77] : memref<3x512x128xf32, #tpu.memory_space<vmem>>, vector<1x512x128xf32>
    %swap3A_79 = vector.shape_cast %swap3A_78 : vector<1x512x128xf32> to vector<512x128xf32>
    %swap3A_80 = vector.shape_cast %slice3A_74 : vector<512x128xf32> to vector<1x512x128xf32>
    tpu.vector_store %arg6[%swap3A_75, %swap3A_76, %swap3A_77], %swap3A_80 {strides = array<i32>} : memref<3x512x128xf32, #tpu.memory_space<vmem>>, vector<1x512x128xf32>,
    return
  }
  func.func @transform_0(%arg0: i32) -> (i32, i32, i32) {
    %c0_i32 = arith.constant 0 : i32
    %c0_i32_0 = arith.constant 0 : i32
    %c0_i32_1 = arith.constant 0 : i32
    return %c0_i32, %arg0, %c0_i32_0 : i32, i32, i32
  }
  func.func @transform_1(%arg0: i32) -> (i32, i32, i32) {
    %c0_i32 = arith.constant 0 : i32
    %c0_i32_0 = arith.constant 0 : i32
    %c0_i32_1 = arith.constant 0 : i32
    return %c0_i32, %arg0, %c0_i32_0 : i32, i32, i32
  }
  func.func @transform_2(%arg0: i32) -> (i32, i32) {
    %c0_i32 = arith.constant 0 : i32
    %c0_i32_0 = arith.constant 0 : i32
    return %arg0, %c0_i32 : i32, i32
  }
  func.func @transform_3(%arg0: i32) -> (i32, i32) {
    %c0_i32 = arith.constant 0 : i32
    %c0_i32_0 = arith.constant 0 : i32
    %c0_i32_1 = arith.constant 0 : i32
    return %c0_i32, %c0_i32_0 : i32, i32
  }
  func.func @transform_4(%arg0: i32) -> (i32, i32) {
    %c0_i32 = arith.constant 0 : i32
    %c0_i32_0 = arith.constant 0 : i32
    %c0_i32_1 = arith.constant 0 : i32
    return %c0_i32, %c0_i32_0 : i32, i32
  }
  func.func @transform_5(%arg0: i32) -> (i32, i32, i32) {
    %c0_i32 = arith.constant 0 : i32
    %c0_i32_0 = arith.constant 0 : i32
    %c0_i32_1 = arith.constant 0 : i32
    return %c0_i32, %arg0, %c0_i32_0 : i32, i32, i32
  }
}

module attributes {stable_mosaic.version = 14 : i64} {
  func.func @body(%arg0: i32, %arg1: memref<4x512x128xf32, #tpu.memory_space<vmem>>, %arg2: memref<3x512x128xf32, #tpu.memory_space<vmem>>, %arg3: memref<512x1xf32, #tpu.memory_space<vmem>>, %arg4: memref<1x384xf32, #tpu.memory_space<vmem>>, %arg5: memref<384x384xf32, #tpu.memory_space<vmem>>, %arg6: memref<3x512x128xf32, #tpu.memory_space<vmem>>) attributes {dimension_semantics = [#tpu.dimension_semantics<arbitrary>], iteration_bounds = array<i64: 20>, scalar_prefetch = 0 : i64, scratch_operands = 0 : i64, tpu.core_type = #tpu.core_type<tc>, window_params = [{transform_indices = @transform_0, window_bounds = array<i64: 4, 512, 128>}, {transform_indices = @transform_1, window_bounds = array<i64: 3, 512, 128>}, {transform_indices = @transform_2, window_bounds = array<i64: 512, 1>}, {pipeline_mode = #tpu.pipeline_mode<synchronous>, transform_indices = @transform_3, window_bounds = array<i64: 1, 384>}, {pipeline_mode = #tpu.pipeline_mode<synchronous>, transform_indices = @transform_4, window_bounds = array<i64: 384, 384>}, {transform_indices = @transform_5, window_bounds = array<i64: 3, 512, 128>}]} {
    %get3A = arith.constant 0 : index
    %get3A_0 = arith.constant 0 : index
    %get3A_1 = arith.constant 0 : index
    %get3A_2 = vector.load %arg1[%get3A, %get3A_0, %get3A_1] : memref<4x512x128xf32, #tpu.memory_space<vmem>>, vector<1x512x128xf32>
    %get3A_3 = vector.shape_cast %get3A_2 : vector<1x512x128xf32> to vector<512x128xf32>
    %get3A_4 = arith.constant 0 : index
    %get3A_5 = arith.constant 0 : index
    %get3A_6 = arith.constant 0 : index
    %get3A_7 = vector.load %arg2[%get3A_4, %get3A_5, %get3A_6] : memref<3x512x128xf32, #tpu.memory_space<vmem>>, vector<1x512x128xf32>
    %get3A_8 = vector.shape_cast %get3A_7 : vector<1x512x128xf32> to vector<512x128xf32>
    %add3A = arith.addf %get3A_3, %get3A_8 : vector<512x128xf32>
    %get3A_9 = arith.constant 1 : index
    %get3A_10 = arith.constant 0 : index
    %get3A_11 = arith.constant 0 : index
    %get3A_12 = vector.load %arg1[%get3A_9, %get3A_10, %get3A_11] : memref<4x512x128xf32, #tpu.memory_space<vmem>>, vector<1x512x128xf32>
    %get3A_13 = vector.shape_cast %get3A_12 : vector<1x512x128xf32> to vector<512x128xf32>
    %get3A_14 = arith.constant 1 : index
    %get3A_15 = arith.constant 0 : index
    %get3A_16 = arith.constant 0 : index
    %get3A_17 = vector.load %arg2[%get3A_14, %get3A_15, %get3A_16] : memref<3x512x128xf32, #tpu.memory_space<vmem>>, vector<1x512x128xf32>
    %get3A_18 = vector.shape_cast %get3A_17 : vector<1x512x128xf32> to vector<512x128xf32>
    %add3A_19 = arith.addf %get3A_13, %get3A_18 : vector<512x128xf32>
    %get3A_20 = arith.constant 2 : index
    %get3A_21 = arith.constant 0 : index
    %get3A_22 = arith.constant 0 : index
    %get3A_23 = vector.load %arg1[%get3A_20, %get3A_21, %get3A_22] : memref<4x512x128xf32, #tpu.memory_space<vmem>>, vector<1x512x128xf32>
    %get3A_24 = vector.shape_cast %get3A_23 : vector<1x512x128xf32> to vector<512x128xf32>
    %get3A_25 = arith.constant 3 : index
    %get3A_26 = arith.constant 0 : index
    %get3A_27 = arith.constant 0 : index
    %get3A_28 = vector.load %arg1[%get3A_25, %get3A_26, %get3A_27] : memref<4x512x128xf32, #tpu.memory_space<vmem>>, vector<1x512x128xf32>
    %get3A_29 = vector.shape_cast %get3A_28 : vector<1x512x128xf32> to vector<512x128xf32>
    %add3A_30 = arith.addf %get3A_24, %get3A_29 : vector<512x128xf32>
    %get3A_31 = arith.constant 2 : index
    %get3A_32 = arith.constant 0 : index
    %get3A_33 = arith.constant 0 : index
    %get3A_34 = vector.load %arg2[%get3A_31, %get3A_32, %get3A_33] : memref<3x512x128xf32, #tpu.memory_space<vmem>>, vector<1x512x128xf32>
    %get3A_35 = vector.shape_cast %get3A_34 : vector<1x512x128xf32> to vector<512x128xf32>
    %add3A_36 = arith.addf %add3A_30, %get3A_35 : vector<512x128xf32>
    %concatenate3A = tpu.concatenate %add3A, %add3A_19, %add3A_36 in 1 : vector<512x128xf32>, vector<512x128xf32>, vector<512x128xf32> -> vector<512x384xf32>
    %get3A_37 = arith.constant 0 : index
    %get3A_38 = arith.constant 0 : index
    %get3A_39 = vector.load %arg3[%get3A_37, %get3A_38] : memref<512x1xf32, #tpu.memory_space<vmem>>, vector<512x1xf32>
    %mul3A = vector.broadcast %get3A_39 : vector<512x1xf32> to vector<512x384xf32>
    %mul3A_40 = arith.mulf %concatenate3A, %mul3A : vector<512x384xf32>
    %get3A_41 = arith.constant 0 : index
    %get3A_42 = arith.constant 0 : index
    %get3A_43 = vector.load %arg4[%get3A_41, %get3A_42] : memref<1x384xf32, #tpu.memory_space<vmem>>, vector<1x384xf32>
    %add3A_44 = vector.broadcast %get3A_43 : vector<1x384xf32> to vector<512x384xf32>
    %add3A_45 = arith.addf %mul3A_40, %add3A_44 : vector<512x384xf32>
    %max3A = arith.constant 0.000000e+00 : f32
    %max3A_46 = vector.broadcast %max3A : f32 to vector<512x384xf32>
    %max3A_47 = arith.maximumf %add3A_45, %max3A_46 : vector<512x384xf32>
    %get3A_48 = arith.constant 0 : index
    %get3A_49 = arith.constant 0 : index
    %get3A_50 = vector.load %arg5[%get3A_48, %get3A_49] : memref<384x384xf32, #tpu.memory_space<vmem>>, vector<384x384xf32>
    %dot_general3A = arith.constant dense<0.000000e+00> : vector<512x384xf32>
    %dot_general3A_51 = tpu.matmul %max3A_47, %get3A_50, %dot_general3A {dimension_numbers = #tpu.dot_dimension_numbers<[1], [0], [0], [1], [0, 0, 1, 1], [], []>, transpose_lhs_hint = false} : vector<512x384xf32>, vector<384x384xf32>, vector<512x384xf32> -> vector<512x384xf32>
    %get3A_52 = arith.constant 0 : index
    %get3A_53 = arith.constant 0 : index
    %get3A_54 = vector.load %arg3[%get3A_52, %get3A_53] : memref<512x1xf32, #tpu.memory_space<vmem>>, vector<512x1xf32>
    %mul3A_55 = vector.broadcast %get3A_54 : vector<512x1xf32> to vector<512x384xf32>
    %mul3A_56 = arith.mulf %dot_general3A_51, %mul3A_55 : vector<512x384xf32>
    %slice3A = vector.extract_strided_slice %mul3A_56 {offsets = [0, 0], sizes = [512, 128], strides = [1, 1]} : vector<512x384xf32> to vector<512x128xf32>
    %swap3A = arith.constant 0 : index
    %swap3A_57 = arith.constant 0 : index
    %swap3A_58 = arith.constant 0 : index
    %swap3A_59 = vector.load %arg6[%swap3A, %swap3A_57, %swap3A_58] : memref<3x512x128xf32, #tpu.memory_space<vmem>>, vector<1x512x128xf32>
    %swap3A_60 = vector.shape_cast %swap3A_59 : vector<1x512x128xf32> to vector<512x128xf32>
    %swap3A_61 = vector.shape_cast %slice3A : vector<512x128xf32> to vector<1x512x128xf32>
    tpu.vector_store %arg6[%swap3A, %swap3A_57, %swap3A_58], %swap3A_61 {strides = array<i32>} : memref<3x512x128xf32, #tpu.memory_space<vmem>>, vector<1x512x128xf32>,
    %slice3A_62 = vector.extract_strided_slice %mul3A_56 {offsets = [0, 128], sizes = [512, 128], strides = [1, 1]} : vector<512x384xf32> to vector<512x128xf32>
    %swap3A_63 = arith.constant 1 : index
    %swap3A_64 = arith.constant 0 : index
    %swap3A_65 = arith.constant 0 : index
    %swap3A_66 = vector.load %arg6[%swap3A_63, %swap3A_64, %swap3A_65] : memref<3x512x128xf32, #tpu.memory_space<vmem>>, vector<1x512x128xf32>
    %swap3A_67 = vector.shape_cast %swap3A_66 : vector<1x512x128xf32> to vector<512x128xf32>
    %swap3A_68 = vector.shape_cast %slice3A_62 : vector<512x128xf32> to vector<1x512x128xf32>
    tpu.vector_store %arg6[%swap3A_63, %swap3A_64, %swap3A_65], %swap3A_68 {strides = array<i32>} : memref<3x512x128xf32, #tpu.memory_space<vmem>>, vector<1x512x128xf32>,
    %slice3A_69 = vector.extract_strided_slice %mul3A_56 {offsets = [0, 256], sizes = [512, 128], strides = [1, 1]} : vector<512x384xf32> to vector<512x128xf32>
    %swap3A_70 = arith.constant 2 : index
    %swap3A_71 = arith.constant 0 : index
    %swap3A_72 = arith.constant 0 : index
    %swap3A_73 = vector.load %arg6[%swap3A_70, %swap3A_71, %swap3A_72] : memref<3x512x128xf32, #tpu.memory_space<vmem>>, vector<1x512x128xf32>
    %swap3A_74 = vector.shape_cast %swap3A_73 : vector<1x512x128xf32> to vector<512x128xf32>
    %swap3A_75 = vector.shape_cast %slice3A_69 : vector<512x128xf32> to vector<1x512x128xf32>
    tpu.vector_store %arg6[%swap3A_70, %swap3A_71, %swap3A_72], %swap3A_75 {strides = array<i32>} : memref<3x512x128xf32, #tpu.memory_space<vmem>>, vector<1x512x128xf32>,
    return
  }
  func.func @transform_0(%arg0: i32) -> (i32, i32, i32) {
    %c0_i32 = arith.constant 0 : i32
    %c0_i32_0 = arith.constant 0 : i32
    %c0_i32_1 = arith.constant 0 : i32
    return %c0_i32, %arg0, %c0_i32_0 : i32, i32, i32
  }
  func.func @transform_1(%arg0: i32) -> (i32, i32, i32) {
    %c0_i32 = arith.constant 0 : i32
    %c0_i32_0 = arith.constant 0 : i32
    %c0_i32_1 = arith.constant 0 : i32
    return %c0_i32, %arg0, %c0_i32_0 : i32, i32, i32
  }
  func.func @transform_2(%arg0: i32) -> (i32, i32) {
    %c0_i32 = arith.constant 0 : i32
    %c0_i32_0 = arith.constant 0 : i32
    return %arg0, %c0_i32 : i32, i32
  }
  func.func @transform_3(%arg0: i32) -> (i32, i32) {
    %c0_i32 = arith.constant 0 : i32
    %c0_i32_0 = arith.constant 0 : i32
    %c0_i32_1 = arith.constant 0 : i32
    return %c0_i32, %c0_i32_0 : i32, i32
  }
  func.func @transform_4(%arg0: i32) -> (i32, i32) {
    %c0_i32 = arith.constant 0 : i32
    %c0_i32_0 = arith.constant 0 : i32
    %c0_i32_1 = arith.constant 0 : i32
    return %c0_i32, %c0_i32_0 : i32, i32
  }
  func.func @transform_5(%arg0: i32) -> (i32, i32, i32) {
    %c0_i32 = arith.constant 0 : i32
    %c0_i32_0 = arith.constant 0 : i32
    %c0_i32_1 = arith.constant 0 : i32
    return %c0_i32, %arg0, %c0_i32_0 : i32, i32, i32
  }
}

module attributes {stable_mosaic.version = 14 : i64} {
  func.func @body(%arg0: i32, %arg1: memref<4x512x128xf32, #tpu.memory_space<vmem>>, %arg2: memref<3x512x128xf32, #tpu.memory_space<vmem>>, %arg3: memref<512x1xf32, #tpu.memory_space<vmem>>, %arg4: memref<1x384xf32, #tpu.memory_space<vmem>>, %arg5: memref<512x384xf32, #tpu.memory_space<vmem>>) attributes {dimension_semantics = [#tpu.dimension_semantics<arbitrary>], iteration_bounds = array<i64: 20>, scalar_prefetch = 0 : i64, scratch_operands = 0 : i64, tpu.core_type = #tpu.core_type<tc>, window_params = [{transform_indices = @transform_0, window_bounds = array<i64: 4, 512, 128>}, {transform_indices = @transform_1, window_bounds = array<i64: 3, 512, 128>}, {transform_indices = @transform_2, window_bounds = array<i64: 512, 1>}, {pipeline_mode = #tpu.pipeline_mode<synchronous>, transform_indices = @transform_3, window_bounds = array<i64: 1, 384>}, {transform_indices = @transform_4, window_bounds = array<i64: 512, 384>}]} {
    %get3A = arith.constant 0 : index
    %get3A_0 = arith.constant 0 : index
    %get3A_1 = arith.constant 0 : index
    %get3A_2 = vector.load %arg1[%get3A, %get3A_0, %get3A_1] : memref<4x512x128xf32, #tpu.memory_space<vmem>>, vector<1x512x128xf32>
    %get3A_3 = vector.shape_cast %get3A_2 : vector<1x512x128xf32> to vector<512x128xf32>
    %get3A_4 = arith.constant 0 : index
    %get3A_5 = arith.constant 0 : index
    %get3A_6 = arith.constant 0 : index
    %get3A_7 = vector.load %arg2[%get3A_4, %get3A_5, %get3A_6] : memref<3x512x128xf32, #tpu.memory_space<vmem>>, vector<1x512x128xf32>
    %get3A_8 = vector.shape_cast %get3A_7 : vector<1x512x128xf32> to vector<512x128xf32>
    %add3A = arith.addf %get3A_3, %get3A_8 : vector<512x128xf32>
    %get3A_9 = arith.constant 1 : index
    %get3A_10 = arith.constant 0 : index
    %get3A_11 = arith.constant 0 : index
    %get3A_12 = vector.load %arg1[%get3A_9, %get3A_10, %get3A_11] : memref<4x512x128xf32, #tpu.memory_space<vmem>>, vector<1x512x128xf32>
    %get3A_13 = vector.shape_cast %get3A_12 : vector<1x512x128xf32> to vector<512x128xf32>
    %get3A_14 = arith.constant 1 : index
    %get3A_15 = arith.constant 0 : index
    %get3A_16 = arith.constant 0 : index
    %get3A_17 = vector.load %arg2[%get3A_14, %get3A_15, %get3A_16] : memref<3x512x128xf32, #tpu.memory_space<vmem>>, vector<1x512x128xf32>
    %get3A_18 = vector.shape_cast %get3A_17 : vector<1x512x128xf32> to vector<512x128xf32>
    %add3A_19 = arith.addf %get3A_13, %get3A_18 : vector<512x128xf32>
    %get3A_20 = arith.constant 2 : index
    %get3A_21 = arith.constant 0 : index
    %get3A_22 = arith.constant 0 : index
    %get3A_23 = vector.load %arg1[%get3A_20, %get3A_21, %get3A_22] : memref<4x512x128xf32, #tpu.memory_space<vmem>>, vector<1x512x128xf32>
    %get3A_24 = vector.shape_cast %get3A_23 : vector<1x512x128xf32> to vector<512x128xf32>
    %get3A_25 = arith.constant 3 : index
    %get3A_26 = arith.constant 0 : index
    %get3A_27 = arith.constant 0 : index
    %get3A_28 = vector.load %arg1[%get3A_25, %get3A_26, %get3A_27] : memref<4x512x128xf32, #tpu.memory_space<vmem>>, vector<1x512x128xf32>
    %get3A_29 = vector.shape_cast %get3A_28 : vector<1x512x128xf32> to vector<512x128xf32>
    %add3A_30 = arith.addf %get3A_24, %get3A_29 : vector<512x128xf32>
    %get3A_31 = arith.constant 2 : index
    %get3A_32 = arith.constant 0 : index
    %get3A_33 = arith.constant 0 : index
    %get3A_34 = vector.load %arg2[%get3A_31, %get3A_32, %get3A_33] : memref<3x512x128xf32, #tpu.memory_space<vmem>>, vector<1x512x128xf32>
    %get3A_35 = vector.shape_cast %get3A_34 : vector<1x512x128xf32> to vector<512x128xf32>
    %add3A_36 = arith.addf %add3A_30, %get3A_35 : vector<512x128xf32>
    %concatenate3A = tpu.concatenate %add3A, %add3A_19, %add3A_36 in 1 : vector<512x128xf32>, vector<512x128xf32>, vector<512x128xf32> -> vector<512x384xf32>
    %get3A_37 = arith.constant 0 : index
    %get3A_38 = arith.constant 0 : index
    %get3A_39 = vector.load %arg3[%get3A_37, %get3A_38] : memref<512x1xf32, #tpu.memory_space<vmem>>, vector<512x1xf32>
    %mul3A = vector.broadcast %get3A_39 : vector<512x1xf32> to vector<512x384xf32>
    %mul3A_40 = arith.mulf %concatenate3A, %mul3A : vector<512x384xf32>
    %get3A_41 = arith.constant 0 : index
    %get3A_42 = arith.constant 0 : index
    %get3A_43 = vector.load %arg4[%get3A_41, %get3A_42] : memref<1x384xf32, #tpu.memory_space<vmem>>, vector<1x384xf32>
    %add3A_44 = vector.broadcast %get3A_43 : vector<1x384xf32> to vector<512x384xf32>
    %add3A_45 = arith.addf %mul3A_40, %add3A_44 : vector<512x384xf32>
    %max3A = arith.constant 0.000000e+00 : f32
    %max3A_46 = vector.broadcast %max3A : f32 to vector<512x384xf32>
    %max3A_47 = arith.maximumf %add3A_45, %max3A_46 : vector<512x384xf32>
    %swap3A = arith.constant 0 : index
    %swap3A_48 = arith.constant 0 : index
    %swap3A_49 = vector.load %arg5[%swap3A, %swap3A_48] : memref<512x384xf32, #tpu.memory_space<vmem>>, vector<512x384xf32>
    tpu.vector_store %arg5[%swap3A, %swap3A_48], %max3A_47 {strides = array<i32>} : memref<512x384xf32, #tpu.memory_space<vmem>>, vector<512x384xf32>,
    return
  }
  func.func @transform_0(%arg0: i32) -> (i32, i32, i32) {
    %c0_i32 = arith.constant 0 : i32
    %c0_i32_0 = arith.constant 0 : i32
    %c0_i32_1 = arith.constant 0 : i32
    return %c0_i32, %arg0, %c0_i32_0 : i32, i32, i32
  }
  func.func @transform_1(%arg0: i32) -> (i32, i32, i32) {
    %c0_i32 = arith.constant 0 : i32
    %c0_i32_0 = arith.constant 0 : i32
    %c0_i32_1 = arith.constant 0 : i32
    return %c0_i32, %arg0, %c0_i32_0 : i32, i32, i32
  }
  func.func @transform_2(%arg0: i32) -> (i32, i32) {
    %c0_i32 = arith.constant 0 : i32
    %c0_i32_0 = arith.constant 0 : i32
    return %arg0, %c0_i32 : i32, i32
  }
  func.func @transform_3(%arg0: i32) -> (i32, i32) {
    %c0_i32 = arith.constant 0 : i32
    %c0_i32_0 = arith.constant 0 : i32
    %c0_i32_1 = arith.constant 0 : i32
    return %c0_i32, %c0_i32_0 : i32, i32
  }
  func.func @transform_4(%arg0: i32) -> (i32, i32) {
    %c0_i32 = arith.constant 0 : i32
    %c0_i32_0 = arith.constant 0 : i32
    return %arg0, %c0_i32 : i32, i32
  }
}

</mosaic_0001>

<sc_bundles>
// kernel: kernel.11.cloned.1.call-start
scs
__scs_entry_jumppad:
0x0: {  	(pc) =	sbr.rel $0x88, $3  }
0x1: {  	(tag) =	ssettag $0x0;
	lr =	simm.s32 $0x1  }
0x2: {  	[smem:$0x3F99] =	sst lr;
	_ =	strace $0xD0000000  }
0x3: {  	_ = 	snop  }
0x4: {  	_ = 	snop  }
0x5: {  	_ = 	snop  }
0x6: {  	_ = 	snop  }
0x7: {  	_ = 	snop  }
__scs_overlays_trampoline_lowered:
0x8: {  	[smem:$0x3FA8] =	sst s0  }
0x9: {  	[smem:$0x3FA9] =	sst s1  }
0xa: {  	[smem:$0x3FAA] =	sst s2  }
0xb: {  	[smem:$0x3FAB] =	sst s3  }
0xc: {  	[smem:$0x3FAC] =	sst s4  }
0xd: {  	[smem:$0x3FAD] =	sst s5  }
0xe: {  	[smem:$0x3FAE] =	sst s6  }
0xf: {  	[smem:$0x3FAF] =	sst s7  }
0x10: {  	[smem:$0x3FB0] =	sst s8  }
0x11: {  	[smem:$0x3FB1] =	sst s9;
	s0 =	simm.s32 @!p0 $0x0  }
0x12: {  	s1 =	sld [smem:$0x3F97];
	s0 =	simm.s32 @p0 $0x1  }
0x13: {  	[smem:$0x3FB2] =	sst s0;
	s0 =	simm.s32 @!p1 $0x0  }
0x14: {  	s2 =	sld [smem:$0x3F96];
	s0 =	simm.s32 @p1 $0x1  }
0x15: {  	[smem:$0x3FB3] =	sst s0;
	s0 =	simm.s32 @!p2 $0x0  }
0x16: {  	s3 =	sld [smem:$0x3FDB];
	s0 =	simm.s32 @p2 $0x1  }
0x17: {  	s4 =	simm.s32 $0x1BF5;
	[smem:$0x3FB5] =	sst s0  }
0x18: {  	s0 =	sld [smem:$0x3F98];
	_ =	swait.ge [sflag:s4], $0x0  }
0x19: {  	s7 =	sld [smem:$0x3F99]  }
0x1a: {  	s8 =	sadd.s32 $0xFFFFE003, lr  }
0x1b: {  	s9 =	sadd.s32 $0xFFFFFEF7, lr;
	s5 =	simm.s32 $0xFFFFFFFF;
	p2 =	slt.u32 s8, $0xFFFFF086  }
0x1c: {  	p1 =	slt.u32 s9, $0xF7A;
	s5 =	simm.s32 @!p2 $0x0  }
0x1d: {  	s5 =	simm.s32 @p1 $0x1;
	p0 =	seq.s32 s7, s2  }
0x1e: {  	s7 =	smul.u32 @!p0 $0xF7A, s2;
	p2 =	seq.s32 @!p0 s5, $0x0  }
0x1f: {  	s9 =	smul.u32 $0xF7A, s1;
	s8 =	simm.s32 @!p0 $0x1BF5;
	p2 =	por !p2, p0  }
0x20: {  	[sflag:s8] =	ssyncset.s32 @!p0 $0xFFFFF086;
	s6 =	sadd.s32 @!p0 s3, s7;
	s7 =	simm.s32 @!p0 $0x108  }
0x21: {  	s3 =	sadd.s32 s3, s9;
	s6 =	sadd.s32 @!p0 $0x88, s6;
	s7 =	simm.s32 @p2 $0x1082  }
0x22: {  	[simem:s7], [sflag:s8] =	dma.local @!p0 [hbm:s6], $0xF7A  }
0x23: {  	s9 =	sor.u32 $0xD0000000, s2;
	s6 =	simm.s32 $0x108;
	_ =	swait.ge @!p0 [sflag:s8], $0x0  }
0x24: {  	s3 =	sadd.s32 $0x88, s3;
	s6 =	simm.s32 @!p1 $0x1082;
	[sflag:s4] =	ssyncset.s32 $0xFFFFF086  }
0x25: {  	[simem:s6], [sflag:s4] =	dma.local [hbm:s3], $0xF7A  }
0x26: {  	[smem:$0x3F99] =	sst s1;
	(tag) =	ssettag s2;
	_ =	strace s9  }
0x27: {  	s1 =	sld [smem:$0x3FA9]  }
0x28: {  	s2 =	sld [smem:$0x3FAA]  }
0x29: {  	s4 =	sld [smem:$0x3FAC]  }
0x2a: {  	p0 =	seq.s32 s5, $0x0;
	s5 =	sld [smem:$0x3FAD]  }
0x2b: {  	s6 =	sld [smem:$0x3FAE]  }
0x2c: {  	s7 =	sld [smem:$0x3FAF]  }
0x2d: {  	s3 =	simm.s32 $0x108;
	s8 =	sld [smem:$0x3FB0]  }
0x2e: {  	s3 =	simm.s32 @!p0 $0x1082;
	s9 =	sld [smem:$0x3FB1]  }
0x2f: {  	lr =	sadd.s32 s0, s3;
	s0 =	sld [smem:$0x3FA8]  }
0x30: {  	s3 =	sld [smem:$0x3FAB]  }
0x31: {  	[smem:$0x3FB4] =	sst s10  }
0x32: {  	s10 =	sld [smem:$0x3FB2];
	_ =	sdelay $0x3  }
0x33: {  	p0 =	seq.s32 s10, $0x1;
	s10 =	sld [smem:$0x3FB4];
	_ =	sdelay $0x3  }
0x34: {  	[smem:$0x3FB4] =	sst s10  }
0x35: {  	s10 =	sld [smem:$0x3FB3];
	_ =	sdelay $0x3  }
0x36: {  	p1 =	seq.s32 s10, $0x1;
	s10 =	sld [smem:$0x3FB4];
	_ =	sdelay $0x3  }
0x37: {  	[smem:$0x3FB4] =	sst s10  }
0x38: {  	s10 =	sld [smem:$0x3FB5]  }
0x39: {  	_ = 	snop;
	(pc) =	sbr.ind lr, $3  }
0x3a: {  	_ = 	snop  }
0x3b: {  	_ = 	snop  }
0x3c: {  	p2 =	seq.s32 s10, $0x1;
	s10 =	sld [smem:$0x3FB4]  }
0x3d: {  	_ =	shalt  }
0x3e: {  	_ =	shalt  }
0x3f: {  	_ =	shalt  }
0x40: {  	_ =	shalt  }
0x41: {  	_ =	shalt  }
0x42: {  	_ =	shalt  }
0x43: {  	_ =	shalt  }
0x44: {  	_ =	shalt  }
0x45: {  	_ =	shalt  }
0x46: {  	_ =	shalt  }
0x47: {  	_ =	shalt  }
0x48: {  	_ =	shalt  }
0x49: {  	_ =	shalt  }
0x4a: {  	_ =	shalt  }
0x4b: {  	_ =	shalt  }
0x4c: {  	_ =	shalt  }
0x4d: {  	_ =	shalt  }
0x4e: {  	_ =	shalt  }
0x4f: {  	_ =	shalt  }
0x50: {  	_ =	shalt  }
0x51: {  	_ =	shalt  }
0x52: {  	_ =	shalt  }
0x53: {  	_ =	shalt  }
0x54: {  	_ =	shalt  }
0x55: {  	_ =	shalt  }
0x56: {  	_ =	shalt  }
0x57: {  	_ =	shalt  }
0x58: {  	_ =	shalt  }
0x59: {  	_ =	shalt  }
0x5a: {  	_ =	shalt  }
0x5b: {  	_ =	shalt  }
0x5c: {  	_ =	shalt  }
0x5d: {  	_ =	shalt  }
0x5e: {  	_ =	shalt  }
0x5f: {  	_ =	shalt  }
0x60: {  	_ =	shalt  }
0x61: {  	_ =	shalt  }
0x62: {  	_ =	shalt  }
0x63: {  	_ =	shalt  }
0x64: {  	_ =	shalt  }
0x65: {  	_ =	shalt  }
0x66: {  	_ =	shalt  }
0x67: {  	_ =	shalt  }
0x68: {  	_ =	shalt  }
0x69: {  	_ =	shalt  }
0x6a: {  	_ =	shalt  }
0x6b: {  	_ =	shalt  }
0x6c: {  	_ =	shalt  }
0x6d: {  	_ =	shalt  }
0x6e: {  	_ =	shalt  }
0x6f: {  	_ =	shalt  }
0x70: {  	_ =	shalt  }
0x71: {  	_ =	shalt  }
0x72: {  	_ =	shalt  }
0x73: {  	_ =	shalt  }
0x74: {  	_ =	shalt  }
0x75: {  	_ =	shalt  }
0x76: {  	_ =	shalt  }
0x77: {  	_ =	shalt  }
0x78: {  	_ =	shalt  }
0x79: {  	_ =	shalt  }
0x7a: {  	_ =	shalt  }
0x7b: {  	_ =	shalt  }
0x7c: {  	_ =	shalt  }
0x7d: {  	_ =	shalt  }
0x7e: {  	_ =	shalt  }
0x7f: {  	_ =	shalt  }
0x80: {  	_ =	shalt  }
0x81: {  	_ =	shalt  }
0x82: {  	_ =	shalt  }
0x83: {  	_ =	shalt  }
0x84: {  	_ =	shalt  }
0x85: {  	_ =	shalt  }
0x86: {  	_ =	shalt  }
0x87: {  	_ =	shalt  }
.Lfunc_end0:
.L_simem_size_0:
called_computation_lowered:
.L_overlay_start_0:
0x88: {  	s2 =	sld [smem:$0x3FD9]  }
0x89: {  	s3 =	sld [smem:$0x3FFE];
	_ =	sdelay $0x1  }
0x8a: {  	s1 =	srdreg.scid  }
0x8b: {  	s0 =	sand.u32 $0x1, s1  }
0x8c: {  	s17 =	sshll.u32 s0, $0xA;
	s2 =	sadd.s32 s3, s2  }
0x8d: {  	s2 =	sadd.s32 s2, s17  }
0x8e: {  	[smem:$0x3FC0] =	sst s2  }
0x8f: {  	_ = 	snop  }
0x90: {  	s2 =	sld [smem:$0x3FD0];
	(tm) =	ssettm $0x1  }
0x91: {  	s18 =	sld [smem:$0x3FFB];
	_ =	sdelay $0x3  }
0x92: {  	_ =	strace s18  }
0x93: {  	s3 =	sld [smem:$0x3FFC];
	_ =	sdelay $0x3  }
0x94: {  	_ =	strace s3  }
0x95: {  	s3 =	sld [smem:$0x3FFD];
	_ =	sdelay $0x3  }
0x96: {  	_ =	strace s3  }
0x97: {  	_ =	strace $0x8FFFFFFF  }
0x98: {  	s19 =	sld [smem:$0x3FDB];
	_ =	sdelay $0x1  }
0x99: {  	s4 =	simm.s32 $_scs_section_size  }
0x9a: {  	s5 =	simm.s32 $_size__tile_overlayer_lowered;
	s6 =	simm.s32 $_tile_overlayer_lowered  }
0x9b: {  	s22 =	simm.s32 $0x1BFF;
	s21 =	sshll.u32 s6, $0x1;
	s3 =	sadd.s32 s4, s19  }
0x9c: {  	s7 =	simm.s32 $0x0;
	s20 =	sshll.u32 s5, $0x1;
	s5 =	sadd.s32 s21, s3  }
0x9d: {  	[timem:s7], [sflag:s22] =	dma.local [hbm:s5], s20  }
0x9e: {  	_ =	swait.ge [sflag:s22], s20  }
0x9f: {  	s4 =	ssub.s32 $0x0, s20;
	[sflag:s22] =	ssyncset.done $0x0  }
0xa0: {  	[sflag:s22] =	ssyncadd.s32 s4;
	_ =	sdelay $0x1  }
0xa1: {  	s23 =	simm.s32 $0x1B8B  }
0xa2: {  	_ =	swait.ge [sflag:s23], $0x1  }
0xa3: {  	[sflag:s23] =	ssyncset.done $0x0  }
0xa4: {  	s25 =	simm.s32 $0x1B8E;
	s24 =	sld [smem:$0x3FFE];
	[sflag:s23] =	ssyncadd.s32 $0xFFFFFFFF  }
0xa5: {  	s26 =	simm.s32 $execute0_lowered;
	[smem:$0x3FD2] =	sst s25  }
0xa6: {  	s5 =	sshll.u32 s26, $0x1;
	_ =	strace $0x80000046;
	[dreg:$0x1] =	wrdreg $0xFFFFFFFF  }
0xa7: {  	s28 =	simm.s32 $_size_execute0_lowered;
	s3 =	sadd.s32 s3, s5;
	[dreg:$0x0] =	wrdreg $0x0  }
0xa8: {  	s5 =	sshll.u32 s28, $0x1;
	[dreg:$0x2] =	wrdreg s3  }
0xa9: {  	[dreg:$0x3] =	wrdreg s5  }
0xaa: {  	[dreg:$0x4] =	wrdreg $0xC0  }
0xab: {  	_ =	task [dreg:s7], $0x5FFFF  }
0xac: {  	[dreg:$0x1] =	wrdreg $0xFFFFFFFF  }
0xad: {  	[dreg:$0x0] =	wrdreg $0x60  }
0xae: {  	[dreg:$0x2] =	wrdreg s24  }
0xaf: {  	[dreg:$0x3] =	wrdreg s2  }
0xb0: {  	[dreg:$0x4] =	wrdreg $0x0  }
0xb1: {  	[dreg:$0x5] =	wrdreg $0x9  }
0xb2: {  	_ =	task.clear_ibuf [dreg:s7], $0x6FFFF;
	_ =	strace $0x90000046  }
0xb3: {  	s29 =	simm.s32 $0x9;
	_ =	strace $0x80000048  }
0xb4: {  	_ =	swait.ge [sflag:s29], $0x1  }
0xb5: {  	[sflag:s29] =	ssyncadd.s32 $0xFFFFFFFF  }
0xb6: {  	_ =	strace $0x90000048  }
0xb7: {  	_ =	sfence  }
0xb8: {  	s30 =	sld [smem:$0x0];
	_ =	sdelay $0x2  }
0xb9: {  	s31 =	sshll.u32 s1, $0xD;
	s1 =	sshrl.u32 s1, $0x2  }
0xba: {  	s3 =	sand.u32 $0x4000, s31;
	s1 =	sadd.s32 s1, s30  }
0xbb: {  	s0 =	sor.u32 s3, s0;
	s1 =	sshll.u32 s1, $0x11  }
0xbc: {  	s0 =	sor.u32 s1, s0  }
0xbd: {  	s0 =	sadd.s32 $0x8F2B, s0  }
0xbe: {  	[sflag:s0] =	ssyncadd.remote.s32 $0x1  }
0xbf: {  	_ =	sfence.sel $0xFFFF  }
0xc0: {  	[dreg:$0x0] =	wrdreg $0xFFFFFFFF;
	(pc) =	sbr.abs _section_cstart, $3  }
0xc1: {  	[dreg:$0x1] =	wrdreg $0xFFFFFFFF  }
0xc2: {  	_ =	task.clear_ibuf [dreg:s7], $0x2FFFF;
	_ =	strace $0x9FFFFFFF  }
0xc3: {  	(tm) =	ssettm $0x7FFFFFFF  }
tec
execute0_lowered:
.L_overlay_start_1:
0x0: {  	(tag) =	ssettag $0x1  }
0x1: {  	s5 =	rddreg [dreg:$0x0]  }
0x2: {  	s7 =	rddreg [dreg:$0x1]  }
0x3: {  	s2 =	rddreg [dreg:$0x2]  }
0x4: {  	s0 =	srdreg.scid;
	s1 =	rddreg [dreg:$0x3];
	s3 =	simm.s32 $0x0  }
0x5: {  	s12 =	simm.s32 $0x14000;
	s13 =	simm.s32 $0x80;
	s14 =	simm.s32 $0x14080  }
0x6: {  	s15 =	simm.s32 $0x14100;
	s16 =	simm.s32 $0x14180;
	s6 =	sand.u32 $0x1, s0  }
0x7: {  	s17 =	simm.s32 $0x14200;
	s0 =	stileid.u32;
	s4 =	smul.u32 $0xA00, s6  }
0x8: {  	s18 =	simm.s32 $0x14280;
	s19 =	simm.s32 $0x14300;
	s8 =	smul.u32 $0xA0, s0  }
0x9: {  	s20 =	simm.s32 $0x14380;
	[smem:$0x7FF] =	sst s3;
	s21 =	smul.u32 $0x2800, s0  }
0xa: {  	_ =	strace $0x80000047;
	s9 =	ssub.s32 $0x2, s6;
	s10 =	smul.u32 $0x50000, s0  }
0xb: {  	s30 =	smul.u32 $0x28000, s6;
	s31 =	sshll.u32 s0, $0x6;
	s11 =	sshrl.u32 s9, $0x1  }
0xc: {  	s6 =	sor.u32 $0x1C01, s31;
	s4 =	sadd.s32 s8, s4;
	s9 =	ssub.s32 s9, s11  }
0xd: {  	s10 =	sshrl.u32 s10, $0x2;
	s22 =	sadd.s32 s7, s30;
	s11 =	simm.s32 $0x14400  }
0xe: {  	s4 =	sshll.u32 s4, $0x4;
	s10 =	sadd.s32 s10, s2;
	s7 =	smax.u32 s9, $0x1  }
0xf: {  	s29 =	sadd.s32 s4, s5;
	s4 =	sadd.s32 $0x52600, s5;
	s5 =	sadd.s32 s21, s5  }
0x10: {  	s9 =	sshrl.u32 s10, $0x3;
	s10 =	simm.s32 $0x1;
	s21 =	sadd.s32 s21, s22  }
0x11: {  	s22 =	simm.s32 $0x0;
	s5 =	sadd.s32 $0x2A600, s5;
	s8 =	sadd.s32 $0x16600, s29  }
.LBB2_1:
0x12: {  	[spmem:s9], [sflag:s6] =	dma.local [hbm:s5], $0x2800  }
0x13: {  	_ =	swait.ge [sflag:s10], $0x2800  }
0x14: {  	[sflag:s10] =	ssyncset.done $0x0  }
0x15: {  	[sflag:s10] =	ssyncadd.s32 $0xFFFFD800  }
0x16: {  	[tilespmem:s11], [sflag:$0x1] =	stream.linear.gather [hbm4b:s4+s3], $0x4000, $0x38;
	[tilespmem:$0x18400] =	vst v63  }
0x17: {  	_ =	swait.ge [sflag:s10], $0x4000  }
0x18: {  	[sflag:s10] =	ssyncset.done $0x0  }
0x19: {  	[sflag:s10] =	ssyncadd.s32 $0xFFFFC000  }
0x1a: {  	s23 =	sadd.s32 $0x0, s8;
	[bflag:$0x0] =	sbarrier.arrive $0xFFFF  }
0x1b: {  	[tilespmem:s12], [sflag:$0x1] =	stream.linear.gather [hbm4b:s23+s3], $0x400, $0x38;
	[tilespmem:$0x18400] =	vst v63  }
0x1c: {  	_ =	swait.ge [sflag:s10], $0x400  }
0x1d: {  	[sflag:s10] =	ssyncset.done $0x0  }
0x1e: {  	[sflag:s10] =	ssyncadd.s32 $0xFFFFFC00  }
0x1f: {  	[spmem:s2] =	stream.indirect.scatter.add.f32 [tilespmem:s11], [sflag:$0x1], $0x80, s12, s13, $0xb8;
	[tilespmem:$0x18400] =	vst v63  }
0x20: {  	_ =	swait.ge [sflag:s10], $0x4000  }
0x21: {  	[sflag:s10] =	ssyncset.done $0x0  }
0x22: {  	[sflag:s10] =	ssyncadd.s32 $0xFFFFC000  }
0x23: {  	[spmem:s2] =	stream.indirect.scatter.add.f32 [tilespmem:s11], [sflag:$0x1], $0x80, s14, s13, $0xb8;
	[tilespmem:$0x18400] =	vst v63  }
0x24: {  	_ =	swait.ge [sflag:s10], $0x4000  }
0x25: {  	[sflag:s10] =	ssyncset.done $0x0  }
0x26: {  	[sflag:s10] =	ssyncadd.s32 $0xFFFFC000  }
0x27: {  	[spmem:s2] =	stream.indirect.scatter.add.f32 [tilespmem:s11], [sflag:$0x1], $0x80, s15, s13, $0xb8;
	[tilespmem:$0x18400] =	vst v63  }
0x28: {  	_ =	swait.ge [sflag:s10], $0x4000  }
0x29: {  	[sflag:s10] =	ssyncset.done $0x0  }
0x2a: {  	[sflag:s10] =	ssyncadd.s32 $0xFFFFC000  }
0x2b: {  	[spmem:s2] =	stream.indirect.scatter.add.f32 [tilespmem:s11], [sflag:$0x1], $0x80, s16, s13, $0xb8;
	[tilespmem:$0x18400] =	vst v63  }
0x2c: {  	_ =	swait.ge [sflag:s10], $0x4000  }
0x2d: {  	[sflag:s10] =	ssyncset.done $0x0  }
0x2e: {  	[sflag:s10] =	ssyncadd.s32 $0xFFFFC000  }
0x2f: {  	[spmem:s2] =	stream.indirect.scatter.add.f32 [tilespmem:s11], [sflag:$0x1], $0x80, s17, s13, $0xb8;
	[tilespmem:$0x18400] =	vst v63  }
0x30: {  	_ =	swait.ge [sflag:s10], $0x4000  }
0x31: {  	[sflag:s10] =	ssyncset.done $0x0  }
0x32: {  	[sflag:s10] =	ssyncadd.s32 $0xFFFFC000  }
0x33: {  	[spmem:s2] =	stream.indirect.scatter.add.f32 [tilespmem:s11], [sflag:$0x1], $0x80, s18, s13, $0xb8;
	[tilespmem:$0x18400] =	vst v63  }
0x34: {  	_ =	swait.ge [sflag:s10], $0x4000  }
0x35: {  	[sflag:s10] =	ssyncset.done $0x0  }
0x36: {  	[sflag:s10] =	ssyncadd.s32 $0xFFFFC000  }
0x37: {  	[spmem:s2] =	stream.indirect.scatter.add.f32 [tilespmem:s11], [sflag:$0x1], $0x80, s19, s13, $0xb8;
	[tilespmem:$0x18400] =	vst v63  }
0x38: {  	_ =	swait.ge [sflag:s10], $0x4000  }
0x39: {  	[sflag:s10] =	ssyncset.done $0x0  }
0x3a: {  	[sflag:s10] =	ssyncadd.s32 $0xFFFFC000  }
0x3b: {  	[spmem:s2] =	stream.indirect.scatter.add.f32 [tilespmem:s11], [sflag:$0x1], $0x80, s20, s13, $0xb8;
	[tilespmem:$0x18400] =	vst v63  }
0x3c: {  	_ =	swait.ge [sflag:s10], $0x4000  }
0x3d: {  	s25 =	simm.s32 $0x100;
	s23 =	simm.s32 $0x80;
	[sflag:s10] =	ssyncset.done $0x0  }
.LBB2_2:
0x3e: {  	s26 =	sadd.s32 s23, s8  }
0x3f: {  	[sflag:s10] =	ssyncadd.s32 $0xFFFFC000;
	s23 =	smov.u32 s25;
	s24 =	sadd.s32 $0x80, s25  }
0x40: {  	[tilespmem:s12], [sflag:$0x1] =	stream.linear.gather [hbm4b:s26+s3], $0x400, $0x38;
	[tilespmem:$0x18400] =	vst v63  }
0x41: {  	p0 =	sne.s32 s25, $0x980;
	_ =	swait.ge [sflag:s10], $0x400  }
0x42: {  	[sflag:s10] =	ssyncset.done $0x0  }
0x43: {  	[sflag:s10] =	ssyncadd.s32 $0xFFFFFC00  }
0x44: {  	[spmem:s2] =	stream.indirect.scatter.add.f32 [tilespmem:s11], [sflag:$0x1], $0x80, s12, s13, $0xb8;
	[tilespmem:$0x18400] =	vst v63  }
0x45: {  	_ =	swait.ge [sflag:s10], $0x4000  }
0x46: {  	[sflag:s10] =	ssyncset.done $0x0  }
0x47: {  	[sflag:s10] =	ssyncadd.s32 $0xFFFFC000  }
0x48: {  	[spmem:s2] =	stream.indirect.scatter.add.f32 [tilespmem:s11], [sflag:$0x1], $0x80, s14, s13, $0xb8;
	[tilespmem:$0x18400] =	vst v63  }
0x49: {  	_ =	swait.ge [sflag:s10], $0x4000  }
0x4a: {  	[sflag:s10] =	ssyncset.done $0x0  }
0x4b: {  	[sflag:s10] =	ssyncadd.s32 $0xFFFFC000  }
0x4c: {  	[spmem:s2] =	stream.indirect.scatter.add.f32 [tilespmem:s11], [sflag:$0x1], $0x80, s15, s13, $0xb8;
	[tilespmem:$0x18400] =	vst v63  }
0x4d: {  	_ =	swait.ge [sflag:s10], $0x4000  }
0x4e: {  	[sflag:s10] =	ssyncset.done $0x0  }
0x4f: {  	[sflag:s10] =	ssyncadd.s32 $0xFFFFC000  }
0x50: {  	[spmem:s2] =	stream.indirect.scatter.add.f32 [tilespmem:s11], [sflag:$0x1], $0x80, s16, s13, $0xb8;
	[tilespmem:$0x18400] =	vst v63  }
0x51: {  	_ =	swait.ge [sflag:s10], $0x4000  }
0x52: {  	[sflag:s10] =	ssyncset.done $0x0  }
0x53: {  	[sflag:s10] =	ssyncadd.s32 $0xFFFFC000  }
0x54: {  	[spmem:s2] =	stream.indirect.scatter.add.f32 [tilespmem:s11], [sflag:$0x1], $0x80, s17, s13, $0xb8;
	[tilespmem:$0x18400] =	vst v63  }
0x55: {  	_ =	swait.ge [sflag:s10], $0x4000  }
0x56: {  	[sflag:s10] =	ssyncset.done $0x0  }
0x57: {  	[sflag:s10] =	ssyncadd.s32 $0xFFFFC000  }
0x58: {  	[spmem:s2] =	stream.indirect.scatter.add.f32 [tilespmem:s11], [sflag:$0x1], $0x80, s18, s13, $0xb8;
	[tilespmem:$0x18400] =	vst v63  }
0x59: {  	_ =	swait.ge [sflag:s10], $0x4000  }
0x5a: {  	[sflag:s10] =	ssyncset.done $0x0  }
0x5b: {  	[sflag:s10] =	ssyncadd.s32 $0xFFFFC000  }
0x5c: {  	[spmem:s2] =	stream.indirect.scatter.add.f32 [tilespmem:s11], [sflag:$0x1], $0x80, s19, s13, $0xb8;
	[tilespmem:$0x18400] =	vst v63  }
0x5d: {  	_ =	swait.ge [sflag:s10], $0x4000  }
.Ltmp0:
0x5e: {  	[sflag:s10] =	ssyncset.done $0x0;
	(pc) =	sbr.rel @p0 .LBB2_2-.Ltmp0, $4  }
0x5f: {  	[sflag:s10] =	ssyncadd.s32 $0xFFFFC000  }
0x60: {  	[spmem:s2] =	stream.indirect.scatter.add.f32 [tilespmem:s11], [sflag:$0x1], $0x80, s20, s13, $0xb8;
	[tilespmem:$0x18400] =	vst v63  }
0x61: {  	_ =	swait.ge [sflag:s10], $0x4000  }
0x62: {  	s25 =	smov.u32 s24;
	[sflag:s10] =	ssyncset.done $0x0  }
0x63: {  	s23 =	sadd.s32 s23, s8;
	[sflag:s10] =	ssyncadd.s32 $0xFFFFC000  }
0x64: {  	[tilespmem:s12], [sflag:$0x1] =	stream.linear.gather [hbm4b:s23+s3], $0x400, $0x38;
	[tilespmem:$0x18400] =	vst v63  }
0x65: {  	_ =	swait.ge [sflag:s10], $0x400  }
0x66: {  	[sflag:s10] =	ssyncset.done $0x0  }
0x67: {  	[sflag:s10] =	ssyncadd.s32 $0xFFFFFC00  }
0x68: {  	[spmem:s2] =	stream.indirect.scatter.add.f32 [tilespmem:s11], [sflag:$0x1], $0x80, s12, s13, $0xb8;
	[tilespmem:$0x18400] =	vst v63  }
0x69: {  	_ =	swait.ge [sflag:s10], $0x4000  }
0x6a: {  	[sflag:s10] =	ssyncset.done $0x0  }
0x6b: {  	[sflag:s10] =	ssyncadd.s32 $0xFFFFC000  }
0x6c: {  	[spmem:s2] =	stream.indirect.scatter.add.f32 [tilespmem:s11], [sflag:$0x1], $0x80, s14, s13, $0xb8;
	[tilespmem:$0x18400] =	vst v63  }
0x6d: {  	_ =	swait.ge [sflag:s10], $0x4000  }
0x6e: {  	[sflag:s10] =	ssyncset.done $0x0  }
0x6f: {  	[sflag:s10] =	ssyncadd.s32 $0xFFFFC000  }
0x70: {  	[spmem:s2] =	stream.indirect.scatter.add.f32 [tilespmem:s11], [sflag:$0x1], $0x80, s15, s13, $0xb8;
	[tilespmem:$0x18400] =	vst v63  }
0x71: {  	_ =	swait.ge [sflag:s10], $0x4000  }
0x72: {  	[sflag:s10] =	ssyncset.done $0x0  }
0x73: {  	[sflag:s10] =	ssyncadd.s32 $0xFFFFC000  }
0x74: {  	[spmem:s2] =	stream.indirect.scatter.add.f32 [tilespmem:s11], [sflag:$0x1], $0x80, s16, s13, $0xb8;
	[tilespmem:$0x18400] =	vst v63  }
0x75: {  	_ =	swait.ge [sflag:s10], $0x4000  }
0x76: {  	[sflag:s10] =	ssyncset.done $0x0  }
0x77: {  	[sflag:s10] =	ssyncadd.s32 $0xFFFFC000  }
0x78: {  	[spmem:s2] =	stream.indirect.scatter.add.f32 [tilespmem:s11], [sflag:$0x1], $0x80, s17, s13, $0xb8;
	[tilespmem:$0x18400] =	vst v63  }
0x79: {  	_ =	swait.ge [sflag:s10], $0x4000  }
0x7a: {  	[sflag:s10] =	ssyncset.done $0x0  }
0x7b: {  	[sflag:s10] =	ssyncadd.s32 $0xFFFFC000  }
0x7c: {  	[spmem:s2] =	stream.indirect.scatter.add.f32 [tilespmem:s11], [sflag:$0x1], $0x80, s18, s13, $0xb8;
	[tilespmem:$0x18400] =	vst v63  }
0x7d: {  	_ =	swait.ge [sflag:s10], $0x4000  }
0x7e: {  	[sflag:s10] =	ssyncset.done $0x0  }
0x7f: {  	[sflag:s10] =	ssyncadd.s32 $0xFFFFC000  }
0x80: {  	[spmem:s2] =	stream.indirect.scatter.add.f32 [tilespmem:s11], [sflag:$0x1], $0x80, s19, s13, $0xb8;
	[tilespmem:$0x18400] =	vst v63  }
0x81: {  	_ =	swait.ge [sflag:s10], $0x4000  }
0x82: {  	[sflag:s10] =	ssyncset.done $0x0  }
0x83: {  	[sflag:s10] =	ssyncadd.s32 $0xFFFFC000  }
0x84: {  	[spmem:s2] =	stream.indirect.scatter.add.f32 [tilespmem:s11], [sflag:$0x1], $0x80, s20, s13, $0xb8;
	[tilespmem:$0x18400] =	vst v63  }
0x85: {  	_ =	swait.ge [sflag:s10], $0x4000  }
0x86: {  	s22 =	sadd.s32 $0x1, s22;
	[sflag:s10] =	ssyncset.done $0x0  }
0x87: {  	p0 =	sne.s32 s22, s7;
	[sflag:s10] =	ssyncadd.s32 $0xFFFFC000  }
.Ltmp1:
0x88: {  	[bflag:$0x0] =	sbarrier.arrive $0xFFFF;
	(pc) =	sbr.rel @p0 .LBB2_1-.Ltmp1, $4  }
0x89: {  	[hbm:s21], [sflag:s6] =	dma.local [spmem:s9], $0x2800  }
0x8a: {  	_ =	swait.ge [sflag:s10], $0x2800  }
0x8b: {  	[sflag:s10] =	ssyncset.done $0x0  }
0x8c: {  	[sflag:s10] =	ssyncadd.s32 $0xFFFFD800  }
0x8d: {  	_ =	sfence.sel $0x180000  }
0x8e: {  	[bflag:$0x0] =	sbarrier.arrive $0xFFFF  }
0x8f: {  	p0 =	sne.s32 s0, $0x0;
	_ =	strace $0x90000047  }
0x90: {  	s0 =	sadd.s32 @!p0 $0x100000, s1;
	[bflag:$0x2] =	sbarrier.arrive $0xFFFF  }
0x91: {  	[sflag:s0] =	ssyncadd.tile.s32 @!p0 $0x1;
	_ =	shalt  }
.Lfunc_end2:
_tile_overlayer_lowered:
.L_overlay_start_2:
0x92: {  	(tag) =	ssettag $0x2  }
0x93: {  	s0 =	rddreg [dreg:$0x0];
	s2 =	stileid.u32  }
0x94: {  	s1 =	rddreg [dreg:$0x1];
	p0 =	sne.s32 s2, $0x0  }
0x95: {  	s3 =	rddreg [dreg:$0x2];
	[bflag:$0x3] =	sbarrier.arrive $0xFFFF;
	s2 =	simm.s32 @!p0 $0x1C01  }
0x96: {  	[timem:s3], [sflag:s2] =	dma.local @!p0 [hbm:s0], s1  }
0x97: {  	s0 =	simm.s32 @!p0 $0x1  }
0x98: {  	_ =	swait.ge @!p0 [sflag:s0], s1  }
0x99: {  	s1 =	ssub.s32 @!p0 $0x0, s1;
	[sflag:s0] =	ssyncset.done @!p0 $0x0  }
0x9a: {  	[sflag:s0] =	ssyncadd.s32 @!p0 s1  }
0x9b: {  	[bflag:$0x3] =	sbarrier.arrive $0xFFFF  }
0x9c: {  	_ =	shalt  }

// kernel: kernel.14.cloned.1.call-start
scs
__scs_entry_jumppad:
0x0: {  	(pc) =	sbr.rel $0x88, $3  }
0x1: {  	(tag) =	ssettag $0x0;
	lr =	simm.s32 $0x1  }
0x2: {  	[smem:$0x3F99] =	sst lr;
	_ =	strace $0xD0000000  }
0x3: {  	_ = 	snop  }
0x4: {  	_ = 	snop  }
0x5: {  	_ = 	snop  }
0x6: {  	_ = 	snop  }
0x7: {  	_ = 	snop  }
__scs_overlays_trampoline_lowered:
0x8: {  	[smem:$0x3FA8] =	sst s0  }
0x9: {  	[smem:$0x3FA9] =	sst s1  }
0xa: {  	[smem:$0x3FAA] =	sst s2  }
0xb: {  	[smem:$0x3FAB] =	sst s3  }
0xc: {  	[smem:$0x3FAC] =	sst s4  }
0xd: {  	[smem:$0x3FAD] =	sst s5  }
0xe: {  	[smem:$0x3FAE] =	sst s6  }
0xf: {  	[smem:$0x3FAF] =	sst s7  }
0x10: {  	[smem:$0x3FB0] =	sst s8  }
0x11: {  	[smem:$0x3FB1] =	sst s9;
	s0 =	simm.s32 @!p0 $0x0  }
0x12: {  	s1 =	sld [smem:$0x3F97];
	s0 =	simm.s32 @p0 $0x1  }
0x13: {  	[smem:$0x3FB2] =	sst s0;
	s0 =	simm.s32 @!p1 $0x0  }
0x14: {  	s2 =	sld [smem:$0x3F96];
	s0 =	simm.s32 @p1 $0x1  }
0x15: {  	[smem:$0x3FB3] =	sst s0;
	s0 =	simm.s32 @!p2 $0x0  }
0x16: {  	s3 =	sld [smem:$0x3FDB];
	s0 =	simm.s32 @p2 $0x1  }
0x17: {  	s4 =	simm.s32 $0x1BF5;
	[smem:$0x3FB5] =	sst s0  }
0x18: {  	s0 =	sld [smem:$0x3F98];
	_ =	swait.ge [sflag:s4], $0x0  }
0x19: {  	s7 =	sld [smem:$0x3F99]  }
0x1a: {  	s8 =	sadd.s32 $0xFFFFE003, lr  }
0x1b: {  	s9 =	sadd.s32 $0xFFFFFEF7, lr;
	s5 =	simm.s32 $0xFFFFFFFF;
	p2 =	slt.u32 s8, $0xFFFFF086  }
0x1c: {  	p1 =	slt.u32 s9, $0xF7A;
	s5 =	simm.s32 @!p2 $0x0  }
0x1d: {  	s5 =	simm.s32 @p1 $0x1;
	p0 =	seq.s32 s7, s2  }
0x1e: {  	s7 =	smul.u32 @!p0 $0xF7A, s2;
	p2 =	seq.s32 @!p0 s5, $0x0  }
0x1f: {  	s9 =	smul.u32 $0xF7A, s1;
	s8 =	simm.s32 @!p0 $0x1BF5;
	p2 =	por !p2, p0  }
0x20: {  	[sflag:s8] =	ssyncset.s32 @!p0 $0xFFFFF086;
	s6 =	sadd.s32 @!p0 s3, s7;
	s7 =	simm.s32 @!p0 $0x108  }
0x21: {  	s3 =	sadd.s32 s3, s9;
	s6 =	sadd.s32 @!p0 $0x88, s6;
	s7 =	simm.s32 @p2 $0x1082  }
0x22: {  	[simem:s7], [sflag:s8] =	dma.local @!p0 [hbm:s6], $0xF7A  }
0x23: {  	s9 =	sor.u32 $0xD0000000, s2;
	s6 =	simm.s32 $0x108;
	_ =	swait.ge @!p0 [sflag:s8], $0x0  }
0x24: {  	s3 =	sadd.s32 $0x88, s3;
	s6 =	simm.s32 @!p1 $0x1082;
	[sflag:s4] =	ssyncset.s32 $0xFFFFF086  }
0x25: {  	[simem:s6], [sflag:s4] =	dma.local [hbm:s3], $0xF7A  }
0x26: {  	[smem:$0x3F99] =	sst s1;
	(tag) =	ssettag s2;
	_ =	strace s9  }
0x27: {  	s1 =	sld [smem:$0x3FA9]  }
0x28: {  	s2 =	sld [smem:$0x3FAA]  }
0x29: {  	s4 =	sld [smem:$0x3FAC]  }
0x2a: {  	p0 =	seq.s32 s5, $0x0;
	s5 =	sld [smem:$0x3FAD]  }
0x2b: {  	s6 =	sld [smem:$0x3FAE]  }
0x2c: {  	s7 =	sld [smem:$0x3FAF]  }
0x2d: {  	s3 =	simm.s32 $0x108;
	s8 =	sld [smem:$0x3FB0]  }
0x2e: {  	s3 =	simm.s32 @!p0 $0x1082;
	s9 =	sld [smem:$0x3FB1]  }
0x2f: {  	lr =	sadd.s32 s0, s3;
	s0 =	sld [smem:$0x3FA8]  }
0x30: {  	s3 =	sld [smem:$0x3FAB]  }
0x31: {  	[smem:$0x3FB4] =	sst s10  }
0x32: {  	s10 =	sld [smem:$0x3FB2];
	_ =	sdelay $0x3  }
0x33: {  	p0 =	seq.s32 s10, $0x1;
	s10 =	sld [smem:$0x3FB4];
	_ =	sdelay $0x3  }
0x34: {  	[smem:$0x3FB4] =	sst s10  }
0x35: {  	s10 =	sld [smem:$0x3FB3];
	_ =	sdelay $0x3  }
0x36: {  	p1 =	seq.s32 s10, $0x1;
	s10 =	sld [smem:$0x3FB4];
	_ =	sdelay $0x3  }
0x37: {  	[smem:$0x3FB4] =	sst s10  }
0x38: {  	s10 =	sld [smem:$0x3FB5]  }
0x39: {  	_ = 	snop;
	(pc) =	sbr.ind lr, $3  }
0x3a: {  	_ = 	snop  }
0x3b: {  	_ = 	snop  }
0x3c: {  	p2 =	seq.s32 s10, $0x1;
	s10 =	sld [smem:$0x3FB4]  }
0x3d: {  	_ =	shalt  }
0x3e: {  	_ =	shalt  }
0x3f: {  	_ =	shalt  }
0x40: {  	_ =	shalt  }
0x41: {  	_ =	shalt  }
0x42: {  	_ =	shalt  }
0x43: {  	_ =	shalt  }
0x44: {  	_ =	shalt  }
0x45: {  	_ =	shalt  }
0x46: {  	_ =	shalt  }
0x47: {  	_ =	shalt  }
0x48: {  	_ =	shalt  }
0x49: {  	_ =	shalt  }
0x4a: {  	_ =	shalt  }
0x4b: {  	_ =	shalt  }
0x4c: {  	_ =	shalt  }
0x4d: {  	_ =	shalt  }
0x4e: {  	_ =	shalt  }
0x4f: {  	_ =	shalt  }
0x50: {  	_ =	shalt  }
0x51: {  	_ =	shalt  }
0x52: {  	_ =	shalt  }
0x53: {  	_ =	shalt  }
0x54: {  	_ =	shalt  }
0x55: {  	_ =	shalt  }
0x56: {  	_ =	shalt  }
0x57: {  	_ =	shalt  }
0x58: {  	_ =	shalt  }
0x59: {  	_ =	shalt  }
0x5a: {  	_ =	shalt  }
0x5b: {  	_ =	shalt  }
0x5c: {  	_ =	shalt  }
0x5d: {  	_ =	shalt  }
0x5e: {  	_ =	shalt  }
0x5f: {  	_ =	shalt  }
0x60: {  	_ =	shalt  }
0x61: {  	_ =	shalt  }
0x62: {  	_ =	shalt  }
0x63: {  	_ =	shalt  }
0x64: {  	_ =	shalt  }
0x65: {  	_ =	shalt  }
0x66: {  	_ =	shalt  }
0x67: {  	_ =	shalt  }
0x68: {  	_ =	shalt  }
0x69: {  	_ =	shalt  }
0x6a: {  	_ =	shalt  }
0x6b: {  	_ =	shalt  }
0x6c: {  	_ =	shalt  }
0x6d: {  	_ =	shalt  }
0x6e: {  	_ =	shalt  }
0x6f: {  	_ =	shalt  }
0x70: {  	_ =	shalt  }
0x71: {  	_ =	shalt  }
0x72: {  	_ =	shalt  }
0x73: {  	_ =	shalt  }
0x74: {  	_ =	shalt  }
0x75: {  	_ =	shalt  }
0x76: {  	_ =	shalt  }
0x77: {  	_ =	shalt  }
0x78: {  	_ =	shalt  }
0x79: {  	_ =	shalt  }
0x7a: {  	_ =	shalt  }
0x7b: {  	_ =	shalt  }
0x7c: {  	_ =	shalt  }
0x7d: {  	_ =	shalt  }
0x7e: {  	_ =	shalt  }
0x7f: {  	_ =	shalt  }
0x80: {  	_ =	shalt  }
0x81: {  	_ =	shalt  }
0x82: {  	_ =	shalt  }
0x83: {  	_ =	shalt  }
0x84: {  	_ =	shalt  }
0x85: {  	_ =	shalt  }
0x86: {  	_ =	shalt  }
0x87: {  	_ =	shalt  }
.Lfunc_end0:
.L_simem_size_0:
called_computation.1_lowered:
.L_overlay_start_0:
0x88: {  	s2 =	sld [smem:$0x3FD9]  }
0x89: {  	s3 =	sld [smem:$0x3FFE];
	_ =	sdelay $0x1  }
0x8a: {  	s1 =	srdreg.scid  }
0x8b: {  	s0 =	sand.u32 $0x1, s1  }
0x8c: {  	s16 =	sshll.u32 s0, $0xA;
	s2 =	sadd.s32 s3, s2  }
0x8d: {  	s2 =	sadd.s32 s2, s16  }
0x8e: {  	[smem:$0x3FC0] =	sst s2  }
0x8f: {  	_ = 	snop  }
0x90: {  	(tm) =	ssettm $0x1  }
0x91: {  	s17 =	sld [smem:$0x3FFB];
	_ =	sdelay $0x3  }
0x92: {  	_ =	strace s17  }
0x93: {  	s2 =	sld [smem:$0x3FFC];
	_ =	sdelay $0x3  }
0x94: {  	_ =	strace s2  }
0x95: {  	s2 =	sld [smem:$0x3FFD];
	_ =	sdelay $0x3  }
0x96: {  	_ =	strace s2  }
0x97: {  	_ =	strace $0x8FFFFFFF  }
0x98: {  	s18 =	sld [smem:$0x3FDB];
	_ =	sdelay $0x1  }
0x99: {  	s19 =	simm.s32 $_scs_section_size  }
0x9a: {  	s4 =	simm.s32 $_size__tile_overlayer_lowered;
	s5 =	simm.s32 $_tile_overlayer_lowered  }
0x9b: {  	s22 =	simm.s32 $0x1BFF;
	s21 =	sshll.u32 s5, $0x1;
	s2 =	sadd.s32 s19, s18  }
0x9c: {  	s6 =	simm.s32 $0x0;
	s20 =	sshll.u32 s4, $0x1;
	s4 =	sadd.s32 s21, s2  }
0x9d: {  	[timem:s6], [sflag:s22] =	dma.local [hbm:s4], s20  }
0x9e: {  	_ =	swait.ge [sflag:s22], s20  }
0x9f: {  	s3 =	ssub.s32 $0x0, s20;
	[sflag:s22] =	ssyncset.done $0x0  }
0xa0: {  	[sflag:s22] =	ssyncadd.s32 s3;
	_ =	sdelay $0x1  }
0xa1: {  	s23 =	simm.s32 $0x1B8B  }
0xa2: {  	_ =	swait.ge [sflag:s23], $0x1  }
0xa3: {  	[sflag:s23] =	ssyncset.done $0x0  }
0xa4: {  	s25 =	simm.s32 $0x1B8E;
	s24 =	sld [smem:$0x3FFE];
	[sflag:s23] =	ssyncadd.s32 $0xFFFFFFFF  }
0xa5: {  	s26 =	simm.s32 $execute0_lowered;
	[smem:$0x3FD2] =	sst s25  }
0xa6: {  	s4 =	sshll.u32 s26, $0x1;
	_ =	strace $0x80000049;
	[dreg:$0x1] =	wrdreg $0xFFFFFFFF  }
0xa7: {  	s28 =	simm.s32 $_size_execute0_lowered;
	s2 =	sadd.s32 s2, s4;
	[dreg:$0x0] =	wrdreg $0x0  }
0xa8: {  	s4 =	sshll.u32 s28, $0x1;
	[dreg:$0x2] =	wrdreg s2  }
0xa9: {  	[dreg:$0x3] =	wrdreg s4  }
0xaa: {  	[dreg:$0x4] =	wrdreg $0xC0  }
0xab: {  	_ =	task [dreg:s6], $0x5FFFF  }
0xac: {  	[dreg:$0x1] =	wrdreg $0xFFFFFFFF  }
0xad: {  	[dreg:$0x0] =	wrdreg $0x60  }
0xae: {  	[dreg:$0x2] =	wrdreg s24  }
0xaf: {  	[dreg:$0x3] =	wrdreg $0x0  }
0xb0: {  	[dreg:$0x4] =	wrdreg $0x9  }
0xb1: {  	_ =	task.clear_ibuf [dreg:s6], $0x5FFFF;
	_ =	strace $0x90000049  }
0xb2: {  	s29 =	simm.s32 $0x9;
	_ =	strace $0x8000004B  }
0xb3: {  	_ =	swait.ge [sflag:s29], $0x1  }
0xb4: {  	[sflag:s29] =	ssyncadd.s32 $0xFFFFFFFF  }
0xb5: {  	_ =	strace $0x9000004B  }
0xb6: {  	_ =	sfence  }
0xb7: {  	s30 =	sld [smem:$0x0];
	_ =	sdelay $0x2  }
0xb8: {  	s31 =	sshll.u32 s1, $0xD;
	s1 =	sshrl.u32 s1, $0x2  }
0xb9: {  	s3 =	sand.u32 $0x4000, s31;
	s1 =	sadd.s32 s1, s30  }
0xba: {  	s0 =	sor.u32 s3, s0;
	s1 =	sshll.u32 s1, $0x11  }
0xbb: {  	s0 =	sor.u32 s1, s0  }
0xbc: {  	s0 =	sadd.s32 $0x8F2B, s0  }
0xbd: {  	[sflag:s0] =	ssyncadd.remote.s32 $0x1  }
0xbe: {  	_ =	sfence.sel $0xFFFF  }
0xbf: {  	[dreg:$0x0] =	wrdreg $0xFFFFFFFF;
	(pc) =	sbr.abs _section_cstart, $3  }
0xc0: {  	[dreg:$0x1] =	wrdreg $0xFFFFFFFF  }
0xc1: {  	_ =	task.clear_ibuf [dreg:s6], $0x2FFFF;
	_ =	strace $0x9FFFFFFF  }
0xc2: {  	(tm) =	ssettm $0x7FFFFFFF  }
0xc3: {  	_ =	shalt  }
tec
execute0_lowered:
.L_overlay_start_1:
0x0: {  	(tag) =	ssettag $0x1  }
0x1: {  	s6 =	rddreg [dreg:$0x0]  }
0x2: {  	s1 =	rddreg [dreg:$0x1]  }
0x3: {  	s0 =	rddreg [dreg:$0x2];
	s2 =	simm.s32 $0x0  }
0x4: {  	s4 =	srdreg.scid;
	s3 =	stileid.u32;
	s16 =	simm.s32 $0x80  }
0x5: {  	s17 =	simm.s32 $0x16000;
	s18 =	simm.s32 $0x1;
	s19 =	simm.s32 $0x14080  }
0x6: {  	s20 =	simm.s32 $0x1A000;
	s21 =	simm.s32 $0x2;
	s22 =	simm.s32 $0x15F80  }
0x7: {  	[smem:$0x7FF] =	sst s2;
	s10 =	sadd.s32 $0xF2E00, s6;
	s7 =	sand.u32 $0x1, s4  }
0x8: {  	s4 =	sadd.s32 $0x2600, s6;
	s24 =	smul.u32 $0x2800, s3;
	s5 =	sadd.s32 $0x16600, s6  }
0x9: {  	s11 =	smul.u32 $0x50000, s3;
	s13 =	sadd.s32 $0x52600, s6;
	s29 =	sshll.u32 s3, $0x6  }
0xa: {  	_ =	strace $0x8000004A;
	s8 =	ssub.s32 $0x2, s7;
	s30 =	smul.u32 $0x50000, s7  }
0xb: {  	s7 =	sor.u32 $0x1C03, s29;
	s9 =	sshrl.u32 s8, $0x1;
	s28 =	sshrl.u32 s11, $0x2  }
0xc: {  	s12 =	sadd.s32 s24, s6;
	s14 =	ssub.s32 s8, s9;
	s15 =	sadd.s32 s28, s1  }
0xd: {  	s6 =	sadd.s32 $0x2A600, s12;
	s8 =	smul.u32 $0xA000, s3;
	s31 =	sadd.s32 $0x28000, s30  }
0xe: {  	s9 =	sadd.s32 s10, s30;
	s23 =	sadd.s32 s13, s30;
	s10 =	sadd.s32 s10, s31  }
0xf: {  	s25 =	sadd.s32 s13, s31;
	s11 =	smax.u32 s14, $0x1;
	s12 =	sshrl.u32 s15, $0x3  }
0x10: {  	s13 =	simm.s32 $0x3;
	s14 =	simm.s32 $0x14000;
	s15 =	simm.s32 $0x15000  }
0x11: {  	s23 =	sadd.s32 s24, s23;
	s24 =	sadd.s32 s24, s25;
	s25 =	simm.s32 $0x0  }
.LBB2_1:
0x12: {  	[spmem:s12], [sflag:s7] =	dma.local [hbm:s6], $0x2800  }
0x13: {  	_ =	swait.ge [sflag:s13], $0x2800  }
0x14: {  	[sflag:s13] =	ssyncset.done $0x0  }
0x15: {  	[sflag:s13] =	ssyncadd.s32 $0xFFFFD800  }
0x16: {  	s26 =	simm.s32 $0x0;
	[bflag:$0x0] =	sbarrier.arrive $0xFFFF  }
.LBB2_2:
0x17: {  	s28 =	sshll.u32 s26, $0xC  }
0x18: {  	s28 =	sadd.s32 s8, s28  }
0x19: {  	s28 =	sshrl.u32 s28, $0x3  }
0x1a: {  	s29 =	sadd.s32 s4, s28  }
0x1b: {  	[tilespmem:s14], [sflag:$0x3] =	stream.linear.gather [hbm4b:s29+s2], $0x1000, $0x38;
	[tilespmem:$0x1E000] =	vst v63  }
0x1c: {  	_ =	swait.ge [sflag:s13], $0x1000  }
0x1d: {  	[sflag:s13] =	ssyncset.done $0x0  }
0x1e: {  	s28 =	sadd.s32 s5, s28;
	[sflag:s13] =	ssyncadd.s32 $0xFFFFF000  }
0x1f: {  	[tilespmem:s15], [sflag:$0x3] =	stream.linear.gather [hbm4b:s28+s2], $0x1000, $0x38;
	[tilespmem:$0x1E000] =	vst v63  }
0x20: {  	_ =	swait.ge [sflag:s13], $0x1000  }
0x21: {  	[sflag:s13] =	ssyncset.done $0x0  }
0x22: {  	[sflag:s13] =	ssyncadd.s32 $0xFFFFF000  }
0x23: {  	[tilespmem:s17], [sflag:$0x1] =	stream.indirect.gather [hbm4b:s9+s16], $0x80, s14, s16, $0xb8;
	[tilespmem:$0x1E000] =	vst v63  }
0x24: {  	_ =	swait.ge [sflag:s18], $0x4000  }
0x25: {  	[sflag:s18] =	ssyncset.done $0x0  }
0x26: {  	[sflag:s18] =	ssyncadd.s32 $0xFFFFC000  }
0x27: {  	[tilespmem:s20], [sflag:$0x1] =	stream.indirect.gather [hbm4b:s9+s16], $0x80, s19, s16, $0xb8;
	[tilespmem:$0x1E000] =	vst v63  }
0x28: {  	_ = 	snop  }
0x29: {  	[spmem:s1] =	stream.indirect.scatter.add.f32 [tilespmem:s17], [sflag:$0x2], $0x80, s15, s16, $0xb8;
	[tilespmem:$0x1E000] =	vst v63  }
0x2a: {  	_ =	swait.ge [sflag:s18], $0x4000  }
0x2b: {  	[sflag:s18] =	ssyncset.done $0x0  }
0x2c: {  	[sflag:s18] =	ssyncadd.s32 $0xFFFFC000  }
0x2d: {  	_ =	swait.ge [sflag:s21], $0x4000  }
0x2e: {  	[sflag:s21] =	ssyncset.done $0x0  }
0x2f: {  	s28 =	simm.s32 $0x14100;
	[sflag:s21] =	ssyncadd.s32 $0xFFFFC000  }
0x30: {  	[tilespmem:s17], [sflag:$0x1] =	stream.indirect.gather [hbm4b:s9+s16], $0x80, s28, s16, $0xb8;
	[tilespmem:$0x1E000] =	vst v63  }
0x31: {  	s28 =	simm.s32 $0x15080  }
0x32: {  	[spmem:s1] =	stream.indirect.scatter.add.f32 [tilespmem:s20], [sflag:$0x2], $0x80, s28, s16, $0xb8;
	[tilespmem:$0x1E000] =	vst v63  }
0x33: {  	_ =	swait.ge [sflag:s18], $0x4000  }
0x34: {  	[sflag:s18] =	ssyncset.done $0x0  }
0x35: {  	[sflag:s18] =	ssyncadd.s32 $0xFFFFC000  }
0x36: {  	_ =	swait.ge [sflag:s21], $0x4000  }
0x37: {  	[sflag:s21] =	ssyncset.done $0x0  }
0x38: {  	s28 =	simm.s32 $0x14180;
	[sflag:s21] =	ssyncadd.s32 $0xFFFFC000  }
0x39: {  	[tilespmem:s20], [sflag:$0x1] =	stream.indirect.gather [hbm4b:s9+s16], $0x80, s28, s16, $0xb8;
	[tilespmem:$0x1E000] =	vst v63  }
0x3a: {  	s29 =	simm.s32 $0x15100;
	s28 =	simm.s32 $0xFFFFC800  }
.LBB2_3:
0x3b: {  	[spmem:s1] =	stream.indirect.scatter.add.f32 [tilespmem:s17], [sflag:$0x2], $0x80, s29, s16, $0xb8;
	[tilespmem:$0x1E000] =	vst v63  }
0x3c: {  	s29 =	smov.u32 s28  }
0x3d: {  	p0 =	sne.s32 s28, $0xFFFFFC00;
	s28 =	sadd.s32 $0x400, s28;
	_ =	swait.ge [sflag:s18], $0x4000  }
0x3e: {  	[sflag:s18] =	ssyncset.done $0x0  }
0x3f: {  	[sflag:s18] =	ssyncadd.s32 $0xFFFFC000  }
0x40: {  	_ =	swait.ge [sflag:s21], $0x4000  }
0x41: {  	s29 =	sshra.s32 s29, $0x2;
	[sflag:s21] =	ssyncset.done $0x0  }
0x42: {  	s30 =	sadd.s32 $0x15000, s29;
	[sflag:s21] =	ssyncadd.s32 $0xFFFFC000  }
0x43: {  	[tilespmem:s17], [sflag:$0x1] =	stream.indirect.gather [hbm4b:s9+s16], $0x80, s30, s16, $0xb8;
	[tilespmem:$0x1E000] =	vst v63  }
0x44: {  	s30 =	sadd.s32 $0x15F80, s29  }
0x45: {  	[spmem:s1] =	stream.indirect.scatter.add.f32 [tilespmem:s20], [sflag:$0x2], $0x80, s30, s16, $0xb8;
	[tilespmem:$0x1E000] =	vst v63  }
0x46: {  	_ =	swait.ge [sflag:s18], $0x4000  }
0x47: {  	[sflag:s18] =	ssyncset.done $0x0  }
0x48: {  	[sflag:s18] =	ssyncadd.s32 $0xFFFFC000  }
.Ltmp0:
0x49: {  	_ =	swait.ge [sflag:s21], $0x4000;
	(pc) =	sbr.rel @p0 .LBB2_3-.Ltmp0, $4  }
0x4a: {  	[sflag:s21] =	ssyncset.done $0x0  }
0x4b: {  	s30 =	sadd.s32 $0x15080, s29;
	[sflag:s21] =	ssyncadd.s32 $0xFFFFC000  }
0x4c: {  	[tilespmem:s20], [sflag:$0x1] =	stream.indirect.gather [hbm4b:s9+s16], $0x80, s30, s16, $0xb8;
	[tilespmem:$0x1E000] =	vst v63  }
0x4d: {  	s29 =	sadd.s32 $0x16000, s29  }
0x4e: {  	[spmem:s1] =	stream.indirect.scatter.add.f32 [tilespmem:s17], [sflag:$0x2], $0x80, s29, s16, $0xb8;
	[tilespmem:$0x1E000] =	vst v63  }
0x4f: {  	_ =	swait.ge [sflag:s18], $0x4000  }
0x50: {  	[sflag:s18] =	ssyncset.done $0x0  }
0x51: {  	[sflag:s18] =	ssyncadd.s32 $0xFFFFC000  }
0x52: {  	s26 =	sadd.s32 $0x1, s26;
	_ =	swait.ge [sflag:s21], $0x4000  }
0x53: {  	p0 =	sne.s32 s26, $0xA;
	[sflag:s21] =	ssyncset.done $0x0  }
.Ltmp1:
0x54: {  	[sflag:s21] =	ssyncadd.s32 $0xFFFFC000;
	(pc) =	sbr.rel @p0 .LBB2_2-.Ltmp1, $4  }
0x55: {  	[spmem:s1] =	stream.indirect.scatter.add.f32 [tilespmem:s20], [sflag:$0x2], $0x80, s22, s16, $0xb8;
	[tilespmem:$0x1E000] =	vst v63  }
0x56: {  	_ =	swait.ge [sflag:s21], $0x4000  }
0x57: {  	[sflag:s21] =	ssyncset.done $0x0  }
0x58: {  	[sflag:s21] =	ssyncadd.s32 $0xFFFFC000  }
0x59: {  	[bflag:$0x0] =	sbarrier.arrive $0xFFFF  }
0x5a: {  	[hbm:s23], [sflag:s7] =	dma.local [spmem:s12], $0x2800  }
0x5b: {  	_ =	swait.ge [sflag:s13], $0x2800  }
0x5c: {  	[sflag:s13] =	ssyncset.done $0x0  }
0x5d: {  	[sflag:s13] =	ssyncadd.s32 $0xFFFFD800  }
0x5e: {  	[bflag:$0x0] =	sbarrier.arrive $0xFFFF  }
0x5f: {  	[spmem:s12], [sflag:s7] =	dma.local [hbm:s6], $0x2800  }
0x60: {  	_ =	swait.ge [sflag:s13], $0x2800  }
0x61: {  	[sflag:s13] =	ssyncset.done $0x0  }
0x62: {  	[sflag:s13] =	ssyncadd.s32 $0xFFFFD800  }
0x63: {  	s26 =	simm.s32 $0x0;
	[bflag:$0x0] =	sbarrier.arrive $0xFFFF  }
.LBB2_6:
0x64: {  	s28 =	sshll.u32 s26, $0xC  }
0x65: {  	s28 =	sadd.s32 s8, s28  }
0x66: {  	s28 =	sshrl.u32 s28, $0x3  }
0x67: {  	s29 =	sadd.s32 s4, s28  }
0x68: {  	[tilespmem:s14], [sflag:$0x3] =	stream.linear.gather [hbm4b:s29+s2], $0x1000, $0x38;
	[tilespmem:$0x1E000] =	vst v63  }
0x69: {  	_ =	swait.ge [sflag:s13], $0x1000  }
0x6a: {  	[sflag:s13] =	ssyncset.done $0x0  }
0x6b: {  	s28 =	sadd.s32 s5, s28;
	[sflag:s13] =	ssyncadd.s32 $0xFFFFF000  }
0x6c: {  	[tilespmem:s15], [sflag:$0x3] =	stream.linear.gather [hbm4b:s28+s2], $0x1000, $0x38;
	[tilespmem:$0x1E000] =	vst v63  }
0x6d: {  	_ =	swait.ge [sflag:s13], $0x1000  }
0x6e: {  	[sflag:s13] =	ssyncset.done $0x0  }
0x6f: {  	[sflag:s13] =	ssyncadd.s32 $0xFFFFF000  }
0x70: {  	[tilespmem:s17], [sflag:$0x1] =	stream.indirect.gather [hbm4b:s10+s16], $0x80, s14, s16, $0xb8;
	[tilespmem:$0x1E000] =	vst v63  }
0x71: {  	_ =	swait.ge [sflag:s18], $0x4000  }
0x72: {  	[sflag:s18] =	ssyncset.done $0x0  }
0x73: {  	[sflag:s18] =	ssyncadd.s32 $0xFFFFC000  }
0x74: {  	[tilespmem:s20], [sflag:$0x1] =	stream.indirect.gather [hbm4b:s10+s16], $0x80, s19, s16, $0xb8;
	[tilespmem:$0x1E000] =	vst v63  }
0x75: {  	_ = 	snop  }
0x76: {  	[spmem:s1] =	stream.indirect.scatter.add.f32 [tilespmem:s17], [sflag:$0x2], $0x80, s15, s16, $0xb8;
	[tilespmem:$0x1E000] =	vst v63  }
0x77: {  	_ =	swait.ge [sflag:s18], $0x4000  }
0x78: {  	[sflag:s18] =	ssyncset.done $0x0  }
0x79: {  	[sflag:s18] =	ssyncadd.s32 $0xFFFFC000  }
0x7a: {  	_ =	swait.ge [sflag:s21], $0x4000  }
0x7b: {  	[sflag:s21] =	ssyncset.done $0x0  }
0x7c: {  	s28 =	simm.s32 $0x14100;
	[sflag:s21] =	ssyncadd.s32 $0xFFFFC000  }
0x7d: {  	[tilespmem:s17], [sflag:$0x1] =	stream.indirect.gather [hbm4b:s10+s16], $0x80, s28, s16, $0xb8;
	[tilespmem:$0x1E000] =	vst v63  }
0x7e: {  	s28 =	simm.s32 $0x15080  }
0x7f: {  	[spmem:s1] =	stream.indirect.scatter.add.f32 [tilespmem:s20], [sflag:$0x2], $0x80, s28, s16, $0xb8;
	[tilespmem:$0x1E000] =	vst v63  }
0x80: {  	_ =	swait.ge [sflag:s18], $0x4000  }
0x81: {  	[sflag:s18] =	ssyncset.done $0x0  }
0x82: {  	[sflag:s18] =	ssyncadd.s32 $0xFFFFC000  }
0x83: {  	_ =	swait.ge [sflag:s21], $0x4000  }
0x84: {  	[sflag:s21] =	ssyncset.done $0x0  }
0x85: {  	s28 =	simm.s32 $0x14180;
	[sflag:s21] =	ssyncadd.s32 $0xFFFFC000  }
0x86: {  	[tilespmem:s20], [sflag:$0x1] =	stream.indirect.gather [hbm4b:s10+s16], $0x80, s28, s16, $0xb8;
	[tilespmem:$0x1E000] =	vst v63  }
0x87: {  	s29 =	simm.s32 $0x15100;
	s28 =	simm.s32 $0xFFFFC800  }
.LBB2_7:
0x88: {  	[spmem:s1] =	stream.indirect.scatter.add.f32 [tilespmem:s17], [sflag:$0x2], $0x80, s29, s16, $0xb8;
	[tilespmem:$0x1E000] =	vst v63  }
0x89: {  	s29 =	smov.u32 s28  }
0x8a: {  	p0 =	sne.s32 s28, $0xFFFFFC00;
	s28 =	sadd.s32 $0x400, s28;
	_ =	swait.ge [sflag:s18], $0x4000  }
0x8b: {  	[sflag:s18] =	ssyncset.done $0x0  }
0x8c: {  	[sflag:s18] =	ssyncadd.s32 $0xFFFFC000  }
0x8d: {  	_ =	swait.ge [sflag:s21], $0x4000  }
0x8e: {  	s29 =	sshra.s32 s29, $0x2;
	[sflag:s21] =	ssyncset.done $0x0  }
0x8f: {  	s30 =	sadd.s32 $0x15000, s29;
	[sflag:s21] =	ssyncadd.s32 $0xFFFFC000  }
0x90: {  	[tilespmem:s17], [sflag:$0x1] =	stream.indirect.gather [hbm4b:s10+s16], $0x80, s30, s16, $0xb8;
	[tilespmem:$0x1E000] =	vst v63  }
0x91: {  	s30 =	sadd.s32 $0x15F80, s29  }
0x92: {  	[spmem:s1] =	stream.indirect.scatter.add.f32 [tilespmem:s20], [sflag:$0x2], $0x80, s30, s16, $0xb8;
	[tilespmem:$0x1E000] =	vst v63  }
0x93: {  	_ =	swait.ge [sflag:s18], $0x4000  }
0x94: {  	[sflag:s18] =	ssyncset.done $0x0  }
0x95: {  	[sflag:s18] =	ssyncadd.s32 $0xFFFFC000  }
.Ltmp2:
0x96: {  	_ =	swait.ge [sflag:s21], $0x4000;
	(pc) =	sbr.rel @p0 .LBB2_7-.Ltmp2, $4  }
0x97: {  	[sflag:s21] =	ssyncset.done $0x0  }
0x98: {  	s30 =	sadd.s32 $0x15080, s29;
	[sflag:s21] =	ssyncadd.s32 $0xFFFFC000  }
0x99: {  	[tilespmem:s20], [sflag:$0x1] =	stream.indirect.gather [hbm4b:s10+s16], $0x80, s30, s16, $0xb8;
	[tilespmem:$0x1E000] =	vst v63  }
0x9a: {  	s29 =	sadd.s32 $0x16000, s29  }
0x9b: {  	[spmem:s1] =	stream.indirect.scatter.add.f32 [tilespmem:s17], [sflag:$0x2], $0x80, s29, s16, $0xb8;
	[tilespmem:$0x1E000] =	vst v63  }
0x9c: {  	_ =	swait.ge [sflag:s18], $0x4000  }
0x9d: {  	[sflag:s18] =	ssyncset.done $0x0  }
0x9e: {  	[sflag:s18] =	ssyncadd.s32 $0xFFFFC000  }
0x9f: {  	s26 =	sadd.s32 $0x1, s26;
	_ =	swait.ge [sflag:s21], $0x4000  }
0xa0: {  	p0 =	sne.s32 s26, $0xA;
	[sflag:s21] =	ssyncset.done $0x0  }
.Ltmp3:
0xa1: {  	[sflag:s21] =	ssyncadd.s32 $0xFFFFC000;
	(pc) =	sbr.rel @p0 .LBB2_6-.Ltmp3, $4  }
0xa2: {  	[spmem:s1] =	stream.indirect.scatter.add.f32 [tilespmem:s20], [sflag:$0x2], $0x80, s22, s16, $0xb8;
	[tilespmem:$0x1E000] =	vst v63  }
0xa3: {  	_ =	swait.ge [sflag:s21], $0x4000  }
0xa4: {  	[sflag:s21] =	ssyncset.done $0x0  }
0xa5: {  	[sflag:s21] =	ssyncadd.s32 $0xFFFFC000  }
0xa6: {  	[bflag:$0x0] =	sbarrier.arrive $0xFFFF;
	s25 =	sadd.s32 $0x1, s25  }
0xa7: {  	[hbm:s24], [sflag:s7] =	dma.local [spmem:s12], $0x2800  }
0xa8: {  	p0 =	sne.s32 s25, s11  }
.Ltmp4:
0xa9: {  	_ =	swait.ge [sflag:s13], $0x2800;
	(pc) =	sbr.rel @p0 .LBB2_1-.Ltmp4, $3  }
0xaa: {  	[sflag:s13] =	ssyncset.done $0x0  }
0xab: {  	[sflag:s13] =	ssyncadd.s32 $0xFFFFD800  }
0xac: {  	[bflag:$0x0] =	sbarrier.arrive $0xFFFF;
	_ =	sdelay $0x1  }
0xad: {  	_ =	sfence.sel $0x180000  }
0xae: {  	[bflag:$0x0] =	sbarrier.arrive $0xFFFF  }
0xaf: {  	p0 =	sne.s32 s3, $0x0;
	_ =	strace $0x9000004A  }
0xb0: {  	s0 =	sadd.s32 @!p0 $0x100000, s0;
	[bflag:$0x2] =	sbarrier.arrive $0xFFFF  }
0xb1: {  	[sflag:s0] =	ssyncadd.tile.s32 @!p0 $0x1;
	_ =	shalt  }
.Lfunc_end2:
_tile_overlayer_lowered:
.L_overlay_start_2:
0xb2: {  	(tag) =	ssettag $0x2  }
0xb3: {  	s0 =	rddreg [dreg:$0x0];
	s2 =	stileid.u32  }
0xb4: {  	s1 =	rddreg [dreg:$0x1];
	p0 =	sne.s32 s2, $0x0  }
0xb5: {  	s3 =	rddreg [dreg:$0x2];
	[bflag:$0x3] =	sbarrier.arrive $0xFFFF;
	s2 =	simm.s32 @!p0 $0x1C03  }
0xb6: {  	[timem:s3], [sflag:s2] =	dma.local @!p0 [hbm:s0], s1  }
0xb7: {  	s0 =	simm.s32 @!p0 $0x3  }
0xb8: {  	_ =	swait.ge @!p0 [sflag:s0], s1  }
0xb9: {  	s1 =	ssub.s32 @!p0 $0x0, s1;
	[sflag:s0] =	ssyncset.done @!p0 $0x0  }
0xba: {  	[sflag:s0] =	ssyncadd.s32 @!p0 s1  }
0xbb: {  	[bflag:$0x3] =	sbarrier.arrive $0xFFFF  }
0xbc: {  	_ =	shalt  }

// kernel: kernel.17.cloned.1.call-start
scs
__scs_entry_jumppad:
0x0: {  	(pc) =	sbr.rel $0x88, $3  }
0x1: {  	(tag) =	ssettag $0x0;
	lr =	simm.s32 $0x1  }
0x2: {  	[smem:$0x3F99] =	sst lr;
	_ =	strace $0xD0000000  }
0x3: {  	_ = 	snop  }
0x4: {  	_ = 	snop  }
0x5: {  	_ = 	snop  }
0x6: {  	_ = 	snop  }
0x7: {  	_ = 	snop  }
__scs_overlays_trampoline_lowered:
0x8: {  	[smem:$0x3FA8] =	sst s0  }
0x9: {  	[smem:$0x3FA9] =	sst s1  }
0xa: {  	[smem:$0x3FAA] =	sst s2  }
0xb: {  	[smem:$0x3FAB] =	sst s3  }
0xc: {  	[smem:$0x3FAC] =	sst s4  }
0xd: {  	[smem:$0x3FAD] =	sst s5  }
0xe: {  	[smem:$0x3FAE] =	sst s6  }
0xf: {  	[smem:$0x3FAF] =	sst s7  }
0x10: {  	[smem:$0x3FB0] =	sst s8  }
0x11: {  	[smem:$0x3FB1] =	sst s9;
	s0 =	simm.s32 @!p0 $0x0  }
0x12: {  	s1 =	sld [smem:$0x3F97];
	s0 =	simm.s32 @p0 $0x1  }
0x13: {  	[smem:$0x3FB2] =	sst s0;
	s0 =	simm.s32 @!p1 $0x0  }
0x14: {  	s2 =	sld [smem:$0x3F96];
	s0 =	simm.s32 @p1 $0x1  }
0x15: {  	[smem:$0x3FB3] =	sst s0;
	s0 =	simm.s32 @!p2 $0x0  }
0x16: {  	s3 =	sld [smem:$0x3FDB];
	s0 =	simm.s32 @p2 $0x1  }
0x17: {  	s4 =	simm.s32 $0x1BF5;
	[smem:$0x3FB5] =	sst s0  }
0x18: {  	s0 =	sld [smem:$0x3F98];
	_ =	swait.ge [sflag:s4], $0x0  }
0x19: {  	s7 =	sld [smem:$0x3F99]  }
0x1a: {  	s8 =	sadd.s32 $0xFFFFE003, lr  }
0x1b: {  	s9 =	sadd.s32 $0xFFFFFEF7, lr;
	s5 =	simm.s32 $0xFFFFFFFF;
	p2 =	slt.u32 s8, $0xFFFFF086  }
0x1c: {  	p1 =	slt.u32 s9, $0xF7A;
	s5 =	simm.s32 @!p2 $0x0  }
0x1d: {  	s5 =	simm.s32 @p1 $0x1;
	p0 =	seq.s32 s7, s2  }
0x1e: {  	s7 =	smul.u32 @!p0 $0xF7A, s2;
	p2 =	seq.s32 @!p0 s5, $0x0  }
0x1f: {  	s9 =	smul.u32 $0xF7A, s1;
	s8 =	simm.s32 @!p0 $0x1BF5;
	p2 =	por !p2, p0  }
0x20: {  	[sflag:s8] =	ssyncset.s32 @!p0 $0xFFFFF086;
	s6 =	sadd.s32 @!p0 s3, s7;
	s7 =	simm.s32 @!p0 $0x108  }
0x21: {  	s3 =	sadd.s32 s3, s9;
	s6 =	sadd.s32 @!p0 $0x88, s6;
	s7 =	simm.s32 @p2 $0x1082  }
0x22: {  	[simem:s7], [sflag:s8] =	dma.local @!p0 [hbm:s6], $0xF7A  }
0x23: {  	s9 =	sor.u32 $0xD0000000, s2;
	s6 =	simm.s32 $0x108;
	_ =	swait.ge @!p0 [sflag:s8], $0x0  }
0x24: {  	s3 =	sadd.s32 $0x88, s3;
	s6 =	simm.s32 @!p1 $0x1082;
	[sflag:s4] =	ssyncset.s32 $0xFFFFF086  }
0x25: {  	[simem:s6], [sflag:s4] =	dma.local [hbm:s3], $0xF7A  }
0x26: {  	[smem:$0x3F99] =	sst s1;
	(tag) =	ssettag s2;
	_ =	strace s9  }
0x27: {  	s1 =	sld [smem:$0x3FA9]  }
0x28: {  	s2 =	sld [smem:$0x3FAA]  }
0x29: {  	s4 =	sld [smem:$0x3FAC]  }
0x2a: {  	p0 =	seq.s32 s5, $0x0;
	s5 =	sld [smem:$0x3FAD]  }
0x2b: {  	s6 =	sld [smem:$0x3FAE]  }
0x2c: {  	s7 =	sld [smem:$0x3FAF]  }
0x2d: {  	s3 =	simm.s32 $0x108;
	s8 =	sld [smem:$0x3FB0]  }
0x2e: {  	s3 =	simm.s32 @!p0 $0x1082;
	s9 =	sld [smem:$0x3FB1]  }
0x2f: {  	lr =	sadd.s32 s0, s3;
	s0 =	sld [smem:$0x3FA8]  }
0x30: {  	s3 =	sld [smem:$0x3FAB]  }
0x31: {  	[smem:$0x3FB4] =	sst s10  }
0x32: {  	s10 =	sld [smem:$0x3FB2];
	_ =	sdelay $0x3  }
0x33: {  	p0 =	seq.s32 s10, $0x1;
	s10 =	sld [smem:$0x3FB4];
	_ =	sdelay $0x3  }
0x34: {  	[smem:$0x3FB4] =	sst s10  }
0x35: {  	s10 =	sld [smem:$0x3FB3];
	_ =	sdelay $0x3  }
0x36: {  	p1 =	seq.s32 s10, $0x1;
	s10 =	sld [smem:$0x3FB4];
	_ =	sdelay $0x3  }
0x37: {  	[smem:$0x3FB4] =	sst s10  }
0x38: {  	s10 =	sld [smem:$0x3FB5]  }
0x39: {  	_ = 	snop;
	(pc) =	sbr.ind lr, $3  }
0x3a: {  	_ = 	snop  }
0x3b: {  	_ = 	snop  }
0x3c: {  	p2 =	seq.s32 s10, $0x1;
	s10 =	sld [smem:$0x3FB4]  }
0x3d: {  	_ =	shalt  }
0x3e: {  	_ =	shalt  }
0x3f: {  	_ =	shalt  }
0x40: {  	_ =	shalt  }
0x41: {  	_ =	shalt  }
0x42: {  	_ =	shalt  }
0x43: {  	_ =	shalt  }
0x44: {  	_ =	shalt  }
0x45: {  	_ =	shalt  }
0x46: {  	_ =	shalt  }
0x47: {  	_ =	shalt  }
0x48: {  	_ =	shalt  }
0x49: {  	_ =	shalt  }
0x4a: {  	_ =	shalt  }
0x4b: {  	_ =	shalt  }
0x4c: {  	_ =	shalt  }
0x4d: {  	_ =	shalt  }
0x4e: {  	_ =	shalt  }
0x4f: {  	_ =	shalt  }
0x50: {  	_ =	shalt  }
0x51: {  	_ =	shalt  }
0x52: {  	_ =	shalt  }
0x53: {  	_ =	shalt  }
0x54: {  	_ =	shalt  }
0x55: {  	_ =	shalt  }
0x56: {  	_ =	shalt  }
0x57: {  	_ =	shalt  }
0x58: {  	_ =	shalt  }
0x59: {  	_ =	shalt  }
0x5a: {  	_ =	shalt  }
0x5b: {  	_ =	shalt  }
0x5c: {  	_ =	shalt  }
0x5d: {  	_ =	shalt  }
0x5e: {  	_ =	shalt  }
0x5f: {  	_ =	shalt  }
0x60: {  	_ =	shalt  }
0x61: {  	_ =	shalt  }
0x62: {  	_ =	shalt  }
0x63: {  	_ =	shalt  }
0x64: {  	_ =	shalt  }
0x65: {  	_ =	shalt  }
0x66: {  	_ =	shalt  }
0x67: {  	_ =	shalt  }
0x68: {  	_ =	shalt  }
0x69: {  	_ =	shalt  }
0x6a: {  	_ =	shalt  }
0x6b: {  	_ =	shalt  }
0x6c: {  	_ =	shalt  }
0x6d: {  	_ =	shalt  }
0x6e: {  	_ =	shalt  }
0x6f: {  	_ =	shalt  }
0x70: {  	_ =	shalt  }
0x71: {  	_ =	shalt  }
0x72: {  	_ =	shalt  }
0x73: {  	_ =	shalt  }
0x74: {  	_ =	shalt  }
0x75: {  	_ =	shalt  }
0x76: {  	_ =	shalt  }
0x77: {  	_ =	shalt  }
0x78: {  	_ =	shalt  }
0x79: {  	_ =	shalt  }
0x7a: {  	_ =	shalt  }
0x7b: {  	_ =	shalt  }
0x7c: {  	_ =	shalt  }
0x7d: {  	_ =	shalt  }
0x7e: {  	_ =	shalt  }
0x7f: {  	_ =	shalt  }
0x80: {  	_ =	shalt  }
0x81: {  	_ =	shalt  }
0x82: {  	_ =	shalt  }
0x83: {  	_ =	shalt  }
0x84: {  	_ =	shalt  }
0x85: {  	_ =	shalt  }
0x86: {  	_ =	shalt  }
0x87: {  	_ =	shalt  }
.Lfunc_end0:
.L_simem_size_0:
called_computation.2_lowered:
.L_overlay_start_0:
0x88: {  	s2 =	sld [smem:$0x3FD9]  }
0x89: {  	s3 =	sld [smem:$0x3FFE];
	_ =	sdelay $0x1  }
0x8a: {  	s1 =	srdreg.scid  }
0x8b: {  	s0 =	sand.u32 $0x1, s1  }
0x8c: {  	s16 =	sshll.u32 s0, $0xA;
	s2 =	sadd.s32 s3, s2  }
0x8d: {  	s2 =	sadd.s32 s2, s16  }
0x8e: {  	[smem:$0x3FC0] =	sst s2  }
0x8f: {  	_ = 	snop  }
0x90: {  	(tm) =	ssettm $0x1  }
0x91: {  	s17 =	sld [smem:$0x3FFB];
	_ =	sdelay $0x3  }
0x92: {  	_ =	strace s17  }
0x93: {  	s2 =	sld [smem:$0x3FFC];
	_ =	sdelay $0x3  }
0x94: {  	_ =	strace s2  }
0x95: {  	s2 =	sld [smem:$0x3FFD];
	_ =	sdelay $0x3  }
0x96: {  	_ =	strace s2  }
0x97: {  	_ =	strace $0x8FFFFFFF  }
0x98: {  	s18 =	sld [smem:$0x3FDB];
	_ =	sdelay $0x1  }
0x99: {  	s19 =	simm.s32 $_scs_section_size  }
0x9a: {  	s4 =	simm.s32 $_size__tile_overlayer_lowered;
	s5 =	simm.s32 $_tile_overlayer_lowered  }
0x9b: {  	s22 =	simm.s32 $0x1BFF;
	s21 =	sshll.u32 s5, $0x1;
	s2 =	sadd.s32 s19, s18  }
0x9c: {  	s6 =	simm.s32 $0x0;
	s20 =	sshll.u32 s4, $0x1;
	s4 =	sadd.s32 s21, s2  }
0x9d: {  	[timem:s6], [sflag:s22] =	dma.local [hbm:s4], s20  }
0x9e: {  	_ =	swait.ge [sflag:s22], s20  }
0x9f: {  	s3 =	ssub.s32 $0x0, s20;
	[sflag:s22] =	ssyncset.done $0x0  }
0xa0: {  	[sflag:s22] =	ssyncadd.s32 s3;
	_ =	sdelay $0x1  }
0xa1: {  	s23 =	simm.s32 $0x1B8B  }
0xa2: {  	_ =	swait.ge [sflag:s23], $0x1  }
0xa3: {  	[sflag:s23] =	ssyncset.done $0x0  }
0xa4: {  	s25 =	simm.s32 $0x1B8E;
	s24 =	sld [smem:$0x3FFE];
	[sflag:s23] =	ssyncadd.s32 $0xFFFFFFFF  }
0xa5: {  	s26 =	simm.s32 $execute0_lowered;
	[smem:$0x3FD2] =	sst s25  }
0xa6: {  	s4 =	sshll.u32 s26, $0x1;
	_ =	strace $0x8000004C;
	[dreg:$0x1] =	wrdreg $0xFFFFFFFF  }
0xa7: {  	s28 =	simm.s32 $_size_execute0_lowered;
	s2 =	sadd.s32 s2, s4;
	[dreg:$0x0] =	wrdreg $0x0  }
0xa8: {  	s4 =	sshll.u32 s28, $0x1;
	[dreg:$0x2] =	wrdreg s2  }
0xa9: {  	[dreg:$0x3] =	wrdreg s4  }
0xaa: {  	[dreg:$0x4] =	wrdreg $0xC0  }
0xab: {  	_ =	task [dreg:s6], $0x5FFFF  }
0xac: {  	[dreg:$0x1] =	wrdreg $0xFFFFFFFF  }
0xad: {  	[dreg:$0x0] =	wrdreg $0x60  }
0xae: {  	[dreg:$0x2] =	wrdreg s24  }
0xaf: {  	[dreg:$0x3] =	wrdreg $0x0  }
0xb0: {  	[dreg:$0x4] =	wrdreg $0x9  }
0xb1: {  	_ =	task.clear_ibuf [dreg:s6], $0x5FFFF;
	_ =	strace $0x9000004C  }
0xb2: {  	s29 =	simm.s32 $0x9;
	_ =	strace $0x8000004E  }
0xb3: {  	_ =	swait.ge [sflag:s29], $0x1  }
0xb4: {  	[sflag:s29] =	ssyncadd.s32 $0xFFFFFFFF  }
0xb5: {  	_ =	strace $0x9000004E  }
0xb6: {  	_ =	sfence  }
0xb7: {  	s30 =	sld [smem:$0x0];
	_ =	sdelay $0x2  }
0xb8: {  	s31 =	sshll.u32 s1, $0xD;
	s1 =	sshrl.u32 s1, $0x2  }
0xb9: {  	s3 =	sand.u32 $0x4000, s31;
	s1 =	sadd.s32 s1, s30  }
0xba: {  	s0 =	sor.u32 s3, s0;
	s1 =	sshll.u32 s1, $0x11  }
0xbb: {  	s0 =	sor.u32 s1, s0  }
0xbc: {  	s0 =	sadd.s32 $0x8F2B, s0  }
0xbd: {  	[sflag:s0] =	ssyncadd.remote.s32 $0x1  }
0xbe: {  	_ =	sfence.sel $0xFFFF  }
0xbf: {  	[dreg:$0x0] =	wrdreg $0xFFFFFFFF;
	(pc) =	sbr.abs _section_cstart, $3  }
0xc0: {  	[dreg:$0x1] =	wrdreg $0xFFFFFFFF  }
0xc1: {  	_ =	task.clear_ibuf [dreg:s6], $0x2FFFF;
	_ =	strace $0x9FFFFFFF  }
0xc2: {  	(tm) =	ssettm $0x7FFFFFFF  }
0xc3: {  	_ =	shalt  }
tec
execute0_lowered:
.L_overlay_start_1:
0x0: {  	(tag) =	ssettag $0x1  }
0x1: {  	s11 =	rddreg [dreg:$0x0]  }
0x2: {  	s1 =	rddreg [dreg:$0x1]  }
0x3: {  	s3 =	srdreg.scid;
	s0 =	rddreg [dreg:$0x2]  }
0x4: {  	s2 =	simm.s32 $0x0;
	s18 =	simm.s32 $0x16000;
	s6 =	sand.u32 $0x1, s3  }
0x5: {  	s19 =	simm.s32 $0x1;
	s3 =	stileid.u32;
	s10 =	smul.u32 $0x28000, s6  }
0x6: {  	s20 =	simm.s32 $0x14080;
	s21 =	simm.s32 $0x1A000;
	s24 =	smul.u32 $0x2800, s3  }
0x7: {  	s22 =	simm.s32 $0x2;
	[smem:$0x7FF] =	sst s2;
	s8 =	smul.u32 $0x50000, s3  }
0x8: {  	s4 =	sadd.s32 $0x2600, s11;
	s5 =	sadd.s32 $0x16600, s11;
	s15 =	smul.u32 $0xA00, s6  }
0x9: {  	s13 =	sadd.s32 $0xCA600, s11;
	_ =	strace $0x8000004D;
	s17 =	smul.u32 $0x140000, s6  }
0xa: {  	s7 =	ssub.s32 $0x2, s6;
	s28 =	sshll.u32 s3, $0x6;
	s29 =	smul.u32 $0xA0, s3  }
0xb: {  	s14 =	sshrl.u32 s7, $0x1;
	s9 =	sadd.s32 s10, s11;
	s12 =	sadd.s32 s24, s11  }
0xc: {  	s14 =	ssub.s32 s7, s14;
	s26 =	sshrl.u32 s8, $0x2;
	s7 =	sor.u32 $0x1C03, s28  }
0xd: {  	s8 =	smul.u32 $0xA000, s3;
	s17 =	sshrl.u32 s17, $0x3;
	s23 =	sadd.s32 s13, s10  }
0xe: {  	s30 =	sadd.s32 s29, s15;
	s11 =	sadd.s32 $0xA2600, s11;
	s15 =	simm.s32 $0x14000  }
0xf: {  	s16 =	sadd.s32 s26, s1;
	s6 =	sadd.s32 $0x2A600, s12;
	s9 =	sadd.s32 $0x52600, s9  }
0x10: {  	s31 =	sadd.s32 s13, s17;
	s10 =	sshll.u32 s30, $0x4;
	s12 =	smax.u32 s14, $0x1  }
0x11: {  	s14 =	simm.s32 $0x3;
	s17 =	simm.s32 $0x80;
	s23 =	sadd.s32 s24, s23  }
0x12: {  	s26 =	simm.s32 $0x0;
	s25 =	sadd.s32 $0x50000, s31;
	s13 =	sshrl.u32 s16, $0x3  }
0x13: {  	s16 =	simm.s32 $0x15000;
	s24 =	sadd.s32 s24, s25;
	s25 =	simm.s32 $0x15F80  }
.LBB2_1:
0x14: {  	[spmem:s13], [sflag:s7] =	dma.local [hbm:s6], $0x2800  }
0x15: {  	_ =	swait.ge [sflag:s14], $0x2800  }
0x16: {  	[sflag:s14] =	ssyncset.done $0x0  }
0x17: {  	[sflag:s14] =	ssyncadd.s32 $0xFFFFD800  }
0x18: {  	s28 =	simm.s32 $0x0;
	[bflag:$0x0] =	sbarrier.arrive $0xFFFF  }
.LBB2_2:
0x19: {  	s29 =	sshll.u32 s28, $0xC  }
0x1a: {  	s29 =	sadd.s32 s8, s29  }
0x1b: {  	s29 =	sshrl.u32 s29, $0x3  }
0x1c: {  	s30 =	sadd.s32 s4, s29  }
0x1d: {  	[tilespmem:s15], [sflag:$0x3] =	stream.linear.gather [hbm4b:s30+s2], $0x1000, $0x38;
	[tilespmem:$0x1E000] =	vst v63  }
0x1e: {  	_ =	swait.ge [sflag:s14], $0x1000  }
0x1f: {  	[sflag:s14] =	ssyncset.done $0x0  }
0x20: {  	s29 =	sadd.s32 s5, s29;
	[sflag:s14] =	ssyncadd.s32 $0xFFFFF000  }
0x21: {  	[tilespmem:s16], [sflag:$0x3] =	stream.linear.gather [hbm4b:s29+s2], $0x1000, $0x38;
	[tilespmem:$0x1E000] =	vst v63  }
0x22: {  	_ =	swait.ge [sflag:s14], $0x1000  }
0x23: {  	[sflag:s14] =	ssyncset.done $0x0  }
0x24: {  	[sflag:s14] =	ssyncadd.s32 $0xFFFFF000  }
0x25: {  	[tilespmem:s18], [sflag:$0x1] =	stream.indirect.gather [hbm4b:s9+s17], $0x80, s15, s17, $0xb8;
	[tilespmem:$0x1E000] =	vst v63  }
0x26: {  	_ =	swait.ge [sflag:s19], $0x4000  }
0x27: {  	[sflag:s19] =	ssyncset.done $0x0  }
0x28: {  	[sflag:s19] =	ssyncadd.s32 $0xFFFFC000  }
0x29: {  	[tilespmem:s21], [sflag:$0x1] =	stream.indirect.gather [hbm4b:s9+s17], $0x80, s20, s17, $0xb8;
	[tilespmem:$0x1E000] =	vst v63  }
0x2a: {  	_ = 	snop  }
0x2b: {  	[spmem:s1] =	stream.indirect.scatter.add.f32 [tilespmem:s18], [sflag:$0x2], $0x80, s16, s17, $0xb8;
	[tilespmem:$0x1E000] =	vst v63  }
0x2c: {  	_ =	swait.ge [sflag:s19], $0x4000  }
0x2d: {  	[sflag:s19] =	ssyncset.done $0x0  }
0x2e: {  	[sflag:s19] =	ssyncadd.s32 $0xFFFFC000  }
0x2f: {  	_ =	swait.ge [sflag:s22], $0x4000  }
0x30: {  	[sflag:s22] =	ssyncset.done $0x0  }
0x31: {  	s29 =	simm.s32 $0x14100;
	[sflag:s22] =	ssyncadd.s32 $0xFFFFC000  }
0x32: {  	[tilespmem:s18], [sflag:$0x1] =	stream.indirect.gather [hbm4b:s9+s17], $0x80, s29, s17, $0xb8;
	[tilespmem:$0x1E000] =	vst v63  }
0x33: {  	s29 =	simm.s32 $0x15080  }
0x34: {  	[spmem:s1] =	stream.indirect.scatter.add.f32 [tilespmem:s21], [sflag:$0x2], $0x80, s29, s17, $0xb8;
	[tilespmem:$0x1E000] =	vst v63  }
0x35: {  	_ =	swait.ge [sflag:s19], $0x4000  }
0x36: {  	[sflag:s19] =	ssyncset.done $0x0  }
0x37: {  	[sflag:s19] =	ssyncadd.s32 $0xFFFFC000  }
0x38: {  	_ =	swait.ge [sflag:s22], $0x4000  }
0x39: {  	[sflag:s22] =	ssyncset.done $0x0  }
0x3a: {  	s29 =	simm.s32 $0x14180;
	[sflag:s22] =	ssyncadd.s32 $0xFFFFC000  }
0x3b: {  	[tilespmem:s21], [sflag:$0x1] =	stream.indirect.gather [hbm4b:s9+s17], $0x80, s29, s17, $0xb8;
	[tilespmem:$0x1E000] =	vst v63  }
0x3c: {  	s30 =	simm.s32 $0x15100;
	s29 =	simm.s32 $0xFFFFC800  }
.LBB2_3:
0x3d: {  	[spmem:s1] =	stream.indirect.scatter.add.f32 [tilespmem:s18], [sflag:$0x2], $0x80, s30, s17, $0xb8;
	[tilespmem:$0x1E000] =	vst v63  }
0x3e: {  	s30 =	smov.u32 s29  }
0x3f: {  	p0 =	sne.s32 s29, $0xFFFFFC00;
	s29 =	sadd.s32 $0x400, s29;
	_ =	swait.ge [sflag:s19], $0x4000  }
0x40: {  	[sflag:s19] =	ssyncset.done $0x0  }
0x41: {  	[sflag:s19] =	ssyncadd.s32 $0xFFFFC000  }
0x42: {  	_ =	swait.ge [sflag:s22], $0x4000  }
0x43: {  	s30 =	sshra.s32 s30, $0x2;
	[sflag:s22] =	ssyncset.done $0x0  }
0x44: {  	s31 =	sadd.s32 $0x15000, s30;
	[sflag:s22] =	ssyncadd.s32 $0xFFFFC000  }
0x45: {  	[tilespmem:s18], [sflag:$0x1] =	stream.indirect.gather [hbm4b:s9+s17], $0x80, s31, s17, $0xb8;
	[tilespmem:$0x1E000] =	vst v63  }
0x46: {  	s31 =	sadd.s32 $0x15F80, s30  }
0x47: {  	[spmem:s1] =	stream.indirect.scatter.add.f32 [tilespmem:s21], [sflag:$0x2], $0x80, s31, s17, $0xb8;
	[tilespmem:$0x1E000] =	vst v63  }
0x48: {  	_ =	swait.ge [sflag:s19], $0x4000  }
0x49: {  	[sflag:s19] =	ssyncset.done $0x0  }
0x4a: {  	[sflag:s19] =	ssyncadd.s32 $0xFFFFC000  }
.Ltmp0:
0x4b: {  	_ =	swait.ge [sflag:s22], $0x4000;
	(pc) =	sbr.rel @p0 .LBB2_3-.Ltmp0, $4  }
0x4c: {  	[sflag:s22] =	ssyncset.done $0x0  }
0x4d: {  	s31 =	sadd.s32 $0x15080, s30;
	[sflag:s22] =	ssyncadd.s32 $0xFFFFC000  }
0x4e: {  	[tilespmem:s21], [sflag:$0x1] =	stream.indirect.gather [hbm4b:s9+s17], $0x80, s31, s17, $0xb8;
	[tilespmem:$0x1E000] =	vst v63  }
0x4f: {  	s30 =	sadd.s32 $0x16000, s30  }
0x50: {  	[spmem:s1] =	stream.indirect.scatter.add.f32 [tilespmem:s18], [sflag:$0x2], $0x80, s30, s17, $0xb8;
	[tilespmem:$0x1E000] =	vst v63  }
0x51: {  	_ =	swait.ge [sflag:s19], $0x4000  }
0x52: {  	[sflag:s19] =	ssyncset.done $0x0  }
0x53: {  	[sflag:s19] =	ssyncadd.s32 $0xFFFFC000  }
0x54: {  	s28 =	sadd.s32 $0x1, s28;
	_ =	swait.ge [sflag:s22], $0x4000  }
0x55: {  	p0 =	sne.s32 s28, $0xA;
	[sflag:s22] =	ssyncset.done $0x0  }
.Ltmp1:
0x56: {  	[sflag:s22] =	ssyncadd.s32 $0xFFFFC000;
	(pc) =	sbr.rel @p0 .LBB2_2-.Ltmp1, $4  }
0x57: {  	[spmem:s1] =	stream.indirect.scatter.add.f32 [tilespmem:s21], [sflag:$0x2], $0x80, s25, s17, $0xb8;
	[tilespmem:$0x1E000] =	vst v63  }
0x58: {  	_ =	swait.ge [sflag:s22], $0x4000  }
0x59: {  	[sflag:s22] =	ssyncset.done $0x0  }
0x5a: {  	[sflag:s22] =	ssyncadd.s32 $0xFFFFC000  }
0x5b: {  	[bflag:$0x0] =	sbarrier.arrive $0xFFFF  }
0x5c: {  	[hbm:s23], [sflag:s7] =	dma.local [spmem:s13], $0x2800  }
0x5d: {  	_ =	swait.ge [sflag:s14], $0x2800  }
0x5e: {  	[sflag:s14] =	ssyncset.done $0x0  }
0x5f: {  	[sflag:s14] =	ssyncadd.s32 $0xFFFFD800  }
0x60: {  	[bflag:$0x0] =	sbarrier.arrive $0xFFFF  }
0x61: {  	[spmem:s13], [sflag:s7] =	dma.local [hbm:s6], $0x2800  }
0x62: {  	_ =	swait.ge [sflag:s14], $0x2800  }
0x63: {  	[sflag:s14] =	ssyncset.done $0x0  }
0x64: {  	[sflag:s14] =	ssyncadd.s32 $0xFFFFD800  }
0x65: {  	s28 =	simm.s32 $0x0;
	[bflag:$0x0] =	sbarrier.arrive $0xFFFF  }
.LBB2_6:
0x66: {  	s29 =	sshll.u32 s28, $0x9  }
0x67: {  	s29 =	sadd.s32 s10, s29  }
0x68: {  	s30 =	sadd.s32 s4, s29  }
0x69: {  	[tilespmem:s15], [sflag:$0x3] =	stream.linear.gather [hbm4b:s30+s2], $0x1000, $0x38;
	[tilespmem:$0x1E000] =	vst v63  }
0x6a: {  	_ =	swait.ge [sflag:s14], $0x1000  }
0x6b: {  	[sflag:s14] =	ssyncset.done $0x0  }
0x6c: {  	s29 =	sadd.s32 s5, s29;
	[sflag:s14] =	ssyncadd.s32 $0xFFFFF000  }
0x6d: {  	[tilespmem:s16], [sflag:$0x3] =	stream.linear.gather [hbm4b:s29+s2], $0x1000, $0x38;
	[tilespmem:$0x1E000] =	vst v63  }
0x6e: {  	_ =	swait.ge [sflag:s14], $0x1000  }
0x6f: {  	[sflag:s14] =	ssyncset.done $0x0  }
0x70: {  	[sflag:s14] =	ssyncadd.s32 $0xFFFFF000  }
0x71: {  	[tilespmem:s18], [sflag:$0x1] =	stream.indirect.gather [hbm4b:s11+s17], $0x80, s15, s17, $0xb8;
	[tilespmem:$0x1E000] =	vst v63  }
0x72: {  	_ =	swait.ge [sflag:s19], $0x4000  }
0x73: {  	[sflag:s19] =	ssyncset.done $0x0  }
0x74: {  	[sflag:s19] =	ssyncadd.s32 $0xFFFFC000  }
0x75: {  	[tilespmem:s21], [sflag:$0x1] =	stream.indirect.gather [hbm4b:s11+s17], $0x80, s20, s17, $0xb8;
	[tilespmem:$0x1E000] =	vst v63  }
0x76: {  	_ = 	snop  }
0x77: {  	[spmem:s1] =	stream.indirect.scatter.add.f32 [tilespmem:s18], [sflag:$0x2], $0x80, s16, s17, $0xb8;
	[tilespmem:$0x1E000] =	vst v63  }
0x78: {  	_ =	swait.ge [sflag:s19], $0x4000  }
0x79: {  	[sflag:s19] =	ssyncset.done $0x0  }
0x7a: {  	[sflag:s19] =	ssyncadd.s32 $0xFFFFC000  }
0x7b: {  	_ =	swait.ge [sflag:s22], $0x4000  }
0x7c: {  	[sflag:s22] =	ssyncset.done $0x0  }
0x7d: {  	s29 =	simm.s32 $0x14100;
	[sflag:s22] =	ssyncadd.s32 $0xFFFFC000  }
0x7e: {  	[tilespmem:s18], [sflag:$0x1] =	stream.indirect.gather [hbm4b:s11+s17], $0x80, s29, s17, $0xb8;
	[tilespmem:$0x1E000] =	vst v63  }
0x7f: {  	s29 =	simm.s32 $0x15080  }
0x80: {  	[spmem:s1] =	stream.indirect.scatter.add.f32 [tilespmem:s21], [sflag:$0x2], $0x80, s29, s17, $0xb8;
	[tilespmem:$0x1E000] =	vst v63  }
0x81: {  	_ =	swait.ge [sflag:s19], $0x4000  }
0x82: {  	[sflag:s19] =	ssyncset.done $0x0  }
0x83: {  	[sflag:s19] =	ssyncadd.s32 $0xFFFFC000  }
0x84: {  	_ =	swait.ge [sflag:s22], $0x4000  }
0x85: {  	[sflag:s22] =	ssyncset.done $0x0  }
0x86: {  	s29 =	simm.s32 $0x14180;
	[sflag:s22] =	ssyncadd.s32 $0xFFFFC000  }
0x87: {  	[tilespmem:s21], [sflag:$0x1] =	stream.indirect.gather [hbm4b:s11+s17], $0x80, s29, s17, $0xb8;
	[tilespmem:$0x1E000] =	vst v63  }
0x88: {  	s30 =	simm.s32 $0x15100;
	s29 =	simm.s32 $0xFFFFC800  }
.LBB2_7:
0x89: {  	[spmem:s1] =	stream.indirect.scatter.add.f32 [tilespmem:s18], [sflag:$0x2], $0x80, s30, s17, $0xb8;
	[tilespmem:$0x1E000] =	vst v63  }
0x8a: {  	s30 =	smov.u32 s29  }
0x8b: {  	p0 =	sne.s32 s29, $0xFFFFFC00;
	s29 =	sadd.s32 $0x400, s29;
	_ =	swait.ge [sflag:s19], $0x4000  }
0x8c: {  	[sflag:s19] =	ssyncset.done $0x0  }
0x8d: {  	[sflag:s19] =	ssyncadd.s32 $0xFFFFC000  }
0x8e: {  	_ =	swait.ge [sflag:s22], $0x4000  }
0x8f: {  	s30 =	sshra.s32 s30, $0x2;
	[sflag:s22] =	ssyncset.done $0x0  }
0x90: {  	s31 =	sadd.s32 $0x15000, s30;
	[sflag:s22] =	ssyncadd.s32 $0xFFFFC000  }
0x91: {  	[tilespmem:s18], [sflag:$0x1] =	stream.indirect.gather [hbm4b:s11+s17], $0x80, s31, s17, $0xb8;
	[tilespmem:$0x1E000] =	vst v63  }
0x92: {  	s31 =	sadd.s32 $0x15F80, s30  }
0x93: {  	[spmem:s1] =	stream.indirect.scatter.add.f32 [tilespmem:s21], [sflag:$0x2], $0x80, s31, s17, $0xb8;
	[tilespmem:$0x1E000] =	vst v63  }
0x94: {  	_ =	swait.ge [sflag:s19], $0x4000  }
0x95: {  	[sflag:s19] =	ssyncset.done $0x0  }
0x96: {  	[sflag:s19] =	ssyncadd.s32 $0xFFFFC000  }
.Ltmp2:
0x97: {  	_ =	swait.ge [sflag:s22], $0x4000;
	(pc) =	sbr.rel @p0 .LBB2_7-.Ltmp2, $4  }
0x98: {  	[sflag:s22] =	ssyncset.done $0x0  }
0x99: {  	s31 =	sadd.s32 $0x15080, s30;
	[sflag:s22] =	ssyncadd.s32 $0xFFFFC000  }
0x9a: {  	[tilespmem:s21], [sflag:$0x1] =	stream.indirect.gather [hbm4b:s11+s17], $0x80, s31, s17, $0xb8;
	[tilespmem:$0x1E000] =	vst v63  }
0x9b: {  	s30 =	sadd.s32 $0x16000, s30  }
0x9c: {  	[spmem:s1] =	stream.indirect.scatter.add.f32 [tilespmem:s18], [sflag:$0x2], $0x80, s30, s17, $0xb8;
	[tilespmem:$0x1E000] =	vst v63  }
0x9d: {  	_ =	swait.ge [sflag:s19], $0x4000  }
0x9e: {  	[sflag:s19] =	ssyncset.done $0x0  }
0x9f: {  	[sflag:s19] =	ssyncadd.s32 $0xFFFFC000  }
0xa0: {  	s28 =	sadd.s32 $0x1, s28;
	_ =	swait.ge [sflag:s22], $0x4000  }
0xa1: {  	p0 =	sne.s32 s28, $0x5;
	[sflag:s22] =	ssyncset.done $0x0  }
.Ltmp3:
0xa2: {  	[sflag:s22] =	ssyncadd.s32 $0xFFFFC000;
	(pc) =	sbr.rel @p0 .LBB2_6-.Ltmp3, $4  }
0xa3: {  	[spmem:s1] =	stream.indirect.scatter.add.f32 [tilespmem:s21], [sflag:$0x2], $0x80, s25, s17, $0xb8;
	[tilespmem:$0x1E000] =	vst v63  }
0xa4: {  	_ =	swait.ge [sflag:s22], $0x4000  }
0xa5: {  	[sflag:s22] =	ssyncset.done $0x0  }
0xa6: {  	[sflag:s22] =	ssyncadd.s32 $0xFFFFC000  }
0xa7: {  	[bflag:$0x0] =	sbarrier.arrive $0xFFFF;
	s26 =	sadd.s32 $0x1, s26  }
0xa8: {  	[hbm:s24], [sflag:s7] =	dma.local [spmem:s13], $0x2800  }
0xa9: {  	p0 =	sne.s32 s26, s12  }
.Ltmp4:
0xaa: {  	_ =	swait.ge [sflag:s14], $0x2800;
	(pc) =	sbr.rel @p0 .LBB2_1-.Ltmp4, $3  }
0xab: {  	[sflag:s14] =	ssyncset.done $0x0  }
0xac: {  	[sflag:s14] =	ssyncadd.s32 $0xFFFFD800  }
0xad: {  	[bflag:$0x0] =	sbarrier.arrive $0xFFFF;
	_ =	sdelay $0x1  }
0xae: {  	_ =	sfence.sel $0x180000  }
0xaf: {  	[bflag:$0x0] =	sbarrier.arrive $0xFFFF  }
0xb0: {  	p0 =	sne.s32 s3, $0x0;
	_ =	strace $0x9000004D  }
0xb1: {  	s0 =	sadd.s32 @!p0 $0x100000, s0;
	[bflag:$0x2] =	sbarrier.arrive $0xFFFF  }
0xb2: {  	[sflag:s0] =	ssyncadd.tile.s32 @!p0 $0x1;
	_ =	shalt  }
.Lfunc_end2:
_tile_overlayer_lowered:
.L_overlay_start_2:
0xb3: {  	(tag) =	ssettag $0x2  }
0xb4: {  	s0 =	rddreg [dreg:$0x0];
	s2 =	stileid.u32  }
0xb5: {  	s1 =	rddreg [dreg:$0x1];
	p0 =	sne.s32 s2, $0x0  }
0xb6: {  	s3 =	rddreg [dreg:$0x2];
	[bflag:$0x3] =	sbarrier.arrive $0xFFFF;
	s2 =	simm.s32 @!p0 $0x1C03  }
0xb7: {  	[timem:s3], [sflag:s2] =	dma.local @!p0 [hbm:s0], s1  }
0xb8: {  	s0 =	simm.s32 @!p0 $0x3  }
0xb9: {  	_ =	swait.ge @!p0 [sflag:s0], s1  }
0xba: {  	s1 =	ssub.s32 @!p0 $0x0, s1;
	[sflag:s0] =	ssyncset.done @!p0 $0x0  }
0xbb: {  	[sflag:s0] =	ssyncadd.s32 @!p0 s1  }
0xbc: {  	[bflag:$0x3] =	sbarrier.arrive $0xFFFF  }
0xbd: {  	_ =	shalt  }

// kernel: kernel.20.cloned.1.call-start
scs
__scs_entry_jumppad:
0x0: {  	(pc) =	sbr.rel $0x88, $3  }
0x1: {  	(tag) =	ssettag $0x0;
	lr =	simm.s32 $0x1  }
0x2: {  	[smem:$0x3F99] =	sst lr;
	_ =	strace $0xD0000000  }
0x3: {  	_ = 	snop  }
0x4: {  	_ = 	snop  }
0x5: {  	_ = 	snop  }
0x6: {  	_ = 	snop  }
0x7: {  	_ = 	snop  }
__scs_overlays_trampoline_lowered:
0x8: {  	[smem:$0x3FA8] =	sst s0  }
0x9: {  	[smem:$0x3FA9] =	sst s1  }
0xa: {  	[smem:$0x3FAA] =	sst s2  }
0xb: {  	[smem:$0x3FAB] =	sst s3  }
0xc: {  	[smem:$0x3FAC] =	sst s4  }
0xd: {  	[smem:$0x3FAD] =	sst s5  }
0xe: {  	[smem:$0x3FAE] =	sst s6  }
0xf: {  	[smem:$0x3FAF] =	sst s7  }
0x10: {  	[smem:$0x3FB0] =	sst s8  }
0x11: {  	[smem:$0x3FB1] =	sst s9;
	s0 =	simm.s32 @!p0 $0x0  }
0x12: {  	s1 =	sld [smem:$0x3F97];
	s0 =	simm.s32 @p0 $0x1  }
0x13: {  	[smem:$0x3FB2] =	sst s0;
	s0 =	simm.s32 @!p1 $0x0  }
0x14: {  	s2 =	sld [smem:$0x3F96];
	s0 =	simm.s32 @p1 $0x1  }
0x15: {  	[smem:$0x3FB3] =	sst s0;
	s0 =	simm.s32 @!p2 $0x0  }
0x16: {  	s3 =	sld [smem:$0x3FDB];
	s0 =	simm.s32 @p2 $0x1  }
0x17: {  	s4 =	simm.s32 $0x1BF5;
	[smem:$0x3FB5] =	sst s0  }
0x18: {  	s0 =	sld [smem:$0x3F98];
	_ =	swait.ge [sflag:s4], $0x0  }
0x19: {  	s7 =	sld [smem:$0x3F99]  }
0x1a: {  	s8 =	sadd.s32 $0xFFFFE003, lr  }
0x1b: {  	s9 =	sadd.s32 $0xFFFFFEF7, lr;
	s5 =	simm.s32 $0xFFFFFFFF;
	p2 =	slt.u32 s8, $0xFFFFF086  }
0x1c: {  	p1 =	slt.u32 s9, $0xF7A;
	s5 =	simm.s32 @!p2 $0x0  }
0x1d: {  	s5 =	simm.s32 @p1 $0x1;
	p0 =	seq.s32 s7, s2  }
0x1e: {  	s7 =	smul.u32 @!p0 $0xF7A, s2;
	p2 =	seq.s32 @!p0 s5, $0x0  }
0x1f: {  	s9 =	smul.u32 $0xF7A, s1;
	s8 =	simm.s32 @!p0 $0x1BF5;
	p2 =	por !p2, p0  }
0x20: {  	[sflag:s8] =	ssyncset.s32 @!p0 $0xFFFFF086;
	s6 =	sadd.s32 @!p0 s3, s7;
	s7 =	simm.s32 @!p0 $0x108  }
0x21: {  	s3 =	sadd.s32 s3, s9;
	s6 =	sadd.s32 @!p0 $0x88, s6;
	s7 =	simm.s32 @p2 $0x1082  }
0x22: {  	[simem:s7], [sflag:s8] =	dma.local @!p0 [hbm:s6], $0xF7A  }
0x23: {  	s9 =	sor.u32 $0xD0000000, s2;
	s6 =	simm.s32 $0x108;
	_ =	swait.ge @!p0 [sflag:s8], $0x0  }
0x24: {  	s3 =	sadd.s32 $0x88, s3;
	s6 =	simm.s32 @!p1 $0x1082;
	[sflag:s4] =	ssyncset.s32 $0xFFFFF086  }
0x25: {  	[simem:s6], [sflag:s4] =	dma.local [hbm:s3], $0xF7A  }
0x26: {  	[smem:$0x3F99] =	sst s1;
	(tag) =	ssettag s2;
	_ =	strace s9  }
0x27: {  	s1 =	sld [smem:$0x3FA9]  }
0x28: {  	s2 =	sld [smem:$0x3FAA]  }
0x29: {  	s4 =	sld [smem:$0x3FAC]  }
0x2a: {  	p0 =	seq.s32 s5, $0x0;
	s5 =	sld [smem:$0x3FAD]  }
0x2b: {  	s6 =	sld [smem:$0x3FAE]  }
0x2c: {  	s7 =	sld [smem:$0x3FAF]  }
0x2d: {  	s3 =	simm.s32 $0x108;
	s8 =	sld [smem:$0x3FB0]  }
0x2e: {  	s3 =	simm.s32 @!p0 $0x1082;
	s9 =	sld [smem:$0x3FB1]  }
0x2f: {  	lr =	sadd.s32 s0, s3;
	s0 =	sld [smem:$0x3FA8]  }
0x30: {  	s3 =	sld [smem:$0x3FAB]  }
0x31: {  	[smem:$0x3FB4] =	sst s10  }
0x32: {  	s10 =	sld [smem:$0x3FB2];
	_ =	sdelay $0x3  }
0x33: {  	p0 =	seq.s32 s10, $0x1;
	s10 =	sld [smem:$0x3FB4];
	_ =	sdelay $0x3  }
0x34: {  	[smem:$0x3FB4] =	sst s10  }
0x35: {  	s10 =	sld [smem:$0x3FB3];
	_ =	sdelay $0x3  }
0x36: {  	p1 =	seq.s32 s10, $0x1;
	s10 =	sld [smem:$0x3FB4];
	_ =	sdelay $0x3  }
0x37: {  	[smem:$0x3FB4] =	sst s10  }
0x38: {  	s10 =	sld [smem:$0x3FB5]  }
0x39: {  	_ = 	snop;
	(pc) =	sbr.ind lr, $3  }
0x3a: {  	_ = 	snop  }
0x3b: {  	_ = 	snop  }
0x3c: {  	p2 =	seq.s32 s10, $0x1;
	s10 =	sld [smem:$0x3FB4]  }
0x3d: {  	_ =	shalt  }
0x3e: {  	_ =	shalt  }
0x3f: {  	_ =	shalt  }
0x40: {  	_ =	shalt  }
0x41: {  	_ =	shalt  }
0x42: {  	_ =	shalt  }
0x43: {  	_ =	shalt  }
0x44: {  	_ =	shalt  }
0x45: {  	_ =	shalt  }
0x46: {  	_ =	shalt  }
0x47: {  	_ =	shalt  }
0x48: {  	_ =	shalt  }
0x49: {  	_ =	shalt  }
0x4a: {  	_ =	shalt  }
0x4b: {  	_ =	shalt  }
0x4c: {  	_ =	shalt  }
0x4d: {  	_ =	shalt  }
0x4e: {  	_ =	shalt  }
0x4f: {  	_ =	shalt  }
0x50: {  	_ =	shalt  }
0x51: {  	_ =	shalt  }
0x52: {  	_ =	shalt  }
0x53: {  	_ =	shalt  }
0x54: {  	_ =	shalt  }
0x55: {  	_ =	shalt  }
0x56: {  	_ =	shalt  }
0x57: {  	_ =	shalt  }
0x58: {  	_ =	shalt  }
0x59: {  	_ =	shalt  }
0x5a: {  	_ =	shalt  }
0x5b: {  	_ =	shalt  }
0x5c: {  	_ =	shalt  }
0x5d: {  	_ =	shalt  }
0x5e: {  	_ =	shalt  }
0x5f: {  	_ =	shalt  }
0x60: {  	_ =	shalt  }
0x61: {  	_ =	shalt  }
0x62: {  	_ =	shalt  }
0x63: {  	_ =	shalt  }
0x64: {  	_ =	shalt  }
0x65: {  	_ =	shalt  }
0x66: {  	_ =	shalt  }
0x67: {  	_ =	shalt  }
0x68: {  	_ =	shalt  }
0x69: {  	_ =	shalt  }
0x6a: {  	_ =	shalt  }
0x6b: {  	_ =	shalt  }
0x6c: {  	_ =	shalt  }
0x6d: {  	_ =	shalt  }
0x6e: {  	_ =	shalt  }
0x6f: {  	_ =	shalt  }
0x70: {  	_ =	shalt  }
0x71: {  	_ =	shalt  }
0x72: {  	_ =	shalt  }
0x73: {  	_ =	shalt  }
0x74: {  	_ =	shalt  }
0x75: {  	_ =	shalt  }
0x76: {  	_ =	shalt  }
0x77: {  	_ =	shalt  }
0x78: {  	_ =	shalt  }
0x79: {  	_ =	shalt  }
0x7a: {  	_ =	shalt  }
0x7b: {  	_ =	shalt  }
0x7c: {  	_ =	shalt  }
0x7d: {  	_ =	shalt  }
0x7e: {  	_ =	shalt  }
0x7f: {  	_ =	shalt  }
0x80: {  	_ =	shalt  }
0x81: {  	_ =	shalt  }
0x82: {  	_ =	shalt  }
0x83: {  	_ =	shalt  }
0x84: {  	_ =	shalt  }
0x85: {  	_ =	shalt  }
0x86: {  	_ =	shalt  }
0x87: {  	_ =	shalt  }
.Lfunc_end0:
.L_simem_size_0:
called_computation.3_lowered:
.L_overlay_start_0:
0x88: {  	s2 =	sld [smem:$0x3FD9]  }
0x89: {  	s3 =	sld [smem:$0x3FFE];
	_ =	sdelay $0x1  }
0x8a: {  	s1 =	srdreg.scid  }
0x8b: {  	s0 =	sand.u32 $0x1, s1  }
0x8c: {  	s16 =	sshll.u32 s0, $0xA;
	s2 =	sadd.s32 s3, s2  }
0x8d: {  	s2 =	sadd.s32 s2, s16  }
0x8e: {  	[smem:$0x3FC0] =	sst s2  }
0x8f: {  	_ = 	snop  }
0x90: {  	(tm) =	ssettm $0x1  }
0x91: {  	s17 =	sld [smem:$0x3FFB];
	_ =	sdelay $0x3  }
0x92: {  	_ =	strace s17  }
0x93: {  	s2 =	sld [smem:$0x3FFC];
	_ =	sdelay $0x3  }
0x94: {  	_ =	strace s2  }
0x95: {  	s2 =	sld [smem:$0x3FFD];
	_ =	sdelay $0x3  }
0x96: {  	_ =	strace s2  }
0x97: {  	_ =	strace $0x8FFFFFFF  }
0x98: {  	s18 =	sld [smem:$0x3FDB];
	_ =	sdelay $0x1  }
0x99: {  	s19 =	simm.s32 $_scs_section_size  }
0x9a: {  	s4 =	simm.s32 $_size__tile_overlayer_lowered;
	s5 =	simm.s32 $_tile_overlayer_lowered  }
0x9b: {  	s22 =	simm.s32 $0x1BFF;
	s21 =	sshll.u32 s5, $0x1;
	s2 =	sadd.s32 s19, s18  }
0x9c: {  	s6 =	simm.s32 $0x0;
	s20 =	sshll.u32 s4, $0x1;
	s4 =	sadd.s32 s21, s2  }
0x9d: {  	[timem:s6], [sflag:s22] =	dma.local [hbm:s4], s20  }
0x9e: {  	_ =	swait.ge [sflag:s22], s20  }
0x9f: {  	s3 =	ssub.s32 $0x0, s20;
	[sflag:s22] =	ssyncset.done $0x0  }
0xa0: {  	[sflag:s22] =	ssyncadd.s32 s3;
	_ =	sdelay $0x1  }
0xa1: {  	s23 =	simm.s32 $0x1B8B  }
0xa2: {  	_ =	swait.ge [sflag:s23], $0x1  }
0xa3: {  	[sflag:s23] =	ssyncset.done $0x0  }
0xa4: {  	s25 =	simm.s32 $0x1B8E;
	s24 =	sld [smem:$0x3FFE];
	[sflag:s23] =	ssyncadd.s32 $0xFFFFFFFF  }
0xa5: {  	s26 =	simm.s32 $execute0_lowered;
	[smem:$0x3FD2] =	sst s25  }
0xa6: {  	s4 =	sshll.u32 s26, $0x1;
	_ =	strace $0x8000004F;
	[dreg:$0x1] =	wrdreg $0xFFFFFFFF  }
0xa7: {  	s28 =	simm.s32 $_size_execute0_lowered;
	s2 =	sadd.s32 s2, s4;
	[dreg:$0x0] =	wrdreg $0x0  }
0xa8: {  	s4 =	sshll.u32 s28, $0x1;
	[dreg:$0x2] =	wrdreg s2  }
0xa9: {  	[dreg:$0x3] =	wrdreg s4  }
0xaa: {  	[dreg:$0x4] =	wrdreg $0xC0  }
0xab: {  	_ =	task [dreg:s6], $0x5FFFF  }
0xac: {  	[dreg:$0x1] =	wrdreg $0xFFFFFFFF  }
0xad: {  	[dreg:$0x0] =	wrdreg $0x60  }
0xae: {  	[dreg:$0x2] =	wrdreg s24  }
0xaf: {  	[dreg:$0x3] =	wrdreg $0x0  }
0xb0: {  	[dreg:$0x4] =	wrdreg $0x9  }
0xb1: {  	_ =	task.clear_ibuf [dreg:s6], $0x5FFFF;
	_ =	strace $0x9000004F  }
0xb2: {  	s29 =	simm.s32 $0x9;
	_ =	strace $0x80000051  }
0xb3: {  	_ =	swait.ge [sflag:s29], $0x1  }
0xb4: {  	[sflag:s29] =	ssyncadd.s32 $0xFFFFFFFF  }
0xb5: {  	_ =	strace $0x90000051  }
0xb6: {  	_ =	sfence  }
0xb7: {  	s30 =	sld [smem:$0x0];
	_ =	sdelay $0x2  }
0xb8: {  	s31 =	sshll.u32 s1, $0xD;
	s1 =	sshrl.u32 s1, $0x2  }
0xb9: {  	s3 =	sand.u32 $0x4000, s31;
	s1 =	sadd.s32 s1, s30  }
0xba: {  	s0 =	sor.u32 s3, s0;
	s1 =	sshll.u32 s1, $0x11  }
0xbb: {  	s0 =	sor.u32 s1, s0  }
0xbc: {  	s0 =	sadd.s32 $0x8F2B, s0  }
0xbd: {  	[sflag:s0] =	ssyncadd.remote.s32 $0x1  }
0xbe: {  	_ =	sfence.sel $0xFFFF  }
0xbf: {  	[dreg:$0x0] =	wrdreg $0xFFFFFFFF;
	(pc) =	sbr.abs _section_cstart, $3  }
0xc0: {  	[dreg:$0x1] =	wrdreg $0xFFFFFFFF  }
0xc1: {  	_ =	task.clear_ibuf [dreg:s6], $0x2FFFF;
	_ =	strace $0x9FFFFFFF  }
0xc2: {  	(tm) =	ssettm $0x7FFFFFFF  }
0xc3: {  	_ =	shalt  }
tec
execute0_lowered:
.L_overlay_start_1:
0x0: {  	(tag) =	ssettag $0x1  }
0x1: {  	s11 =	rddreg [dreg:$0x0]  }
0x2: {  	s1 =	rddreg [dreg:$0x1]  }
0x3: {  	s3 =	srdreg.scid;
	s0 =	rddreg [dreg:$0x2]  }
0x4: {  	s2 =	simm.s32 $0x0;
	s18 =	simm.s32 $0x16000;
	s6 =	sand.u32 $0x1, s3  }
0x5: {  	s19 =	simm.s32 $0x1;
	s3 =	stileid.u32;
	s10 =	smul.u32 $0x28000, s6  }
0x6: {  	s20 =	simm.s32 $0x14080;
	s21 =	simm.s32 $0x1A000;
	s24 =	smul.u32 $0x2800, s3  }
0x7: {  	s22 =	simm.s32 $0x2;
	[smem:$0x7FF] =	sst s2;
	s8 =	smul.u32 $0x50000, s3  }
0x8: {  	s4 =	sadd.s32 $0x2600, s11;
	s5 =	sadd.s32 $0x16600, s11;
	s15 =	smul.u32 $0xA00, s6  }
0x9: {  	s13 =	sadd.s32 $0xCA600, s11;
	_ =	strace $0x80000050;
	s17 =	smul.u32 $0x140000, s6  }
0xa: {  	s7 =	ssub.s32 $0x2, s6;
	s28 =	sshll.u32 s3, $0x6;
	s29 =	smul.u32 $0xA0, s3  }
0xb: {  	s14 =	sshrl.u32 s7, $0x1;
	s9 =	sadd.s32 s10, s11;
	s12 =	sadd.s32 s24, s11  }
0xc: {  	s14 =	ssub.s32 s7, s14;
	s26 =	sshrl.u32 s8, $0x2;
	s7 =	sor.u32 $0x1C03, s28  }
0xd: {  	s8 =	smul.u32 $0xA000, s3;
	s17 =	sshrl.u32 s17, $0x3;
	s23 =	sadd.s32 s13, s10  }
0xe: {  	s30 =	sadd.s32 s29, s15;
	s11 =	sadd.s32 $0xA2600, s11;
	s15 =	simm.s32 $0x14000  }
0xf: {  	s16 =	sadd.s32 s26, s1;
	s6 =	sadd.s32 $0x2A600, s12;
	s9 =	sadd.s32 $0x52600, s9  }
0x10: {  	s31 =	sadd.s32 s13, s17;
	s10 =	sshll.u32 s30, $0x4;
	s12 =	smax.u32 s14, $0x1  }
0x11: {  	s14 =	simm.s32 $0x3;
	s17 =	simm.s32 $0x80;
	s23 =	sadd.s32 s24, s23  }
0x12: {  	s26 =	simm.s32 $0x0;
	s25 =	sadd.s32 $0x50000, s31;
	s13 =	sshrl.u32 s16, $0x3  }
0x13: {  	s16 =	simm.s32 $0x15000;
	s24 =	sadd.s32 s24, s25;
	s25 =	simm.s32 $0x15F80  }
.LBB2_1:
0x14: {  	[spmem:s13], [sflag:s7] =	dma.local [hbm:s6], $0x2800  }
0x15: {  	_ =	swait.ge [sflag:s14], $0x2800  }
0x16: {  	[sflag:s14] =	ssyncset.done $0x0  }
0x17: {  	[sflag:s14] =	ssyncadd.s32 $0xFFFFD800  }
0x18: {  	s28 =	simm.s32 $0x0;
	[bflag:$0x0] =	sbarrier.arrive $0xFFFF  }
.LBB2_2:
0x19: {  	s29 =	sshll.u32 s28, $0xC  }
0x1a: {  	s29 =	sadd.s32 s8, s29  }
0x1b: {  	s29 =	sshrl.u32 s29, $0x3  }
0x1c: {  	s30 =	sadd.s32 s4, s29  }
0x1d: {  	[tilespmem:s15], [sflag:$0x3] =	stream.linear.gather [hbm4b:s30+s2], $0x1000, $0x38;
	[tilespmem:$0x1E000] =	vst v63  }
0x1e: {  	_ =	swait.ge [sflag:s14], $0x1000  }
0x1f: {  	[sflag:s14] =	ssyncset.done $0x0  }
0x20: {  	s29 =	sadd.s32 s5, s29;
	[sflag:s14] =	ssyncadd.s32 $0xFFFFF000  }
0x21: {  	[tilespmem:s16], [sflag:$0x3] =	stream.linear.gather [hbm4b:s29+s2], $0x1000, $0x38;
	[tilespmem:$0x1E000] =	vst v63  }
0x22: {  	_ =	swait.ge [sflag:s14], $0x1000  }
0x23: {  	[sflag:s14] =	ssyncset.done $0x0  }
0x24: {  	[sflag:s14] =	ssyncadd.s32 $0xFFFFF000  }
0x25: {  	[tilespmem:s18], [sflag:$0x1] =	stream.indirect.gather [hbm4b:s9+s17], $0x80, s15, s17, $0xb8;
	[tilespmem:$0x1E000] =	vst v63  }
0x26: {  	_ =	swait.ge [sflag:s19], $0x4000  }
0x27: {  	[sflag:s19] =	ssyncset.done $0x0  }
0x28: {  	[sflag:s19] =	ssyncadd.s32 $0xFFFFC000  }
0x29: {  	[tilespmem:s21], [sflag:$0x1] =	stream.indirect.gather [hbm4b:s9+s17], $0x80, s20, s17, $0xb8;
	[tilespmem:$0x1E000] =	vst v63  }
0x2a: {  	_ = 	snop  }
0x2b: {  	[spmem:s1] =	stream.indirect.scatter.add.f32 [tilespmem:s18], [sflag:$0x2], $0x80, s16, s17, $0xb8;
	[tilespmem:$0x1E000] =	vst v63  }
0x2c: {  	_ =	swait.ge [sflag:s19], $0x4000  }
0x2d: {  	[sflag:s19] =	ssyncset.done $0x0  }
0x2e: {  	[sflag:s19] =	ssyncadd.s32 $0xFFFFC000  }
0x2f: {  	_ =	swait.ge [sflag:s22], $0x4000  }
0x30: {  	[sflag:s22] =	ssyncset.done $0x0  }
0x31: {  	s29 =	simm.s32 $0x14100;
	[sflag:s22] =	ssyncadd.s32 $0xFFFFC000  }
0x32: {  	[tilespmem:s18], [sflag:$0x1] =	stream.indirect.gather [hbm4b:s9+s17], $0x80, s29, s17, $0xb8;
	[tilespmem:$0x1E000] =	vst v63  }
0x33: {  	s29 =	simm.s32 $0x15080  }
0x34: {  	[spmem:s1] =	stream.indirect.scatter.add.f32 [tilespmem:s21], [sflag:$0x2], $0x80, s29, s17, $0xb8;
	[tilespmem:$0x1E000] =	vst v63  }
0x35: {  	_ =	swait.ge [sflag:s19], $0x4000  }
0x36: {  	[sflag:s19] =	ssyncset.done $0x0  }
0x37: {  	[sflag:s19] =	ssyncadd.s32 $0xFFFFC000  }
0x38: {  	_ =	swait.ge [sflag:s22], $0x4000  }
0x39: {  	[sflag:s22] =	ssyncset.done $0x0  }
0x3a: {  	s29 =	simm.s32 $0x14180;
	[sflag:s22] =	ssyncadd.s32 $0xFFFFC000  }
0x3b: {  	[tilespmem:s21], [sflag:$0x1] =	stream.indirect.gather [hbm4b:s9+s17], $0x80, s29, s17, $0xb8;
	[tilespmem:$0x1E000] =	vst v63  }
0x3c: {  	s30 =	simm.s32 $0x15100;
	s29 =	simm.s32 $0xFFFFC800  }
.LBB2_3:
0x3d: {  	[spmem:s1] =	stream.indirect.scatter.add.f32 [tilespmem:s18], [sflag:$0x2], $0x80, s30, s17, $0xb8;
	[tilespmem:$0x1E000] =	vst v63  }
0x3e: {  	s30 =	smov.u32 s29  }
0x3f: {  	p0 =	sne.s32 s29, $0xFFFFFC00;
	s29 =	sadd.s32 $0x400, s29;
	_ =	swait.ge [sflag:s19], $0x4000  }
0x40: {  	[sflag:s19] =	ssyncset.done $0x0  }
0x41: {  	[sflag:s19] =	ssyncadd.s32 $0xFFFFC000  }
0x42: {  	_ =	swait.ge [sflag:s22], $0x4000  }
0x43: {  	s30 =	sshra.s32 s30, $0x2;
	[sflag:s22] =	ssyncset.done $0x0  }
0x44: {  	s31 =	sadd.s32 $0x15000, s30;
	[sflag:s22] =	ssyncadd.s32 $0xFFFFC000  }
0x45: {  	[tilespmem:s18], [sflag:$0x1] =	stream.indirect.gather [hbm4b:s9+s17], $0x80, s31, s17, $0xb8;
	[tilespmem:$0x1E000] =	vst v63  }
0x46: {  	s31 =	sadd.s32 $0x15F80, s30  }
0x47: {  	[spmem:s1] =	stream.indirect.scatter.add.f32 [tilespmem:s21], [sflag:$0x2], $0x80, s31, s17, $0xb8;
	[tilespmem:$0x1E000] =	vst v63  }
0x48: {  	_ =	swait.ge [sflag:s19], $0x4000  }
0x49: {  	[sflag:s19] =	ssyncset.done $0x0  }
0x4a: {  	[sflag:s19] =	ssyncadd.s32 $0xFFFFC000  }
.Ltmp0:
0x4b: {  	_ =	swait.ge [sflag:s22], $0x4000;
	(pc) =	sbr.rel @p0 .LBB2_3-.Ltmp0, $4  }
0x4c: {  	[sflag:s22] =	ssyncset.done $0x0  }
0x4d: {  	s31 =	sadd.s32 $0x15080, s30;
	[sflag:s22] =	ssyncadd.s32 $0xFFFFC000  }
0x4e: {  	[tilespmem:s21], [sflag:$0x1] =	stream.indirect.gather [hbm4b:s9+s17], $0x80, s31, s17, $0xb8;
	[tilespmem:$0x1E000] =	vst v63  }
0x4f: {  	s30 =	sadd.s32 $0x16000, s30  }
0x50: {  	[spmem:s1] =	stream.indirect.scatter.add.f32 [tilespmem:s18], [sflag:$0x2], $0x80, s30, s17, $0xb8;
	[tilespmem:$0x1E000] =	vst v63  }
0x51: {  	_ =	swait.ge [sflag:s19], $0x4000  }
0x52: {  	[sflag:s19] =	ssyncset.done $0x0  }
0x53: {  	[sflag:s19] =	ssyncadd.s32 $0xFFFFC000  }
0x54: {  	s28 =	sadd.s32 $0x1, s28;
	_ =	swait.ge [sflag:s22], $0x4000  }
0x55: {  	p0 =	sne.s32 s28, $0xA;
	[sflag:s22] =	ssyncset.done $0x0  }
.Ltmp1:
0x56: {  	[sflag:s22] =	ssyncadd.s32 $0xFFFFC000;
	(pc) =	sbr.rel @p0 .LBB2_2-.Ltmp1, $4  }
0x57: {  	[spmem:s1] =	stream.indirect.scatter.add.f32 [tilespmem:s21], [sflag:$0x2], $0x80, s25, s17, $0xb8;
	[tilespmem:$0x1E000] =	vst v63  }
0x58: {  	_ =	swait.ge [sflag:s22], $0x4000  }
0x59: {  	[sflag:s22] =	ssyncset.done $0x0  }
0x5a: {  	[sflag:s22] =	ssyncadd.s32 $0xFFFFC000  }
0x5b: {  	[bflag:$0x0] =	sbarrier.arrive $0xFFFF  }
0x5c: {  	[hbm:s23], [sflag:s7] =	dma.local [spmem:s13], $0x2800  }
0x5d: {  	_ =	swait.ge [sflag:s14], $0x2800  }
0x5e: {  	[sflag:s14] =	ssyncset.done $0x0  }
0x5f: {  	[sflag:s14] =	ssyncadd.s32 $0xFFFFD800  }
0x60: {  	[bflag:$0x0] =	sbarrier.arrive $0xFFFF  }
0x61: {  	[spmem:s13], [sflag:s7] =	dma.local [hbm:s6], $0x2800  }
0x62: {  	_ =	swait.ge [sflag:s14], $0x2800  }
0x63: {  	[sflag:s14] =	ssyncset.done $0x0  }
0x64: {  	[sflag:s14] =	ssyncadd.s32 $0xFFFFD800  }
0x65: {  	s28 =	simm.s32 $0x0;
	[bflag:$0x0] =	sbarrier.arrive $0xFFFF  }
.LBB2_6:
0x66: {  	s29 =	sshll.u32 s28, $0x9  }
0x67: {  	s29 =	sadd.s32 s10, s29  }
0x68: {  	s30 =	sadd.s32 s4, s29  }
0x69: {  	[tilespmem:s15], [sflag:$0x3] =	stream.linear.gather [hbm4b:s30+s2], $0x1000, $0x38;
	[tilespmem:$0x1E000] =	vst v63  }
0x6a: {  	_ =	swait.ge [sflag:s14], $0x1000  }
0x6b: {  	[sflag:s14] =	ssyncset.done $0x0  }
0x6c: {  	s29 =	sadd.s32 s5, s29;
	[sflag:s14] =	ssyncadd.s32 $0xFFFFF000  }
0x6d: {  	[tilespmem:s16], [sflag:$0x3] =	stream.linear.gather [hbm4b:s29+s2], $0x1000, $0x38;
	[tilespmem:$0x1E000] =	vst v63  }
0x6e: {  	_ =	swait.ge [sflag:s14], $0x1000  }
0x6f: {  	[sflag:s14] =	ssyncset.done $0x0  }
0x70: {  	[sflag:s14] =	ssyncadd.s32 $0xFFFFF000  }
0x71: {  	[tilespmem:s18], [sflag:$0x1] =	stream.indirect.gather [hbm4b:s11+s17], $0x80, s15, s17, $0xb8;
	[tilespmem:$0x1E000] =	vst v63  }
0x72: {  	_ =	swait.ge [sflag:s19], $0x4000  }
0x73: {  	[sflag:s19] =	ssyncset.done $0x0  }
0x74: {  	[sflag:s19] =	ssyncadd.s32 $0xFFFFC000  }
0x75: {  	[tilespmem:s21], [sflag:$0x1] =	stream.indirect.gather [hbm4b:s11+s17], $0x80, s20, s17, $0xb8;
	[tilespmem:$0x1E000] =	vst v63  }
0x76: {  	_ = 	snop  }
0x77: {  	[spmem:s1] =	stream.indirect.scatter.add.f32 [tilespmem:s18], [sflag:$0x2], $0x80, s16, s17, $0xb8;
	[tilespmem:$0x1E000] =	vst v63  }
0x78: {  	_ =	swait.ge [sflag:s19], $0x4000  }
0x79: {  	[sflag:s19] =	ssyncset.done $0x0  }
0x7a: {  	[sflag:s19] =	ssyncadd.s32 $0xFFFFC000  }
0x7b: {  	_ =	swait.ge [sflag:s22], $0x4000  }
0x7c: {  	[sflag:s22] =	ssyncset.done $0x0  }
0x7d: {  	s29 =	simm.s32 $0x14100;
	[sflag:s22] =	ssyncadd.s32 $0xFFFFC000  }
0x7e: {  	[tilespmem:s18], [sflag:$0x1] =	stream.indirect.gather [hbm4b:s11+s17], $0x80, s29, s17, $0xb8;
	[tilespmem:$0x1E000] =	vst v63  }
0x7f: {  	s29 =	simm.s32 $0x15080  }
0x80: {  	[spmem:s1] =	stream.indirect.scatter.add.f32 [tilespmem:s21], [sflag:$0x2], $0x80, s29, s17, $0xb8;
	[tilespmem:$0x1E000] =	vst v63  }
0x81: {  	_ =	swait.ge [sflag:s19], $0x4000  }
0x82: {  	[sflag:s19] =	ssyncset.done $0x0  }
0x83: {  	[sflag:s19] =	ssyncadd.s32 $0xFFFFC000  }
0x84: {  	_ =	swait.ge [sflag:s22], $0x4000  }
0x85: {  	[sflag:s22] =	ssyncset.done $0x0  }
0x86: {  	s29 =	simm.s32 $0x14180;
	[sflag:s22] =	ssyncadd.s32 $0xFFFFC000  }
0x87: {  	[tilespmem:s21], [sflag:$0x1] =	stream.indirect.gather [hbm4b:s11+s17], $0x80, s29, s17, $0xb8;
	[tilespmem:$0x1E000] =	vst v63  }
0x88: {  	s30 =	simm.s32 $0x15100;
	s29 =	simm.s32 $0xFFFFC800  }
.LBB2_7:
0x89: {  	[spmem:s1] =	stream.indirect.scatter.add.f32 [tilespmem:s18], [sflag:$0x2], $0x80, s30, s17, $0xb8;
	[tilespmem:$0x1E000] =	vst v63  }
0x8a: {  	s30 =	smov.u32 s29  }
0x8b: {  	p0 =	sne.s32 s29, $0xFFFFFC00;
	s29 =	sadd.s32 $0x400, s29;
	_ =	swait.ge [sflag:s19], $0x4000  }
0x8c: {  	[sflag:s19] =	ssyncset.done $0x0  }
0x8d: {  	[sflag:s19] =	ssyncadd.s32 $0xFFFFC000  }
0x8e: {  	_ =	swait.ge [sflag:s22], $0x4000  }
0x8f: {  	s30 =	sshra.s32 s30, $0x2;
	[sflag:s22] =	ssyncset.done $0x0  }
0x90: {  	s31 =	sadd.s32 $0x15000, s30;
	[sflag:s22] =	ssyncadd.s32 $0xFFFFC000  }
0x91: {  	[tilespmem:s18], [sflag:$0x1] =	stream.indirect.gather [hbm4b:s11+s17], $0x80, s31, s17, $0xb8;
	[tilespmem:$0x1E000] =	vst v63  }
0x92: {  	s31 =	sadd.s32 $0x15F80, s30  }
0x93: {  	[spmem:s1] =	stream.indirect.scatter.add.f32 [tilespmem:s21], [sflag:$0x2], $0x80, s31, s17, $0xb8;
	[tilespmem:$0x1E000] =	vst v63  }
0x94: {  	_ =	swait.ge [sflag:s19], $0x4000  }
0x95: {  	[sflag:s19] =	ssyncset.done $0x0  }
0x96: {  	[sflag:s19] =	ssyncadd.s32 $0xFFFFC000  }
.Ltmp2:
0x97: {  	_ =	swait.ge [sflag:s22], $0x4000;
	(pc) =	sbr.rel @p0 .LBB2_7-.Ltmp2, $4  }
0x98: {  	[sflag:s22] =	ssyncset.done $0x0  }
0x99: {  	s31 =	sadd.s32 $0x15080, s30;
	[sflag:s22] =	ssyncadd.s32 $0xFFFFC000  }
0x9a: {  	[tilespmem:s21], [sflag:$0x1] =	stream.indirect.gather [hbm4b:s11+s17], $0x80, s31, s17, $0xb8;
	[tilespmem:$0x1E000] =	vst v63  }
0x9b: {  	s30 =	sadd.s32 $0x16000, s30  }
0x9c: {  	[spmem:s1] =	stream.indirect.scatter.add.f32 [tilespmem:s18], [sflag:$0x2], $0x80, s30, s17, $0xb8;
	[tilespmem:$0x1E000] =	vst v63  }
0x9d: {  	_ =	swait.ge [sflag:s19], $0x4000  }
0x9e: {  	[sflag:s19] =	ssyncset.done $0x0  }
0x9f: {  	[sflag:s19] =	ssyncadd.s32 $0xFFFFC000  }
0xa0: {  	s28 =	sadd.s32 $0x1, s28;
	_ =	swait.ge [sflag:s22], $0x4000  }
0xa1: {  	p0 =	sne.s32 s28, $0x5;
	[sflag:s22] =	ssyncset.done $0x0  }
.Ltmp3:
0xa2: {  	[sflag:s22] =	ssyncadd.s32 $0xFFFFC000;
	(pc) =	sbr.rel @p0 .LBB2_6-.Ltmp3, $4  }
0xa3: {  	[spmem:s1] =	stream.indirect.scatter.add.f32 [tilespmem:s21], [sflag:$0x2], $0x80, s25, s17, $0xb8;
	[tilespmem:$0x1E000] =	vst v63  }
0xa4: {  	_ =	swait.ge [sflag:s22], $0x4000  }
0xa5: {  	[sflag:s22] =	ssyncset.done $0x0  }
0xa6: {  	[sflag:s22] =	ssyncadd.s32 $0xFFFFC000  }
0xa7: {  	[bflag:$0x0] =	sbarrier.arrive $0xFFFF;
	s26 =	sadd.s32 $0x1, s26  }
0xa8: {  	[hbm:s24], [sflag:s7] =	dma.local [spmem:s13], $0x2800  }
0xa9: {  	p0 =	sne.s32 s26, s12  }
.Ltmp4:
0xaa: {  	_ =	swait.ge [sflag:s14], $0x2800;
	(pc) =	sbr.rel @p0 .LBB2_1-.Ltmp4, $3  }
0xab: {  	[sflag:s14] =	ssyncset.done $0x0  }
0xac: {  	[sflag:s14] =	ssyncadd.s32 $0xFFFFD800  }
0xad: {  	[bflag:$0x0] =	sbarrier.arrive $0xFFFF;
	_ =	sdelay $0x1  }
0xae: {  	_ =	sfence.sel $0x180000  }
0xaf: {  	[bflag:$0x0] =	sbarrier.arrive $0xFFFF  }
0xb0: {  	p0 =	sne.s32 s3, $0x0;
	_ =	strace $0x90000050  }
0xb1: {  	s0 =	sadd.s32 @!p0 $0x100000, s0;
	[bflag:$0x2] =	sbarrier.arrive $0xFFFF  }
0xb2: {  	[sflag:s0] =	ssyncadd.tile.s32 @!p0 $0x1;
	_ =	shalt  }
.Lfunc_end2:
_tile_overlayer_lowered:
.L_overlay_start_2:
0xb3: {  	(tag) =	ssettag $0x2  }
0xb4: {  	s0 =	rddreg [dreg:$0x0];
	s2 =	stileid.u32  }
0xb5: {  	s1 =	rddreg [dreg:$0x1];
	p0 =	sne.s32 s2, $0x0  }
0xb6: {  	s3 =	rddreg [dreg:$0x2];
	[bflag:$0x3] =	sbarrier.arrive $0xFFFF;
	s2 =	simm.s32 @!p0 $0x1C03  }
0xb7: {  	[timem:s3], [sflag:s2] =	dma.local @!p0 [hbm:s0], s1  }
0xb8: {  	s0 =	simm.s32 @!p0 $0x3  }
0xb9: {  	_ =	swait.ge @!p0 [sflag:s0], s1  }
0xba: {  	s1 =	ssub.s32 @!p0 $0x0, s1;
	[sflag:s0] =	ssyncset.done @!p0 $0x0  }
0xbb: {  	[sflag:s0] =	ssyncadd.s32 @!p0 s1  }
0xbc: {  	[bflag:$0x3] =	sbarrier.arrive $0xFFFF  }
0xbd: {  	_ =	shalt  }

</sc_bundles>
